<compile_context>
chip_gen: v7x
topology: tpu7x:2x2x1
jax: 0.10.2.dev20260603
libtpu: 0.0.44.dev20260713+nightly
codegen_flags: <defaults>
</compile_context>

<pallas_src>
import functools

import jax
import jax.numpy as jnp
from jax import lax
from jax.experimental import pallas as pl
from jax.experimental.pallas import tpu as pltpu
from jax.experimental.pallas import tpu_sc as plsc

_NA, _NC = 5, 20
_NX, _NY = 32, 32
_S = _NX * _NY
_T = 128
_BS = 16
_CH = _NA * (5 + _NC)
_CPA = 5 + _NC

_IGNORE = 0.5
_OBJ_SCALE = 5.0

_IPS = 4
_NCORES, _NSUB, _LANES = 2, 16, 16

_INTERPRET = False



def _sc_table(xflat, ttile, anchors):
    mesh = plsc.VectorSubcoreMesh(
        core_axis_name="c", subcore_axis_name="s",
        num_cores=_NCORES, num_subcores=_NSUB)

    @functools.partial(
        pl.kernel,
        out_type=jax.ShapeDtypeStruct((_T // _LANES, 32, _LANES), jnp.float32),
        mesh=mesh,
        scratch_types=[
            pltpu.VMEM((6, _LANES), jnp.float32),
            pltpu.VMEM((2 * _NA, _LANES), jnp.float32),
            pltpu.VMEM((32, _LANES), jnp.float32),
            pltpu.SemaphoreType.DMA,
        ],
    )
    def k(xflat_hbm, ttile_hbm, anc_hbm, out_hbm, tbuf, abuf, obuf, gsem):
        wid = lax.axis_index("s") * _NCORES + lax.axis_index("c")

        @pl.when(wid < _T // _LANES)
        def _():
            pltpu.sync_copy(ttile_hbm.at[wid], tbuf)
            pltpu.sync_copy(anc_hbm, abuf)
            img = tbuf[0, :]
            gx = tbuf[2, :] * float(_NX)
            gy = tbuf[3, :] * float(_NY)
            gw = tbuf[4, :] * float(_NX)
            gh = tbuf[5, :] * float(_NY)
            gx1, gx2 = gx - 0.5 * gw, gx + 0.5 * gw
            gy1, gy2 = gy - 0.5 * gh, gy + 0.5 * gh
            garea = gw * gh
            cxi = jnp.minimum(jnp.maximum(gx.astype(jnp.int32), 0), _NX - 1)
            cyi = jnp.minimum(jnp.maximum(gy.astype(jnp.int32), 0), _NY - 1)
            cellxf = cxi.astype(jnp.float32)
            cellyf = cyi.astype(jnp.float32)
            cell = cyi * _NX + cxi

            best = jnp.zeros((_LANES,), jnp.int32)
            bestv = jnp.full((_LANES,), -1.0, jnp.float32)
            baw = jnp.zeros((_LANES,), jnp.float32)
            bah = jnp.zeros((_LANES,), jnp.float32)
            for a in range(_NA):
                aw = abuf[2 * a, :]
                ah = abuf[2 * a + 1, :]
                iw = jnp.maximum(
                    jnp.minimum(cellxf + 0.5 * aw, gx2)
                    - jnp.maximum(cellxf - 0.5 * aw, gx1), 0.0)
                ih = jnp.maximum(
                    jnp.minimum(cellyf + 0.5 * ah, gy2)
                    - jnp.maximum(cellyf - 0.5 * ah, gy1), 0.0)
                inter = iw * ih
                iou = inter / (aw * ah + garea - inter + 1e-9)
                upd = iou > bestv
                best = jnp.where(upd, a, best)
                bestv = jnp.where(upd, iou, bestv)
                baw = jnp.where(upd, aw, baw)
                bah = jnp.where(upd, ah, bah)

            idx0 = (img.astype(jnp.int32) * (_CH * _S)
                    + best * (_CPA * _S) + cell)
            handles = []
            for kk in range(_CPA):
                handles.append(pltpu.async_copy(
                    xflat_hbm.at[idx0 + kk * _S], obuf.at[kk], gsem))
            for h in handles:
                h.wait()
            obuf[25, :] = baw
            obuf[26, :] = bah
            obuf[27, :] = cellxf
            obuf[28, :] = cellyf
            obuf[29, :] = best.astype(jnp.float32)
            obuf[30, :] = jnp.zeros((_LANES,), jnp.float32)
            obuf[31, :] = jnp.zeros((_LANES,), jnp.float32)
            pltpu.sync_copy(obuf, out_hbm.at[wid])

    return k(xflat, ttile, anchors)



def _dense_kernel(x_ref, tcol_ref, trow_ref, anc_ref, out_ref, sd_ref):
    b = pl.program_id(0)

    img_c = tcol_ref[:, 0:1]
    iota_c = jax.lax.broadcasted_iota(jnp.int32, (_T, 1), 0)

    @pl.when(b == 0)
    def _init():
        out_ref[...] = jnp.zeros_like(out_ref)
        gx_c = tcol_ref[:, 2:3] * _NX
        gy_c = tcol_ref[:, 3:4] * _NY
        gw_c = tcol_ref[:, 4:5] * _NX
        gh_c = tcol_ref[:, 5:6] * _NY
        gx1_c, gx2_c = gx_c - 0.5 * gw_c, gx_c + 0.5 * gw_c
        gy1_c, gy2_c = gy_c - 0.5 * gh_c, gy_c + 0.5 * gh_c
        garea_c = gw_c * gh_c
        img_r = trow_ref[0:1, :]
        jt = jax.lax.broadcasted_iota(jnp.int32, (1, _T), 1)
        before = (img_c < img_r) | ((img_c == img_r) & (iota_c < jt))
        rank_r = jnp.sum(before.astype(jnp.float32), axis=0, keepdims=True)
        perm = (rank_r == iota_c.astype(jnp.float32)).astype(jnp.float32)
        zeros3 = jnp.zeros((_T, 3), jnp.float32)
        d = jnp.concatenate(
            [gx1_c, gy1_c, gx2_c, gy2_c, garea_c + 1e-9, zeros3],
            axis=1)
        sd_ref[...] = jax.lax.dot_general(
            perm, d, (((1,), (0,)), ((), ())),
            precision=jax.lax.Precision.HIGHEST,
            preferred_element_type=jnp.float32)

    lane = jax.lax.broadcasted_iota(jnp.int32, (1, _S), 1)
    sxf = (lane % _NX).astype(jnp.float32)
    syf = (lane // _NX).astype(jnp.float32)
    iota8 = jax.lax.broadcasted_iota(jnp.int32, (8, 1), 0)

    nadd = jnp.zeros((1, _S), jnp.float32)
    for i in range(_IPS):
        bi = b * _IPS + i
        bif = bi.astype(jnp.float32)
        xb = x_ref[i]

        cnt = jnp.sum((img_c == bif).astype(jnp.int32))
        start = jnp.sum((img_c < bif).astype(jnp.int32))
        end = start + cnt
        nchunks = (cnt + 7) // 8

        px1s, px2s, py1s, py2s, pareas, confs = [], [], [], [], [], []
        for a in range(_NA):
            aw = anc_ref[a:a + 1, 0:1]
            ah = anc_ref[a:a + 1, 1:2]
            base = a * _CPA
            cx = jax.nn.sigmoid(xb[base + 0:base + 1, :]) + sxf
            cy = jax.nn.sigmoid(xb[base + 1:base + 2, :]) + syf
            w = jnp.exp(jnp.clip(xb[base + 2:base + 3, :], -10.0, 10.0)) * aw
            h = jnp.exp(jnp.clip(xb[base + 3:base + 4, :], -10.0, 10.0)) * ah
            confs.append(jax.nn.sigmoid(xb[base + 4:base + 5, :]))
            px1s.append(cx - 0.5 * w)
            px2s.append(cx + 0.5 * w)
            py1s.append(cy - 0.5 * h)
            py2s.append(cy + 0.5 * h)
            pareas.append(w * h)

        def chunk_body(c, carry, start=start, end=end, px1s=px1s, px2s=px2s,
                       py1s=py1s, py2s=py2s, pareas=pareas):
            nominal = start + 8 * c
            off = jnp.minimum(nominal, _T - 8)
            rows = sd_ref[pl.ds(off, 8), :]
            sgx1, sgy1 = rows[:, 0:1], rows[:, 1:2]
            sgx2, sgy2 = rows[:, 2:3], rows[:, 3:4]
            sgoff = rows[:, 4:5]
            ridx = iota8 + off
            inb = (ridx >= nominal) & (ridx < end)
            den = sgoff + jnp.where(inb, 0.0, 1e9)
            outs = []
            for a in range(_NA):
                wi = jnp.maximum(
                    jnp.minimum(px2s[a], sgx2) - jnp.maximum(px1s[a], sgx1), 0.0)
                hi = jnp.maximum(
                    jnp.minimum(py2s[a], sgy2) - jnp.maximum(py1s[a], sgy1), 0.0)
                score = 3.0 * (wi * hi) - (pareas[a] + den)
                outs.append(jnp.maximum(carry[a], score))
            return tuple(outs)

        init = tuple(jnp.full((8, _S), -1.0, jnp.float32) for _ in range(_NA))
        smaxs = jax.lax.fori_loop(0, nchunks, chunk_body, init)
        for a in range(_NA):
            smax = jnp.max(smaxs[a], axis=0, keepdims=True)
            nadd += jnp.where(smax < 0.0, confs[a] * confs[a], 0.0)
    out_ref[...] += jnp.broadcast_to(nadd, (8, _S))



def _combine_kernel(tab_ref, nacc_ref, tcol_ref, trow_ref, anc_ref, out_ref):
    iota_c = jax.lax.broadcasted_iota(jnp.int32, (_T, 1), 0)
    jt = jax.lax.broadcasted_iota(jnp.int32, (1, _T), 1)

    img_r = trow_ref[0:1, :]
    cls_r = trow_ref[1:2, :].astype(jnp.int32)
    gx_r = trow_ref[2:3, :] * _NX
    gy_r = trow_ref[3:4, :] * _NY
    gw_r = trow_ref[4:5, :] * _NX
    gh_r = trow_ref[5:6, :] * _NY
    gx1_r, gx2_r = gx_r - 0.5 * gw_r, gx_r + 0.5 * gw_r
    gy1_r, gy2_r = gy_r - 0.5 * gh_r, gy_r + 0.5 * gh_r
    garea_r = gw_r * gh_r
    cellx_r = jnp.clip(jnp.floor(gx_r), 0.0, _NX - 1.0)
    celly_r = jnp.clip(jnp.floor(gy_r), 0.0, _NY - 1.0)
    cell_r = (celly_r * _NX + cellx_r).astype(jnp.int32)

    best_r = jnp.zeros((1, _T), jnp.int32)
    bestv_r = jnp.full((1, _T), -1.0, jnp.float32)
    baw_r = jnp.zeros((1, _T), jnp.float32)
    bah_r = jnp.zeros((1, _T), jnp.float32)
    for a in range(_NA):
        aw = anc_ref[a:a + 1, 0:1]
        ah = anc_ref[a:a + 1, 1:2]
        iw = jnp.maximum(
            jnp.minimum(cellx_r + 0.5 * aw, gx2_r)
            - jnp.maximum(cellx_r - 0.5 * aw, gx1_r), 0.0)
        ih = jnp.maximum(
            jnp.minimum(celly_r + 0.5 * ah, gy2_r)
            - jnp.maximum(celly_r - 0.5 * ah, gy1_r), 0.0)
        inter = iw * ih
        iou = inter / (aw * ah + garea_r - inter + 1e-9)
        upd = iou > bestv_r
        best_r = jnp.where(upd, a, best_r)
        bestv_r = jnp.where(upd, iou, bestv_r)
        baw_r = jnp.where(upd, jnp.broadcast_to(aw, (1, _T)), baw_r)
        bah_r = jnp.where(upd, jnp.broadcast_to(ah, (1, _T)), bah_r)

    g32 = jnp.concatenate([tab_ref[w] for w in range(_T // _LANES)],
                          axis=1)
    g = g32[0:_CPA, :]
    sx_g = jax.nn.sigmoid(g[0:1, :])
    sy_g = jax.nn.sigmoid(g[1:2, :])
    ew_g = jnp.exp(jnp.clip(g[2:3, :], -10.0, 10.0))
    eh_g = jnp.exp(jnp.clip(g[3:4, :], -10.0, 10.0))
    conf_g = jax.nn.sigmoid(g[4:5, :])
    logits = g[5:5 + _NC, :]

    img_c = tcol_ref[:, 0:1]
    gx_c = tcol_ref[:, 2:3] * _NX
    gy_c = tcol_ref[:, 3:4] * _NY
    gw_c = tcol_ref[:, 4:5] * _NX
    gh_c = tcol_ref[:, 5:6] * _NY
    gx1_c, gx2_c = gx_c - 0.5 * gw_c, gx_c + 0.5 * gw_c
    gy1_c, gy2_c = gy_c - 0.5 * gh_c, gy_c + 0.5 * gh_c
    garea_c = gw_c * gh_c
    cellx_c = jnp.clip(jnp.floor(gx_c), 0.0, _NX - 1.0)
    celly_c = jnp.clip(jnp.floor(gy_c), 0.0, _NY - 1.0)
    cell_c = (celly_c * _NX + cellx_c).astype(jnp.int32)

    w_p = ew_g * baw_r
    h_p = eh_g * bah_r
    cx_p = sx_g + cellx_r
    cy_p = sy_g + celly_r
    px1_p, px2_p = cx_p - 0.5 * w_p, cx_p + 0.5 * w_p
    py1_p, py2_p = cy_p - 0.5 * h_p, cy_p + 0.5 * h_p
    wi_p = jnp.maximum(jnp.minimum(px2_p, gx2_c) - jnp.maximum(px1_p, gx1_c), 0.0)
    hi_p = jnp.maximum(jnp.minimum(py2_p, gy2_c) - jnp.maximum(py1_p, gy1_c), 0.0)
    inter_p = wi_p * hi_p
    iou_p = inter_p / (w_p * h_p + garea_c - inter_p + 1e-9)
    iou_p = jnp.where(img_c == img_r, iou_p, 0.0)
    miou_g = jnp.max(iou_p, axis=0, keepdims=True)

    best_c = jnp.zeros((_T, 1), jnp.int32)
    bestv_c = jnp.full((_T, 1), -1.0, jnp.float32)
    for a in range(_NA):
        aw = anc_ref[a:a + 1, 0:1]
        ah = anc_ref[a:a + 1, 1:2]
        iw = jnp.maximum(
            jnp.minimum(cellx_c + 0.5 * aw, gx2_c)
            - jnp.maximum(cellx_c - 0.5 * aw, gx1_c), 0.0)
        ih = jnp.maximum(
            jnp.minimum(celly_c + 0.5 * ah, gy2_c)
            - jnp.maximum(celly_c - 0.5 * ah, gy1_c), 0.0)
        inter = iw * ih
        iou = inter / (aw * ah + garea_c - inter + 1e-9)
        upd = iou > bestv_c
        best_c = jnp.where(upd, a, best_c)
        bestv_c = jnp.where(upd, iou, bestv_c)
    key_c = img_c.astype(jnp.int32) * (_NA * _S) + best_c * _S + cell_c
    key_r = img_r.astype(jnp.int32) * (_NA * _S) + best_r * _S + cell_r
    dup = ((key_c == key_r) & (iota_c > jt)).astype(jnp.float32)
    later = jnp.max(dup, axis=0, keepdims=True)
    valid = jnp.where(later > 0.0, 0.0, 1.0)

    tx = gx_r - cellx_r
    ty = gy_r - celly_r
    tw = gw_r / baw_r
    th = gh_r / bah_r
    pw = w_p * (1.0 / _NX)
    ph = h_p * (1.0 / _NY)
    bscale = 2.0 - pw * ph
    box = bscale * ((sx_g - tx) ** 2 + (sy_g - ty) ** 2
                    + (ew_g - tw) ** 2 + (eh_g - th) ** 2)
    obj = _OBJ_SCALE * (conf_g - miou_g) ** 2

    m = jnp.max(logits, axis=0, keepdims=True)
    lse = m + jnp.log(jnp.sum(jnp.exp(logits - m), axis=0, keepdims=True))
    ci = jax.lax.broadcasted_iota(jnp.int32, (_NC, _T), 0)
    sel = jnp.sum(jnp.where(ci == cls_r, logits, 0.0), axis=0, keepdims=True)
    ce = lse - sel

    nocorr = jnp.where(miou_g < _IGNORE, conf_g * conf_g, 0.0)
    possum = jnp.sum(valid * (box + obj + ce - nocorr),
                     axis=(0, 1), keepdims=True)
    nsum = jnp.sum(nacc_ref[...], axis=(0, 1), keepdims=True) * (1.0 / 8.0)
    out_ref[...] = (nsum + possum) / _BS


def kernel(p, targets, anchors):
    x = p.reshape(_BS, _CH, _S)
    xflat = p.reshape(_BS * _CH * _S)
    tcol = targets
    trow = targets.T

    ancx = jnp.broadcast_to(anchors.reshape(2 * _NA, 1), (2 * _NA, _LANES))
    ttile = trow.reshape(6, _T // _LANES, _LANES).transpose(1, 0, 2)
    table = _sc_table(xflat, ttile, ancx)

    nacc = pl.pallas_call(
        _dense_kernel,
        grid=(_BS // _IPS,),
        in_specs=[
            pl.BlockSpec((_IPS, _CH, _S), lambda b: (b, 0, 0)),
            pl.BlockSpec((_T, 6), lambda b: (0, 0)),
            pl.BlockSpec((6, _T), lambda b: (0, 0)),
            pl.BlockSpec((_NA, 2), lambda b: (0, 0)),
        ],
        out_specs=pl.BlockSpec((8, _S), lambda b: (0, 0)),
        out_shape=jax.ShapeDtypeStruct((8, _S), jnp.float32),
        scratch_shapes=[pltpu.VMEM((_T, 8), jnp.float32)],
        compiler_params=pltpu.CompilerParams(
            dimension_semantics=("arbitrary",)),
        interpret=_INTERPRET,
    )(x, tcol, trow, anchors)

    out = pl.pallas_call(
        _combine_kernel,
        in_specs=[
            pl.BlockSpec((_T // _LANES, 32, _LANES), lambda: (0, 0, 0)),
            pl.BlockSpec((8, _S), lambda: (0, 0)),
            pl.BlockSpec((_T, 6), lambda: (0, 0)),
            pl.BlockSpec((6, _T), lambda: (0, 0)),
            pl.BlockSpec((_NA, 2), lambda: (0, 0)),
        ],
        out_specs=pl.BlockSpec((1, 1), lambda: (0, 0)),
        out_shape=jax.ShapeDtypeStruct((1, 1), jnp.float32),
        interpret=_INTERPRET,
    )(table, nacc, tcol, trow, anchors)
    return out[0, 0]

# --- scband reference (transcript-rebuilt; emitter-appended) ---
"""Pipeline reference for scband-yolov2-loss-23854248362093 (READ-ONLY COPY).

The authoritative reference and input builder live on the scoring server;
editing this copy changes nothing except your own understanding.
"""

import jax, jax.numpy as jnp
import numpy as np

NA = 5
NC = 20
IGNORE_THRESH = 0.5
COORD_SCALE = 1.0
NOOBJ_SCALE = 1.0
OBJ_SCALE = 5.0
CLASS_SCALE = 1.0


def xywh2xyxy(b):
    xy = b[..., :2]
    wh = b[..., 2:4]
    return jnp.concatenate([xy - wh * 0.5, xy + wh * 0.5], axis=-1)


def setup_inputs(seed: int = 0):
    key = jax.random.key(seed)
    k1, k2, k3, k4, k5 = jax.random.split(key, 5)
    bs, ny, nx = 16, 32, 32
    T = 128
    p = jax.random.normal(k1, (bs, NA * (5 + NC), ny, nx), dtype=jnp.float32) * 0.5
    img = jax.random.randint(k2, (T,), 0, bs).astype(jnp.float32)
    cls = jax.random.randint(k3, (T,), 0, NC).astype(jnp.float32)
    xy = jax.random.uniform(k4, (T, 2), minval=0.05, maxval=0.95)
    wh = jax.random.uniform(k5, (T, 2), minval=0.05, maxval=0.5)
    targets = jnp.concatenate([img[:, None], cls[:, None], xy, wh], axis=1).astype(jnp.float32)
    anchors = jnp.array([[1.3221, 1.73145], [3.19275, 4.00944], [5.05587, 8.09892],
                         [9.47112, 4.84053], [11.2364, 10.0071]], dtype=jnp.float32)
    return {"p": p, "targets": targets, "anchors": anchors}


def _forward(p, targets, anchors):
    bs, ch, ny, nx = p.shape
    S = ny * nx
    x = p.reshape(bs, NA, 5 + NC, ny, nx).transpose(0, 1, 3, 4, 2).reshape(bs, NA, S, 5 + NC)
    txy = jax.nn.sigmoid(x[..., :2])
    twh = jnp.exp(jnp.clip(x[..., 2:4], -10.0, 10.0))
    conf = jax.nn.sigmoid(x[..., 4])
    cls_logits = x[..., 5:]

    sx = (jnp.arange(S) % nx).astype(jnp.float32)
    sy = (jnp.arange(S) // nx).astype(jnp.float32)
    grid = jnp.stack([sx, sy], axis=-1)
    pred_xy = txy + grid[None, None, :, :]
    pred_wh = twh * anchors[None, :, None, :]
    pred_boxes = jnp.concatenate([pred_xy, pred_wh], axis=-1)

    # target construction uses detached predictions (original: p.detach().clone())
    pred_boxes_det = jax.lax.stop_gradient(pred_boxes)
    pred_xyxy_det = xywh2xyxy(pred_boxes_det)

    img_id = targets[:, 0].astype(jnp.int32)
    gt_cls = targets[:, 1].astype(jnp.int32)
    gt = targets[:, 2:6] * jnp.array([nx, ny, nx, ny], jnp.float32)
    gt_xyxy = xywh2xyxy(gt)

    flat_pred = pred_xyxy_det.reshape(bs, NA * S, 4)

    def per_image_max_iou(pb, bi):
        lt = jnp.maximum(pb[:, None, :2], gt_xyxy[None, :, :2])
        rb = jnp.minimum(pb[:, None, 2:], gt_xyxy[None, :, 2:])
        whi = jnp.clip(rb - lt, 0.0)
        inter = whi[..., 0] * whi[..., 1]
        area_p = (pb[:, 2] - pb[:, 0]) * (pb[:, 3] - pb[:, 1])
        area_g = (gt_xyxy[:, 2] - gt_xyxy[:, 0]) * (gt_xyxy[:, 3] - gt_xyxy[:, 1])
        iou = inter / (area_p[:, None] + area_g[None, :] - inter + 1e-9)
        iou = jnp.where((img_id == bi)[None, :], iou, 0.0)
        return iou.max(axis=-1)

    max_iou = jax.vmap(per_image_max_iou)(flat_pred, jnp.arange(bs)).reshape(bs, NA, S)
    iou_mask = jnp.where(max_iou >= IGNORE_THRESH, 0.0, 1.0)

    cell_x = jnp.clip(jnp.floor(gt[:, 0]), 0, nx - 1).astype(jnp.int32)
    cell_y = jnp.clip(jnp.floor(gt[:, 1]), 0, ny - 1).astype(jnp.int32)
    cell_idx = cell_y * nx + cell_x

    # anchor boxes placed at the assigned grid cell (as in _make_grid)
    anc_cx = cell_x.astype(jnp.float32)[:, None]
    anc_cy = cell_y.astype(jnp.float32)[:, None]
    aw = anchors[None, :, 0]
    ah = anchors[None, :, 1]
    ax1, ay1 = anc_cx - aw * 0.5, anc_cy - ah * 0.5
    ax2, ay2 = anc_cx + aw * 0.5, anc_cy + ah * 0.5
    gx1, gy1 = gt_xyxy[:, 0:1], gt_xyxy[:, 1:2]
    gx2, gy2 = gt_xyxy[:, 2:3], gt_xyxy[:, 3:4]
    iw = jnp.clip(jnp.minimum(ax2, gx2) - jnp.maximum(ax1, gx1), 0.0)
    ih = jnp.clip(jnp.minimum(ay2, gy2) - jnp.maximum(ay1, gy1), 0.0)
    inter_a = iw * ih
    iou_a = inter_a / (aw * ah + (gt[:, 2] * gt[:, 3])[:, None] - inter_a + 1e-9)
    best_a = jnp.argmax(iou_a, axis=1).astype(jnp.int32)

    # make_deltas(anchor_box, gt_box)
    best_aw = anchors[best_a, 0]
    best_ah = anchors[best_a, 1]
    t_x = gt[:, 0] - cell_x.astype(jnp.float32)
    t_y = gt[:, 1] - cell_y.astype(jnp.float32)
    t_w = gt[:, 2] / best_aw
    t_h = gt[:, 3] / best_ah
    deltas = jnp.stack([t_x, t_y, t_w, t_h], axis=-1)

    box_target = jnp.zeros((bs, NA, S, 4), jnp.float32).at[img_id, best_a, cell_idx].set(deltas)
    box_mask = jnp.zeros((bs, NA, S), jnp.float32).at[img_id, best_a, cell_idx].set(1.0)
    pw = pred_boxes_det[img_id, best_a, cell_idx, 2] / nx
    ph = pred_boxes_det[img_id, best_a, cell_idx, 3] / ny
    box_scale = jnp.zeros((bs, NA, S), jnp.float32).at[img_id, best_a, cell_idx].set(2.0 - pw * ph)
    class_target = jnp.zeros((bs, NA, S), jnp.int32).at[img_id, best_a, cell_idx].set(gt_cls)
    class_mask = jnp.zeros((bs, NA, S), jnp.float32).at[img_id, best_a, cell_idx].set(1.0)
    pos_iou = max_iou[img_id, best_a, cell_idx]
    iou_target = jnp.zeros((bs, NA, S), jnp.float32).at[img_id, best_a, cell_idx].set(pos_iou)
    iou_mask = iou_mask.at[img_id, best_a, cell_idx].set(2.0)

    pred_deltas = jnp.concatenate([txy, twh], axis=-1)
    box_loss = COORD_SCALE * jnp.sum(box_mask[..., None] * box_scale[..., None] * (pred_deltas - box_target) ** 2) / bs
    obj_loss = OBJ_SCALE * jnp.sum(jnp.where(iou_mask == 2.0, (conf - iou_target) ** 2, 0.0)) / bs
    noobj_loss = NOOBJ_SCALE * jnp.sum(jnp.where(iou_mask == 1.0, conf ** 2, 0.0)) / bs
    log_sm = jax.nn.log_softmax(cls_logits, axis=-1)
    ce = -jnp.take_along_axis(log_sm, class_target[..., None], axis=-1)[..., 0]
    class_loss = CLASS_SCALE * jnp.sum(class_mask * ce) / bs
    return box_loss + obj_loss + noobj_loss + class_loss


def reference(p, targets, anchors):
    return _forward(p, targets, anchors)

if __name__ == "__main__":
    import jax
    _d = setup_inputs()
    print(jax.jit(kernel)(*tuple(_d.values())))

</pallas_src>

<mosaic_0001>
#map = affine_map<(d0, d1) -> (0)>
#map1 = affine_map<(d0, d1) -> (0, 0, 0)>
#map2 = affine_map<(d0, d1) -> (0, 0)>
module attributes {stable_mosaic.version = 14 : i64} {
  func.func @k(%arg0: i32, %arg1: i32, %arg2: memref<2048000xf32, #tpu.memory_space<hbm>>, %arg3: memref<8x6x16xf32, #tpu.memory_space<hbm>>, %arg4: memref<10x16xf32, #tpu.memory_space<hbm>>, %arg5: memref<8x32x16xf32, #tpu.memory_space<hbm>>, %arg6: memref<6x16xf32, #tpu.memory_space<vmem>>, %arg7: memref<10x16xf32, #tpu.memory_space<vmem>>, %arg8: memref<32x16xf32, #tpu.memory_space<vmem>>, %arg9: memref<!tpu.dma_semaphore, #tpu.memory_space<semaphore_mem>>) attributes {dimension_semantics = [#tpu.dimension_semantics<core_parallel>, #tpu.dimension_semantics<subcore_parallel>], iteration_bounds = array<i64: 2, 16>, scalar_prefetch = 0 : i64, scratch_operands = 4 : i64, tpu.core_type = #tpu.core_type<sc_vector_subcore>, window_params = [{transform_indices = #map}, {transform_indices = #map1}, {transform_indices = #map2}, {transform_indices = #map1}]} {
    %mul3A = arith.constant 2 : i32
    %mul3A_0 = arith.muli %arg1, %mul3A : i32
    %add3A = arith.addi %mul3A_0, %arg0 : i32
    %lt3A = arith.constant 8 : i32
    %lt3A_1 = arith.cmpi slt, %add3A, %lt3A : i32
    %convert_element_type3A = arith.extui %lt3A_1 : i1 to i32
    %cond3A = arith.constant 0 : i32
    %cond3A_2 = arith.cmpi ne, %convert_element_type3A, %cond3A : i32
    scf.if %cond3A_2 {
      "tpu.region"() ({
        %run_scoped3A = tpu.sem_alloc : memref<!tpu.dma_semaphore, #tpu.memory_space<semaphore_mem>>
        %dma_start3A_769 = arith.constant 0 : i32
        %dma_start3A_770 = arith.constant 0 : i32
        %dma_start3A_771 = tpu.memref_slice %arg3[%add3A, %dma_start3A_769, %dma_start3A_770] : memref<8x6x16xf32, #tpu.memory_space<hbm>> -> memref<1x6x16xf32, #tpu.memory_space<hbm>>
        %dma_start3A_772 = tpu.memref_squeeze %dma_start3A_771 : memref<1x6x16xf32, #tpu.memory_space<hbm>> -> memref<6x16xf32, #tpu.memory_space<hbm>>
        %dma_start3A_773 = arith.constant 0 : i32
        %dma_start3A_774 = arith.constant 0 : i32
        %dma_start3A_775 = tpu.memref_slice %arg3[%add3A, %dma_start3A_773, %dma_start3A_774] : memref<8x6x16xf32, #tpu.memory_space<hbm>> -> memref<1x6x16xf32, #tpu.memory_space<hbm>>
        %dma_start3A_776 = tpu.memref_squeeze %dma_start3A_775 : memref<1x6x16xf32, #tpu.memory_space<hbm>> -> memref<6x16xf32, #tpu.memory_space<hbm>>
        tpu.enqueue_dma source(%dma_start3A_776 : memref<6x16xf32, #tpu.memory_space<hbm>>) target(%arg6 : memref<6x16xf32, #tpu.memory_space<vmem>>) target_semaphore(%run_scoped3A : memref<!tpu.dma_semaphore, #tpu.memory_space<semaphore_mem>>)
        %dma_wait3A_777 = arith.constant 0 : i32
        %dma_wait3A_778 = arith.constant 0 : i32
        %dma_wait3A_779 = tpu.memref_slice %arg3[%add3A, %dma_wait3A_777, %dma_wait3A_778] : memref<8x6x16xf32, #tpu.memory_space<hbm>> -> memref<1x6x16xf32, #tpu.memory_space<hbm>>
        %dma_wait3A_780 = tpu.memref_squeeze %dma_wait3A_779 : memref<1x6x16xf32, #tpu.memory_space<hbm>> -> memref<6x16xf32, #tpu.memory_space<hbm>>
        %dma_wait3A_781 = arith.constant 0 : i32
        %dma_wait3A_782 = arith.constant 0 : i32
        %dma_wait3A_783 = tpu.memref_slice %arg3[%add3A, %dma_wait3A_781, %dma_wait3A_782] : memref<8x6x16xf32, #tpu.memory_space<hbm>> -> memref<1x6x16xf32, #tpu.memory_space<hbm>>
        %dma_wait3A_784 = tpu.memref_squeeze %dma_wait3A_783 : memref<1x6x16xf32, #tpu.memory_space<hbm>> -> memref<6x16xf32, #tpu.memory_space<hbm>>
        tpu.wait_dma2 semaphore(%run_scoped3A : memref<!tpu.dma_semaphore, #tpu.memory_space<semaphore_mem>>) src(%dma_wait3A_784 : memref<6x16xf32, #tpu.memory_space<hbm>>) dst(%arg6 : memref<6x16xf32, #tpu.memory_space<vmem>>)
        tpu.yield
      }) : () -> ()
      "tpu.region"() ({
        %run_scoped3A = tpu.sem_alloc : memref<!tpu.dma_semaphore, #tpu.memory_space<semaphore_mem>>
        tpu.enqueue_dma source(%arg4 : memref<10x16xf32, #tpu.memory_space<hbm>>) target(%arg7 : memref<10x16xf32, #tpu.memory_space<vmem>>) target_semaphore(%run_scoped3A : memref<!tpu.dma_semaphore, #tpu.memory_space<semaphore_mem>>)
        tpu.wait_dma2 semaphore(%run_scoped3A : memref<!tpu.dma_semaphore, #tpu.memory_space<semaphore_mem>>) src(%arg4 : memref<10x16xf32, #tpu.memory_space<hbm>>) dst(%arg7 : memref<10x16xf32, #tpu.memory_space<vmem>>)
        tpu.yield
      }) : () -> ()
      %get3A = arith.constant 0 : i32
      %get3A_3 = arith.index_cast %get3A : i32 to index
      %get3A_4 = arith.constant 0 : index
      %get3A_5 = tpu.vector_load %arg6[%get3A_3, %get3A_4] {strides = array<i32>} : memref<6x16xf32, #tpu.memory_space<vmem>>, vector<1x16xf32>,
      %get3A_6 = vector.shape_cast %get3A_5 : vector<1x16xf32> to vector<16xf32>
      %get3A_7 = arith.constant 2 : i32
      %get3A_8 = arith.index_cast %get3A_7 : i32 to index
      %get3A_9 = arith.constant 0 : index
      %get3A_10 = tpu.vector_load %arg6[%get3A_8, %get3A_9] {strides = array<i32>} : memref<6x16xf32, #tpu.memory_space<vmem>>, vector<1x16xf32>,
      %get3A_11 = vector.shape_cast %get3A_10 : vector<1x16xf32> to vector<16xf32>
      %mul3A_12 = arith.constant 3.200000e+01 : f32
      %mul3A_13 = vector.broadcast %mul3A_12 : f32 to vector<16xf32>
      %mul3A_14 = arith.mulf %get3A_11, %mul3A_13 : vector<16xf32>
      %get3A_15 = arith.constant 3 : i32
      %get3A_16 = arith.index_cast %get3A_15 : i32 to index
      %get3A_17 = arith.constant 0 : index
      %get3A_18 = tpu.vector_load %arg6[%get3A_16, %get3A_17] {strides = array<i32>} : memref<6x16xf32, #tpu.memory_space<vmem>>, vector<1x16xf32>,
      %get3A_19 = vector.shape_cast %get3A_18 : vector<1x16xf32> to vector<16xf32>
      %mul3A_20 = arith.constant 3.200000e+01 : f32
      %mul3A_21 = vector.broadcast %mul3A_20 : f32 to vector<16xf32>
      %mul3A_22 = arith.mulf %get3A_19, %mul3A_21 : vector<16xf32>
      %get3A_23 = arith.constant 4 : i32
      %get3A_24 = arith.index_cast %get3A_23 : i32 to index
      %get3A_25 = arith.constant 0 : index
      %get3A_26 = tpu.vector_load %arg6[%get3A_24, %get3A_25] {strides = array<i32>} : memref<6x16xf32, #tpu.memory_space<vmem>>, vector<1x16xf32>,
      %get3A_27 = vector.shape_cast %get3A_26 : vector<1x16xf32> to vector<16xf32>
      %mul3A_28 = arith.constant 3.200000e+01 : f32
      %mul3A_29 = vector.broadcast %mul3A_28 : f32 to vector<16xf32>
      %mul3A_30 = arith.mulf %get3A_27, %mul3A_29 : vector<16xf32>
      %get3A_31 = arith.constant 5 : i32
      %get3A_32 = arith.index_cast %get3A_31 : i32 to index
      %get3A_33 = arith.constant 0 : index
      %get3A_34 = tpu.vector_load %arg6[%get3A_32, %get3A_33] {strides = array<i32>} : memref<6x16xf32, #tpu.memory_space<vmem>>, vector<1x16xf32>,
      %get3A_35 = vector.shape_cast %get3A_34 : vector<1x16xf32> to vector<16xf32>
      %mul3A_36 = arith.constant 3.200000e+01 : f32
      %mul3A_37 = vector.broadcast %mul3A_36 : f32 to vector<16xf32>
      %mul3A_38 = arith.mulf %get3A_35, %mul3A_37 : vector<16xf32>
      %mul3A_39 = arith.constant 5.000000e-01 : f32
      %mul3A_40 = vector.broadcast %mul3A_39 : f32 to vector<16xf32>
      %mul3A_41 = arith.mulf %mul3A_40, %mul3A_30 : vector<16xf32>
      %sub3A = arith.subf %mul3A_14, %mul3A_41 : vector<16xf32>
      %mul3A_42 = arith.constant 5.000000e-01 : f32
      %mul3A_43 = vector.broadcast %mul3A_42 : f32 to vector<16xf32>
      %mul3A_44 = arith.mulf %mul3A_43, %mul3A_30 : vector<16xf32>
      %add3A_45 = arith.addf %mul3A_14, %mul3A_44 : vector<16xf32>
      %mul3A_46 = arith.constant 5.000000e-01 : f32
      %mul3A_47 = vector.broadcast %mul3A_46 : f32 to vector<16xf32>
      %mul3A_48 = arith.mulf %mul3A_47, %mul3A_38 : vector<16xf32>
      %sub3A_49 = arith.subf %mul3A_22, %mul3A_48 : vector<16xf32>
      %mul3A_50 = arith.constant 5.000000e-01 : f32
      %mul3A_51 = vector.broadcast %mul3A_50 : f32 to vector<16xf32>
      %mul3A_52 = arith.mulf %mul3A_51, %mul3A_38 : vector<16xf32>
      %add3A_53 = arith.addf %mul3A_22, %mul3A_52 : vector<16xf32>
      %mul3A_54 = arith.mulf %mul3A_30, %mul3A_38 : vector<16xf32>
      %convert_element_type3A_55 = arith.fptosi %mul3A_14 : vector<16xf32> to vector<16xi32>
      %max3A = arith.constant 0 : i32
      %max3A_56 = vector.broadcast %max3A : i32 to vector<16xi32>
      %max3A_57 = arith.maxsi %convert_element_type3A_55, %max3A_56 : vector<16xi32>
      %min3A = arith.constant 31 : i32
      %min3A_58 = vector.broadcast %min3A : i32 to vector<16xi32>
      %min3A_59 = arith.minsi %max3A_57, %min3A_58 : vector<16xi32>
      %convert_element_type3A_60 = arith.fptosi %mul3A_22 : vector<16xf32> to vector<16xi32>
      %max3A_61 = arith.constant 0 : i32
      %max3A_62 = vector.broadcast %max3A_61 : i32 to vector<16xi32>
      %max3A_63 = arith.maxsi %convert_element_type3A_60, %max3A_62 : vector<16xi32>
      %min3A_64 = arith.constant 31 : i32
      %min3A_65 = vector.broadcast %min3A_64 : i32 to vector<16xi32>
      %min3A_66 = arith.minsi %max3A_63, %min3A_65 : vector<16xi32>
      %convert_element_type3A_67 = arith.sitofp %min3A_59 : vector<16xi32> to vector<16xf32>
      %convert_element_type3A_68 = arith.sitofp %min3A_66 : vector<16xi32> to vector<16xf32>
      %mul3A_69 = arith.constant 32 : i32
      %mul3A_70 = vector.broadcast %mul3A_69 : i32 to vector<16xi32>
      %mul3A_71 = arith.muli %min3A_66, %mul3A_70 : vector<16xi32>
      %add3A_72 = arith.addi %mul3A_71, %min3A_59 : vector<16xi32>
      %broadcast_in_dim3A = arith.constant 0 : i32
      %broadcast_in_dim3A_73 = vector.broadcast %broadcast_in_dim3A : i32 to vector<16xi32>
      %broadcast_in_dim3A_74 = arith.constant -1.000000e+00 : f32
      %broadcast_in_dim3A_75 = vector.broadcast %broadcast_in_dim3A_74 : f32 to vector<16xf32>
      %broadcast_in_dim3A_76 = arith.constant 0.000000e+00 : f32
      %broadcast_in_dim3A_77 = vector.broadcast %broadcast_in_dim3A_76 : f32 to vector<16xf32>
      %broadcast_in_dim3A_78 = arith.constant 0.000000e+00 : f32
      %broadcast_in_dim3A_79 = vector.broadcast %broadcast_in_dim3A_78 : f32 to vector<16xf32>
      %get3A_80 = arith.constant 0 : i32
      %get3A_81 = arith.index_cast %get3A_80 : i32 to index
      %get3A_82 = arith.constant 0 : index
      %get3A_83 = tpu.vector_load %arg7[%get3A_81, %get3A_82] {strides = array<i32>} : memref<10x16xf32, #tpu.memory_space<vmem>>, vector<1x16xf32>,
      %get3A_84 = vector.shape_cast %get3A_83 : vector<1x16xf32> to vector<16xf32>
      %get3A_85 = arith.constant 1 : i32
      %get3A_86 = arith.index_cast %get3A_85 : i32 to index
      %get3A_87 = arith.constant 0 : index
      %get3A_88 = tpu.vector_load %arg7[%get3A_86, %get3A_87] {strides = array<i32>} : memref<10x16xf32, #tpu.memory_space<vmem>>, vector<1x16xf32>,
      %get3A_89 = vector.shape_cast %get3A_88 : vector<1x16xf32> to vector<16xf32>
      %mul3A_90 = arith.constant 5.000000e-01 : f32
      %mul3A_91 = vector.broadcast %mul3A_90 : f32 to vector<16xf32>
      %mul3A_92 = arith.mulf %mul3A_91, %get3A_84 : vector<16xf32>
      %add3A_93 = arith.addf %convert_element_type3A_67, %mul3A_92 : vector<16xf32>
      %min3A_94 = arith.minimumf %add3A_93, %add3A_45 : vector<16xf32>
      %mul3A_95 = arith.constant 5.000000e-01 : f32
      %mul3A_96 = vector.broadcast %mul3A_95 : f32 to vector<16xf32>
      %mul3A_97 = arith.mulf %mul3A_96, %get3A_84 : vector<16xf32>
      %sub3A_98 = arith.subf %convert_element_type3A_67, %mul3A_97 : vector<16xf32>
      %max3A_99 = arith.maximumf %sub3A_98, %sub3A : vector<16xf32>
      %sub3A_100 = arith.subf %min3A_94, %max3A_99 : vector<16xf32>
      %max3A_101 = arith.constant 0.000000e+00 : f32
      %max3A_102 = vector.broadcast %max3A_101 : f32 to vector<16xf32>
      %max3A_103 = arith.maximumf %sub3A_100, %max3A_102 : vector<16xf32>
      %mul3A_104 = arith.constant 5.000000e-01 : f32
      %mul3A_105 = vector.broadcast %mul3A_104 : f32 to vector<16xf32>
      %mul3A_106 = arith.mulf %mul3A_105, %get3A_89 : vector<16xf32>
      %add3A_107 = arith.addf %convert_element_type3A_68, %mul3A_106 : vector<16xf32>
      %min3A_108 = arith.minimumf %add3A_107, %add3A_53 : vector<16xf32>
      %mul3A_109 = arith.constant 5.000000e-01 : f32
      %mul3A_110 = vector.broadcast %mul3A_109 : f32 to vector<16xf32>
      %mul3A_111 = arith.mulf %mul3A_110, %get3A_89 : vector<16xf32>
      %sub3A_112 = arith.subf %convert_element_type3A_68, %mul3A_111 : vector<16xf32>
      %max3A_113 = arith.maximumf %sub3A_112, %sub3A_49 : vector<16xf32>
      %sub3A_114 = arith.subf %min3A_108, %max3A_113 : vector<16xf32>
      %max3A_115 = arith.constant 0.000000e+00 : f32
      %max3A_116 = vector.broadcast %max3A_115 : f32 to vector<16xf32>
      %max3A_117 = arith.maximumf %sub3A_114, %max3A_116 : vector<16xf32>
      %mul3A_118 = arith.mulf %max3A_103, %max3A_117 : vector<16xf32>
      %mul3A_119 = arith.mulf %get3A_84, %get3A_89 : vector<16xf32>
      %add3A_120 = arith.addf %mul3A_119, %mul3A_54 : vector<16xf32>
      %sub3A_121 = arith.subf %add3A_120, %mul3A_118 : vector<16xf32>
      %add3A_122 = arith.constant 9.99999971E-10 : f32
      %add3A_123 = vector.broadcast %add3A_122 : f32 to vector<16xf32>
      %add3A_124 = arith.addf %sub3A_121, %add3A_123 : vector<16xf32>
      %div3A = arith.divf %mul3A_118, %add3A_124 : vector<16xf32>
      %gt3A = arith.cmpf ogt, %div3A, %broadcast_in_dim3A_75 : vector<16xf32>
      %jit3A = arith.constant 0 : i32
      %broadcast_in_dim3A_125 = vector.broadcast %jit3A : i32 to vector<16xi32>
      %select_n3A = arith.select %gt3A, %broadcast_in_dim3A_125, %broadcast_in_dim3A_73 : vector<16xi1>, vector<16xi32>
      %select_n3A_126 = arith.select %gt3A, %div3A, %broadcast_in_dim3A_75 : vector<16xi1>, vector<16xf32>
      %select_n3A_127 = arith.select %gt3A, %get3A_84, %broadcast_in_dim3A_77 : vector<16xi1>, vector<16xf32>
      %select_n3A_128 = arith.select %gt3A, %get3A_89, %broadcast_in_dim3A_79 : vector<16xi1>, vector<16xf32>
      %get3A_129 = arith.constant 2 : i32
      %get3A_130 = arith.index_cast %get3A_129 : i32 to index
      %get3A_131 = arith.constant 0 : index
      %get3A_132 = tpu.vector_load %arg7[%get3A_130, %get3A_131] {strides = array<i32>} : memref<10x16xf32, #tpu.memory_space<vmem>>, vector<1x16xf32>,
      %get3A_133 = vector.shape_cast %get3A_132 : vector<1x16xf32> to vector<16xf32>
      %get3A_134 = arith.constant 3 : i32
      %get3A_135 = arith.index_cast %get3A_134 : i32 to index
      %get3A_136 = arith.constant 0 : index
      %get3A_137 = tpu.vector_load %arg7[%get3A_135, %get3A_136] {strides = array<i32>} : memref<10x16xf32, #tpu.memory_space<vmem>>, vector<1x16xf32>,
      %get3A_138 = vector.shape_cast %get3A_137 : vector<1x16xf32> to vector<16xf32>
      %mul3A_139 = arith.constant 5.000000e-01 : f32
      %mul3A_140 = vector.broadcast %mul3A_139 : f32 to vector<16xf32>
      %mul3A_141 = arith.mulf %mul3A_140, %get3A_133 : vector<16xf32>
      %add3A_142 = arith.addf %convert_element_type3A_67, %mul3A_141 : vector<16xf32>
      %min3A_143 = arith.minimumf %add3A_142, %add3A_45 : vector<16xf32>
      %mul3A_144 = arith.constant 5.000000e-01 : f32
      %mul3A_145 = vector.broadcast %mul3A_144 : f32 to vector<16xf32>
      %mul3A_146 = arith.mulf %mul3A_145, %get3A_133 : vector<16xf32>
      %sub3A_147 = arith.subf %convert_element_type3A_67, %mul3A_146 : vector<16xf32>
      %max3A_148 = arith.maximumf %sub3A_147, %sub3A : vector<16xf32>
      %sub3A_149 = arith.subf %min3A_143, %max3A_148 : vector<16xf32>
      %max3A_150 = arith.constant 0.000000e+00 : f32
      %max3A_151 = vector.broadcast %max3A_150 : f32 to vector<16xf32>
      %max3A_152 = arith.maximumf %sub3A_149, %max3A_151 : vector<16xf32>
      %mul3A_153 = arith.constant 5.000000e-01 : f32
      %mul3A_154 = vector.broadcast %mul3A_153 : f32 to vector<16xf32>
      %mul3A_155 = arith.mulf %mul3A_154, %get3A_138 : vector<16xf32>
      %add3A_156 = arith.addf %convert_element_type3A_68, %mul3A_155 : vector<16xf32>
      %min3A_157 = arith.minimumf %add3A_156, %add3A_53 : vector<16xf32>
      %mul3A_158 = arith.constant 5.000000e-01 : f32
      %mul3A_159 = vector.broadcast %mul3A_158 : f32 to vector<16xf32>
      %mul3A_160 = arith.mulf %mul3A_159, %get3A_138 : vector<16xf32>
      %sub3A_161 = arith.subf %convert_element_type3A_68, %mul3A_160 : vector<16xf32>
      %max3A_162 = arith.maximumf %sub3A_161, %sub3A_49 : vector<16xf32>
      %sub3A_163 = arith.subf %min3A_157, %max3A_162 : vector<16xf32>
      %max3A_164 = arith.constant 0.000000e+00 : f32
      %max3A_165 = vector.broadcast %max3A_164 : f32 to vector<16xf32>
      %max3A_166 = arith.maximumf %sub3A_163, %max3A_165 : vector<16xf32>
      %mul3A_167 = arith.mulf %max3A_152, %max3A_166 : vector<16xf32>
      %mul3A_168 = arith.mulf %get3A_133, %get3A_138 : vector<16xf32>
      %add3A_169 = arith.addf %mul3A_168, %mul3A_54 : vector<16xf32>
      %sub3A_170 = arith.subf %add3A_169, %mul3A_167 : vector<16xf32>
      %add3A_171 = arith.constant 9.99999971E-10 : f32
      %add3A_172 = vector.broadcast %add3A_171 : f32 to vector<16xf32>
      %add3A_173 = arith.addf %sub3A_170, %add3A_172 : vector<16xf32>
      %div3A_174 = arith.divf %mul3A_167, %add3A_173 : vector<16xf32>
      %gt3A_175 = arith.cmpf ogt, %div3A_174, %select_n3A_126 : vector<16xf32>
      %jit3A_176 = arith.constant 1 : i32
      %broadcast_in_dim3A_177 = vector.broadcast %jit3A_176 : i32 to vector<16xi32>
      %select_n3A_178 = arith.select %gt3A_175, %broadcast_in_dim3A_177, %select_n3A : vector<16xi1>, vector<16xi32>
      %select_n3A_179 = arith.select %gt3A_175, %div3A_174, %select_n3A_126 : vector<16xi1>, vector<16xf32>
      %select_n3A_180 = arith.select %gt3A_175, %get3A_133, %select_n3A_127 : vector<16xi1>, vector<16xf32>
      %select_n3A_181 = arith.select %gt3A_175, %get3A_138, %select_n3A_128 : vector<16xi1>, vector<16xf32>
      %get3A_182 = arith.constant 4 : i32
      %get3A_183 = arith.index_cast %get3A_182 : i32 to index
      %get3A_184 = arith.constant 0 : index
      %get3A_185 = tpu.vector_load %arg7[%get3A_183, %get3A_184] {strides = array<i32>} : memref<10x16xf32, #tpu.memory_space<vmem>>, vector<1x16xf32>,
      %get3A_186 = vector.shape_cast %get3A_185 : vector<1x16xf32> to vector<16xf32>
      %get3A_187 = arith.constant 5 : i32
      %get3A_188 = arith.index_cast %get3A_187 : i32 to index
      %get3A_189 = arith.constant 0 : index
      %get3A_190 = tpu.vector_load %arg7[%get3A_188, %get3A_189] {strides = array<i32>} : memref<10x16xf32, #tpu.memory_space<vmem>>, vector<1x16xf32>,
      %get3A_191 = vector.shape_cast %get3A_190 : vector<1x16xf32> to vector<16xf32>
      %mul3A_192 = arith.constant 5.000000e-01 : f32
      %mul3A_193 = vector.broadcast %mul3A_192 : f32 to vector<16xf32>
      %mul3A_194 = arith.mulf %mul3A_193, %get3A_186 : vector<16xf32>
      %add3A_195 = arith.addf %convert_element_type3A_67, %mul3A_194 : vector<16xf32>
      %min3A_196 = arith.minimumf %add3A_195, %add3A_45 : vector<16xf32>
      %mul3A_197 = arith.constant 5.000000e-01 : f32
      %mul3A_198 = vector.broadcast %mul3A_197 : f32 to vector<16xf32>
      %mul3A_199 = arith.mulf %mul3A_198, %get3A_186 : vector<16xf32>
      %sub3A_200 = arith.subf %convert_element_type3A_67, %mul3A_199 : vector<16xf32>
      %max3A_201 = arith.maximumf %sub3A_200, %sub3A : vector<16xf32>
      %sub3A_202 = arith.subf %min3A_196, %max3A_201 : vector<16xf32>
      %max3A_203 = arith.constant 0.000000e+00 : f32
      %max3A_204 = vector.broadcast %max3A_203 : f32 to vector<16xf32>
      %max3A_205 = arith.maximumf %sub3A_202, %max3A_204 : vector<16xf32>
      %mul3A_206 = arith.constant 5.000000e-01 : f32
      %mul3A_207 = vector.broadcast %mul3A_206 : f32 to vector<16xf32>
      %mul3A_208 = arith.mulf %mul3A_207, %get3A_191 : vector<16xf32>
      %add3A_209 = arith.addf %convert_element_type3A_68, %mul3A_208 : vector<16xf32>
      %min3A_210 = arith.minimumf %add3A_209, %add3A_53 : vector<16xf32>
      %mul3A_211 = arith.constant 5.000000e-01 : f32
      %mul3A_212 = vector.broadcast %mul3A_211 : f32 to vector<16xf32>
      %mul3A_213 = arith.mulf %mul3A_212, %get3A_191 : vector<16xf32>
      %sub3A_214 = arith.subf %convert_element_type3A_68, %mul3A_213 : vector<16xf32>
      %max3A_215 = arith.maximumf %sub3A_214, %sub3A_49 : vector<16xf32>
      %sub3A_216 = arith.subf %min3A_210, %max3A_215 : vector<16xf32>
      %max3A_217 = arith.constant 0.000000e+00 : f32
      %max3A_218 = vector.broadcast %max3A_217 : f32 to vector<16xf32>
      %max3A_219 = arith.maximumf %sub3A_216, %max3A_218 : vector<16xf32>
      %mul3A_220 = arith.mulf %max3A_205, %max3A_219 : vector<16xf32>
      %mul3A_221 = arith.mulf %get3A_186, %get3A_191 : vector<16xf32>
      %add3A_222 = arith.addf %mul3A_221, %mul3A_54 : vector<16xf32>
      %sub3A_223 = arith.subf %add3A_222, %mul3A_220 : vector<16xf32>
      %add3A_224 = arith.constant 9.99999971E-10 : f32
      %add3A_225 = vector.broadcast %add3A_224 : f32 to vector<16xf32>
      %add3A_226 = arith.addf %sub3A_223, %add3A_225 : vector<16xf32>
      %div3A_227 = arith.divf %mul3A_220, %add3A_226 : vector<16xf32>
      %gt3A_228 = arith.cmpf ogt, %div3A_227, %select_n3A_179 : vector<16xf32>
      %jit3A_229 = arith.constant 2 : i32
      %broadcast_in_dim3A_230 = vector.broadcast %jit3A_229 : i32 to vector<16xi32>
      %select_n3A_231 = arith.select %gt3A_228, %broadcast_in_dim3A_230, %select_n3A_178 : vector<16xi1>, vector<16xi32>
      %select_n3A_232 = arith.select %gt3A_228, %div3A_227, %select_n3A_179 : vector<16xi1>, vector<16xf32>
      %select_n3A_233 = arith.select %gt3A_228, %get3A_186, %select_n3A_180 : vector<16xi1>, vector<16xf32>
      %select_n3A_234 = arith.select %gt3A_228, %get3A_191, %select_n3A_181 : vector<16xi1>, vector<16xf32>
      %get3A_235 = arith.constant 6 : i32
      %get3A_236 = arith.index_cast %get3A_235 : i32 to index
      %get3A_237 = arith.constant 0 : index
      %get3A_238 = tpu.vector_load %arg7[%get3A_236, %get3A_237] {strides = array<i32>} : memref<10x16xf32, #tpu.memory_space<vmem>>, vector<1x16xf32>,
      %get3A_239 = vector.shape_cast %get3A_238 : vector<1x16xf32> to vector<16xf32>
      %get3A_240 = arith.constant 7 : i32
      %get3A_241 = arith.index_cast %get3A_240 : i32 to index
      %get3A_242 = arith.constant 0 : index
      %get3A_243 = tpu.vector_load %arg7[%get3A_241, %get3A_242] {strides = array<i32>} : memref<10x16xf32, #tpu.memory_space<vmem>>, vector<1x16xf32>,
      %get3A_244 = vector.shape_cast %get3A_243 : vector<1x16xf32> to vector<16xf32>
      %mul3A_245 = arith.constant 5.000000e-01 : f32
      %mul3A_246 = vector.broadcast %mul3A_245 : f32 to vector<16xf32>
      %mul3A_247 = arith.mulf %mul3A_246, %get3A_239 : vector<16xf32>
      %add3A_248 = arith.addf %convert_element_type3A_67, %mul3A_247 : vector<16xf32>
      %min3A_249 = arith.minimumf %add3A_248, %add3A_45 : vector<16xf32>
      %mul3A_250 = arith.constant 5.000000e-01 : f32
      %mul3A_251 = vector.broadcast %mul3A_250 : f32 to vector<16xf32>
      %mul3A_252 = arith.mulf %mul3A_251, %get3A_239 : vector<16xf32>
      %sub3A_253 = arith.subf %convert_element_type3A_67, %mul3A_252 : vector<16xf32>
      %max3A_254 = arith.maximumf %sub3A_253, %sub3A : vector<16xf32>
      %sub3A_255 = arith.subf %min3A_249, %max3A_254 : vector<16xf32>
      %max3A_256 = arith.constant 0.000000e+00 : f32
      %max3A_257 = vector.broadcast %max3A_256 : f32 to vector<16xf32>
      %max3A_258 = arith.maximumf %sub3A_255, %max3A_257 : vector<16xf32>
      %mul3A_259 = arith.constant 5.000000e-01 : f32
      %mul3A_260 = vector.broadcast %mul3A_259 : f32 to vector<16xf32>
      %mul3A_261 = arith.mulf %mul3A_260, %get3A_244 : vector<16xf32>
      %add3A_262 = arith.addf %convert_element_type3A_68, %mul3A_261 : vector<16xf32>
      %min3A_263 = arith.minimumf %add3A_262, %add3A_53 : vector<16xf32>
      %mul3A_264 = arith.constant 5.000000e-01 : f32
      %mul3A_265 = vector.broadcast %mul3A_264 : f32 to vector<16xf32>
      %mul3A_266 = arith.mulf %mul3A_265, %get3A_244 : vector<16xf32>
      %sub3A_267 = arith.subf %convert_element_type3A_68, %mul3A_266 : vector<16xf32>
      %max3A_268 = arith.maximumf %sub3A_267, %sub3A_49 : vector<16xf32>
      %sub3A_269 = arith.subf %min3A_263, %max3A_268 : vector<16xf32>
      %max3A_270 = arith.constant 0.000000e+00 : f32
      %max3A_271 = vector.broadcast %max3A_270 : f32 to vector<16xf32>
      %max3A_272 = arith.maximumf %sub3A_269, %max3A_271 : vector<16xf32>
      %mul3A_273 = arith.mulf %max3A_258, %max3A_272 : vector<16xf32>
      %mul3A_274 = arith.mulf %get3A_239, %get3A_244 : vector<16xf32>
      %add3A_275 = arith.addf %mul3A_274, %mul3A_54 : vector<16xf32>
      %sub3A_276 = arith.subf %add3A_275, %mul3A_273 : vector<16xf32>
      %add3A_277 = arith.constant 9.99999971E-10 : f32
      %add3A_278 = vector.broadcast %add3A_277 : f32 to vector<16xf32>
      %add3A_279 = arith.addf %sub3A_276, %add3A_278 : vector<16xf32>
      %div3A_280 = arith.divf %mul3A_273, %add3A_279 : vector<16xf32>
      %gt3A_281 = arith.cmpf ogt, %div3A_280, %select_n3A_232 : vector<16xf32>
      %jit3A_282 = arith.constant 3 : i32
      %broadcast_in_dim3A_283 = vector.broadcast %jit3A_282 : i32 to vector<16xi32>
      %select_n3A_284 = arith.select %gt3A_281, %broadcast_in_dim3A_283, %select_n3A_231 : vector<16xi1>, vector<16xi32>
      %select_n3A_285 = arith.select %gt3A_281, %div3A_280, %select_n3A_232 : vector<16xi1>, vector<16xf32>
      %select_n3A_286 = arith.select %gt3A_281, %get3A_239, %select_n3A_233 : vector<16xi1>, vector<16xf32>
      %select_n3A_287 = arith.select %gt3A_281, %get3A_244, %select_n3A_234 : vector<16xi1>, vector<16xf32>
      %get3A_288 = arith.constant 8 : i32
      %get3A_289 = arith.index_cast %get3A_288 : i32 to index
      %get3A_290 = arith.constant 0 : index
      %get3A_291 = tpu.vector_load %arg7[%get3A_289, %get3A_290] {strides = array<i32>} : memref<10x16xf32, #tpu.memory_space<vmem>>, vector<1x16xf32>,
      %get3A_292 = vector.shape_cast %get3A_291 : vector<1x16xf32> to vector<16xf32>
      %get3A_293 = arith.constant 9 : i32
      %get3A_294 = arith.index_cast %get3A_293 : i32 to index
      %get3A_295 = arith.constant 0 : index
      %get3A_296 = tpu.vector_load %arg7[%get3A_294, %get3A_295] {strides = array<i32>} : memref<10x16xf32, #tpu.memory_space<vmem>>, vector<1x16xf32>,
      %get3A_297 = vector.shape_cast %get3A_296 : vector<1x16xf32> to vector<16xf32>
      %mul3A_298 = arith.constant 5.000000e-01 : f32
      %mul3A_299 = vector.broadcast %mul3A_298 : f32 to vector<16xf32>
      %mul3A_300 = arith.mulf %mul3A_299, %get3A_292 : vector<16xf32>
      %add3A_301 = arith.addf %convert_element_type3A_67, %mul3A_300 : vector<16xf32>
      %min3A_302 = arith.minimumf %add3A_301, %add3A_45 : vector<16xf32>
      %mul3A_303 = arith.constant 5.000000e-01 : f32
      %mul3A_304 = vector.broadcast %mul3A_303 : f32 to vector<16xf32>
      %mul3A_305 = arith.mulf %mul3A_304, %get3A_292 : vector<16xf32>
      %sub3A_306 = arith.subf %convert_element_type3A_67, %mul3A_305 : vector<16xf32>
      %max3A_307 = arith.maximumf %sub3A_306, %sub3A : vector<16xf32>
      %sub3A_308 = arith.subf %min3A_302, %max3A_307 : vector<16xf32>
      %max3A_309 = arith.constant 0.000000e+00 : f32
      %max3A_310 = vector.broadcast %max3A_309 : f32 to vector<16xf32>
      %max3A_311 = arith.maximumf %sub3A_308, %max3A_310 : vector<16xf32>
      %mul3A_312 = arith.constant 5.000000e-01 : f32
      %mul3A_313 = vector.broadcast %mul3A_312 : f32 to vector<16xf32>
      %mul3A_314 = arith.mulf %mul3A_313, %get3A_297 : vector<16xf32>
      %add3A_315 = arith.addf %convert_element_type3A_68, %mul3A_314 : vector<16xf32>
      %min3A_316 = arith.minimumf %add3A_315, %add3A_53 : vector<16xf32>
      %mul3A_317 = arith.constant 5.000000e-01 : f32
      %mul3A_318 = vector.broadcast %mul3A_317 : f32 to vector<16xf32>
      %mul3A_319 = arith.mulf %mul3A_318, %get3A_297 : vector<16xf32>
      %sub3A_320 = arith.subf %convert_element_type3A_68, %mul3A_319 : vector<16xf32>
      %max3A_321 = arith.maximumf %sub3A_320, %sub3A_49 : vector<16xf32>
      %sub3A_322 = arith.subf %min3A_316, %max3A_321 : vector<16xf32>
      %max3A_323 = arith.constant 0.000000e+00 : f32
      %max3A_324 = vector.broadcast %max3A_323 : f32 to vector<16xf32>
      %max3A_325 = arith.maximumf %sub3A_322, %max3A_324 : vector<16xf32>
      %mul3A_326 = arith.mulf %max3A_311, %max3A_325 : vector<16xf32>
      %mul3A_327 = arith.mulf %get3A_292, %get3A_297 : vector<16xf32>
      %add3A_328 = arith.addf %mul3A_327, %mul3A_54 : vector<16xf32>
      %sub3A_329 = arith.subf %add3A_328, %mul3A_326 : vector<16xf32>
      %add3A_330 = arith.constant 9.99999971E-10 : f32
      %add3A_331 = vector.broadcast %add3A_330 : f32 to vector<16xf32>
      %add3A_332 = arith.addf %sub3A_329, %add3A_331 : vector<16xf32>
      %div3A_333 = arith.divf %mul3A_326, %add3A_332 : vector<16xf32>
      %gt3A_334 = arith.cmpf ogt, %div3A_333, %select_n3A_285 : vector<16xf32>
      %jit3A_335 = arith.constant 4 : i32
      %broadcast_in_dim3A_336 = vector.broadcast %jit3A_335 : i32 to vector<16xi32>
      %select_n3A_337 = arith.select %gt3A_334, %broadcast_in_dim3A_336, %select_n3A_284 : vector<16xi1>, vector<16xi32>
      %select_n3A_338 = arith.select %gt3A_334, %div3A_333, %select_n3A_285 : vector<16xi1>, vector<16xf32>
      %select_n3A_339 = arith.select %gt3A_334, %get3A_292, %select_n3A_286 : vector<16xi1>, vector<16xf32>
      %select_n3A_340 = arith.select %gt3A_334, %get3A_297, %select_n3A_287 : vector<16xi1>, vector<16xf32>
      %convert_element_type3A_341 = arith.fptosi %get3A_6 : vector<16xf32> to vector<16xi32>
      %mul3A_342 = arith.constant 128000 : i32
      %mul3A_343 = vector.broadcast %mul3A_342 : i32 to vector<16xi32>
      %mul3A_344 = arith.muli %convert_element_type3A_341, %mul3A_343 : vector<16xi32>
      %mul3A_345 = arith.constant 25600 : i32
      %mul3A_346 = vector.broadcast %mul3A_345 : i32 to vector<16xi32>
      %mul3A_347 = arith.muli %select_n3A_337, %mul3A_346 : vector<16xi32>
      %add3A_348 = arith.addi %mul3A_344, %mul3A_347 : vector<16xi32>
      %add3A_349 = arith.addi %add3A_348, %add3A_72 : vector<16xi32>
      %add3A_350 = arith.constant 0 : i32
      %add3A_351 = vector.broadcast %add3A_350 : i32 to vector<16xi32>
      %add3A_352 = arith.addi %add3A_349, %add3A_351 : vector<16xi32>
      %dma_start3A = arith.constant 0 : i32
      %dma_start3A_353 = arith.constant 0 : i32
      %dma_start3A_354 = tpu.memref_slice %arg8[%dma_start3A, %dma_start3A_353] : memref<32x16xf32, #tpu.memory_space<vmem>> -> memref<1x16xf32, #tpu.memory_space<vmem>>
      %dma_start3A_355 = tpu.memref_squeeze %dma_start3A_354 : memref<1x16xf32, #tpu.memory_space<vmem>> -> memref<16xf32, #tpu.memory_space<vmem>>
      %dma_start3A_356 = arith.constant 0 : i32
      %dma_start3A_357 = tpu.memref_slice %arg2[%dma_start3A_356] : memref<2048000xf32, #tpu.memory_space<hbm>> -> memref<2048000xf32, #tpu.memory_space<hbm>>
      tpu.enqueue_indirect_dma source(%dma_start3A_357 : memref<2048000xf32, #tpu.memory_space<hbm>>) target(%dma_start3A_355 : memref<16xf32, #tpu.memory_space<vmem>>) offsets(%add3A_352 : vector<16xi32>) semaphore(%arg9 : memref<!tpu.dma_semaphore, #tpu.memory_space<semaphore_mem>>)
      %add3A_358 = arith.constant 1024 : i32
      %add3A_359 = vector.broadcast %add3A_358 : i32 to vector<16xi32>
      %add3A_360 = arith.addi %add3A_349, %add3A_359 : vector<16xi32>
      %dma_start3A_361 = arith.constant 1 : i32
      %dma_start3A_362 = arith.constant 0 : i32
      %dma_start3A_363 = tpu.memref_slice %arg8[%dma_start3A_361, %dma_start3A_362] : memref<32x16xf32, #tpu.memory_space<vmem>> -> memref<1x16xf32, #tpu.memory_space<vmem>>
      %dma_start3A_364 = tpu.memref_squeeze %dma_start3A_363 : memref<1x16xf32, #tpu.memory_space<vmem>> -> memref<16xf32, #tpu.memory_space<vmem>>
      %dma_start3A_365 = arith.constant 0 : i32
      %dma_start3A_366 = tpu.memref_slice %arg2[%dma_start3A_365] : memref<2048000xf32, #tpu.memory_space<hbm>> -> memref<2048000xf32, #tpu.memory_space<hbm>>
      tpu.enqueue_indirect_dma source(%dma_start3A_366 : memref<2048000xf32, #tpu.memory_space<hbm>>) target(%dma_start3A_364 : memref<16xf32, #tpu.memory_space<vmem>>) offsets(%add3A_360 : vector<16xi32>) semaphore(%arg9 : memref<!tpu.dma_semaphore, #tpu.memory_space<semaphore_mem>>)
      %add3A_367 = arith.constant 2048 : i32
      %add3A_368 = vector.broadcast %add3A_367 : i32 to vector<16xi32>
      %add3A_369 = arith.addi %add3A_349, %add3A_368 : vector<16xi32>
      %dma_start3A_370 = arith.constant 2 : i32
      %dma_start3A_371 = arith.constant 0 : i32
      %dma_start3A_372 = tpu.memref_slice %arg8[%dma_start3A_370, %dma_start3A_371] : memref<32x16xf32, #tpu.memory_space<vmem>> -> memref<1x16xf32, #tpu.memory_space<vmem>>
      %dma_start3A_373 = tpu.memref_squeeze %dma_start3A_372 : memref<1x16xf32, #tpu.memory_space<vmem>> -> memref<16xf32, #tpu.memory_space<vmem>>
      %dma_start3A_374 = arith.constant 0 : i32
      %dma_start3A_375 = tpu.memref_slice %arg2[%dma_start3A_374] : memref<2048000xf32, #tpu.memory_space<hbm>> -> memref<2048000xf32, #tpu.memory_space<hbm>>
      tpu.enqueue_indirect_dma source(%dma_start3A_375 : memref<2048000xf32, #tpu.memory_space<hbm>>) target(%dma_start3A_373 : memref<16xf32, #tpu.memory_space<vmem>>) offsets(%add3A_369 : vector<16xi32>) semaphore(%arg9 : memref<!tpu.dma_semaphore, #tpu.memory_space<semaphore_mem>>)
      %add3A_376 = arith.constant 3072 : i32
      %add3A_377 = vector.broadcast %add3A_376 : i32 to vector<16xi32>
      %add3A_378 = arith.addi %add3A_349, %add3A_377 : vector<16xi32>
      %dma_start3A_379 = arith.constant 3 : i32
      %dma_start3A_380 = arith.constant 0 : i32
      %dma_start3A_381 = tpu.memref_slice %arg8[%dma_start3A_379, %dma_start3A_380] : memref<32x16xf32, #tpu.memory_space<vmem>> -> memref<1x16xf32, #tpu.memory_space<vmem>>
      %dma_start3A_382 = tpu.memref_squeeze %dma_start3A_381 : memref<1x16xf32, #tpu.memory_space<vmem>> -> memref<16xf32, #tpu.memory_space<vmem>>
      %dma_start3A_383 = arith.constant 0 : i32
      %dma_start3A_384 = tpu.memref_slice %arg2[%dma_start3A_383] : memref<2048000xf32, #tpu.memory_space<hbm>> -> memref<2048000xf32, #tpu.memory_space<hbm>>
      tpu.enqueue_indirect_dma source(%dma_start3A_384 : memref<2048000xf32, #tpu.memory_space<hbm>>) target(%dma_start3A_382 : memref<16xf32, #tpu.memory_space<vmem>>) offsets(%add3A_378 : vector<16xi32>) semaphore(%arg9 : memref<!tpu.dma_semaphore, #tpu.memory_space<semaphore_mem>>)
      %add3A_385 = arith.constant 4096 : i32
      %add3A_386 = vector.broadcast %add3A_385 : i32 to vector<16xi32>
      %add3A_387 = arith.addi %add3A_349, %add3A_386 : vector<16xi32>
      %dma_start3A_388 = arith.constant 4 : i32
      %dma_start3A_389 = arith.constant 0 : i32
      %dma_start3A_390 = tpu.memref_slice %arg8[%dma_start3A_388, %dma_start3A_389] : memref<32x16xf32, #tpu.memory_space<vmem>> -> memref<1x16xf32, #tpu.memory_space<vmem>>
      %dma_start3A_391 = tpu.memref_squeeze %dma_start3A_390 : memref<1x16xf32, #tpu.memory_space<vmem>> -> memref<16xf32, #tpu.memory_space<vmem>>
      %dma_start3A_392 = arith.constant 0 : i32
      %dma_start3A_393 = tpu.memref_slice %arg2[%dma_start3A_392] : memref<2048000xf32, #tpu.memory_space<hbm>> -> memref<2048000xf32, #tpu.memory_space<hbm>>
      tpu.enqueue_indirect_dma source(%dma_start3A_393 : memref<2048000xf32, #tpu.memory_space<hbm>>) target(%dma_start3A_391 : memref<16xf32, #tpu.memory_space<vmem>>) offsets(%add3A_387 : vector<16xi32>) semaphore(%arg9 : memref<!tpu.dma_semaphore, #tpu.memory_space<semaphore_mem>>)
      %add3A_394 = arith.constant 5120 : i32
      %add3A_395 = vector.broadcast %add3A_394 : i32 to vector<16xi32>
      %add3A_396 = arith.addi %add3A_349, %add3A_395 : vector<16xi32>
      %dma_start3A_397 = arith.constant 5 : i32
      %dma_start3A_398 = arith.constant 0 : i32
      %dma_start3A_399 = tpu.memref_slice %arg8[%dma_start3A_397, %dma_start3A_398] : memref<32x16xf32, #tpu.memory_space<vmem>> -> memref<1x16xf32, #tpu.memory_space<vmem>>
      %dma_start3A_400 = tpu.memref_squeeze %dma_start3A_399 : memref<1x16xf32, #tpu.memory_space<vmem>> -> memref<16xf32, #tpu.memory_space<vmem>>
      %dma_start3A_401 = arith.constant 0 : i32
      %dma_start3A_402 = tpu.memref_slice %arg2[%dma_start3A_401] : memref<2048000xf32, #tpu.memory_space<hbm>> -> memref<2048000xf32, #tpu.memory_space<hbm>>
      tpu.enqueue_indirect_dma source(%dma_start3A_402 : memref<2048000xf32, #tpu.memory_space<hbm>>) target(%dma_start3A_400 : memref<16xf32, #tpu.memory_space<vmem>>) offsets(%add3A_396 : vector<16xi32>) semaphore(%arg9 : memref<!tpu.dma_semaphore, #tpu.memory_space<semaphore_mem>>)
      %add3A_403 = arith.constant 6144 : i32
      %add3A_404 = vector.broadcast %add3A_403 : i32 to vector<16xi32>
      %add3A_405 = arith.addi %add3A_349, %add3A_404 : vector<16xi32>
      %dma_start3A_406 = arith.constant 6 : i32
      %dma_start3A_407 = arith.constant 0 : i32
      %dma_start3A_408 = tpu.memref_slice %arg8[%dma_start3A_406, %dma_start3A_407] : memref<32x16xf32, #tpu.memory_space<vmem>> -> memref<1x16xf32, #tpu.memory_space<vmem>>
      %dma_start3A_409 = tpu.memref_squeeze %dma_start3A_408 : memref<1x16xf32, #tpu.memory_space<vmem>> -> memref<16xf32, #tpu.memory_space<vmem>>
      %dma_start3A_410 = arith.constant 0 : i32
      %dma_start3A_411 = tpu.memref_slice %arg2[%dma_start3A_410] : memref<2048000xf32, #tpu.memory_space<hbm>> -> memref<2048000xf32, #tpu.memory_space<hbm>>
      tpu.enqueue_indirect_dma source(%dma_start3A_411 : memref<2048000xf32, #tpu.memory_space<hbm>>) target(%dma_start3A_409 : memref<16xf32, #tpu.memory_space<vmem>>) offsets(%add3A_405 : vector<16xi32>) semaphore(%arg9 : memref<!tpu.dma_semaphore, #tpu.memory_space<semaphore_mem>>)
      %add3A_412 = arith.constant 7168 : i32
      %add3A_413 = vector.broadcast %add3A_412 : i32 to vector<16xi32>
      %add3A_414 = arith.addi %add3A_349, %add3A_413 : vector<16xi32>
      %dma_start3A_415 = arith.constant 7 : i32
      %dma_start3A_416 = arith.constant 0 : i32
      %dma_start3A_417 = tpu.memref_slice %arg8[%dma_start3A_415, %dma_start3A_416] : memref<32x16xf32, #tpu.memory_space<vmem>> -> memref<1x16xf32, #tpu.memory_space<vmem>>
      %dma_start3A_418 = tpu.memref_squeeze %dma_start3A_417 : memref<1x16xf32, #tpu.memory_space<vmem>> -> memref<16xf32, #tpu.memory_space<vmem>>
      %dma_start3A_419 = arith.constant 0 : i32
      %dma_start3A_420 = tpu.memref_slice %arg2[%dma_start3A_419] : memref<2048000xf32, #tpu.memory_space<hbm>> -> memref<2048000xf32, #tpu.memory_space<hbm>>
      tpu.enqueue_indirect_dma source(%dma_start3A_420 : memref<2048000xf32, #tpu.memory_space<hbm>>) target(%dma_start3A_418 : memref<16xf32, #tpu.memory_space<vmem>>) offsets(%add3A_414 : vector<16xi32>) semaphore(%arg9 : memref<!tpu.dma_semaphore, #tpu.memory_space<semaphore_mem>>)
      %add3A_421 = arith.constant 8192 : i32
      %add3A_422 = vector.broadcast %add3A_421 : i32 to vector<16xi32>
      %add3A_423 = arith.addi %add3A_349, %add3A_422 : vector<16xi32>
      %dma_start3A_424 = arith.constant 8 : i32
      %dma_start3A_425 = arith.constant 0 : i32
      %dma_start3A_426 = tpu.memref_slice %arg8[%dma_start3A_424, %dma_start3A_425] : memref<32x16xf32, #tpu.memory_space<vmem>> -> memref<1x16xf32, #tpu.memory_space<vmem>>
      %dma_start3A_427 = tpu.memref_squeeze %dma_start3A_426 : memref<1x16xf32, #tpu.memory_space<vmem>> -> memref<16xf32, #tpu.memory_space<vmem>>
      %dma_start3A_428 = arith.constant 0 : i32
      %dma_start3A_429 = tpu.memref_slice %arg2[%dma_start3A_428] : memref<2048000xf32, #tpu.memory_space<hbm>> -> memref<2048000xf32, #tpu.memory_space<hbm>>
      tpu.enqueue_indirect_dma source(%dma_start3A_429 : memref<2048000xf32, #tpu.memory_space<hbm>>) target(%dma_start3A_427 : memref<16xf32, #tpu.memory_space<vmem>>) offsets(%add3A_423 : vector<16xi32>) semaphore(%arg9 : memref<!tpu.dma_semaphore, #tpu.memory_space<semaphore_mem>>)
      %add3A_430 = arith.constant 9216 : i32
      %add3A_431 = vector.broadcast %add3A_430 : i32 to vector<16xi32>
      %add3A_432 = arith.addi %add3A_349, %add3A_431 : vector<16xi32>
      %dma_start3A_433 = arith.constant 9 : i32
      %dma_start3A_434 = arith.constant 0 : i32
      %dma_start3A_435 = tpu.memref_slice %arg8[%dma_start3A_433, %dma_start3A_434] : memref<32x16xf32, #tpu.memory_space<vmem>> -> memref<1x16xf32, #tpu.memory_space<vmem>>
      %dma_start3A_436 = tpu.memref_squeeze %dma_start3A_435 : memref<1x16xf32, #tpu.memory_space<vmem>> -> memref<16xf32, #tpu.memory_space<vmem>>
      %dma_start3A_437 = arith.constant 0 : i32
      %dma_start3A_438 = tpu.memref_slice %arg2[%dma_start3A_437] : memref<2048000xf32, #tpu.memory_space<hbm>> -> memref<2048000xf32, #tpu.memory_space<hbm>>
      tpu.enqueue_indirect_dma source(%dma_start3A_438 : memref<2048000xf32, #tpu.memory_space<hbm>>) target(%dma_start3A_436 : memref<16xf32, #tpu.memory_space<vmem>>) offsets(%add3A_432 : vector<16xi32>) semaphore(%arg9 : memref<!tpu.dma_semaphore, #tpu.memory_space<semaphore_mem>>)
      %add3A_439 = arith.constant 10240 : i32
      %add3A_440 = vector.broadcast %add3A_439 : i32 to vector<16xi32>
      %add3A_441 = arith.addi %add3A_349, %add3A_440 : vector<16xi32>
      %dma_start3A_442 = arith.constant 10 : i32
      %dma_start3A_443 = arith.constant 0 : i32
      %dma_start3A_444 = tpu.memref_slice %arg8[%dma_start3A_442, %dma_start3A_443] : memref<32x16xf32, #tpu.memory_space<vmem>> -> memref<1x16xf32, #tpu.memory_space<vmem>>
      %dma_start3A_445 = tpu.memref_squeeze %dma_start3A_444 : memref<1x16xf32, #tpu.memory_space<vmem>> -> memref<16xf32, #tpu.memory_space<vmem>>
      %dma_start3A_446 = arith.constant 0 : i32
      %dma_start3A_447 = tpu.memref_slice %arg2[%dma_start3A_446] : memref<2048000xf32, #tpu.memory_space<hbm>> -> memref<2048000xf32, #tpu.memory_space<hbm>>
      tpu.enqueue_indirect_dma source(%dma_start3A_447 : memref<2048000xf32, #tpu.memory_space<hbm>>) target(%dma_start3A_445 : memref<16xf32, #tpu.memory_space<vmem>>) offsets(%add3A_441 : vector<16xi32>) semaphore(%arg9 : memref<!tpu.dma_semaphore, #tpu.memory_space<semaphore_mem>>)
      %add3A_448 = arith.constant 11264 : i32
      %add3A_449 = vector.broadcast %add3A_448 : i32 to vector<16xi32>
      %add3A_450 = arith.addi %add3A_349, %add3A_449 : vector<16xi32>
      %dma_start3A_451 = arith.constant 11 : i32
      %dma_start3A_452 = arith.constant 0 : i32
      %dma_start3A_453 = tpu.memref_slice %arg8[%dma_start3A_451, %dma_start3A_452] : memref<32x16xf32, #tpu.memory_space<vmem>> -> memref<1x16xf32, #tpu.memory_space<vmem>>
      %dma_start3A_454 = tpu.memref_squeeze %dma_start3A_453 : memref<1x16xf32, #tpu.memory_space<vmem>> -> memref<16xf32, #tpu.memory_space<vmem>>
      %dma_start3A_455 = arith.constant 0 : i32
      %dma_start3A_456 = tpu.memref_slice %arg2[%dma_start3A_455] : memref<2048000xf32, #tpu.memory_space<hbm>> -> memref<2048000xf32, #tpu.memory_space<hbm>>
      tpu.enqueue_indirect_dma source(%dma_start3A_456 : memref<2048000xf32, #tpu.memory_space<hbm>>) target(%dma_start3A_454 : memref<16xf32, #tpu.memory_space<vmem>>) offsets(%add3A_450 : vector<16xi32>) semaphore(%arg9 : memref<!tpu.dma_semaphore, #tpu.memory_space<semaphore_mem>>)
      %add3A_457 = arith.constant 12288 : i32
      %add3A_458 = vector.broadcast %add3A_457 : i32 to vector<16xi32>
      %add3A_459 = arith.addi %add3A_349, %add3A_458 : vector<16xi32>
      %dma_start3A_460 = arith.constant 12 : i32
      %dma_start3A_461 = arith.constant 0 : i32
      %dma_start3A_462 = tpu.memref_slice %arg8[%dma_start3A_460, %dma_start3A_461] : memref<32x16xf32, #tpu.memory_space<vmem>> -> memref<1x16xf32, #tpu.memory_space<vmem>>
      %dma_start3A_463 = tpu.memref_squeeze %dma_start3A_462 : memref<1x16xf32, #tpu.memory_space<vmem>> -> memref<16xf32, #tpu.memory_space<vmem>>
      %dma_start3A_464 = arith.constant 0 : i32
      %dma_start3A_465 = tpu.memref_slice %arg2[%dma_start3A_464] : memref<2048000xf32, #tpu.memory_space<hbm>> -> memref<2048000xf32, #tpu.memory_space<hbm>>
      tpu.enqueue_indirect_dma source(%dma_start3A_465 : memref<2048000xf32, #tpu.memory_space<hbm>>) target(%dma_start3A_463 : memref<16xf32, #tpu.memory_space<vmem>>) offsets(%add3A_459 : vector<16xi32>) semaphore(%arg9 : memref<!tpu.dma_semaphore, #tpu.memory_space<semaphore_mem>>)
      %add3A_466 = arith.constant 13312 : i32
      %add3A_467 = vector.broadcast %add3A_466 : i32 to vector<16xi32>
      %add3A_468 = arith.addi %add3A_349, %add3A_467 : vector<16xi32>
      %dma_start3A_469 = arith.constant 13 : i32
      %dma_start3A_470 = arith.constant 0 : i32
      %dma_start3A_471 = tpu.memref_slice %arg8[%dma_start3A_469, %dma_start3A_470] : memref<32x16xf32, #tpu.memory_space<vmem>> -> memref<1x16xf32, #tpu.memory_space<vmem>>
      %dma_start3A_472 = tpu.memref_squeeze %dma_start3A_471 : memref<1x16xf32, #tpu.memory_space<vmem>> -> memref<16xf32, #tpu.memory_space<vmem>>
      %dma_start3A_473 = arith.constant 0 : i32
      %dma_start3A_474 = tpu.memref_slice %arg2[%dma_start3A_473] : memref<2048000xf32, #tpu.memory_space<hbm>> -> memref<2048000xf32, #tpu.memory_space<hbm>>
      tpu.enqueue_indirect_dma source(%dma_start3A_474 : memref<2048000xf32, #tpu.memory_space<hbm>>) target(%dma_start3A_472 : memref<16xf32, #tpu.memory_space<vmem>>) offsets(%add3A_468 : vector<16xi32>) semaphore(%arg9 : memref<!tpu.dma_semaphore, #tpu.memory_space<semaphore_mem>>)
      %add3A_475 = arith.constant 14336 : i32
      %add3A_476 = vector.broadcast %add3A_475 : i32 to vector<16xi32>
      %add3A_477 = arith.addi %add3A_349, %add3A_476 : vector<16xi32>
      %dma_start3A_478 = arith.constant 14 : i32
      %dma_start3A_479 = arith.constant 0 : i32
      %dma_start3A_480 = tpu.memref_slice %arg8[%dma_start3A_478, %dma_start3A_479] : memref<32x16xf32, #tpu.memory_space<vmem>> -> memref<1x16xf32, #tpu.memory_space<vmem>>
      %dma_start3A_481 = tpu.memref_squeeze %dma_start3A_480 : memref<1x16xf32, #tpu.memory_space<vmem>> -> memref<16xf32, #tpu.memory_space<vmem>>
      %dma_start3A_482 = arith.constant 0 : i32
      %dma_start3A_483 = tpu.memref_slice %arg2[%dma_start3A_482] : memref<2048000xf32, #tpu.memory_space<hbm>> -> memref<2048000xf32, #tpu.memory_space<hbm>>
      tpu.enqueue_indirect_dma source(%dma_start3A_483 : memref<2048000xf32, #tpu.memory_space<hbm>>) target(%dma_start3A_481 : memref<16xf32, #tpu.memory_space<vmem>>) offsets(%add3A_477 : vector<16xi32>) semaphore(%arg9 : memref<!tpu.dma_semaphore, #tpu.memory_space<semaphore_mem>>)
      %add3A_484 = arith.constant 15360 : i32
      %add3A_485 = vector.broadcast %add3A_484 : i32 to vector<16xi32>
      %add3A_486 = arith.addi %add3A_349, %add3A_485 : vector<16xi32>
      %dma_start3A_487 = arith.constant 15 : i32
      %dma_start3A_488 = arith.constant 0 : i32
      %dma_start3A_489 = tpu.memref_slice %arg8[%dma_start3A_487, %dma_start3A_488] : memref<32x16xf32, #tpu.memory_space<vmem>> -> memref<1x16xf32, #tpu.memory_space<vmem>>
      %dma_start3A_490 = tpu.memref_squeeze %dma_start3A_489 : memref<1x16xf32, #tpu.memory_space<vmem>> -> memref<16xf32, #tpu.memory_space<vmem>>
      %dma_start3A_491 = arith.constant 0 : i32
      %dma_start3A_492 = tpu.memref_slice %arg2[%dma_start3A_491] : memref<2048000xf32, #tpu.memory_space<hbm>> -> memref<2048000xf32, #tpu.memory_space<hbm>>
      tpu.enqueue_indirect_dma source(%dma_start3A_492 : memref<2048000xf32, #tpu.memory_space<hbm>>) target(%dma_start3A_490 : memref<16xf32, #tpu.memory_space<vmem>>) offsets(%add3A_486 : vector<16xi32>) semaphore(%arg9 : memref<!tpu.dma_semaphore, #tpu.memory_space<semaphore_mem>>)
      %add3A_493 = arith.constant 16384 : i32
      %add3A_494 = vector.broadcast %add3A_493 : i32 to vector<16xi32>
      %add3A_495 = arith.addi %add3A_349, %add3A_494 : vector<16xi32>
      %dma_start3A_496 = arith.constant 16 : i32
      %dma_start3A_497 = arith.constant 0 : i32
      %dma_start3A_498 = tpu.memref_slice %arg8[%dma_start3A_496, %dma_start3A_497] : memref<32x16xf32, #tpu.memory_space<vmem>> -> memref<1x16xf32, #tpu.memory_space<vmem>>
      %dma_start3A_499 = tpu.memref_squeeze %dma_start3A_498 : memref<1x16xf32, #tpu.memory_space<vmem>> -> memref<16xf32, #tpu.memory_space<vmem>>
      %dma_start3A_500 = arith.constant 0 : i32
      %dma_start3A_501 = tpu.memref_slice %arg2[%dma_start3A_500] : memref<2048000xf32, #tpu.memory_space<hbm>> -> memref<2048000xf32, #tpu.memory_space<hbm>>
      tpu.enqueue_indirect_dma source(%dma_start3A_501 : memref<2048000xf32, #tpu.memory_space<hbm>>) target(%dma_start3A_499 : memref<16xf32, #tpu.memory_space<vmem>>) offsets(%add3A_495 : vector<16xi32>) semaphore(%arg9 : memref<!tpu.dma_semaphore, #tpu.memory_space<semaphore_mem>>)
      %add3A_502 = arith.constant 17408 : i32
      %add3A_503 = vector.broadcast %add3A_502 : i32 to vector<16xi32>
      %add3A_504 = arith.addi %add3A_349, %add3A_503 : vector<16xi32>
      %dma_start3A_505 = arith.constant 17 : i32
      %dma_start3A_506 = arith.constant 0 : i32
      %dma_start3A_507 = tpu.memref_slice %arg8[%dma_start3A_505, %dma_start3A_506] : memref<32x16xf32, #tpu.memory_space<vmem>> -> memref<1x16xf32, #tpu.memory_space<vmem>>
      %dma_start3A_508 = tpu.memref_squeeze %dma_start3A_507 : memref<1x16xf32, #tpu.memory_space<vmem>> -> memref<16xf32, #tpu.memory_space<vmem>>
      %dma_start3A_509 = arith.constant 0 : i32
      %dma_start3A_510 = tpu.memref_slice %arg2[%dma_start3A_509] : memref<2048000xf32, #tpu.memory_space<hbm>> -> memref<2048000xf32, #tpu.memory_space<hbm>>
      tpu.enqueue_indirect_dma source(%dma_start3A_510 : memref<2048000xf32, #tpu.memory_space<hbm>>) target(%dma_start3A_508 : memref<16xf32, #tpu.memory_space<vmem>>) offsets(%add3A_504 : vector<16xi32>) semaphore(%arg9 : memref<!tpu.dma_semaphore, #tpu.memory_space<semaphore_mem>>)
      %add3A_511 = arith.constant 18432 : i32
      %add3A_512 = vector.broadcast %add3A_511 : i32 to vector<16xi32>
      %add3A_513 = arith.addi %add3A_349, %add3A_512 : vector<16xi32>
      %dma_start3A_514 = arith.constant 18 : i32
      %dma_start3A_515 = arith.constant 0 : i32
      %dma_start3A_516 = tpu.memref_slice %arg8[%dma_start3A_514, %dma_start3A_515] : memref<32x16xf32, #tpu.memory_space<vmem>> -> memref<1x16xf32, #tpu.memory_space<vmem>>
      %dma_start3A_517 = tpu.memref_squeeze %dma_start3A_516 : memref<1x16xf32, #tpu.memory_space<vmem>> -> memref<16xf32, #tpu.memory_space<vmem>>
      %dma_start3A_518 = arith.constant 0 : i32
      %dma_start3A_519 = tpu.memref_slice %arg2[%dma_start3A_518] : memref<2048000xf32, #tpu.memory_space<hbm>> -> memref<2048000xf32, #tpu.memory_space<hbm>>
      tpu.enqueue_indirect_dma source(%dma_start3A_519 : memref<2048000xf32, #tpu.memory_space<hbm>>) target(%dma_start3A_517 : memref<16xf32, #tpu.memory_space<vmem>>) offsets(%add3A_513 : vector<16xi32>) semaphore(%arg9 : memref<!tpu.dma_semaphore, #tpu.memory_space<semaphore_mem>>)
      %add3A_520 = arith.constant 19456 : i32
      %add3A_521 = vector.broadcast %add3A_520 : i32 to vector<16xi32>
      %add3A_522 = arith.addi %add3A_349, %add3A_521 : vector<16xi32>
      %dma_start3A_523 = arith.constant 19 : i32
      %dma_start3A_524 = arith.constant 0 : i32
      %dma_start3A_525 = tpu.memref_slice %arg8[%dma_start3A_523, %dma_start3A_524] : memref<32x16xf32, #tpu.memory_space<vmem>> -> memref<1x16xf32, #tpu.memory_space<vmem>>
      %dma_start3A_526 = tpu.memref_squeeze %dma_start3A_525 : memref<1x16xf32, #tpu.memory_space<vmem>> -> memref<16xf32, #tpu.memory_space<vmem>>
      %dma_start3A_527 = arith.constant 0 : i32
      %dma_start3A_528 = tpu.memref_slice %arg2[%dma_start3A_527] : memref<2048000xf32, #tpu.memory_space<hbm>> -> memref<2048000xf32, #tpu.memory_space<hbm>>
      tpu.enqueue_indirect_dma source(%dma_start3A_528 : memref<2048000xf32, #tpu.memory_space<hbm>>) target(%dma_start3A_526 : memref<16xf32, #tpu.memory_space<vmem>>) offsets(%add3A_522 : vector<16xi32>) semaphore(%arg9 : memref<!tpu.dma_semaphore, #tpu.memory_space<semaphore_mem>>)
      %add3A_529 = arith.constant 20480 : i32
      %add3A_530 = vector.broadcast %add3A_529 : i32 to vector<16xi32>
      %add3A_531 = arith.addi %add3A_349, %add3A_530 : vector<16xi32>
      %dma_start3A_532 = arith.constant 20 : i32
      %dma_start3A_533 = arith.constant 0 : i32
      %dma_start3A_534 = tpu.memref_slice %arg8[%dma_start3A_532, %dma_start3A_533] : memref<32x16xf32, #tpu.memory_space<vmem>> -> memref<1x16xf32, #tpu.memory_space<vmem>>
      %dma_start3A_535 = tpu.memref_squeeze %dma_start3A_534 : memref<1x16xf32, #tpu.memory_space<vmem>> -> memref<16xf32, #tpu.memory_space<vmem>>
      %dma_start3A_536 = arith.constant 0 : i32
      %dma_start3A_537 = tpu.memref_slice %arg2[%dma_start3A_536] : memref<2048000xf32, #tpu.memory_space<hbm>> -> memref<2048000xf32, #tpu.memory_space<hbm>>
      tpu.enqueue_indirect_dma source(%dma_start3A_537 : memref<2048000xf32, #tpu.memory_space<hbm>>) target(%dma_start3A_535 : memref<16xf32, #tpu.memory_space<vmem>>) offsets(%add3A_531 : vector<16xi32>) semaphore(%arg9 : memref<!tpu.dma_semaphore, #tpu.memory_space<semaphore_mem>>)
      %add3A_538 = arith.constant 21504 : i32
      %add3A_539 = vector.broadcast %add3A_538 : i32 to vector<16xi32>
      %add3A_540 = arith.addi %add3A_349, %add3A_539 : vector<16xi32>
      %dma_start3A_541 = arith.constant 21 : i32
      %dma_start3A_542 = arith.constant 0 : i32
      %dma_start3A_543 = tpu.memref_slice %arg8[%dma_start3A_541, %dma_start3A_542] : memref<32x16xf32, #tpu.memory_space<vmem>> -> memref<1x16xf32, #tpu.memory_space<vmem>>
      %dma_start3A_544 = tpu.memref_squeeze %dma_start3A_543 : memref<1x16xf32, #tpu.memory_space<vmem>> -> memref<16xf32, #tpu.memory_space<vmem>>
      %dma_start3A_545 = arith.constant 0 : i32
      %dma_start3A_546 = tpu.memref_slice %arg2[%dma_start3A_545] : memref<2048000xf32, #tpu.memory_space<hbm>> -> memref<2048000xf32, #tpu.memory_space<hbm>>
      tpu.enqueue_indirect_dma source(%dma_start3A_546 : memref<2048000xf32, #tpu.memory_space<hbm>>) target(%dma_start3A_544 : memref<16xf32, #tpu.memory_space<vmem>>) offsets(%add3A_540 : vector<16xi32>) semaphore(%arg9 : memref<!tpu.dma_semaphore, #tpu.memory_space<semaphore_mem>>)
      %add3A_547 = arith.constant 22528 : i32
      %add3A_548 = vector.broadcast %add3A_547 : i32 to vector<16xi32>
      %add3A_549 = arith.addi %add3A_349, %add3A_548 : vector<16xi32>
      %dma_start3A_550 = arith.constant 22 : i32
      %dma_start3A_551 = arith.constant 0 : i32
      %dma_start3A_552 = tpu.memref_slice %arg8[%dma_start3A_550, %dma_start3A_551] : memref<32x16xf32, #tpu.memory_space<vmem>> -> memref<1x16xf32, #tpu.memory_space<vmem>>
      %dma_start3A_553 = tpu.memref_squeeze %dma_start3A_552 : memref<1x16xf32, #tpu.memory_space<vmem>> -> memref<16xf32, #tpu.memory_space<vmem>>
      %dma_start3A_554 = arith.constant 0 : i32
      %dma_start3A_555 = tpu.memref_slice %arg2[%dma_start3A_554] : memref<2048000xf32, #tpu.memory_space<hbm>> -> memref<2048000xf32, #tpu.memory_space<hbm>>
      tpu.enqueue_indirect_dma source(%dma_start3A_555 : memref<2048000xf32, #tpu.memory_space<hbm>>) target(%dma_start3A_553 : memref<16xf32, #tpu.memory_space<vmem>>) offsets(%add3A_549 : vector<16xi32>) semaphore(%arg9 : memref<!tpu.dma_semaphore, #tpu.memory_space<semaphore_mem>>)
      %add3A_556 = arith.constant 23552 : i32
      %add3A_557 = vector.broadcast %add3A_556 : i32 to vector<16xi32>
      %add3A_558 = arith.addi %add3A_349, %add3A_557 : vector<16xi32>
      %dma_start3A_559 = arith.constant 23 : i32
      %dma_start3A_560 = arith.constant 0 : i32
      %dma_start3A_561 = tpu.memref_slice %arg8[%dma_start3A_559, %dma_start3A_560] : memref<32x16xf32, #tpu.memory_space<vmem>> -> memref<1x16xf32, #tpu.memory_space<vmem>>
      %dma_start3A_562 = tpu.memref_squeeze %dma_start3A_561 : memref<1x16xf32, #tpu.memory_space<vmem>> -> memref<16xf32, #tpu.memory_space<vmem>>
      %dma_start3A_563 = arith.constant 0 : i32
      %dma_start3A_564 = tpu.memref_slice %arg2[%dma_start3A_563] : memref<2048000xf32, #tpu.memory_space<hbm>> -> memref<2048000xf32, #tpu.memory_space<hbm>>
      tpu.enqueue_indirect_dma source(%dma_start3A_564 : memref<2048000xf32, #tpu.memory_space<hbm>>) target(%dma_start3A_562 : memref<16xf32, #tpu.memory_space<vmem>>) offsets(%add3A_558 : vector<16xi32>) semaphore(%arg9 : memref<!tpu.dma_semaphore, #tpu.memory_space<semaphore_mem>>)
      %add3A_565 = arith.constant 24576 : i32
      %add3A_566 = vector.broadcast %add3A_565 : i32 to vector<16xi32>
      %add3A_567 = arith.addi %add3A_349, %add3A_566 : vector<16xi32>
      %dma_start3A_568 = arith.constant 24 : i32
      %dma_start3A_569 = arith.constant 0 : i32
      %dma_start3A_570 = tpu.memref_slice %arg8[%dma_start3A_568, %dma_start3A_569] : memref<32x16xf32, #tpu.memory_space<vmem>> -> memref<1x16xf32, #tpu.memory_space<vmem>>
      %dma_start3A_571 = tpu.memref_squeeze %dma_start3A_570 : memref<1x16xf32, #tpu.memory_space<vmem>> -> memref<16xf32, #tpu.memory_space<vmem>>
      %dma_start3A_572 = arith.constant 0 : i32
      %dma_start3A_573 = tpu.memref_slice %arg2[%dma_start3A_572] : memref<2048000xf32, #tpu.memory_space<hbm>> -> memref<2048000xf32, #tpu.memory_space<hbm>>
      tpu.enqueue_indirect_dma source(%dma_start3A_573 : memref<2048000xf32, #tpu.memory_space<hbm>>) target(%dma_start3A_571 : memref<16xf32, #tpu.memory_space<vmem>>) offsets(%add3A_567 : vector<16xi32>) semaphore(%arg9 : memref<!tpu.dma_semaphore, #tpu.memory_space<semaphore_mem>>)
      %dma_wait3A = arith.constant 0 : i32
      %dma_wait3A_574 = arith.constant 0 : i32
      %dma_wait3A_575 = tpu.memref_slice %arg8[%dma_wait3A, %dma_wait3A_574] : memref<32x16xf32, #tpu.memory_space<vmem>> -> memref<1x16xf32, #tpu.memory_space<vmem>>
      %dma_wait3A_576 = tpu.memref_squeeze %dma_wait3A_575 : memref<1x16xf32, #tpu.memory_space<vmem>> -> memref<16xf32, #tpu.memory_space<vmem>>
      %dma_wait3A_577 = arith.constant 0 : i32
      %dma_wait3A_578 = tpu.memref_slice %arg2[%dma_wait3A_577] : memref<2048000xf32, #tpu.memory_space<hbm>> -> memref<2048000xf32, #tpu.memory_space<hbm>>
      tpu.wait_indirect_dma semaphore(%arg9 : memref<!tpu.dma_semaphore, #tpu.memory_space<semaphore_mem>>) src(%dma_wait3A_578 : memref<2048000xf32, #tpu.memory_space<hbm>>) dst(%dma_wait3A_576 : memref<16xf32, #tpu.memory_space<vmem>>)
      %dma_wait3A_579 = arith.constant 1 : i32
      %dma_wait3A_580 = arith.constant 0 : i32
      %dma_wait3A_581 = tpu.memref_slice %arg8[%dma_wait3A_579, %dma_wait3A_580] : memref<32x16xf32, #tpu.memory_space<vmem>> -> memref<1x16xf32, #tpu.memory_space<vmem>>
      %dma_wait3A_582 = tpu.memref_squeeze %dma_wait3A_581 : memref<1x16xf32, #tpu.memory_space<vmem>> -> memref<16xf32, #tpu.memory_space<vmem>>
      %dma_wait3A_583 = arith.constant 0 : i32
      %dma_wait3A_584 = tpu.memref_slice %arg2[%dma_wait3A_583] : memref<2048000xf32, #tpu.memory_space<hbm>> -> memref<2048000xf32, #tpu.memory_space<hbm>>
      tpu.wait_indirect_dma semaphore(%arg9 : memref<!tpu.dma_semaphore, #tpu.memory_space<semaphore_mem>>) src(%dma_wait3A_584 : memref<2048000xf32, #tpu.memory_space<hbm>>) dst(%dma_wait3A_582 : memref<16xf32, #tpu.memory_space<vmem>>)
      %dma_wait3A_585 = arith.constant 2 : i32
      %dma_wait3A_586 = arith.constant 0 : i32
      %dma_wait3A_587 = tpu.memref_slice %arg8[%dma_wait3A_585, %dma_wait3A_586] : memref<32x16xf32, #tpu.memory_space<vmem>> -> memref<1x16xf32, #tpu.memory_space<vmem>>
      %dma_wait3A_588 = tpu.memref_squeeze %dma_wait3A_587 : memref<1x16xf32, #tpu.memory_space<vmem>> -> memref<16xf32, #tpu.memory_space<vmem>>
      %dma_wait3A_589 = arith.constant 0 : i32
      %dma_wait3A_590 = tpu.memref_slice %arg2[%dma_wait3A_589] : memref<2048000xf32, #tpu.memory_space<hbm>> -> memref<2048000xf32, #tpu.memory_space<hbm>>
      tpu.wait_indirect_dma semaphore(%arg9 : memref<!tpu.dma_semaphore, #tpu.memory_space<semaphore_mem>>) src(%dma_wait3A_590 : memref<2048000xf32, #tpu.memory_space<hbm>>) dst(%dma_wait3A_588 : memref<16xf32, #tpu.memory_space<vmem>>)
      %dma_wait3A_591 = arith.constant 3 : i32
      %dma_wait3A_592 = arith.constant 0 : i32
      %dma_wait3A_593 = tpu.memref_slice %arg8[%dma_wait3A_591, %dma_wait3A_592] : memref<32x16xf32, #tpu.memory_space<vmem>> -> memref<1x16xf32, #tpu.memory_space<vmem>>
      %dma_wait3A_594 = tpu.memref_squeeze %dma_wait3A_593 : memref<1x16xf32, #tpu.memory_space<vmem>> -> memref<16xf32, #tpu.memory_space<vmem>>
      %dma_wait3A_595 = arith.constant 0 : i32
      %dma_wait3A_596 = tpu.memref_slice %arg2[%dma_wait3A_595] : memref<2048000xf32, #tpu.memory_space<hbm>> -> memref<2048000xf32, #tpu.memory_space<hbm>>
      tpu.wait_indirect_dma semaphore(%arg9 : memref<!tpu.dma_semaphore, #tpu.memory_space<semaphore_mem>>) src(%dma_wait3A_596 : memref<2048000xf32, #tpu.memory_space<hbm>>) dst(%dma_wait3A_594 : memref<16xf32, #tpu.memory_space<vmem>>)
      %dma_wait3A_597 = arith.constant 4 : i32
      %dma_wait3A_598 = arith.constant 0 : i32
      %dma_wait3A_599 = tpu.memref_slice %arg8[%dma_wait3A_597, %dma_wait3A_598] : memref<32x16xf32, #tpu.memory_space<vmem>> -> memref<1x16xf32, #tpu.memory_space<vmem>>
      %dma_wait3A_600 = tpu.memref_squeeze %dma_wait3A_599 : memref<1x16xf32, #tpu.memory_space<vmem>> -> memref<16xf32, #tpu.memory_space<vmem>>
      %dma_wait3A_601 = arith.constant 0 : i32
      %dma_wait3A_602 = tpu.memref_slice %arg2[%dma_wait3A_601] : memref<2048000xf32, #tpu.memory_space<hbm>> -> memref<2048000xf32, #tpu.memory_space<hbm>>
      tpu.wait_indirect_dma semaphore(%arg9 : memref<!tpu.dma_semaphore, #tpu.memory_space<semaphore_mem>>) src(%dma_wait3A_602 : memref<2048000xf32, #tpu.memory_space<hbm>>) dst(%dma_wait3A_600 : memref<16xf32, #tpu.memory_space<vmem>>)
      %dma_wait3A_603 = arith.constant 5 : i32
      %dma_wait3A_604 = arith.constant 0 : i32
      %dma_wait3A_605 = tpu.memref_slice %arg8[%dma_wait3A_603, %dma_wait3A_604] : memref<32x16xf32, #tpu.memory_space<vmem>> -> memref<1x16xf32, #tpu.memory_space<vmem>>
      %dma_wait3A_606 = tpu.memref_squeeze %dma_wait3A_605 : memref<1x16xf32, #tpu.memory_space<vmem>> -> memref<16xf32, #tpu.memory_space<vmem>>
      %dma_wait3A_607 = arith.constant 0 : i32
      %dma_wait3A_608 = tpu.memref_slice %arg2[%dma_wait3A_607] : memref<2048000xf32, #tpu.memory_space<hbm>> -> memref<2048000xf32, #tpu.memory_space<hbm>>
      tpu.wait_indirect_dma semaphore(%arg9 : memref<!tpu.dma_semaphore, #tpu.memory_space<semaphore_mem>>) src(%dma_wait3A_608 : memref<2048000xf32, #tpu.memory_space<hbm>>) dst(%dma_wait3A_606 : memref<16xf32, #tpu.memory_space<vmem>>)
      %dma_wait3A_609 = arith.constant 6 : i32
      %dma_wait3A_610 = arith.constant 0 : i32
      %dma_wait3A_611 = tpu.memref_slice %arg8[%dma_wait3A_609, %dma_wait3A_610] : memref<32x16xf32, #tpu.memory_space<vmem>> -> memref<1x16xf32, #tpu.memory_space<vmem>>
      %dma_wait3A_612 = tpu.memref_squeeze %dma_wait3A_611 : memref<1x16xf32, #tpu.memory_space<vmem>> -> memref<16xf32, #tpu.memory_space<vmem>>
      %dma_wait3A_613 = arith.constant 0 : i32
      %dma_wait3A_614 = tpu.memref_slice %arg2[%dma_wait3A_613] : memref<2048000xf32, #tpu.memory_space<hbm>> -> memref<2048000xf32, #tpu.memory_space<hbm>>
      tpu.wait_indirect_dma semaphore(%arg9 : memref<!tpu.dma_semaphore, #tpu.memory_space<semaphore_mem>>) src(%dma_wait3A_614 : memref<2048000xf32, #tpu.memory_space<hbm>>) dst(%dma_wait3A_612 : memref<16xf32, #tpu.memory_space<vmem>>)
      %dma_wait3A_615 = arith.constant 7 : i32
      %dma_wait3A_616 = arith.constant 0 : i32
      %dma_wait3A_617 = tpu.memref_slice %arg8[%dma_wait3A_615, %dma_wait3A_616] : memref<32x16xf32, #tpu.memory_space<vmem>> -> memref<1x16xf32, #tpu.memory_space<vmem>>
      %dma_wait3A_618 = tpu.memref_squeeze %dma_wait3A_617 : memref<1x16xf32, #tpu.memory_space<vmem>> -> memref<16xf32, #tpu.memory_space<vmem>>
      %dma_wait3A_619 = arith.constant 0 : i32
      %dma_wait3A_620 = tpu.memref_slice %arg2[%dma_wait3A_619] : memref<2048000xf32, #tpu.memory_space<hbm>> -> memref<2048000xf32, #tpu.memory_space<hbm>>
      tpu.wait_indirect_dma semaphore(%arg9 : memref<!tpu.dma_semaphore, #tpu.memory_space<semaphore_mem>>) src(%dma_wait3A_620 : memref<2048000xf32, #tpu.memory_space<hbm>>) dst(%dma_wait3A_618 : memref<16xf32, #tpu.memory_space<vmem>>)
      %dma_wait3A_621 = arith.constant 8 : i32
      %dma_wait3A_622 = arith.constant 0 : i32
      %dma_wait3A_623 = tpu.memref_slice %arg8[%dma_wait3A_621, %dma_wait3A_622] : memref<32x16xf32, #tpu.memory_space<vmem>> -> memref<1x16xf32, #tpu.memory_space<vmem>>
      %dma_wait3A_624 = tpu.memref_squeeze %dma_wait3A_623 : memref<1x16xf32, #tpu.memory_space<vmem>> -> memref<16xf32, #tpu.memory_space<vmem>>
      %dma_wait3A_625 = arith.constant 0 : i32
      %dma_wait3A_626 = tpu.memref_slice %arg2[%dma_wait3A_625] : memref<2048000xf32, #tpu.memory_space<hbm>> -> memref<2048000xf32, #tpu.memory_space<hbm>>
      tpu.wait_indirect_dma semaphore(%arg9 : memref<!tpu.dma_semaphore, #tpu.memory_space<semaphore_mem>>) src(%dma_wait3A_626 : memref<2048000xf32, #tpu.memory_space<hbm>>) dst(%dma_wait3A_624 : memref<16xf32, #tpu.memory_space<vmem>>)
      %dma_wait3A_627 = arith.constant 9 : i32
      %dma_wait3A_628 = arith.constant 0 : i32
      %dma_wait3A_629 = tpu.memref_slice %arg8[%dma_wait3A_627, %dma_wait3A_628] : memref<32x16xf32, #tpu.memory_space<vmem>> -> memref<1x16xf32, #tpu.memory_space<vmem>>
      %dma_wait3A_630 = tpu.memref_squeeze %dma_wait3A_629 : memref<1x16xf32, #tpu.memory_space<vmem>> -> memref<16xf32, #tpu.memory_space<vmem>>
      %dma_wait3A_631 = arith.constant 0 : i32
      %dma_wait3A_632 = tpu.memref_slice %arg2[%dma_wait3A_631] : memref<2048000xf32, #tpu.memory_space<hbm>> -> memref<2048000xf32, #tpu.memory_space<hbm>>
      tpu.wait_indirect_dma semaphore(%arg9 : memref<!tpu.dma_semaphore, #tpu.memory_space<semaphore_mem>>) src(%dma_wait3A_632 : memref<2048000xf32, #tpu.memory_space<hbm>>) dst(%dma_wait3A_630 : memref<16xf32, #tpu.memory_space<vmem>>)
      %dma_wait3A_633 = arith.constant 10 : i32
      %dma_wait3A_634 = arith.constant 0 : i32
      %dma_wait3A_635 = tpu.memref_slice %arg8[%dma_wait3A_633, %dma_wait3A_634] : memref<32x16xf32, #tpu.memory_space<vmem>> -> memref<1x16xf32, #tpu.memory_space<vmem>>
      %dma_wait3A_636 = tpu.memref_squeeze %dma_wait3A_635 : memref<1x16xf32, #tpu.memory_space<vmem>> -> memref<16xf32, #tpu.memory_space<vmem>>
      %dma_wait3A_637 = arith.constant 0 : i32
      %dma_wait3A_638 = tpu.memref_slice %arg2[%dma_wait3A_637] : memref<2048000xf32, #tpu.memory_space<hbm>> -> memref<2048000xf32, #tpu.memory_space<hbm>>
      tpu.wait_indirect_dma semaphore(%arg9 : memref<!tpu.dma_semaphore, #tpu.memory_space<semaphore_mem>>) src(%dma_wait3A_638 : memref<2048000xf32, #tpu.memory_space<hbm>>) dst(%dma_wait3A_636 : memref<16xf32, #tpu.memory_space<vmem>>)
      %dma_wait3A_639 = arith.constant 11 : i32
      %dma_wait3A_640 = arith.constant 0 : i32
      %dma_wait3A_641 = tpu.memref_slice %arg8[%dma_wait3A_639, %dma_wait3A_640] : memref<32x16xf32, #tpu.memory_space<vmem>> -> memref<1x16xf32, #tpu.memory_space<vmem>>
      %dma_wait3A_642 = tpu.memref_squeeze %dma_wait3A_641 : memref<1x16xf32, #tpu.memory_space<vmem>> -> memref<16xf32, #tpu.memory_space<vmem>>
      %dma_wait3A_643 = arith.constant 0 : i32
      %dma_wait3A_644 = tpu.memref_slice %arg2[%dma_wait3A_643] : memref<2048000xf32, #tpu.memory_space<hbm>> -> memref<2048000xf32, #tpu.memory_space<hbm>>
      tpu.wait_indirect_dma semaphore(%arg9 : memref<!tpu.dma_semaphore, #tpu.memory_space<semaphore_mem>>) src(%dma_wait3A_644 : memref<2048000xf32, #tpu.memory_space<hbm>>) dst(%dma_wait3A_642 : memref<16xf32, #tpu.memory_space<vmem>>)
      %dma_wait3A_645 = arith.constant 12 : i32
      %dma_wait3A_646 = arith.constant 0 : i32
      %dma_wait3A_647 = tpu.memref_slice %arg8[%dma_wait3A_645, %dma_wait3A_646] : memref<32x16xf32, #tpu.memory_space<vmem>> -> memref<1x16xf32, #tpu.memory_space<vmem>>
      %dma_wait3A_648 = tpu.memref_squeeze %dma_wait3A_647 : memref<1x16xf32, #tpu.memory_space<vmem>> -> memref<16xf32, #tpu.memory_space<vmem>>
      %dma_wait3A_649 = arith.constant 0 : i32
      %dma_wait3A_650 = tpu.memref_slice %arg2[%dma_wait3A_649] : memref<2048000xf32, #tpu.memory_space<hbm>> -> memref<2048000xf32, #tpu.memory_space<hbm>>
      tpu.wait_indirect_dma semaphore(%arg9 : memref<!tpu.dma_semaphore, #tpu.memory_space<semaphore_mem>>) src(%dma_wait3A_650 : memref<2048000xf32, #tpu.memory_space<hbm>>) dst(%dma_wait3A_648 : memref<16xf32, #tpu.memory_space<vmem>>)
      %dma_wait3A_651 = arith.constant 13 : i32
      %dma_wait3A_652 = arith.constant 0 : i32
      %dma_wait3A_653 = tpu.memref_slice %arg8[%dma_wait3A_651, %dma_wait3A_652] : memref<32x16xf32, #tpu.memory_space<vmem>> -> memref<1x16xf32, #tpu.memory_space<vmem>>
      %dma_wait3A_654 = tpu.memref_squeeze %dma_wait3A_653 : memref<1x16xf32, #tpu.memory_space<vmem>> -> memref<16xf32, #tpu.memory_space<vmem>>
      %dma_wait3A_655 = arith.constant 0 : i32
      %dma_wait3A_656 = tpu.memref_slice %arg2[%dma_wait3A_655] : memref<2048000xf32, #tpu.memory_space<hbm>> -> memref<2048000xf32, #tpu.memory_space<hbm>>
      tpu.wait_indirect_dma semaphore(%arg9 : memref<!tpu.dma_semaphore, #tpu.memory_space<semaphore_mem>>) src(%dma_wait3A_656 : memref<2048000xf32, #tpu.memory_space<hbm>>) dst(%dma_wait3A_654 : memref<16xf32, #tpu.memory_space<vmem>>)
      %dma_wait3A_657 = arith.constant 14 : i32
      %dma_wait3A_658 = arith.constant 0 : i32
      %dma_wait3A_659 = tpu.memref_slice %arg8[%dma_wait3A_657, %dma_wait3A_658] : memref<32x16xf32, #tpu.memory_space<vmem>> -> memref<1x16xf32, #tpu.memory_space<vmem>>
      %dma_wait3A_660 = tpu.memref_squeeze %dma_wait3A_659 : memref<1x16xf32, #tpu.memory_space<vmem>> -> memref<16xf32, #tpu.memory_space<vmem>>
      %dma_wait3A_661 = arith.constant 0 : i32
      %dma_wait3A_662 = tpu.memref_slice %arg2[%dma_wait3A_661] : memref<2048000xf32, #tpu.memory_space<hbm>> -> memref<2048000xf32, #tpu.memory_space<hbm>>
      tpu.wait_indirect_dma semaphore(%arg9 : memref<!tpu.dma_semaphore, #tpu.memory_space<semaphore_mem>>) src(%dma_wait3A_662 : memref<2048000xf32, #tpu.memory_space<hbm>>) dst(%dma_wait3A_660 : memref<16xf32, #tpu.memory_space<vmem>>)
      %dma_wait3A_663 = arith.constant 15 : i32
      %dma_wait3A_664 = arith.constant 0 : i32
      %dma_wait3A_665 = tpu.memref_slice %arg8[%dma_wait3A_663, %dma_wait3A_664] : memref<32x16xf32, #tpu.memory_space<vmem>> -> memref<1x16xf32, #tpu.memory_space<vmem>>
      %dma_wait3A_666 = tpu.memref_squeeze %dma_wait3A_665 : memref<1x16xf32, #tpu.memory_space<vmem>> -> memref<16xf32, #tpu.memory_space<vmem>>
      %dma_wait3A_667 = arith.constant 0 : i32
      %dma_wait3A_668 = tpu.memref_slice %arg2[%dma_wait3A_667] : memref<2048000xf32, #tpu.memory_space<hbm>> -> memref<2048000xf32, #tpu.memory_space<hbm>>
      tpu.wait_indirect_dma semaphore(%arg9 : memref<!tpu.dma_semaphore, #tpu.memory_space<semaphore_mem>>) src(%dma_wait3A_668 : memref<2048000xf32, #tpu.memory_space<hbm>>) dst(%dma_wait3A_666 : memref<16xf32, #tpu.memory_space<vmem>>)
      %dma_wait3A_669 = arith.constant 16 : i32
      %dma_wait3A_670 = arith.constant 0 : i32
      %dma_wait3A_671 = tpu.memref_slice %arg8[%dma_wait3A_669, %dma_wait3A_670] : memref<32x16xf32, #tpu.memory_space<vmem>> -> memref<1x16xf32, #tpu.memory_space<vmem>>
      %dma_wait3A_672 = tpu.memref_squeeze %dma_wait3A_671 : memref<1x16xf32, #tpu.memory_space<vmem>> -> memref<16xf32, #tpu.memory_space<vmem>>
      %dma_wait3A_673 = arith.constant 0 : i32
      %dma_wait3A_674 = tpu.memref_slice %arg2[%dma_wait3A_673] : memref<2048000xf32, #tpu.memory_space<hbm>> -> memref<2048000xf32, #tpu.memory_space<hbm>>
      tpu.wait_indirect_dma semaphore(%arg9 : memref<!tpu.dma_semaphore, #tpu.memory_space<semaphore_mem>>) src(%dma_wait3A_674 : memref<2048000xf32, #tpu.memory_space<hbm>>) dst(%dma_wait3A_672 : memref<16xf32, #tpu.memory_space<vmem>>)
      %dma_wait3A_675 = arith.constant 17 : i32
      %dma_wait3A_676 = arith.constant 0 : i32
      %dma_wait3A_677 = tpu.memref_slice %arg8[%dma_wait3A_675, %dma_wait3A_676] : memref<32x16xf32, #tpu.memory_space<vmem>> -> memref<1x16xf32, #tpu.memory_space<vmem>>
      %dma_wait3A_678 = tpu.memref_squeeze %dma_wait3A_677 : memref<1x16xf32, #tpu.memory_space<vmem>> -> memref<16xf32, #tpu.memory_space<vmem>>
      %dma_wait3A_679 = arith.constant 0 : i32
      %dma_wait3A_680 = tpu.memref_slice %arg2[%dma_wait3A_679] : memref<2048000xf32, #tpu.memory_space<hbm>> -> memref<2048000xf32, #tpu.memory_space<hbm>>
      tpu.wait_indirect_dma semaphore(%arg9 : memref<!tpu.dma_semaphore, #tpu.memory_space<semaphore_mem>>) src(%dma_wait3A_680 : memref<2048000xf32, #tpu.memory_space<hbm>>) dst(%dma_wait3A_678 : memref<16xf32, #tpu.memory_space<vmem>>)
      %dma_wait3A_681 = arith.constant 18 : i32
      %dma_wait3A_682 = arith.constant 0 : i32
      %dma_wait3A_683 = tpu.memref_slice %arg8[%dma_wait3A_681, %dma_wait3A_682] : memref<32x16xf32, #tpu.memory_space<vmem>> -> memref<1x16xf32, #tpu.memory_space<vmem>>
      %dma_wait3A_684 = tpu.memref_squeeze %dma_wait3A_683 : memref<1x16xf32, #tpu.memory_space<vmem>> -> memref<16xf32, #tpu.memory_space<vmem>>
      %dma_wait3A_685 = arith.constant 0 : i32
      %dma_wait3A_686 = tpu.memref_slice %arg2[%dma_wait3A_685] : memref<2048000xf32, #tpu.memory_space<hbm>> -> memref<2048000xf32, #tpu.memory_space<hbm>>
      tpu.wait_indirect_dma semaphore(%arg9 : memref<!tpu.dma_semaphore, #tpu.memory_space<semaphore_mem>>) src(%dma_wait3A_686 : memref<2048000xf32, #tpu.memory_space<hbm>>) dst(%dma_wait3A_684 : memref<16xf32, #tpu.memory_space<vmem>>)
      %dma_wait3A_687 = arith.constant 19 : i32
      %dma_wait3A_688 = arith.constant 0 : i32
      %dma_wait3A_689 = tpu.memref_slice %arg8[%dma_wait3A_687, %dma_wait3A_688] : memref<32x16xf32, #tpu.memory_space<vmem>> -> memref<1x16xf32, #tpu.memory_space<vmem>>
      %dma_wait3A_690 = tpu.memref_squeeze %dma_wait3A_689 : memref<1x16xf32, #tpu.memory_space<vmem>> -> memref<16xf32, #tpu.memory_space<vmem>>
      %dma_wait3A_691 = arith.constant 0 : i32
      %dma_wait3A_692 = tpu.memref_slice %arg2[%dma_wait3A_691] : memref<2048000xf32, #tpu.memory_space<hbm>> -> memref<2048000xf32, #tpu.memory_space<hbm>>
      tpu.wait_indirect_dma semaphore(%arg9 : memref<!tpu.dma_semaphore, #tpu.memory_space<semaphore_mem>>) src(%dma_wait3A_692 : memref<2048000xf32, #tpu.memory_space<hbm>>) dst(%dma_wait3A_690 : memref<16xf32, #tpu.memory_space<vmem>>)
      %dma_wait3A_693 = arith.constant 20 : i32
      %dma_wait3A_694 = arith.constant 0 : i32
      %dma_wait3A_695 = tpu.memref_slice %arg8[%dma_wait3A_693, %dma_wait3A_694] : memref<32x16xf32, #tpu.memory_space<vmem>> -> memref<1x16xf32, #tpu.memory_space<vmem>>
      %dma_wait3A_696 = tpu.memref_squeeze %dma_wait3A_695 : memref<1x16xf32, #tpu.memory_space<vmem>> -> memref<16xf32, #tpu.memory_space<vmem>>
      %dma_wait3A_697 = arith.constant 0 : i32
      %dma_wait3A_698 = tpu.memref_slice %arg2[%dma_wait3A_697] : memref<2048000xf32, #tpu.memory_space<hbm>> -> memref<2048000xf32, #tpu.memory_space<hbm>>
      tpu.wait_indirect_dma semaphore(%arg9 : memref<!tpu.dma_semaphore, #tpu.memory_space<semaphore_mem>>) src(%dma_wait3A_698 : memref<2048000xf32, #tpu.memory_space<hbm>>) dst(%dma_wait3A_696 : memref<16xf32, #tpu.memory_space<vmem>>)
      %dma_wait3A_699 = arith.constant 21 : i32
      %dma_wait3A_700 = arith.constant 0 : i32
      %dma_wait3A_701 = tpu.memref_slice %arg8[%dma_wait3A_699, %dma_wait3A_700] : memref<32x16xf32, #tpu.memory_space<vmem>> -> memref<1x16xf32, #tpu.memory_space<vmem>>
      %dma_wait3A_702 = tpu.memref_squeeze %dma_wait3A_701 : memref<1x16xf32, #tpu.memory_space<vmem>> -> memref<16xf32, #tpu.memory_space<vmem>>
      %dma_wait3A_703 = arith.constant 0 : i32
      %dma_wait3A_704 = tpu.memref_slice %arg2[%dma_wait3A_703] : memref<2048000xf32, #tpu.memory_space<hbm>> -> memref<2048000xf32, #tpu.memory_space<hbm>>
      tpu.wait_indirect_dma semaphore(%arg9 : memref<!tpu.dma_semaphore, #tpu.memory_space<semaphore_mem>>) src(%dma_wait3A_704 : memref<2048000xf32, #tpu.memory_space<hbm>>) dst(%dma_wait3A_702 : memref<16xf32, #tpu.memory_space<vmem>>)
      %dma_wait3A_705 = arith.constant 22 : i32
      %dma_wait3A_706 = arith.constant 0 : i32
      %dma_wait3A_707 = tpu.memref_slice %arg8[%dma_wait3A_705, %dma_wait3A_706] : memref<32x16xf32, #tpu.memory_space<vmem>> -> memref<1x16xf32, #tpu.memory_space<vmem>>
      %dma_wait3A_708 = tpu.memref_squeeze %dma_wait3A_707 : memref<1x16xf32, #tpu.memory_space<vmem>> -> memref<16xf32, #tpu.memory_space<vmem>>
      %dma_wait3A_709 = arith.constant 0 : i32
      %dma_wait3A_710 = tpu.memref_slice %arg2[%dma_wait3A_709] : memref<2048000xf32, #tpu.memory_space<hbm>> -> memref<2048000xf32, #tpu.memory_space<hbm>>
      tpu.wait_indirect_dma semaphore(%arg9 : memref<!tpu.dma_semaphore, #tpu.memory_space<semaphore_mem>>) src(%dma_wait3A_710 : memref<2048000xf32, #tpu.memory_space<hbm>>) dst(%dma_wait3A_708 : memref<16xf32, #tpu.memory_space<vmem>>)
      %dma_wait3A_711 = arith.constant 23 : i32
      %dma_wait3A_712 = arith.constant 0 : i32
      %dma_wait3A_713 = tpu.memref_slice %arg8[%dma_wait3A_711, %dma_wait3A_712] : memref<32x16xf32, #tpu.memory_space<vmem>> -> memref<1x16xf32, #tpu.memory_space<vmem>>
      %dma_wait3A_714 = tpu.memref_squeeze %dma_wait3A_713 : memref<1x16xf32, #tpu.memory_space<vmem>> -> memref<16xf32, #tpu.memory_space<vmem>>
      %dma_wait3A_715 = arith.constant 0 : i32
      %dma_wait3A_716 = tpu.memref_slice %arg2[%dma_wait3A_715] : memref<2048000xf32, #tpu.memory_space<hbm>> -> memref<2048000xf32, #tpu.memory_space<hbm>>
      tpu.wait_indirect_dma semaphore(%arg9 : memref<!tpu.dma_semaphore, #tpu.memory_space<semaphore_mem>>) src(%dma_wait3A_716 : memref<2048000xf32, #tpu.memory_space<hbm>>) dst(%dma_wait3A_714 : memref<16xf32, #tpu.memory_space<vmem>>)
      %dma_wait3A_717 = arith.constant 24 : i32
      %dma_wait3A_718 = arith.constant 0 : i32
      %dma_wait3A_719 = tpu.memref_slice %arg8[%dma_wait3A_717, %dma_wait3A_718] : memref<32x16xf32, #tpu.memory_space<vmem>> -> memref<1x16xf32, #tpu.memory_space<vmem>>
      %dma_wait3A_720 = tpu.memref_squeeze %dma_wait3A_719 : memref<1x16xf32, #tpu.memory_space<vmem>> -> memref<16xf32, #tpu.memory_space<vmem>>
      %dma_wait3A_721 = arith.constant 0 : i32
      %dma_wait3A_722 = tpu.memref_slice %arg2[%dma_wait3A_721] : memref<2048000xf32, #tpu.memory_space<hbm>> -> memref<2048000xf32, #tpu.memory_space<hbm>>
      tpu.wait_indirect_dma semaphore(%arg9 : memref<!tpu.dma_semaphore, #tpu.memory_space<semaphore_mem>>) src(%dma_wait3A_722 : memref<2048000xf32, #tpu.memory_space<hbm>>) dst(%dma_wait3A_720 : memref<16xf32, #tpu.memory_space<vmem>>)
      %swap3A = arith.constant 25 : i32
      %swap3A_723 = arith.index_cast %swap3A : i32 to index
      %swap3A_724 = arith.constant 0 : index
      %swap3A_725 = tpu.vector_load %arg8[%swap3A_723, %swap3A_724] {strides = array<i32>} : memref<32x16xf32, #tpu.memory_space<vmem>>, vector<1x16xf32>,
      %swap3A_726 = vector.shape_cast %swap3A_725 : vector<1x16xf32> to vector<16xf32>
      %swap3A_727 = vector.shape_cast %select_n3A_339 : vector<16xf32> to vector<1x16xf32>
      tpu.vector_store %arg8[%swap3A_723, %swap3A_724], %swap3A_727 {strides = array<i32>} : memref<32x16xf32, #tpu.memory_space<vmem>>, vector<1x16xf32>,
      %swap3A_728 = arith.constant 26 : i32
      %swap3A_729 = arith.index_cast %swap3A_728 : i32 to index
      %swap3A_730 = arith.constant 0 : index
      %swap3A_731 = tpu.vector_load %arg8[%swap3A_729, %swap3A_730] {strides = array<i32>} : memref<32x16xf32, #tpu.memory_space<vmem>>, vector<1x16xf32>,
      %swap3A_732 = vector.shape_cast %swap3A_731 : vector<1x16xf32> to vector<16xf32>
      %swap3A_733 = vector.shape_cast %select_n3A_340 : vector<16xf32> to vector<1x16xf32>
      tpu.vector_store %arg8[%swap3A_729, %swap3A_730], %swap3A_733 {strides = array<i32>} : memref<32x16xf32, #tpu.memory_space<vmem>>, vector<1x16xf32>,
      %swap3A_734 = arith.constant 27 : i32
      %swap3A_735 = arith.index_cast %swap3A_734 : i32 to index
      %swap3A_736 = arith.constant 0 : index
      %swap3A_737 = tpu.vector_load %arg8[%swap3A_735, %swap3A_736] {strides = array<i32>} : memref<32x16xf32, #tpu.memory_space<vmem>>, vector<1x16xf32>,
      %swap3A_738 = vector.shape_cast %swap3A_737 : vector<1x16xf32> to vector<16xf32>
      %swap3A_739 = vector.shape_cast %convert_element_type3A_67 : vector<16xf32> to vector<1x16xf32>
      tpu.vector_store %arg8[%swap3A_735, %swap3A_736], %swap3A_739 {strides = array<i32>} : memref<32x16xf32, #tpu.memory_space<vmem>>, vector<1x16xf32>,
      %swap3A_740 = arith.constant 28 : i32
      %swap3A_741 = arith.index_cast %swap3A_740 : i32 to index
      %swap3A_742 = arith.constant 0 : index
      %swap3A_743 = tpu.vector_load %arg8[%swap3A_741, %swap3A_742] {strides = array<i32>} : memref<32x16xf32, #tpu.memory_space<vmem>>, vector<1x16xf32>,
      %swap3A_744 = vector.shape_cast %swap3A_743 : vector<1x16xf32> to vector<16xf32>
      %swap3A_745 = vector.shape_cast %convert_element_type3A_68 : vector<16xf32> to vector<1x16xf32>
      tpu.vector_store %arg8[%swap3A_741, %swap3A_742], %swap3A_745 {strides = array<i32>} : memref<32x16xf32, #tpu.memory_space<vmem>>, vector<1x16xf32>,
      %convert_element_type3A_746 = arith.sitofp %select_n3A_337 : vector<16xi32> to vector<16xf32>
      %swap3A_747 = arith.constant 29 : i32
      %swap3A_748 = arith.index_cast %swap3A_747 : i32 to index
      %swap3A_749 = arith.constant 0 : index
      %swap3A_750 = tpu.vector_load %arg8[%swap3A_748, %swap3A_749] {strides = array<i32>} : memref<32x16xf32, #tpu.memory_space<vmem>>, vector<1x16xf32>,
      %swap3A_751 = vector.shape_cast %swap3A_750 : vector<1x16xf32> to vector<16xf32>
      %swap3A_752 = vector.shape_cast %convert_element_type3A_746 : vector<16xf32> to vector<1x16xf32>
      tpu.vector_store %arg8[%swap3A_748, %swap3A_749], %swap3A_752 {strides = array<i32>} : memref<32x16xf32, #tpu.memory_space<vmem>>, vector<1x16xf32>,
      %broadcast_in_dim3A_753 = arith.constant 0.000000e+00 : f32
      %broadcast_in_dim3A_754 = vector.broadcast %broadcast_in_dim3A_753 : f32 to vector<16xf32>
      %swap3A_755 = arith.constant 30 : i32
      %swap3A_756 = arith.index_cast %swap3A_755 : i32 to index
      %swap3A_757 = arith.constant 0 : index
      %swap3A_758 = tpu.vector_load %arg8[%swap3A_756, %swap3A_757] {strides = array<i32>} : memref<32x16xf32, #tpu.memory_space<vmem>>, vector<1x16xf32>,
      %swap3A_759 = vector.shape_cast %swap3A_758 : vector<1x16xf32> to vector<16xf32>
      %swap3A_760 = vector.shape_cast %broadcast_in_dim3A_754 : vector<16xf32> to vector<1x16xf32>
      tpu.vector_store %arg8[%swap3A_756, %swap3A_757], %swap3A_760 {strides = array<i32>} : memref<32x16xf32, #tpu.memory_space<vmem>>, vector<1x16xf32>,
      %broadcast_in_dim3A_761 = arith.constant 0.000000e+00 : f32
      %broadcast_in_dim3A_762 = vector.broadcast %broadcast_in_dim3A_761 : f32 to vector<16xf32>
      %swap3A_763 = arith.constant 31 : i32
      %swap3A_764 = arith.index_cast %swap3A_763 : i32 to index
      %swap3A_765 = arith.constant 0 : index
      %swap3A_766 = tpu.vector_load %arg8[%swap3A_764, %swap3A_765] {strides = array<i32>} : memref<32x16xf32, #tpu.memory_space<vmem>>, vector<1x16xf32>,
      %swap3A_767 = vector.shape_cast %swap3A_766 : vector<1x16xf32> to vector<16xf32>
      %swap3A_768 = vector.shape_cast %broadcast_in_dim3A_762 : vector<16xf32> to vector<1x16xf32>
      tpu.vector_store %arg8[%swap3A_764, %swap3A_765], %swap3A_768 {strides = array<i32>} : memref<32x16xf32, #tpu.memory_space<vmem>>, vector<1x16xf32>,
      "tpu.region"() ({
        %run_scoped3A = tpu.sem_alloc : memref<!tpu.dma_semaphore, #tpu.memory_space<semaphore_mem>>
        %dma_start3A_769 = arith.constant 0 : i32
        %dma_start3A_770 = arith.constant 0 : i32
        %dma_start3A_771 = tpu.memref_slice %arg5[%add3A, %dma_start3A_769, %dma_start3A_770] : memref<8x32x16xf32, #tpu.memory_space<hbm>> -> memref<1x32x16xf32, #tpu.memory_space<hbm>>
        %dma_start3A_772 = tpu.memref_squeeze %dma_start3A_771 : memref<1x32x16xf32, #tpu.memory_space<hbm>> -> memref<32x16xf32, #tpu.memory_space<hbm>>
        %dma_start3A_773 = arith.constant 0 : i32
        %dma_start3A_774 = arith.constant 0 : i32
        %dma_start3A_775 = tpu.memref_slice %arg5[%add3A, %dma_start3A_773, %dma_start3A_774] : memref<8x32x16xf32, #tpu.memory_space<hbm>> -> memref<1x32x16xf32, #tpu.memory_space<hbm>>
        %dma_start3A_776 = tpu.memref_squeeze %dma_start3A_775 : memref<1x32x16xf32, #tpu.memory_space<hbm>> -> memref<32x16xf32, #tpu.memory_space<hbm>>
        tpu.enqueue_dma source(%arg8 : memref<32x16xf32, #tpu.memory_space<vmem>>) target(%dma_start3A_776 : memref<32x16xf32, #tpu.memory_space<hbm>>) target_semaphore(%run_scoped3A : memref<!tpu.dma_semaphore, #tpu.memory_space<semaphore_mem>>)
        %dma_wait3A_777 = arith.constant 0 : i32
        %dma_wait3A_778 = arith.constant 0 : i32
        %dma_wait3A_779 = tpu.memref_slice %arg5[%add3A, %dma_wait3A_777, %dma_wait3A_778] : memref<8x32x16xf32, #tpu.memory_space<hbm>> -> memref<1x32x16xf32, #tpu.memory_space<hbm>>
        %dma_wait3A_780 = tpu.memref_squeeze %dma_wait3A_779 : memref<1x32x16xf32, #tpu.memory_space<hbm>> -> memref<32x16xf32, #tpu.memory_space<hbm>>
        %dma_wait3A_781 = arith.constant 0 : i32
        %dma_wait3A_782 = arith.constant 0 : i32
        %dma_wait3A_783 = tpu.memref_slice %arg5[%add3A, %dma_wait3A_781, %dma_wait3A_782] : memref<8x32x16xf32, #tpu.memory_space<hbm>> -> memref<1x32x16xf32, #tpu.memory_space<hbm>>
        %dma_wait3A_784 = tpu.memref_squeeze %dma_wait3A_783 : memref<1x32x16xf32, #tpu.memory_space<hbm>> -> memref<32x16xf32, #tpu.memory_space<hbm>>
        tpu.wait_dma2 semaphore(%run_scoped3A : memref<!tpu.dma_semaphore, #tpu.memory_space<semaphore_mem>>) src(%arg8 : memref<32x16xf32, #tpu.memory_space<vmem>>) dst(%dma_wait3A_784 : memref<32x16xf32, #tpu.memory_space<hbm>>)
        tpu.yield
      }) : () -> ()
    } else {
    }
    return
  }
}

module attributes {stable_mosaic.version = 14 : i64} {
  func.func @_dense_kernel(%arg0: i32, %arg1: memref<4x125x1024xf32, #tpu.memory_space<vmem>>, %arg2: memref<128x6xf32, #tpu.memory_space<vmem>>, %arg3: memref<6x128xf32, #tpu.memory_space<vmem>>, %arg4: memref<5x2xf32, #tpu.memory_space<vmem>>, %arg5: memref<8x1024xf32, #tpu.memory_space<vmem>>, %arg6: memref<128x8xf32, #tpu.memory_space<vmem>>) attributes {dimension_semantics = [#tpu.dimension_semantics<arbitrary>], iteration_bounds = array<i64: 4>, scalar_prefetch = 0 : i64, scratch_operands = 1 : i64, tpu.core_type = #tpu.core_type<tc>, window_params = [{transform_indices = @transform_0, window_bounds = array<i64: 4, 125, 1024>}, {pipeline_mode = #tpu.pipeline_mode<synchronous>, transform_indices = @transform_1, window_bounds = array<i64: 128, 6>}, {pipeline_mode = #tpu.pipeline_mode<synchronous>, transform_indices = @transform_2, window_bounds = array<i64: 6, 128>}, {pipeline_mode = #tpu.pipeline_mode<synchronous>, transform_indices = @transform_3, window_bounds = array<i64: 5, 2>}, {pipeline_mode = #tpu.pipeline_mode<synchronous>, transform_indices = @transform_4, window_bounds = array<i64: 8, 1024>}]} {
    %get3A = arith.constant 0 : index
    %get3A_0 = arith.constant 0 : index
    %get3A_1 = vector.load %arg2[%get3A, %get3A_0] : memref<128x6xf32, #tpu.memory_space<vmem>>, vector<128x1xf32>
    %iota3A = tpu.iota {dimensions = array<i32: 0>} : vector<128x1xi32>
    %eq3A = arith.constant 0 : i32
    %eq3A_2 = arith.cmpi eq, %arg0, %eq3A : i32
    %convert_element_type3A = arith.extui %eq3A_2 : i1 to i32
    %cond3A = arith.constant 0 : i32
    %cond3A_3 = arith.cmpi ne, %convert_element_type3A, %cond3A : i32
    scf.if %cond3A_3 {
      %broadcast_in_dim3A_1887 = arith.constant 0.000000e+00 : f32
      %broadcast_in_dim3A_1888 = vector.broadcast %broadcast_in_dim3A_1887 : f32 to vector<8x1024xf32>
      %swap3A_1889 = arith.constant 0 : index
      %swap3A_1890 = arith.constant 0 : index
      %swap3A_1891 = vector.load %arg5[%swap3A_1889, %swap3A_1890] : memref<8x1024xf32, #tpu.memory_space<vmem>>, vector<8x1024xf32>
      tpu.vector_store %arg5[%swap3A_1889, %swap3A_1890], %broadcast_in_dim3A_1888 {strides = array<i32>} : memref<8x1024xf32, #tpu.memory_space<vmem>>, vector<8x1024xf32>,
      %get3A_1892 = arith.constant 0 : index
      %get3A_1893 = arith.constant 2 : index
      %get3A_1894 = vector.load %arg2[%get3A_1892, %get3A_1893] : memref<128x6xf32, #tpu.memory_space<vmem>>, vector<128x1xf32>
      %mul3A_1895 = arith.constant 3.200000e+01 : f32
      %mul3A_1896 = vector.broadcast %mul3A_1895 : f32 to vector<128x1xf32>
      %mul3A_1897 = arith.mulf %get3A_1894, %mul3A_1896 : vector<128x1xf32>
      %get3A_1898 = arith.constant 0 : index
      %get3A_1899 = arith.constant 3 : index
      %get3A_1900 = vector.load %arg2[%get3A_1898, %get3A_1899] : memref<128x6xf32, #tpu.memory_space<vmem>>, vector<128x1xf32>
      %mul3A_1901 = arith.constant 3.200000e+01 : f32
      %mul3A_1902 = vector.broadcast %mul3A_1901 : f32 to vector<128x1xf32>
      %mul3A_1903 = arith.mulf %get3A_1900, %mul3A_1902 : vector<128x1xf32>
      %get3A_1904 = arith.constant 0 : index
      %get3A_1905 = arith.constant 4 : index
      %get3A_1906 = vector.load %arg2[%get3A_1904, %get3A_1905] : memref<128x6xf32, #tpu.memory_space<vmem>>, vector<128x1xf32>
      %mul3A_1907 = arith.constant 3.200000e+01 : f32
      %mul3A_1908 = vector.broadcast %mul3A_1907 : f32 to vector<128x1xf32>
      %mul3A_1909 = arith.mulf %get3A_1906, %mul3A_1908 : vector<128x1xf32>
      %get3A_1910 = arith.constant 0 : index
      %get3A_1911 = arith.constant 5 : index
      %get3A_1912 = vector.load %arg2[%get3A_1910, %get3A_1911] : memref<128x6xf32, #tpu.memory_space<vmem>>, vector<128x1xf32>
      %mul3A_1913 = arith.constant 3.200000e+01 : f32
      %mul3A_1914 = vector.broadcast %mul3A_1913 : f32 to vector<128x1xf32>
      %mul3A_1915 = arith.mulf %get3A_1912, %mul3A_1914 : vector<128x1xf32>
      %mul3A_1916 = arith.constant 5.000000e-01 : f32
      %mul3A_1917 = vector.broadcast %mul3A_1916 : f32 to vector<128x1xf32>
      %mul3A_1918 = arith.mulf %mul3A_1917, %mul3A_1909 : vector<128x1xf32>
      %sub3A_1919 = arith.subf %mul3A_1897, %mul3A_1918 : vector<128x1xf32>
      %mul3A_1920 = arith.constant 5.000000e-01 : f32
      %mul3A_1921 = vector.broadcast %mul3A_1920 : f32 to vector<128x1xf32>
      %mul3A_1922 = arith.mulf %mul3A_1921, %mul3A_1909 : vector<128x1xf32>
      %add3A_1923 = arith.addf %mul3A_1897, %mul3A_1922 : vector<128x1xf32>
      %mul3A_1924 = arith.constant 5.000000e-01 : f32
      %mul3A_1925 = vector.broadcast %mul3A_1924 : f32 to vector<128x1xf32>
      %mul3A_1926 = arith.mulf %mul3A_1925, %mul3A_1915 : vector<128x1xf32>
      %sub3A_1927 = arith.subf %mul3A_1903, %mul3A_1926 : vector<128x1xf32>
      %mul3A_1928 = arith.constant 5.000000e-01 : f32
      %mul3A_1929 = vector.broadcast %mul3A_1928 : f32 to vector<128x1xf32>
      %mul3A_1930 = arith.mulf %mul3A_1929, %mul3A_1915 : vector<128x1xf32>
      %add3A_1931 = arith.addf %mul3A_1903, %mul3A_1930 : vector<128x1xf32>
      %mul3A_1932 = arith.mulf %mul3A_1909, %mul3A_1915 : vector<128x1xf32>
      %get3A_1933 = arith.constant 0 : index
      %get3A_1934 = arith.constant 0 : index
      %get3A_1935 = vector.load %arg3[%get3A_1933, %get3A_1934] : memref<6x128xf32, #tpu.memory_space<vmem>>, vector<1x128xf32>
      %iota3A_1936 = tpu.iota {dimensions = array<i32: 1>} : vector<1x128xi32>
      %lt3A_1937 = vector.broadcast %get3A_1 : vector<128x1xf32> to vector<128x128xf32>
      %lt3A_1938 = vector.broadcast %get3A_1935 : vector<1x128xf32> to vector<128x128xf32>
      %lt3A_1939 = arith.cmpf olt, %lt3A_1937, %lt3A_1938 : vector<128x128xf32>
      %eq3A_1940 = vector.broadcast %get3A_1 : vector<128x1xf32> to vector<128x128xf32>
      %eq3A_1941 = vector.broadcast %get3A_1935 : vector<1x128xf32> to vector<128x128xf32>
      %eq3A_1942 = arith.cmpf oeq, %eq3A_1940, %eq3A_1941 : vector<128x128xf32>
      %lt3A_1943 = vector.broadcast %iota3A : vector<128x1xi32> to vector<128x128xi32>
      %lt3A_1944 = vector.broadcast %iota3A_1936 : vector<1x128xi32> to vector<128x128xi32>
      %lt3A_1945 = arith.cmpi slt, %lt3A_1943, %lt3A_1944 : vector<128x128xi32>
      %and3A_1946 = arith.andi %eq3A_1942, %lt3A_1945 : vector<128x128xi1>
      %or3A = arith.ori %lt3A_1939, %and3A_1946 : vector<128x128xi1>
      %convert_element_type3A_1947 = arith.extui %or3A : vector<128x128xi1> to vector<128x128xi32>
      %convert_element_type3A_1948 = arith.sitofp %convert_element_type3A_1947 : vector<128x128xi32> to vector<128x128xf32>
      %reduce_sum3A_1949 = arith.constant dense<0.000000e+00> : vector<128xf32>
      %reduce_sum3A_1950 = vector.multi_reduction <add>, %convert_element_type3A_1948, %reduce_sum3A_1949 [0] : vector<128x128xf32> to vector<128xf32>
      %broadcast_in_dim3A_1951 = vector.shape_cast %reduce_sum3A_1950 : vector<128xf32> to vector<1x128xf32>
      %convert_element_type3A_1952 = arith.sitofp %iota3A : vector<128x1xi32> to vector<128x1xf32>
      %eq3A_1953 = vector.broadcast %broadcast_in_dim3A_1951 : vector<1x128xf32> to vector<128x128xf32>
      %eq3A_1954 = vector.broadcast %convert_element_type3A_1952 : vector<128x1xf32> to vector<128x128xf32>
      %eq3A_1955 = arith.cmpf oeq, %eq3A_1953, %eq3A_1954 : vector<128x128xf32>
      %convert_element_type3A_1956 = arith.extui %eq3A_1955 : vector<128x128xi1> to vector<128x128xi32>
      %convert_element_type3A_1957 = arith.sitofp %convert_element_type3A_1956 : vector<128x128xi32> to vector<128x128xf32>
      %broadcast_in_dim3A_1958 = arith.constant 0.000000e+00 : f32
      %broadcast_in_dim3A_1959 = vector.broadcast %broadcast_in_dim3A_1958 : f32 to vector<128x3xf32>
      %add3A_1960 = arith.constant 9.99999971E-10 : f32
      %add3A_1961 = vector.broadcast %add3A_1960 : f32 to vector<128x1xf32>
      %add3A_1962 = arith.addf %mul3A_1932, %add3A_1961 : vector<128x1xf32>
      %concatenate3A = tpu.concatenate %sub3A_1919, %sub3A_1927, %add3A_1923, %add3A_1931, %add3A_1962, %broadcast_in_dim3A_1959 in 1 : vector<128x1xf32>, vector<128x1xf32>, vector<128x1xf32>, vector<128x1xf32>, vector<128x1xf32>, vector<128x3xf32> -> vector<128x8xf32>
      %dot_general3A = arith.constant dense<0.000000e+00> : vector<128x8xf32>
      %dot_general3A_1963 = tpu.matmul %convert_element_type3A_1957, %concatenate3A, %dot_general3A {dimension_numbers = #tpu.dot_dimension_numbers<[1], [0], [0], [1], [0, 0, 1, 1], [], []>, precision = #tpu.contract_precision<fp32>, transpose_lhs_hint = false} : vector<128x128xf32>, vector<128x8xf32>, vector<128x8xf32> -> vector<128x8xf32>
      %swap3A_1964 = arith.constant 0 : index
      %swap3A_1965 = arith.constant 0 : index
      %swap3A_1966 = vector.load %arg6[%swap3A_1964, %swap3A_1965] : memref<128x8xf32, #tpu.memory_space<vmem>>, vector<128x8xf32>
      tpu.vector_store %arg6[%swap3A_1964, %swap3A_1965], %dot_general3A_1963 {strides = array<i32>} : memref<128x8xf32, #tpu.memory_space<vmem>>, vector<128x8xf32>,
    } else {
    }
    %iota3A_4 = tpu.iota {dimensions = array<i32: 1>} : vector<1x1024xi32>
    %jit3A = arith.constant 32 : i32
    %eq3A_5 = arith.constant 0 : i32
    %eq3A_6 = arith.cmpi eq, %jit3A, %eq3A_5 : i32
    %jit3A_7 = arith.constant 1 : i32
    %select_n3A = arith.select %eq3A_6, %jit3A_7, %jit3A : i32
    %rem3A = vector.broadcast %select_n3A : i32 to vector<1x1024xi32>
    %rem3A_8 = arith.remsi %iota3A_4, %rem3A : vector<1x1024xi32>
    %ne3A = arith.constant 0 : i32
    %ne3A_9 = vector.broadcast %ne3A : i32 to vector<1x1024xi32>
    %ne3A_10 = arith.cmpi ne, %rem3A_8, %ne3A_9 : vector<1x1024xi32>
    %lt3A = arith.constant 0 : i32
    %lt3A_11 = vector.broadcast %lt3A : i32 to vector<1x1024xi32>
    %lt3A_12 = arith.cmpi slt, %rem3A_8, %lt3A_11 : vector<1x1024xi32>
    %lt3A_13 = arith.constant 0 : i32
    %lt3A_14 = arith.cmpi slt, %select_n3A, %lt3A_13 : i32
    %ne3A_15 = vector.broadcast %lt3A_14 : i1 to vector<1x1024xi1>
    %ne3A_16 = vector.broadcast %ne3A_15 : vector<1x1024xi1> to vector<1x1024xi1>
    %ne3A_17 = arith.xori %lt3A_12, %ne3A_16 : vector<1x1024xi1>
    %and3A = arith.andi %ne3A_17, %ne3A_10 : vector<1x1024xi1>
    %add3A = vector.broadcast %select_n3A : i32 to vector<1x1024xi32>
    %add3A_18 = arith.addi %rem3A_8, %add3A : vector<1x1024xi32>
    %select_n3A_19 = arith.select %and3A, %add3A_18, %rem3A_8 : vector<1x1024xi1>, vector<1x1024xi32>
    %convert_element_type3A_20 = arith.sitofp %select_n3A_19 : vector<1x1024xi32> to vector<1x1024xf32>
    %jit3A_21 = arith.constant 32 : i32
    %div3A = vector.broadcast %jit3A_21 : i32 to vector<1x1024xi32>
    %div3A_22 = arith.divsi %iota3A_4, %div3A : vector<1x1024xi32>
    %sign3A = arith.constant 0 : i32
    %sign3A_23 = vector.broadcast %sign3A : i32 to vector<1x1024xi32>
    %sign3A_24 = arith.cmpi sgt, %iota3A_4, %sign3A_23 : vector<1x1024xi32>
    %sign3A_25 = arith.extui %sign3A_24 : vector<1x1024xi1> to vector<1x1024xi32>
    %sign3A_26 = arith.constant 0 : i32
    %sign3A_27 = vector.broadcast %sign3A_26 : i32 to vector<1x1024xi32>
    %sign3A_28 = arith.cmpi slt, %iota3A_4, %sign3A_27 : vector<1x1024xi32>
    %sign3A_29 = arith.extui %sign3A_28 : vector<1x1024xi1> to vector<1x1024xi32>
    %sign3A_30 = arith.subi %sign3A_25, %sign3A_29 : vector<1x1024xi32>
    %sign3A_31 = arith.constant 0 : i32
    %sign3A_32 = arith.cmpi sgt, %jit3A_21, %sign3A_31 : i32
    %sign3A_33 = arith.extui %sign3A_32 : i1 to i32
    %sign3A_34 = arith.constant 0 : i32
    %sign3A_35 = arith.cmpi slt, %jit3A_21, %sign3A_34 : i32
    %sign3A_36 = arith.extui %sign3A_35 : i1 to i32
    %sign3A_37 = arith.subi %sign3A_33, %sign3A_36 : i32
    %ne3A_38 = vector.broadcast %sign3A_37 : i32 to vector<1x1024xi32>
    %ne3A_39 = arith.cmpi ne, %sign3A_30, %ne3A_38 : vector<1x1024xi32>
    %rem3A_40 = vector.broadcast %jit3A_21 : i32 to vector<1x1024xi32>
    %rem3A_41 = arith.remsi %iota3A_4, %rem3A_40 : vector<1x1024xi32>
    %ne3A_42 = arith.constant 0 : i32
    %ne3A_43 = vector.broadcast %ne3A_42 : i32 to vector<1x1024xi32>
    %ne3A_44 = arith.cmpi ne, %rem3A_41, %ne3A_43 : vector<1x1024xi32>
    %and3A_45 = arith.andi %ne3A_39, %ne3A_44 : vector<1x1024xi1>
    %sub3A = arith.constant 1 : i32
    %sub3A_46 = vector.broadcast %sub3A : i32 to vector<1x1024xi32>
    %sub3A_47 = arith.subi %div3A_22, %sub3A_46 : vector<1x1024xi32>
    %select_n3A_48 = arith.select %and3A_45, %sub3A_47, %div3A_22 : vector<1x1024xi1>, vector<1x1024xi32>
    %convert_element_type3A_49 = arith.sitofp %select_n3A_48 : vector<1x1024xi32> to vector<1x1024xf32>
    %iota3A_50 = tpu.iota {dimensions = array<i32: 0>} : vector<8x1xi32>
    %broadcast_in_dim3A = arith.constant 0.000000e+00 : f32
    %broadcast_in_dim3A_51 = vector.broadcast %broadcast_in_dim3A : f32 to vector<1x1024xf32>
    %mul3A = arith.constant 4 : i32
    %mul3A_52 = arith.muli %arg0, %mul3A : i32
    %add3A_53 = arith.constant 0 : i32
    %add3A_54 = arith.addi %mul3A_52, %add3A_53 : i32
    %convert_element_type3A_55 = arith.sitofp %add3A_54 : i32 to f32
    %get3A_56 = arith.constant 0 : index
    %get3A_57 = arith.constant 0 : index
    %get3A_58 = arith.constant 0 : index
    %get3A_59 = vector.load %arg1[%get3A_56, %get3A_57, %get3A_58] : memref<4x125x1024xf32, #tpu.memory_space<vmem>>, vector<1x125x1024xf32>
    %get3A_60 = vector.shape_cast %get3A_59 : vector<1x125x1024xf32> to vector<125x1024xf32>
    %eq3A_61 = vector.broadcast %convert_element_type3A_55 : f32 to vector<128x1xf32>
    %eq3A_62 = arith.cmpf oeq, %get3A_1, %eq3A_61 : vector<128x1xf32>
    %convert_element_type3A_63 = arith.extui %eq3A_62 : vector<128x1xi1> to vector<128x1xi32>
    %reduce_sum3A = vector.shape_cast %convert_element_type3A_63 : vector<128x1xi32> to vector<1x128x1xi32>
    %reduce_sum3A_64 = arith.constant dense<0> : vector<1xi32>
    %reduce_sum3A_65 = vector.multi_reduction <add>, %reduce_sum3A, %reduce_sum3A_64 [1, 2] : vector<1x128x1xi32> to vector<1xi32>
    %reduce_sum3A_66 = vector.shape_cast %reduce_sum3A_65 : vector<1xi32> to vector<1x1x1xi32>
    %reduce_sum3A_67 = vector.extract %reduce_sum3A_66[0, 0, 0] : i32 from vector<1x1x1xi32>
    %lt3A_68 = vector.broadcast %convert_element_type3A_55 : f32 to vector<128x1xf32>
    %lt3A_69 = arith.cmpf olt, %get3A_1, %lt3A_68 : vector<128x1xf32>
    %convert_element_type3A_70 = arith.extui %lt3A_69 : vector<128x1xi1> to vector<128x1xi32>
    %reduce_sum3A_71 = vector.shape_cast %convert_element_type3A_70 : vector<128x1xi32> to vector<1x128x1xi32>
    %reduce_sum3A_72 = arith.constant dense<0> : vector<1xi32>
    %reduce_sum3A_73 = vector.multi_reduction <add>, %reduce_sum3A_71, %reduce_sum3A_72 [1, 2] : vector<1x128x1xi32> to vector<1xi32>
    %reduce_sum3A_74 = vector.shape_cast %reduce_sum3A_73 : vector<1xi32> to vector<1x1x1xi32>
    %reduce_sum3A_75 = vector.extract %reduce_sum3A_74[0, 0, 0] : i32 from vector<1x1x1xi32>
    %add3A_76 = arith.addi %reduce_sum3A_75, %reduce_sum3A_67 : i32
    %add3A_77 = arith.constant 7 : i32
    %add3A_78 = arith.addi %reduce_sum3A_67, %add3A_77 : i32
    %jit3A_79 = arith.constant 8 : i32
    %div3A_80 = arith.divsi %add3A_78, %jit3A_79 : i32
    %sign3A_81 = arith.constant 0 : i32
    %sign3A_82 = arith.cmpi sgt, %add3A_78, %sign3A_81 : i32
    %sign3A_83 = arith.extui %sign3A_82 : i1 to i32
    %sign3A_84 = arith.constant 0 : i32
    %sign3A_85 = arith.cmpi slt, %add3A_78, %sign3A_84 : i32
    %sign3A_86 = arith.extui %sign3A_85 : i1 to i32
    %sign3A_87 = arith.subi %sign3A_83, %sign3A_86 : i32
    %sign3A_88 = arith.constant 0 : i32
    %sign3A_89 = arith.cmpi sgt, %jit3A_79, %sign3A_88 : i32
    %sign3A_90 = arith.extui %sign3A_89 : i1 to i32
    %sign3A_91 = arith.constant 0 : i32
    %sign3A_92 = arith.cmpi slt, %jit3A_79, %sign3A_91 : i32
    %sign3A_93 = arith.extui %sign3A_92 : i1 to i32
    %sign3A_94 = arith.subi %sign3A_90, %sign3A_93 : i32
    %ne3A_95 = arith.cmpi ne, %sign3A_87, %sign3A_94 : i32
    %rem3A_96 = arith.remsi %add3A_78, %jit3A_79 : i32
    %ne3A_97 = arith.constant 0 : i32
    %ne3A_98 = arith.cmpi ne, %rem3A_96, %ne3A_97 : i32
    %and3A_99 = arith.andi %ne3A_95, %ne3A_98 : i1
    %sub3A_100 = arith.constant 1 : i32
    %sub3A_101 = arith.subi %div3A_80, %sub3A_100 : i32
    %select_n3A_102 = arith.select %and3A_99, %sub3A_101, %div3A_80 : i32
    %get3A_103 = arith.constant 0 : index
    %get3A_104 = arith.constant 0 : index
    %get3A_105 = vector.load %arg4[%get3A_103, %get3A_104] : memref<5x2xf32, #tpu.memory_space<vmem>>, vector<1x1xf32>
    %get3A_106 = arith.constant 0 : index
    %get3A_107 = arith.constant 1 : index
    %get3A_108 = vector.load %arg4[%get3A_106, %get3A_107] : memref<5x2xf32, #tpu.memory_space<vmem>>, vector<1x1xf32>
    %slice3A = vector.extract_strided_slice %get3A_60 {offsets = [0, 0], sizes = [1, 1024], strides = [1, 1]} : vector<125x1024xf32> to vector<1x1024xf32>
    %logistic3A = arith.negf %slice3A : vector<1x1024xf32>
    %logistic3A_109 = math.exp %logistic3A : vector<1x1024xf32>
    %logistic3A_110 = arith.constant 1.000000e+00 : f32
    %logistic3A_111 = vector.broadcast %logistic3A_110 : f32 to vector<1x1024xf32>
    %logistic3A_112 = arith.addf %logistic3A_111, %logistic3A_109 : vector<1x1024xf32>
    %logistic3A_113 = arith.divf %logistic3A_111, %logistic3A_112 : vector<1x1024xf32>
    %add3A_114 = arith.addf %logistic3A_113, %convert_element_type3A_20 : vector<1x1024xf32>
    %slice3A_115 = vector.extract_strided_slice %get3A_60 {offsets = [1, 0], sizes = [1, 1024], strides = [1, 1]} : vector<125x1024xf32> to vector<1x1024xf32>
    %logistic3A_116 = arith.negf %slice3A_115 : vector<1x1024xf32>
    %logistic3A_117 = math.exp %logistic3A_116 : vector<1x1024xf32>
    %logistic3A_118 = arith.constant 1.000000e+00 : f32
    %logistic3A_119 = vector.broadcast %logistic3A_118 : f32 to vector<1x1024xf32>
    %logistic3A_120 = arith.addf %logistic3A_119, %logistic3A_117 : vector<1x1024xf32>
    %logistic3A_121 = arith.divf %logistic3A_119, %logistic3A_120 : vector<1x1024xf32>
    %add3A_122 = arith.addf %logistic3A_121, %convert_element_type3A_49 : vector<1x1024xf32>
    %slice3A_123 = vector.extract_strided_slice %get3A_60 {offsets = [2, 0], sizes = [1, 1024], strides = [1, 1]} : vector<125x1024xf32> to vector<1x1024xf32>
    %jit3A_124 = arith.constant -1.000000e+01 : f32
    %jit3A_125 = arith.constant 1.000000e+01 : f32
    %max3A = vector.broadcast %jit3A_124 : f32 to vector<1x1024xf32>
    %max3A_126 = arith.maximumf %max3A, %slice3A_123 : vector<1x1024xf32>
    %min3A = vector.broadcast %jit3A_125 : f32 to vector<1x1024xf32>
    %min3A_127 = arith.minimumf %min3A, %max3A_126 : vector<1x1024xf32>
    %exp3A = math.exp %min3A_127 : vector<1x1024xf32>
    %mul3A_128 = vector.broadcast %get3A_105 : vector<1x1xf32> to vector<1x1024xf32>
    %mul3A_129 = arith.mulf %exp3A, %mul3A_128 : vector<1x1024xf32>
    %slice3A_130 = vector.extract_strided_slice %get3A_60 {offsets = [3, 0], sizes = [1, 1024], strides = [1, 1]} : vector<125x1024xf32> to vector<1x1024xf32>
    %jit3A_131 = arith.constant -1.000000e+01 : f32
    %jit3A_132 = arith.constant 1.000000e+01 : f32
    %max3A_133 = vector.broadcast %jit3A_131 : f32 to vector<1x1024xf32>
    %max3A_134 = arith.maximumf %max3A_133, %slice3A_130 : vector<1x1024xf32>
    %min3A_135 = vector.broadcast %jit3A_132 : f32 to vector<1x1024xf32>
    %min3A_136 = arith.minimumf %min3A_135, %max3A_134 : vector<1x1024xf32>
    %exp3A_137 = math.exp %min3A_136 : vector<1x1024xf32>
    %mul3A_138 = vector.broadcast %get3A_108 : vector<1x1xf32> to vector<1x1024xf32>
    %mul3A_139 = arith.mulf %exp3A_137, %mul3A_138 : vector<1x1024xf32>
    %slice3A_140 = vector.extract_strided_slice %get3A_60 {offsets = [4, 0], sizes = [1, 1024], strides = [1, 1]} : vector<125x1024xf32> to vector<1x1024xf32>
    %logistic3A_141 = arith.negf %slice3A_140 : vector<1x1024xf32>
    %logistic3A_142 = math.exp %logistic3A_141 : vector<1x1024xf32>
    %logistic3A_143 = arith.constant 1.000000e+00 : f32
    %logistic3A_144 = vector.broadcast %logistic3A_143 : f32 to vector<1x1024xf32>
    %logistic3A_145 = arith.addf %logistic3A_144, %logistic3A_142 : vector<1x1024xf32>
    %logistic3A_146 = arith.divf %logistic3A_144, %logistic3A_145 : vector<1x1024xf32>
    %mul3A_147 = arith.constant 5.000000e-01 : f32
    %mul3A_148 = vector.broadcast %mul3A_147 : f32 to vector<1x1024xf32>
    %mul3A_149 = arith.mulf %mul3A_148, %mul3A_129 : vector<1x1024xf32>
    %sub3A_150 = arith.subf %add3A_114, %mul3A_149 : vector<1x1024xf32>
    %mul3A_151 = arith.constant 5.000000e-01 : f32
    %mul3A_152 = vector.broadcast %mul3A_151 : f32 to vector<1x1024xf32>
    %mul3A_153 = arith.mulf %mul3A_152, %mul3A_129 : vector<1x1024xf32>
    %add3A_154 = arith.addf %add3A_114, %mul3A_153 : vector<1x1024xf32>
    %mul3A_155 = arith.constant 5.000000e-01 : f32
    %mul3A_156 = vector.broadcast %mul3A_155 : f32 to vector<1x1024xf32>
    %mul3A_157 = arith.mulf %mul3A_156, %mul3A_139 : vector<1x1024xf32>
    %sub3A_158 = arith.subf %add3A_122, %mul3A_157 : vector<1x1024xf32>
    %mul3A_159 = arith.constant 5.000000e-01 : f32
    %mul3A_160 = vector.broadcast %mul3A_159 : f32 to vector<1x1024xf32>
    %mul3A_161 = arith.mulf %mul3A_160, %mul3A_139 : vector<1x1024xf32>
    %add3A_162 = arith.addf %add3A_122, %mul3A_161 : vector<1x1024xf32>
    %mul3A_163 = arith.mulf %mul3A_129, %mul3A_139 : vector<1x1024xf32>
    %get3A_164 = arith.constant 1 : index
    %get3A_165 = arith.constant 0 : index
    %get3A_166 = vector.load %arg4[%get3A_164, %get3A_165] : memref<5x2xf32, #tpu.memory_space<vmem>>, vector<1x1xf32>
    %get3A_167 = arith.constant 1 : index
    %get3A_168 = arith.constant 1 : index
    %get3A_169 = vector.load %arg4[%get3A_167, %get3A_168] : memref<5x2xf32, #tpu.memory_space<vmem>>, vector<1x1xf32>
    %slice3A_170 = vector.extract_strided_slice %get3A_60 {offsets = [25, 0], sizes = [1, 1024], strides = [1, 1]} : vector<125x1024xf32> to vector<1x1024xf32>
    %logistic3A_171 = arith.negf %slice3A_170 : vector<1x1024xf32>
    %logistic3A_172 = math.exp %logistic3A_171 : vector<1x1024xf32>
    %logistic3A_173 = arith.constant 1.000000e+00 : f32
    %logistic3A_174 = vector.broadcast %logistic3A_173 : f32 to vector<1x1024xf32>
    %logistic3A_175 = arith.addf %logistic3A_174, %logistic3A_172 : vector<1x1024xf32>
    %logistic3A_176 = arith.divf %logistic3A_174, %logistic3A_175 : vector<1x1024xf32>
    %add3A_177 = arith.addf %logistic3A_176, %convert_element_type3A_20 : vector<1x1024xf32>
    %slice3A_178 = vector.extract_strided_slice %get3A_60 {offsets = [26, 0], sizes = [1, 1024], strides = [1, 1]} : vector<125x1024xf32> to vector<1x1024xf32>
    %logistic3A_179 = arith.negf %slice3A_178 : vector<1x1024xf32>
    %logistic3A_180 = math.exp %logistic3A_179 : vector<1x1024xf32>
    %logistic3A_181 = arith.constant 1.000000e+00 : f32
    %logistic3A_182 = vector.broadcast %logistic3A_181 : f32 to vector<1x1024xf32>
    %logistic3A_183 = arith.addf %logistic3A_182, %logistic3A_180 : vector<1x1024xf32>
    %logistic3A_184 = arith.divf %logistic3A_182, %logistic3A_183 : vector<1x1024xf32>
    %add3A_185 = arith.addf %logistic3A_184, %convert_element_type3A_49 : vector<1x1024xf32>
    %slice3A_186 = vector.extract_strided_slice %get3A_60 {offsets = [27, 0], sizes = [1, 1024], strides = [1, 1]} : vector<125x1024xf32> to vector<1x1024xf32>
    %jit3A_187 = arith.constant -1.000000e+01 : f32
    %jit3A_188 = arith.constant 1.000000e+01 : f32
    %max3A_189 = vector.broadcast %jit3A_187 : f32 to vector<1x1024xf32>
    %max3A_190 = arith.maximumf %max3A_189, %slice3A_186 : vector<1x1024xf32>
    %min3A_191 = vector.broadcast %jit3A_188 : f32 to vector<1x1024xf32>
    %min3A_192 = arith.minimumf %min3A_191, %max3A_190 : vector<1x1024xf32>
    %exp3A_193 = math.exp %min3A_192 : vector<1x1024xf32>
    %mul3A_194 = vector.broadcast %get3A_166 : vector<1x1xf32> to vector<1x1024xf32>
    %mul3A_195 = arith.mulf %exp3A_193, %mul3A_194 : vector<1x1024xf32>
    %slice3A_196 = vector.extract_strided_slice %get3A_60 {offsets = [28, 0], sizes = [1, 1024], strides = [1, 1]} : vector<125x1024xf32> to vector<1x1024xf32>
    %jit3A_197 = arith.constant -1.000000e+01 : f32
    %jit3A_198 = arith.constant 1.000000e+01 : f32
    %max3A_199 = vector.broadcast %jit3A_197 : f32 to vector<1x1024xf32>
    %max3A_200 = arith.maximumf %max3A_199, %slice3A_196 : vector<1x1024xf32>
    %min3A_201 = vector.broadcast %jit3A_198 : f32 to vector<1x1024xf32>
    %min3A_202 = arith.minimumf %min3A_201, %max3A_200 : vector<1x1024xf32>
    %exp3A_203 = math.exp %min3A_202 : vector<1x1024xf32>
    %mul3A_204 = vector.broadcast %get3A_169 : vector<1x1xf32> to vector<1x1024xf32>
    %mul3A_205 = arith.mulf %exp3A_203, %mul3A_204 : vector<1x1024xf32>
    %slice3A_206 = vector.extract_strided_slice %get3A_60 {offsets = [29, 0], sizes = [1, 1024], strides = [1, 1]} : vector<125x1024xf32> to vector<1x1024xf32>
    %logistic3A_207 = arith.negf %slice3A_206 : vector<1x1024xf32>
    %logistic3A_208 = math.exp %logistic3A_207 : vector<1x1024xf32>
    %logistic3A_209 = arith.constant 1.000000e+00 : f32
    %logistic3A_210 = vector.broadcast %logistic3A_209 : f32 to vector<1x1024xf32>
    %logistic3A_211 = arith.addf %logistic3A_210, %logistic3A_208 : vector<1x1024xf32>
    %logistic3A_212 = arith.divf %logistic3A_210, %logistic3A_211 : vector<1x1024xf32>
    %mul3A_213 = arith.constant 5.000000e-01 : f32
    %mul3A_214 = vector.broadcast %mul3A_213 : f32 to vector<1x1024xf32>
    %mul3A_215 = arith.mulf %mul3A_214, %mul3A_195 : vector<1x1024xf32>
    %sub3A_216 = arith.subf %add3A_177, %mul3A_215 : vector<1x1024xf32>
    %mul3A_217 = arith.constant 5.000000e-01 : f32
    %mul3A_218 = vector.broadcast %mul3A_217 : f32 to vector<1x1024xf32>
    %mul3A_219 = arith.mulf %mul3A_218, %mul3A_195 : vector<1x1024xf32>
    %add3A_220 = arith.addf %add3A_177, %mul3A_219 : vector<1x1024xf32>
    %mul3A_221 = arith.constant 5.000000e-01 : f32
    %mul3A_222 = vector.broadcast %mul3A_221 : f32 to vector<1x1024xf32>
    %mul3A_223 = arith.mulf %mul3A_222, %mul3A_205 : vector<1x1024xf32>
    %sub3A_224 = arith.subf %add3A_185, %mul3A_223 : vector<1x1024xf32>
    %mul3A_225 = arith.constant 5.000000e-01 : f32
    %mul3A_226 = vector.broadcast %mul3A_225 : f32 to vector<1x1024xf32>
    %mul3A_227 = arith.mulf %mul3A_226, %mul3A_205 : vector<1x1024xf32>
    %add3A_228 = arith.addf %add3A_185, %mul3A_227 : vector<1x1024xf32>
    %mul3A_229 = arith.mulf %mul3A_195, %mul3A_205 : vector<1x1024xf32>
    %get3A_230 = arith.constant 2 : index
    %get3A_231 = arith.constant 0 : index
    %get3A_232 = vector.load %arg4[%get3A_230, %get3A_231] : memref<5x2xf32, #tpu.memory_space<vmem>>, vector<1x1xf32>
    %get3A_233 = arith.constant 2 : index
    %get3A_234 = arith.constant 1 : index
    %get3A_235 = vector.load %arg4[%get3A_233, %get3A_234] : memref<5x2xf32, #tpu.memory_space<vmem>>, vector<1x1xf32>
    %slice3A_236 = vector.extract_strided_slice %get3A_60 {offsets = [50, 0], sizes = [1, 1024], strides = [1, 1]} : vector<125x1024xf32> to vector<1x1024xf32>
    %logistic3A_237 = arith.negf %slice3A_236 : vector<1x1024xf32>
    %logistic3A_238 = math.exp %logistic3A_237 : vector<1x1024xf32>
    %logistic3A_239 = arith.constant 1.000000e+00 : f32
    %logistic3A_240 = vector.broadcast %logistic3A_239 : f32 to vector<1x1024xf32>
    %logistic3A_241 = arith.addf %logistic3A_240, %logistic3A_238 : vector<1x1024xf32>
    %logistic3A_242 = arith.divf %logistic3A_240, %logistic3A_241 : vector<1x1024xf32>
    %add3A_243 = arith.addf %logistic3A_242, %convert_element_type3A_20 : vector<1x1024xf32>
    %slice3A_244 = vector.extract_strided_slice %get3A_60 {offsets = [51, 0], sizes = [1, 1024], strides = [1, 1]} : vector<125x1024xf32> to vector<1x1024xf32>
    %logistic3A_245 = arith.negf %slice3A_244 : vector<1x1024xf32>
    %logistic3A_246 = math.exp %logistic3A_245 : vector<1x1024xf32>
    %logistic3A_247 = arith.constant 1.000000e+00 : f32
    %logistic3A_248 = vector.broadcast %logistic3A_247 : f32 to vector<1x1024xf32>
    %logistic3A_249 = arith.addf %logistic3A_248, %logistic3A_246 : vector<1x1024xf32>
    %logistic3A_250 = arith.divf %logistic3A_248, %logistic3A_249 : vector<1x1024xf32>
    %add3A_251 = arith.addf %logistic3A_250, %convert_element_type3A_49 : vector<1x1024xf32>
    %slice3A_252 = vector.extract_strided_slice %get3A_60 {offsets = [52, 0], sizes = [1, 1024], strides = [1, 1]} : vector<125x1024xf32> to vector<1x1024xf32>
    %jit3A_253 = arith.constant -1.000000e+01 : f32
    %jit3A_254 = arith.constant 1.000000e+01 : f32
    %max3A_255 = vector.broadcast %jit3A_253 : f32 to vector<1x1024xf32>
    %max3A_256 = arith.maximumf %max3A_255, %slice3A_252 : vector<1x1024xf32>
    %min3A_257 = vector.broadcast %jit3A_254 : f32 to vector<1x1024xf32>
    %min3A_258 = arith.minimumf %min3A_257, %max3A_256 : vector<1x1024xf32>
    %exp3A_259 = math.exp %min3A_258 : vector<1x1024xf32>
    %mul3A_260 = vector.broadcast %get3A_232 : vector<1x1xf32> to vector<1x1024xf32>
    %mul3A_261 = arith.mulf %exp3A_259, %mul3A_260 : vector<1x1024xf32>
    %slice3A_262 = vector.extract_strided_slice %get3A_60 {offsets = [53, 0], sizes = [1, 1024], strides = [1, 1]} : vector<125x1024xf32> to vector<1x1024xf32>
    %jit3A_263 = arith.constant -1.000000e+01 : f32
    %jit3A_264 = arith.constant 1.000000e+01 : f32
    %max3A_265 = vector.broadcast %jit3A_263 : f32 to vector<1x1024xf32>
    %max3A_266 = arith.maximumf %max3A_265, %slice3A_262 : vector<1x1024xf32>
    %min3A_267 = vector.broadcast %jit3A_264 : f32 to vector<1x1024xf32>
    %min3A_268 = arith.minimumf %min3A_267, %max3A_266 : vector<1x1024xf32>
    %exp3A_269 = math.exp %min3A_268 : vector<1x1024xf32>
    %mul3A_270 = vector.broadcast %get3A_235 : vector<1x1xf32> to vector<1x1024xf32>
    %mul3A_271 = arith.mulf %exp3A_269, %mul3A_270 : vector<1x1024xf32>
    %slice3A_272 = vector.extract_strided_slice %get3A_60 {offsets = [54, 0], sizes = [1, 1024], strides = [1, 1]} : vector<125x1024xf32> to vector<1x1024xf32>
    %logistic3A_273 = arith.negf %slice3A_272 : vector<1x1024xf32>
    %logistic3A_274 = math.exp %logistic3A_273 : vector<1x1024xf32>
    %logistic3A_275 = arith.constant 1.000000e+00 : f32
    %logistic3A_276 = vector.broadcast %logistic3A_275 : f32 to vector<1x1024xf32>
    %logistic3A_277 = arith.addf %logistic3A_276, %logistic3A_274 : vector<1x1024xf32>
    %logistic3A_278 = arith.divf %logistic3A_276, %logistic3A_277 : vector<1x1024xf32>
    %mul3A_279 = arith.constant 5.000000e-01 : f32
    %mul3A_280 = vector.broadcast %mul3A_279 : f32 to vector<1x1024xf32>
    %mul3A_281 = arith.mulf %mul3A_280, %mul3A_261 : vector<1x1024xf32>
    %sub3A_282 = arith.subf %add3A_243, %mul3A_281 : vector<1x1024xf32>
    %mul3A_283 = arith.constant 5.000000e-01 : f32
    %mul3A_284 = vector.broadcast %mul3A_283 : f32 to vector<1x1024xf32>
    %mul3A_285 = arith.mulf %mul3A_284, %mul3A_261 : vector<1x1024xf32>
    %add3A_286 = arith.addf %add3A_243, %mul3A_285 : vector<1x1024xf32>
    %mul3A_287 = arith.constant 5.000000e-01 : f32
    %mul3A_288 = vector.broadcast %mul3A_287 : f32 to vector<1x1024xf32>
    %mul3A_289 = arith.mulf %mul3A_288, %mul3A_271 : vector<1x1024xf32>
    %sub3A_290 = arith.subf %add3A_251, %mul3A_289 : vector<1x1024xf32>
    %mul3A_291 = arith.constant 5.000000e-01 : f32
    %mul3A_292 = vector.broadcast %mul3A_291 : f32 to vector<1x1024xf32>
    %mul3A_293 = arith.mulf %mul3A_292, %mul3A_271 : vector<1x1024xf32>
    %add3A_294 = arith.addf %add3A_251, %mul3A_293 : vector<1x1024xf32>
    %mul3A_295 = arith.mulf %mul3A_261, %mul3A_271 : vector<1x1024xf32>
    %get3A_296 = arith.constant 3 : index
    %get3A_297 = arith.constant 0 : index
    %get3A_298 = vector.load %arg4[%get3A_296, %get3A_297] : memref<5x2xf32, #tpu.memory_space<vmem>>, vector<1x1xf32>
    %get3A_299 = arith.constant 3 : index
    %get3A_300 = arith.constant 1 : index
    %get3A_301 = vector.load %arg4[%get3A_299, %get3A_300] : memref<5x2xf32, #tpu.memory_space<vmem>>, vector<1x1xf32>
    %slice3A_302 = vector.extract_strided_slice %get3A_60 {offsets = [75, 0], sizes = [1, 1024], strides = [1, 1]} : vector<125x1024xf32> to vector<1x1024xf32>
    %logistic3A_303 = arith.negf %slice3A_302 : vector<1x1024xf32>
    %logistic3A_304 = math.exp %logistic3A_303 : vector<1x1024xf32>
    %logistic3A_305 = arith.constant 1.000000e+00 : f32
    %logistic3A_306 = vector.broadcast %logistic3A_305 : f32 to vector<1x1024xf32>
    %logistic3A_307 = arith.addf %logistic3A_306, %logistic3A_304 : vector<1x1024xf32>
    %logistic3A_308 = arith.divf %logistic3A_306, %logistic3A_307 : vector<1x1024xf32>
    %add3A_309 = arith.addf %logistic3A_308, %convert_element_type3A_20 : vector<1x1024xf32>
    %slice3A_310 = vector.extract_strided_slice %get3A_60 {offsets = [76, 0], sizes = [1, 1024], strides = [1, 1]} : vector<125x1024xf32> to vector<1x1024xf32>
    %logistic3A_311 = arith.negf %slice3A_310 : vector<1x1024xf32>
    %logistic3A_312 = math.exp %logistic3A_311 : vector<1x1024xf32>
    %logistic3A_313 = arith.constant 1.000000e+00 : f32
    %logistic3A_314 = vector.broadcast %logistic3A_313 : f32 to vector<1x1024xf32>
    %logistic3A_315 = arith.addf %logistic3A_314, %logistic3A_312 : vector<1x1024xf32>
    %logistic3A_316 = arith.divf %logistic3A_314, %logistic3A_315 : vector<1x1024xf32>
    %add3A_317 = arith.addf %logistic3A_316, %convert_element_type3A_49 : vector<1x1024xf32>
    %slice3A_318 = vector.extract_strided_slice %get3A_60 {offsets = [77, 0], sizes = [1, 1024], strides = [1, 1]} : vector<125x1024xf32> to vector<1x1024xf32>
    %jit3A_319 = arith.constant -1.000000e+01 : f32
    %jit3A_320 = arith.constant 1.000000e+01 : f32
    %max3A_321 = vector.broadcast %jit3A_319 : f32 to vector<1x1024xf32>
    %max3A_322 = arith.maximumf %max3A_321, %slice3A_318 : vector<1x1024xf32>
    %min3A_323 = vector.broadcast %jit3A_320 : f32 to vector<1x1024xf32>
    %min3A_324 = arith.minimumf %min3A_323, %max3A_322 : vector<1x1024xf32>
    %exp3A_325 = math.exp %min3A_324 : vector<1x1024xf32>
    %mul3A_326 = vector.broadcast %get3A_298 : vector<1x1xf32> to vector<1x1024xf32>
    %mul3A_327 = arith.mulf %exp3A_325, %mul3A_326 : vector<1x1024xf32>
    %slice3A_328 = vector.extract_strided_slice %get3A_60 {offsets = [78, 0], sizes = [1, 1024], strides = [1, 1]} : vector<125x1024xf32> to vector<1x1024xf32>
    %jit3A_329 = arith.constant -1.000000e+01 : f32
    %jit3A_330 = arith.constant 1.000000e+01 : f32
    %max3A_331 = vector.broadcast %jit3A_329 : f32 to vector<1x1024xf32>
    %max3A_332 = arith.maximumf %max3A_331, %slice3A_328 : vector<1x1024xf32>
    %min3A_333 = vector.broadcast %jit3A_330 : f32 to vector<1x1024xf32>
    %min3A_334 = arith.minimumf %min3A_333, %max3A_332 : vector<1x1024xf32>
    %exp3A_335 = math.exp %min3A_334 : vector<1x1024xf32>
    %mul3A_336 = vector.broadcast %get3A_301 : vector<1x1xf32> to vector<1x1024xf32>
    %mul3A_337 = arith.mulf %exp3A_335, %mul3A_336 : vector<1x1024xf32>
    %slice3A_338 = vector.extract_strided_slice %get3A_60 {offsets = [79, 0], sizes = [1, 1024], strides = [1, 1]} : vector<125x1024xf32> to vector<1x1024xf32>
    %logistic3A_339 = arith.negf %slice3A_338 : vector<1x1024xf32>
    %logistic3A_340 = math.exp %logistic3A_339 : vector<1x1024xf32>
    %logistic3A_341 = arith.constant 1.000000e+00 : f32
    %logistic3A_342 = vector.broadcast %logistic3A_341 : f32 to vector<1x1024xf32>
    %logistic3A_343 = arith.addf %logistic3A_342, %logistic3A_340 : vector<1x1024xf32>
    %logistic3A_344 = arith.divf %logistic3A_342, %logistic3A_343 : vector<1x1024xf32>
    %mul3A_345 = arith.constant 5.000000e-01 : f32
    %mul3A_346 = vector.broadcast %mul3A_345 : f32 to vector<1x1024xf32>
    %mul3A_347 = arith.mulf %mul3A_346, %mul3A_327 : vector<1x1024xf32>
    %sub3A_348 = arith.subf %add3A_309, %mul3A_347 : vector<1x1024xf32>
    %mul3A_349 = arith.constant 5.000000e-01 : f32
    %mul3A_350 = vector.broadcast %mul3A_349 : f32 to vector<1x1024xf32>
    %mul3A_351 = arith.mulf %mul3A_350, %mul3A_327 : vector<1x1024xf32>
    %add3A_352 = arith.addf %add3A_309, %mul3A_351 : vector<1x1024xf32>
    %mul3A_353 = arith.constant 5.000000e-01 : f32
    %mul3A_354 = vector.broadcast %mul3A_353 : f32 to vector<1x1024xf32>
    %mul3A_355 = arith.mulf %mul3A_354, %mul3A_337 : vector<1x1024xf32>
    %sub3A_356 = arith.subf %add3A_317, %mul3A_355 : vector<1x1024xf32>
    %mul3A_357 = arith.constant 5.000000e-01 : f32
    %mul3A_358 = vector.broadcast %mul3A_357 : f32 to vector<1x1024xf32>
    %mul3A_359 = arith.mulf %mul3A_358, %mul3A_337 : vector<1x1024xf32>
    %add3A_360 = arith.addf %add3A_317, %mul3A_359 : vector<1x1024xf32>
    %mul3A_361 = arith.mulf %mul3A_327, %mul3A_337 : vector<1x1024xf32>
    %get3A_362 = arith.constant 4 : index
    %get3A_363 = arith.constant 0 : index
    %get3A_364 = vector.load %arg4[%get3A_362, %get3A_363] : memref<5x2xf32, #tpu.memory_space<vmem>>, vector<1x1xf32>
    %get3A_365 = arith.constant 4 : index
    %get3A_366 = arith.constant 1 : index
    %get3A_367 = vector.load %arg4[%get3A_365, %get3A_366] : memref<5x2xf32, #tpu.memory_space<vmem>>, vector<1x1xf32>
    %slice3A_368 = vector.extract_strided_slice %get3A_60 {offsets = [100, 0], sizes = [1, 1024], strides = [1, 1]} : vector<125x1024xf32> to vector<1x1024xf32>
    %logistic3A_369 = arith.negf %slice3A_368 : vector<1x1024xf32>
    %logistic3A_370 = math.exp %logistic3A_369 : vector<1x1024xf32>
    %logistic3A_371 = arith.constant 1.000000e+00 : f32
    %logistic3A_372 = vector.broadcast %logistic3A_371 : f32 to vector<1x1024xf32>
    %logistic3A_373 = arith.addf %logistic3A_372, %logistic3A_370 : vector<1x1024xf32>
    %logistic3A_374 = arith.divf %logistic3A_372, %logistic3A_373 : vector<1x1024xf32>
    %add3A_375 = arith.addf %logistic3A_374, %convert_element_type3A_20 : vector<1x1024xf32>
    %slice3A_376 = vector.extract_strided_slice %get3A_60 {offsets = [101, 0], sizes = [1, 1024], strides = [1, 1]} : vector<125x1024xf32> to vector<1x1024xf32>
    %logistic3A_377 = arith.negf %slice3A_376 : vector<1x1024xf32>
    %logistic3A_378 = math.exp %logistic3A_377 : vector<1x1024xf32>
    %logistic3A_379 = arith.constant 1.000000e+00 : f32
    %logistic3A_380 = vector.broadcast %logistic3A_379 : f32 to vector<1x1024xf32>
    %logistic3A_381 = arith.addf %logistic3A_380, %logistic3A_378 : vector<1x1024xf32>
    %logistic3A_382 = arith.divf %logistic3A_380, %logistic3A_381 : vector<1x1024xf32>
    %add3A_383 = arith.addf %logistic3A_382, %convert_element_type3A_49 : vector<1x1024xf32>
    %slice3A_384 = vector.extract_strided_slice %get3A_60 {offsets = [102, 0], sizes = [1, 1024], strides = [1, 1]} : vector<125x1024xf32> to vector<1x1024xf32>
    %jit3A_385 = arith.constant -1.000000e+01 : f32
    %jit3A_386 = arith.constant 1.000000e+01 : f32
    %max3A_387 = vector.broadcast %jit3A_385 : f32 to vector<1x1024xf32>
    %max3A_388 = arith.maximumf %max3A_387, %slice3A_384 : vector<1x1024xf32>
    %min3A_389 = vector.broadcast %jit3A_386 : f32 to vector<1x1024xf32>
    %min3A_390 = arith.minimumf %min3A_389, %max3A_388 : vector<1x1024xf32>
    %exp3A_391 = math.exp %min3A_390 : vector<1x1024xf32>
    %mul3A_392 = vector.broadcast %get3A_364 : vector<1x1xf32> to vector<1x1024xf32>
    %mul3A_393 = arith.mulf %exp3A_391, %mul3A_392 : vector<1x1024xf32>
    %slice3A_394 = vector.extract_strided_slice %get3A_60 {offsets = [103, 0], sizes = [1, 1024], strides = [1, 1]} : vector<125x1024xf32> to vector<1x1024xf32>
    %jit3A_395 = arith.constant -1.000000e+01 : f32
    %jit3A_396 = arith.constant 1.000000e+01 : f32
    %max3A_397 = vector.broadcast %jit3A_395 : f32 to vector<1x1024xf32>
    %max3A_398 = arith.maximumf %max3A_397, %slice3A_394 : vector<1x1024xf32>
    %min3A_399 = vector.broadcast %jit3A_396 : f32 to vector<1x1024xf32>
    %min3A_400 = arith.minimumf %min3A_399, %max3A_398 : vector<1x1024xf32>
    %exp3A_401 = math.exp %min3A_400 : vector<1x1024xf32>
    %mul3A_402 = vector.broadcast %get3A_367 : vector<1x1xf32> to vector<1x1024xf32>
    %mul3A_403 = arith.mulf %exp3A_401, %mul3A_402 : vector<1x1024xf32>
    %slice3A_404 = vector.extract_strided_slice %get3A_60 {offsets = [104, 0], sizes = [1, 1024], strides = [1, 1]} : vector<125x1024xf32> to vector<1x1024xf32>
    %logistic3A_405 = arith.negf %slice3A_404 : vector<1x1024xf32>
    %logistic3A_406 = math.exp %logistic3A_405 : vector<1x1024xf32>
    %logistic3A_407 = arith.constant 1.000000e+00 : f32
    %logistic3A_408 = vector.broadcast %logistic3A_407 : f32 to vector<1x1024xf32>
    %logistic3A_409 = arith.addf %logistic3A_408, %logistic3A_406 : vector<1x1024xf32>
    %logistic3A_410 = arith.divf %logistic3A_408, %logistic3A_409 : vector<1x1024xf32>
    %mul3A_411 = arith.constant 5.000000e-01 : f32
    %mul3A_412 = vector.broadcast %mul3A_411 : f32 to vector<1x1024xf32>
    %mul3A_413 = arith.mulf %mul3A_412, %mul3A_393 : vector<1x1024xf32>
    %sub3A_414 = arith.subf %add3A_375, %mul3A_413 : vector<1x1024xf32>
    %mul3A_415 = arith.constant 5.000000e-01 : f32
    %mul3A_416 = vector.broadcast %mul3A_415 : f32 to vector<1x1024xf32>
    %mul3A_417 = arith.mulf %mul3A_416, %mul3A_393 : vector<1x1024xf32>
    %add3A_418 = arith.addf %add3A_375, %mul3A_417 : vector<1x1024xf32>
    %mul3A_419 = arith.constant 5.000000e-01 : f32
    %mul3A_420 = vector.broadcast %mul3A_419 : f32 to vector<1x1024xf32>
    %mul3A_421 = arith.mulf %mul3A_420, %mul3A_403 : vector<1x1024xf32>
    %sub3A_422 = arith.subf %add3A_383, %mul3A_421 : vector<1x1024xf32>
    %mul3A_423 = arith.constant 5.000000e-01 : f32
    %mul3A_424 = vector.broadcast %mul3A_423 : f32 to vector<1x1024xf32>
    %mul3A_425 = arith.mulf %mul3A_424, %mul3A_403 : vector<1x1024xf32>
    %add3A_426 = arith.addf %add3A_383, %mul3A_425 : vector<1x1024xf32>
    %mul3A_427 = arith.mulf %mul3A_393, %mul3A_403 : vector<1x1024xf32>
    %broadcast_in_dim3A_428 = arith.constant -1.000000e+00 : f32
    %broadcast_in_dim3A_429 = vector.broadcast %broadcast_in_dim3A_428 : f32 to vector<8x1024xf32>
    %broadcast_in_dim3A_430 = arith.constant -1.000000e+00 : f32
    %broadcast_in_dim3A_431 = vector.broadcast %broadcast_in_dim3A_430 : f32 to vector<8x1024xf32>
    %broadcast_in_dim3A_432 = arith.constant -1.000000e+00 : f32
    %broadcast_in_dim3A_433 = vector.broadcast %broadcast_in_dim3A_432 : f32 to vector<8x1024xf32>
    %broadcast_in_dim3A_434 = arith.constant -1.000000e+00 : f32
    %broadcast_in_dim3A_435 = vector.broadcast %broadcast_in_dim3A_434 : f32 to vector<8x1024xf32>
    %broadcast_in_dim3A_436 = arith.constant -1.000000e+00 : f32
    %broadcast_in_dim3A_437 = vector.broadcast %broadcast_in_dim3A_436 : f32 to vector<8x1024xf32>
    %while3A = arith.constant 0 : i32
    %while3A_438 = arith.subi %select_n3A_102, %while3A : i32
    %while3A_439 = arith.addi %while3A, %while3A_438 : i32
    %while3A_440 = arith.constant 1 : i32
    %while3A_441 = arith.divsi %while3A_438, %while3A_440 : i32
    %while3A_442 = arith.muli %while3A_441, %while3A_440 : i32
    %while3A_443 = arith.addi %while3A, %while3A_442 : i32
    %while3A_444 = arith.constant 1 : i32
    %while3A_445:5 = scf.for %while3A_1887 = %while3A to %while3A_443 step %while3A_444 iter_args(%while3A_1888 = %broadcast_in_dim3A_429, %while3A_1889 = %broadcast_in_dim3A_431, %while3A_1890 = %broadcast_in_dim3A_433, %while3A_1891 = %broadcast_in_dim3A_435, %while3A_1892 = %broadcast_in_dim3A_437) -> (vector<8x1024xf32>, vector<8x1024xf32>, vector<8x1024xf32>, vector<8x1024xf32>, vector<8x1024xf32>)  : i32 {
      %mul3A_1893 = arith.constant 8 : i32
      %mul3A_1894 = arith.muli %mul3A_1893, %while3A_1887 : i32
      %add3A_1895 = arith.addi %reduce_sum3A_75, %mul3A_1894 : i32
      %min3A_1896 = arith.constant 120 : i32
      %min3A_1897 = arith.minsi %add3A_1895, %min3A_1896 : i32
      %get3A_1898 = arith.index_cast %min3A_1897 : i32 to index
      %get3A_1899 = arith.constant 0 : index
      %get3A_1900 = vector.load %arg6[%get3A_1898, %get3A_1899] : memref<128x8xf32, #tpu.memory_space<vmem>>, vector<8x8xf32>
      %slice3A_1901 = vector.extract_strided_slice %get3A_1900 {offsets = [0, 0], sizes = [8, 1], strides = [1, 1]} : vector<8x8xf32> to vector<8x1xf32>
      %slice3A_1902 = vector.extract_strided_slice %get3A_1900 {offsets = [0, 1], sizes = [8, 1], strides = [1, 1]} : vector<8x8xf32> to vector<8x1xf32>
      %slice3A_1903 = vector.extract_strided_slice %get3A_1900 {offsets = [0, 2], sizes = [8, 1], strides = [1, 1]} : vector<8x8xf32> to vector<8x1xf32>
      %slice3A_1904 = vector.extract_strided_slice %get3A_1900 {offsets = [0, 3], sizes = [8, 1], strides = [1, 1]} : vector<8x8xf32> to vector<8x1xf32>
      %slice3A_1905 = vector.extract_strided_slice %get3A_1900 {offsets = [0, 4], sizes = [8, 1], strides = [1, 1]} : vector<8x8xf32> to vector<8x1xf32>
      %add3A_1906 = vector.broadcast %min3A_1897 : i32 to vector<8x1xi32>
      %add3A_1907 = arith.addi %iota3A_50, %add3A_1906 : vector<8x1xi32>
      %ge3A = vector.broadcast %add3A_1895 : i32 to vector<8x1xi32>
      %ge3A_1908 = arith.cmpi sge, %add3A_1907, %ge3A : vector<8x1xi32>
      %lt3A_1909 = vector.broadcast %add3A_76 : i32 to vector<8x1xi32>
      %lt3A_1910 = arith.cmpi slt, %add3A_1907, %lt3A_1909 : vector<8x1xi32>
      %and3A_1911 = arith.andi %ge3A_1908, %lt3A_1910 : vector<8x1xi1>
      %jit3A_1912 = arith.constant 0.000000e+00 : f32
      %jit3A_1913 = arith.constant 1.000000e+09 : f32
      %broadcast_in_dim3A_1914 = vector.broadcast %jit3A_1912 : f32 to vector<8x1xf32>
      %broadcast_in_dim3A_1915 = vector.broadcast %jit3A_1913 : f32 to vector<8x1xf32>
      %select_n3A_1916 = arith.select %and3A_1911, %broadcast_in_dim3A_1914, %broadcast_in_dim3A_1915 : vector<8x1xi1>, vector<8x1xf32>
      %add3A_1917 = arith.addf %slice3A_1905, %select_n3A_1916 : vector<8x1xf32>
      %min3A_1918 = vector.broadcast %add3A_154 : vector<1x1024xf32> to vector<8x1024xf32>
      %min3A_1919 = vector.broadcast %slice3A_1903 : vector<8x1xf32> to vector<8x1024xf32>
      %min3A_1920 = arith.minimumf %min3A_1918, %min3A_1919 : vector<8x1024xf32>
      %max3A_1921 = vector.broadcast %sub3A_150 : vector<1x1024xf32> to vector<8x1024xf32>
      %max3A_1922 = vector.broadcast %slice3A_1901 : vector<8x1xf32> to vector<8x1024xf32>
      %max3A_1923 = arith.maximumf %max3A_1921, %max3A_1922 : vector<8x1024xf32>
      %sub3A_1924 = arith.subf %min3A_1920, %max3A_1923 : vector<8x1024xf32>
      %max3A_1925 = arith.constant 0.000000e+00 : f32
      %max3A_1926 = vector.broadcast %max3A_1925 : f32 to vector<8x1024xf32>
      %max3A_1927 = arith.maximumf %sub3A_1924, %max3A_1926 : vector<8x1024xf32>
      %min3A_1928 = vector.broadcast %add3A_162 : vector<1x1024xf32> to vector<8x1024xf32>
      %min3A_1929 = vector.broadcast %slice3A_1904 : vector<8x1xf32> to vector<8x1024xf32>
      %min3A_1930 = arith.minimumf %min3A_1928, %min3A_1929 : vector<8x1024xf32>
      %max3A_1931 = vector.broadcast %sub3A_158 : vector<1x1024xf32> to vector<8x1024xf32>
      %max3A_1932 = vector.broadcast %slice3A_1902 : vector<8x1xf32> to vector<8x1024xf32>
      %max3A_1933 = arith.maximumf %max3A_1931, %max3A_1932 : vector<8x1024xf32>
      %sub3A_1934 = arith.subf %min3A_1930, %max3A_1933 : vector<8x1024xf32>
      %max3A_1935 = arith.constant 0.000000e+00 : f32
      %max3A_1936 = vector.broadcast %max3A_1935 : f32 to vector<8x1024xf32>
      %max3A_1937 = arith.maximumf %sub3A_1934, %max3A_1936 : vector<8x1024xf32>
      %mul3A_1938 = arith.mulf %max3A_1927, %max3A_1937 : vector<8x1024xf32>
      %mul3A_1939 = arith.constant 3.000000e+00 : f32
      %mul3A_1940 = vector.broadcast %mul3A_1939 : f32 to vector<8x1024xf32>
      %mul3A_1941 = arith.mulf %mul3A_1940, %mul3A_1938 : vector<8x1024xf32>
      %add3A_1942 = vector.broadcast %mul3A_163 : vector<1x1024xf32> to vector<8x1024xf32>
      %add3A_1943 = vector.broadcast %add3A_1917 : vector<8x1xf32> to vector<8x1024xf32>
      %add3A_1944 = arith.addf %add3A_1942, %add3A_1943 : vector<8x1024xf32>
      %sub3A_1945 = arith.subf %mul3A_1941, %add3A_1944 : vector<8x1024xf32>
      %max3A_1946 = arith.maximumf %while3A_1888, %sub3A_1945 : vector<8x1024xf32>
      %min3A_1947 = vector.broadcast %add3A_220 : vector<1x1024xf32> to vector<8x1024xf32>
      %min3A_1948 = vector.broadcast %slice3A_1903 : vector<8x1xf32> to vector<8x1024xf32>
      %min3A_1949 = arith.minimumf %min3A_1947, %min3A_1948 : vector<8x1024xf32>
      %max3A_1950 = vector.broadcast %sub3A_216 : vector<1x1024xf32> to vector<8x1024xf32>
      %max3A_1951 = vector.broadcast %slice3A_1901 : vector<8x1xf32> to vector<8x1024xf32>
      %max3A_1952 = arith.maximumf %max3A_1950, %max3A_1951 : vector<8x1024xf32>
      %sub3A_1953 = arith.subf %min3A_1949, %max3A_1952 : vector<8x1024xf32>
      %max3A_1954 = arith.constant 0.000000e+00 : f32
      %max3A_1955 = vector.broadcast %max3A_1954 : f32 to vector<8x1024xf32>
      %max3A_1956 = arith.maximumf %sub3A_1953, %max3A_1955 : vector<8x1024xf32>
      %min3A_1957 = vector.broadcast %add3A_228 : vector<1x1024xf32> to vector<8x1024xf32>
      %min3A_1958 = vector.broadcast %slice3A_1904 : vector<8x1xf32> to vector<8x1024xf32>
      %min3A_1959 = arith.minimumf %min3A_1957, %min3A_1958 : vector<8x1024xf32>
      %max3A_1960 = vector.broadcast %sub3A_224 : vector<1x1024xf32> to vector<8x1024xf32>
      %max3A_1961 = vector.broadcast %slice3A_1902 : vector<8x1xf32> to vector<8x1024xf32>
      %max3A_1962 = arith.maximumf %max3A_1960, %max3A_1961 : vector<8x1024xf32>
      %sub3A_1963 = arith.subf %min3A_1959, %max3A_1962 : vector<8x1024xf32>
      %max3A_1964 = arith.constant 0.000000e+00 : f32
      %max3A_1965 = vector.broadcast %max3A_1964 : f32 to vector<8x1024xf32>
      %max3A_1966 = arith.maximumf %sub3A_1963, %max3A_1965 : vector<8x1024xf32>
      %mul3A_1967 = arith.mulf %max3A_1956, %max3A_1966 : vector<8x1024xf32>
      %mul3A_1968 = arith.constant 3.000000e+00 : f32
      %mul3A_1969 = vector.broadcast %mul3A_1968 : f32 to vector<8x1024xf32>
      %mul3A_1970 = arith.mulf %mul3A_1969, %mul3A_1967 : vector<8x1024xf32>
      %add3A_1971 = vector.broadcast %mul3A_229 : vector<1x1024xf32> to vector<8x1024xf32>
      %add3A_1972 = vector.broadcast %add3A_1917 : vector<8x1xf32> to vector<8x1024xf32>
      %add3A_1973 = arith.addf %add3A_1971, %add3A_1972 : vector<8x1024xf32>
      %sub3A_1974 = arith.subf %mul3A_1970, %add3A_1973 : vector<8x1024xf32>
      %max3A_1975 = arith.maximumf %while3A_1889, %sub3A_1974 : vector<8x1024xf32>
      %min3A_1976 = vector.broadcast %add3A_286 : vector<1x1024xf32> to vector<8x1024xf32>
      %min3A_1977 = vector.broadcast %slice3A_1903 : vector<8x1xf32> to vector<8x1024xf32>
      %min3A_1978 = arith.minimumf %min3A_1976, %min3A_1977 : vector<8x1024xf32>
      %max3A_1979 = vector.broadcast %sub3A_282 : vector<1x1024xf32> to vector<8x1024xf32>
      %max3A_1980 = vector.broadcast %slice3A_1901 : vector<8x1xf32> to vector<8x1024xf32>
      %max3A_1981 = arith.maximumf %max3A_1979, %max3A_1980 : vector<8x1024xf32>
      %sub3A_1982 = arith.subf %min3A_1978, %max3A_1981 : vector<8x1024xf32>
      %max3A_1983 = arith.constant 0.000000e+00 : f32
      %max3A_1984 = vector.broadcast %max3A_1983 : f32 to vector<8x1024xf32>
      %max3A_1985 = arith.maximumf %sub3A_1982, %max3A_1984 : vector<8x1024xf32>
      %min3A_1986 = vector.broadcast %add3A_294 : vector<1x1024xf32> to vector<8x1024xf32>
      %min3A_1987 = vector.broadcast %slice3A_1904 : vector<8x1xf32> to vector<8x1024xf32>
      %min3A_1988 = arith.minimumf %min3A_1986, %min3A_1987 : vector<8x1024xf32>
      %max3A_1989 = vector.broadcast %sub3A_290 : vector<1x1024xf32> to vector<8x1024xf32>
      %max3A_1990 = vector.broadcast %slice3A_1902 : vector<8x1xf32> to vector<8x1024xf32>
      %max3A_1991 = arith.maximumf %max3A_1989, %max3A_1990 : vector<8x1024xf32>
      %sub3A_1992 = arith.subf %min3A_1988, %max3A_1991 : vector<8x1024xf32>
      %max3A_1993 = arith.constant 0.000000e+00 : f32
      %max3A_1994 = vector.broadcast %max3A_1993 : f32 to vector<8x1024xf32>
      %max3A_1995 = arith.maximumf %sub3A_1992, %max3A_1994 : vector<8x1024xf32>
      %mul3A_1996 = arith.mulf %max3A_1985, %max3A_1995 : vector<8x1024xf32>
      %mul3A_1997 = arith.constant 3.000000e+00 : f32
      %mul3A_1998 = vector.broadcast %mul3A_1997 : f32 to vector<8x1024xf32>
      %mul3A_1999 = arith.mulf %mul3A_1998, %mul3A_1996 : vector<8x1024xf32>
      %add3A_2000 = vector.broadcast %mul3A_295 : vector<1x1024xf32> to vector<8x1024xf32>
      %add3A_2001 = vector.broadcast %add3A_1917 : vector<8x1xf32> to vector<8x1024xf32>
      %add3A_2002 = arith.addf %add3A_2000, %add3A_2001 : vector<8x1024xf32>
      %sub3A_2003 = arith.subf %mul3A_1999, %add3A_2002 : vector<8x1024xf32>
      %max3A_2004 = arith.maximumf %while3A_1890, %sub3A_2003 : vector<8x1024xf32>
      %min3A_2005 = vector.broadcast %add3A_352 : vector<1x1024xf32> to vector<8x1024xf32>
      %min3A_2006 = vector.broadcast %slice3A_1903 : vector<8x1xf32> to vector<8x1024xf32>
      %min3A_2007 = arith.minimumf %min3A_2005, %min3A_2006 : vector<8x1024xf32>
      %max3A_2008 = vector.broadcast %sub3A_348 : vector<1x1024xf32> to vector<8x1024xf32>
      %max3A_2009 = vector.broadcast %slice3A_1901 : vector<8x1xf32> to vector<8x1024xf32>
      %max3A_2010 = arith.maximumf %max3A_2008, %max3A_2009 : vector<8x1024xf32>
      %sub3A_2011 = arith.subf %min3A_2007, %max3A_2010 : vector<8x1024xf32>
      %max3A_2012 = arith.constant 0.000000e+00 : f32
      %max3A_2013 = vector.broadcast %max3A_2012 : f32 to vector<8x1024xf32>
      %max3A_2014 = arith.maximumf %sub3A_2011, %max3A_2013 : vector<8x1024xf32>
      %min3A_2015 = vector.broadcast %add3A_360 : vector<1x1024xf32> to vector<8x1024xf32>
      %min3A_2016 = vector.broadcast %slice3A_1904 : vector<8x1xf32> to vector<8x1024xf32>
      %min3A_2017 = arith.minimumf %min3A_2015, %min3A_2016 : vector<8x1024xf32>
      %max3A_2018 = vector.broadcast %sub3A_356 : vector<1x1024xf32> to vector<8x1024xf32>
      %max3A_2019 = vector.broadcast %slice3A_1902 : vector<8x1xf32> to vector<8x1024xf32>
      %max3A_2020 = arith.maximumf %max3A_2018, %max3A_2019 : vector<8x1024xf32>
      %sub3A_2021 = arith.subf %min3A_2017, %max3A_2020 : vector<8x1024xf32>
      %max3A_2022 = arith.constant 0.000000e+00 : f32
      %max3A_2023 = vector.broadcast %max3A_2022 : f32 to vector<8x1024xf32>
      %max3A_2024 = arith.maximumf %sub3A_2021, %max3A_2023 : vector<8x1024xf32>
      %mul3A_2025 = arith.mulf %max3A_2014, %max3A_2024 : vector<8x1024xf32>
      %mul3A_2026 = arith.constant 3.000000e+00 : f32
      %mul3A_2027 = vector.broadcast %mul3A_2026 : f32 to vector<8x1024xf32>
      %mul3A_2028 = arith.mulf %mul3A_2027, %mul3A_2025 : vector<8x1024xf32>
      %add3A_2029 = vector.broadcast %mul3A_361 : vector<1x1024xf32> to vector<8x1024xf32>
      %add3A_2030 = vector.broadcast %add3A_1917 : vector<8x1xf32> to vector<8x1024xf32>
      %add3A_2031 = arith.addf %add3A_2029, %add3A_2030 : vector<8x1024xf32>
      %sub3A_2032 = arith.subf %mul3A_2028, %add3A_2031 : vector<8x1024xf32>
      %max3A_2033 = arith.maximumf %while3A_1891, %sub3A_2032 : vector<8x1024xf32>
      %min3A_2034 = vector.broadcast %add3A_418 : vector<1x1024xf32> to vector<8x1024xf32>
      %min3A_2035 = vector.broadcast %slice3A_1903 : vector<8x1xf32> to vector<8x1024xf32>
      %min3A_2036 = arith.minimumf %min3A_2034, %min3A_2035 : vector<8x1024xf32>
      %max3A_2037 = vector.broadcast %sub3A_414 : vector<1x1024xf32> to vector<8x1024xf32>
      %max3A_2038 = vector.broadcast %slice3A_1901 : vector<8x1xf32> to vector<8x1024xf32>
      %max3A_2039 = arith.maximumf %max3A_2037, %max3A_2038 : vector<8x1024xf32>
      %sub3A_2040 = arith.subf %min3A_2036, %max3A_2039 : vector<8x1024xf32>
      %max3A_2041 = arith.constant 0.000000e+00 : f32
      %max3A_2042 = vector.broadcast %max3A_2041 : f32 to vector<8x1024xf32>
      %max3A_2043 = arith.maximumf %sub3A_2040, %max3A_2042 : vector<8x1024xf32>
      %min3A_2044 = vector.broadcast %add3A_426 : vector<1x1024xf32> to vector<8x1024xf32>
      %min3A_2045 = vector.broadcast %slice3A_1904 : vector<8x1xf32> to vector<8x1024xf32>
      %min3A_2046 = arith.minimumf %min3A_2044, %min3A_2045 : vector<8x1024xf32>
      %max3A_2047 = vector.broadcast %sub3A_422 : vector<1x1024xf32> to vector<8x1024xf32>
      %max3A_2048 = vector.broadcast %slice3A_1902 : vector<8x1xf32> to vector<8x1024xf32>
      %max3A_2049 = arith.maximumf %max3A_2047, %max3A_2048 : vector<8x1024xf32>
      %sub3A_2050 = arith.subf %min3A_2046, %max3A_2049 : vector<8x1024xf32>
      %max3A_2051 = arith.constant 0.000000e+00 : f32
      %max3A_2052 = vector.broadcast %max3A_2051 : f32 to vector<8x1024xf32>
      %max3A_2053 = arith.maximumf %sub3A_2050, %max3A_2052 : vector<8x1024xf32>
      %mul3A_2054 = arith.mulf %max3A_2043, %max3A_2053 : vector<8x1024xf32>
      %mul3A_2055 = arith.constant 3.000000e+00 : f32
      %mul3A_2056 = vector.broadcast %mul3A_2055 : f32 to vector<8x1024xf32>
      %mul3A_2057 = arith.mulf %mul3A_2056, %mul3A_2054 : vector<8x1024xf32>
      %add3A_2058 = vector.broadcast %mul3A_427 : vector<1x1024xf32> to vector<8x1024xf32>
      %add3A_2059 = vector.broadcast %add3A_1917 : vector<8x1xf32> to vector<8x1024xf32>
      %add3A_2060 = arith.addf %add3A_2058, %add3A_2059 : vector<8x1024xf32>
      %sub3A_2061 = arith.subf %mul3A_2057, %add3A_2060 : vector<8x1024xf32>
      %max3A_2062 = arith.maximumf %while3A_1892, %sub3A_2061 : vector<8x1024xf32>
      scf.yield %max3A_1946, %max3A_1975, %max3A_2004, %max3A_2033, %max3A_2062 : vector<8x1024xf32>, vector<8x1024xf32>, vector<8x1024xf32>, vector<8x1024xf32>, vector<8x1024xf32>
    }
    %while3A_446 = arith.constant 1 : i32
    %while3A_447:5 = scf.for %while3A_1887 = %while3A_443 to %while3A_439 step %while3A_446 iter_args(%while3A_1888 = %while3A_445#0, %while3A_1889 = %while3A_445#1, %while3A_1890 = %while3A_445#2, %while3A_1891 = %while3A_445#3, %while3A_1892 = %while3A_445#4) -> (vector<8x1024xf32>, vector<8x1024xf32>, vector<8x1024xf32>, vector<8x1024xf32>, vector<8x1024xf32>)  : i32 {
      %mul3A_1893 = arith.constant 8 : i32
      %mul3A_1894 = arith.muli %mul3A_1893, %while3A_1887 : i32
      %add3A_1895 = arith.addi %reduce_sum3A_75, %mul3A_1894 : i32
      %min3A_1896 = arith.constant 120 : i32
      %min3A_1897 = arith.minsi %add3A_1895, %min3A_1896 : i32
      %get3A_1898 = arith.index_cast %min3A_1897 : i32 to index
      %get3A_1899 = arith.constant 0 : index
      %get3A_1900 = vector.load %arg6[%get3A_1898, %get3A_1899] : memref<128x8xf32, #tpu.memory_space<vmem>>, vector<8x8xf32>
      %slice3A_1901 = vector.extract_strided_slice %get3A_1900 {offsets = [0, 0], sizes = [8, 1], strides = [1, 1]} : vector<8x8xf32> to vector<8x1xf32>
      %slice3A_1902 = vector.extract_strided_slice %get3A_1900 {offsets = [0, 1], sizes = [8, 1], strides = [1, 1]} : vector<8x8xf32> to vector<8x1xf32>
      %slice3A_1903 = vector.extract_strided_slice %get3A_1900 {offsets = [0, 2], sizes = [8, 1], strides = [1, 1]} : vector<8x8xf32> to vector<8x1xf32>
      %slice3A_1904 = vector.extract_strided_slice %get3A_1900 {offsets = [0, 3], sizes = [8, 1], strides = [1, 1]} : vector<8x8xf32> to vector<8x1xf32>
      %slice3A_1905 = vector.extract_strided_slice %get3A_1900 {offsets = [0, 4], sizes = [8, 1], strides = [1, 1]} : vector<8x8xf32> to vector<8x1xf32>
      %add3A_1906 = vector.broadcast %min3A_1897 : i32 to vector<8x1xi32>
      %add3A_1907 = arith.addi %iota3A_50, %add3A_1906 : vector<8x1xi32>
      %ge3A = vector.broadcast %add3A_1895 : i32 to vector<8x1xi32>
      %ge3A_1908 = arith.cmpi sge, %add3A_1907, %ge3A : vector<8x1xi32>
      %lt3A_1909 = vector.broadcast %add3A_76 : i32 to vector<8x1xi32>
      %lt3A_1910 = arith.cmpi slt, %add3A_1907, %lt3A_1909 : vector<8x1xi32>
      %and3A_1911 = arith.andi %ge3A_1908, %lt3A_1910 : vector<8x1xi1>
      %jit3A_1912 = arith.constant 0.000000e+00 : f32
      %jit3A_1913 = arith.constant 1.000000e+09 : f32
      %broadcast_in_dim3A_1914 = vector.broadcast %jit3A_1912 : f32 to vector<8x1xf32>
      %broadcast_in_dim3A_1915 = vector.broadcast %jit3A_1913 : f32 to vector<8x1xf32>
      %select_n3A_1916 = arith.select %and3A_1911, %broadcast_in_dim3A_1914, %broadcast_in_dim3A_1915 : vector<8x1xi1>, vector<8x1xf32>
      %add3A_1917 = arith.addf %slice3A_1905, %select_n3A_1916 : vector<8x1xf32>
      %min3A_1918 = vector.broadcast %add3A_154 : vector<1x1024xf32> to vector<8x1024xf32>
      %min3A_1919 = vector.broadcast %slice3A_1903 : vector<8x1xf32> to vector<8x1024xf32>
      %min3A_1920 = arith.minimumf %min3A_1918, %min3A_1919 : vector<8x1024xf32>
      %max3A_1921 = vector.broadcast %sub3A_150 : vector<1x1024xf32> to vector<8x1024xf32>
      %max3A_1922 = vector.broadcast %slice3A_1901 : vector<8x1xf32> to vector<8x1024xf32>
      %max3A_1923 = arith.maximumf %max3A_1921, %max3A_1922 : vector<8x1024xf32>
      %sub3A_1924 = arith.subf %min3A_1920, %max3A_1923 : vector<8x1024xf32>
      %max3A_1925 = arith.constant 0.000000e+00 : f32
      %max3A_1926 = vector.broadcast %max3A_1925 : f32 to vector<8x1024xf32>
      %max3A_1927 = arith.maximumf %sub3A_1924, %max3A_1926 : vector<8x1024xf32>
      %min3A_1928 = vector.broadcast %add3A_162 : vector<1x1024xf32> to vector<8x1024xf32>
      %min3A_1929 = vector.broadcast %slice3A_1904 : vector<8x1xf32> to vector<8x1024xf32>
      %min3A_1930 = arith.minimumf %min3A_1928, %min3A_1929 : vector<8x1024xf32>
      %max3A_1931 = vector.broadcast %sub3A_158 : vector<1x1024xf32> to vector<8x1024xf32>
      %max3A_1932 = vector.broadcast %slice3A_1902 : vector<8x1xf32> to vector<8x1024xf32>
      %max3A_1933 = arith.maximumf %max3A_1931, %max3A_1932 : vector<8x1024xf32>
      %sub3A_1934 = arith.subf %min3A_1930, %max3A_1933 : vector<8x1024xf32>
      %max3A_1935 = arith.constant 0.000000e+00 : f32
      %max3A_1936 = vector.broadcast %max3A_1935 : f32 to vector<8x1024xf32>
      %max3A_1937 = arith.maximumf %sub3A_1934, %max3A_1936 : vector<8x1024xf32>
      %mul3A_1938 = arith.mulf %max3A_1927, %max3A_1937 : vector<8x1024xf32>
      %mul3A_1939 = arith.constant 3.000000e+00 : f32
      %mul3A_1940 = vector.broadcast %mul3A_1939 : f32 to vector<8x1024xf32>
      %mul3A_1941 = arith.mulf %mul3A_1940, %mul3A_1938 : vector<8x1024xf32>
      %add3A_1942 = vector.broadcast %mul3A_163 : vector<1x1024xf32> to vector<8x1024xf32>
      %add3A_1943 = vector.broadcast %add3A_1917 : vector<8x1xf32> to vector<8x1024xf32>
      %add3A_1944 = arith.addf %add3A_1942, %add3A_1943 : vector<8x1024xf32>
      %sub3A_1945 = arith.subf %mul3A_1941, %add3A_1944 : vector<8x1024xf32>
      %max3A_1946 = arith.maximumf %while3A_1888, %sub3A_1945 : vector<8x1024xf32>
      %min3A_1947 = vector.broadcast %add3A_220 : vector<1x1024xf32> to vector<8x1024xf32>
      %min3A_1948 = vector.broadcast %slice3A_1903 : vector<8x1xf32> to vector<8x1024xf32>
      %min3A_1949 = arith.minimumf %min3A_1947, %min3A_1948 : vector<8x1024xf32>
      %max3A_1950 = vector.broadcast %sub3A_216 : vector<1x1024xf32> to vector<8x1024xf32>
      %max3A_1951 = vector.broadcast %slice3A_1901 : vector<8x1xf32> to vector<8x1024xf32>
      %max3A_1952 = arith.maximumf %max3A_1950, %max3A_1951 : vector<8x1024xf32>
      %sub3A_1953 = arith.subf %min3A_1949, %max3A_1952 : vector<8x1024xf32>
      %max3A_1954 = arith.constant 0.000000e+00 : f32
      %max3A_1955 = vector.broadcast %max3A_1954 : f32 to vector<8x1024xf32>
      %max3A_1956 = arith.maximumf %sub3A_1953, %max3A_1955 : vector<8x1024xf32>
      %min3A_1957 = vector.broadcast %add3A_228 : vector<1x1024xf32> to vector<8x1024xf32>
      %min3A_1958 = vector.broadcast %slice3A_1904 : vector<8x1xf32> to vector<8x1024xf32>
      %min3A_1959 = arith.minimumf %min3A_1957, %min3A_1958 : vector<8x1024xf32>
      %max3A_1960 = vector.broadcast %sub3A_224 : vector<1x1024xf32> to vector<8x1024xf32>
      %max3A_1961 = vector.broadcast %slice3A_1902 : vector<8x1xf32> to vector<8x1024xf32>
      %max3A_1962 = arith.maximumf %max3A_1960, %max3A_1961 : vector<8x1024xf32>
      %sub3A_1963 = arith.subf %min3A_1959, %max3A_1962 : vector<8x1024xf32>
      %max3A_1964 = arith.constant 0.000000e+00 : f32
      %max3A_1965 = vector.broadcast %max3A_1964 : f32 to vector<8x1024xf32>
      %max3A_1966 = arith.maximumf %sub3A_1963, %max3A_1965 : vector<8x1024xf32>
      %mul3A_1967 = arith.mulf %max3A_1956, %max3A_1966 : vector<8x1024xf32>
      %mul3A_1968 = arith.constant 3.000000e+00 : f32
      %mul3A_1969 = vector.broadcast %mul3A_1968 : f32 to vector<8x1024xf32>
      %mul3A_1970 = arith.mulf %mul3A_1969, %mul3A_1967 : vector<8x1024xf32>
      %add3A_1971 = vector.broadcast %mul3A_229 : vector<1x1024xf32> to vector<8x1024xf32>
      %add3A_1972 = vector.broadcast %add3A_1917 : vector<8x1xf32> to vector<8x1024xf32>
      %add3A_1973 = arith.addf %add3A_1971, %add3A_1972 : vector<8x1024xf32>
      %sub3A_1974 = arith.subf %mul3A_1970, %add3A_1973 : vector<8x1024xf32>
      %max3A_1975 = arith.maximumf %while3A_1889, %sub3A_1974 : vector<8x1024xf32>
      %min3A_1976 = vector.broadcast %add3A_286 : vector<1x1024xf32> to vector<8x1024xf32>
      %min3A_1977 = vector.broadcast %slice3A_1903 : vector<8x1xf32> to vector<8x1024xf32>
      %min3A_1978 = arith.minimumf %min3A_1976, %min3A_1977 : vector<8x1024xf32>
      %max3A_1979 = vector.broadcast %sub3A_282 : vector<1x1024xf32> to vector<8x1024xf32>
      %max3A_1980 = vector.broadcast %slice3A_1901 : vector<8x1xf32> to vector<8x1024xf32>
      %max3A_1981 = arith.maximumf %max3A_1979, %max3A_1980 : vector<8x1024xf32>
      %sub3A_1982 = arith.subf %min3A_1978, %max3A_1981 : vector<8x1024xf32>
      %max3A_1983 = arith.constant 0.000000e+00 : f32
      %max3A_1984 = vector.broadcast %max3A_1983 : f32 to vector<8x1024xf32>
      %max3A_1985 = arith.maximumf %sub3A_1982, %max3A_1984 : vector<8x1024xf32>
      %min3A_1986 = vector.broadcast %add3A_294 : vector<1x1024xf32> to vector<8x1024xf32>
      %min3A_1987 = vector.broadcast %slice3A_1904 : vector<8x1xf32> to vector<8x1024xf32>
      %min3A_1988 = arith.minimumf %min3A_1986, %min3A_1987 : vector<8x1024xf32>
      %max3A_1989 = vector.broadcast %sub3A_290 : vector<1x1024xf32> to vector<8x1024xf32>
      %max3A_1990 = vector.broadcast %slice3A_1902 : vector<8x1xf32> to vector<8x1024xf32>
      %max3A_1991 = arith.maximumf %max3A_1989, %max3A_1990 : vector<8x1024xf32>
      %sub3A_1992 = arith.subf %min3A_1988, %max3A_1991 : vector<8x1024xf32>
      %max3A_1993 = arith.constant 0.000000e+00 : f32
      %max3A_1994 = vector.broadcast %max3A_1993 : f32 to vector<8x1024xf32>
      %max3A_1995 = arith.maximumf %sub3A_1992, %max3A_1994 : vector<8x1024xf32>
      %mul3A_1996 = arith.mulf %max3A_1985, %max3A_1995 : vector<8x1024xf32>
      %mul3A_1997 = arith.constant 3.000000e+00 : f32
      %mul3A_1998 = vector.broadcast %mul3A_1997 : f32 to vector<8x1024xf32>
      %mul3A_1999 = arith.mulf %mul3A_1998, %mul3A_1996 : vector<8x1024xf32>
      %add3A_2000 = vector.broadcast %mul3A_295 : vector<1x1024xf32> to vector<8x1024xf32>
      %add3A_2001 = vector.broadcast %add3A_1917 : vector<8x1xf32> to vector<8x1024xf32>
      %add3A_2002 = arith.addf %add3A_2000, %add3A_2001 : vector<8x1024xf32>
      %sub3A_2003 = arith.subf %mul3A_1999, %add3A_2002 : vector<8x1024xf32>
      %max3A_2004 = arith.maximumf %while3A_1890, %sub3A_2003 : vector<8x1024xf32>
      %min3A_2005 = vector.broadcast %add3A_352 : vector<1x1024xf32> to vector<8x1024xf32>
      %min3A_2006 = vector.broadcast %slice3A_1903 : vector<8x1xf32> to vector<8x1024xf32>
      %min3A_2007 = arith.minimumf %min3A_2005, %min3A_2006 : vector<8x1024xf32>
      %max3A_2008 = vector.broadcast %sub3A_348 : vector<1x1024xf32> to vector<8x1024xf32>
      %max3A_2009 = vector.broadcast %slice3A_1901 : vector<8x1xf32> to vector<8x1024xf32>
      %max3A_2010 = arith.maximumf %max3A_2008, %max3A_2009 : vector<8x1024xf32>
      %sub3A_2011 = arith.subf %min3A_2007, %max3A_2010 : vector<8x1024xf32>
      %max3A_2012 = arith.constant 0.000000e+00 : f32
      %max3A_2013 = vector.broadcast %max3A_2012 : f32 to vector<8x1024xf32>
      %max3A_2014 = arith.maximumf %sub3A_2011, %max3A_2013 : vector<8x1024xf32>
      %min3A_2015 = vector.broadcast %add3A_360 : vector<1x1024xf32> to vector<8x1024xf32>
      %min3A_2016 = vector.broadcast %slice3A_1904 : vector<8x1xf32> to vector<8x1024xf32>
      %min3A_2017 = arith.minimumf %min3A_2015, %min3A_2016 : vector<8x1024xf32>
      %max3A_2018 = vector.broadcast %sub3A_356 : vector<1x1024xf32> to vector<8x1024xf32>
      %max3A_2019 = vector.broadcast %slice3A_1902 : vector<8x1xf32> to vector<8x1024xf32>
      %max3A_2020 = arith.maximumf %max3A_2018, %max3A_2019 : vector<8x1024xf32>
      %sub3A_2021 = arith.subf %min3A_2017, %max3A_2020 : vector<8x1024xf32>
      %max3A_2022 = arith.constant 0.000000e+00 : f32
      %max3A_2023 = vector.broadcast %max3A_2022 : f32 to vector<8x1024xf32>
      %max3A_2024 = arith.maximumf %sub3A_2021, %max3A_2023 : vector<8x1024xf32>
      %mul3A_2025 = arith.mulf %max3A_2014, %max3A_2024 : vector<8x1024xf32>
      %mul3A_2026 = arith.constant 3.000000e+00 : f32
      %mul3A_2027 = vector.broadcast %mul3A_2026 : f32 to vector<8x1024xf32>
      %mul3A_2028 = arith.mulf %mul3A_2027, %mul3A_2025 : vector<8x1024xf32>
      %add3A_2029 = vector.broadcast %mul3A_361 : vector<1x1024xf32> to vector<8x1024xf32>
      %add3A_2030 = vector.broadcast %add3A_1917 : vector<8x1xf32> to vector<8x1024xf32>
      %add3A_2031 = arith.addf %add3A_2029, %add3A_2030 : vector<8x1024xf32>
      %sub3A_2032 = arith.subf %mul3A_2028, %add3A_2031 : vector<8x1024xf32>
      %max3A_2033 = arith.maximumf %while3A_1891, %sub3A_2032 : vector<8x1024xf32>
      %min3A_2034 = vector.broadcast %add3A_418 : vector<1x1024xf32> to vector<8x1024xf32>
      %min3A_2035 = vector.broadcast %slice3A_1903 : vector<8x1xf32> to vector<8x1024xf32>
      %min3A_2036 = arith.minimumf %min3A_2034, %min3A_2035 : vector<8x1024xf32>
      %max3A_2037 = vector.broadcast %sub3A_414 : vector<1x1024xf32> to vector<8x1024xf32>
      %max3A_2038 = vector.broadcast %slice3A_1901 : vector<8x1xf32> to vector<8x1024xf32>
      %max3A_2039 = arith.maximumf %max3A_2037, %max3A_2038 : vector<8x1024xf32>
      %sub3A_2040 = arith.subf %min3A_2036, %max3A_2039 : vector<8x1024xf32>
      %max3A_2041 = arith.constant 0.000000e+00 : f32
      %max3A_2042 = vector.broadcast %max3A_2041 : f32 to vector<8x1024xf32>
      %max3A_2043 = arith.maximumf %sub3A_2040, %max3A_2042 : vector<8x1024xf32>
      %min3A_2044 = vector.broadcast %add3A_426 : vector<1x1024xf32> to vector<8x1024xf32>
      %min3A_2045 = vector.broadcast %slice3A_1904 : vector<8x1xf32> to vector<8x1024xf32>
      %min3A_2046 = arith.minimumf %min3A_2044, %min3A_2045 : vector<8x1024xf32>
      %max3A_2047 = vector.broadcast %sub3A_422 : vector<1x1024xf32> to vector<8x1024xf32>
      %max3A_2048 = vector.broadcast %slice3A_1902 : vector<8x1xf32> to vector<8x1024xf32>
      %max3A_2049 = arith.maximumf %max3A_2047, %max3A_2048 : vector<8x1024xf32>
      %sub3A_2050 = arith.subf %min3A_2046, %max3A_2049 : vector<8x1024xf32>
      %max3A_2051 = arith.constant 0.000000e+00 : f32
      %max3A_2052 = vector.broadcast %max3A_2051 : f32 to vector<8x1024xf32>
      %max3A_2053 = arith.maximumf %sub3A_2050, %max3A_2052 : vector<8x1024xf32>
      %mul3A_2054 = arith.mulf %max3A_2043, %max3A_2053 : vector<8x1024xf32>
      %mul3A_2055 = arith.constant 3.000000e+00 : f32
      %mul3A_2056 = vector.broadcast %mul3A_2055 : f32 to vector<8x1024xf32>
      %mul3A_2057 = arith.mulf %mul3A_2056, %mul3A_2054 : vector<8x1024xf32>
      %add3A_2058 = vector.broadcast %mul3A_427 : vector<1x1024xf32> to vector<8x1024xf32>
      %add3A_2059 = vector.broadcast %add3A_1917 : vector<8x1xf32> to vector<8x1024xf32>
      %add3A_2060 = arith.addf %add3A_2058, %add3A_2059 : vector<8x1024xf32>
      %sub3A_2061 = arith.subf %mul3A_2057, %add3A_2060 : vector<8x1024xf32>
      %max3A_2062 = arith.maximumf %while3A_1892, %sub3A_2061 : vector<8x1024xf32>
      scf.yield %max3A_1946, %max3A_1975, %max3A_2004, %max3A_2033, %max3A_2062 : vector<8x1024xf32>, vector<8x1024xf32>, vector<8x1024xf32>, vector<8x1024xf32>, vector<8x1024xf32>
    }
    %reduce_max3A = arith.constant dense<0xFF800000> : vector<1024xf32>
    %reduce_max3A_448 = vector.multi_reduction <maximumf>, %while3A_447#0, %reduce_max3A [0] : vector<8x1024xf32> to vector<1024xf32>
    %broadcast_in_dim3A_449 = vector.shape_cast %reduce_max3A_448 : vector<1024xf32> to vector<1x1024xf32>
    %lt3A_450 = arith.constant 0.000000e+00 : f32
    %lt3A_451 = vector.broadcast %lt3A_450 : f32 to vector<1x1024xf32>
    %lt3A_452 = arith.cmpf olt, %broadcast_in_dim3A_449, %lt3A_451 : vector<1x1024xf32>
    %mul3A_453 = arith.mulf %logistic3A_146, %logistic3A_146 : vector<1x1024xf32>
    %jit3A_454 = arith.constant 0.000000e+00 : f32
    %broadcast_in_dim3A_455 = vector.broadcast %jit3A_454 : f32 to vector<1x1024xf32>
    %select_n3A_456 = arith.select %lt3A_452, %mul3A_453, %broadcast_in_dim3A_455 : vector<1x1024xi1>, vector<1x1024xf32>
    %add3A_457 = arith.addf %broadcast_in_dim3A_51, %select_n3A_456 : vector<1x1024xf32>
    %reduce_max3A_458 = arith.constant dense<0xFF800000> : vector<1024xf32>
    %reduce_max3A_459 = vector.multi_reduction <maximumf>, %while3A_447#1, %reduce_max3A_458 [0] : vector<8x1024xf32> to vector<1024xf32>
    %broadcast_in_dim3A_460 = vector.shape_cast %reduce_max3A_459 : vector<1024xf32> to vector<1x1024xf32>
    %lt3A_461 = arith.constant 0.000000e+00 : f32
    %lt3A_462 = vector.broadcast %lt3A_461 : f32 to vector<1x1024xf32>
    %lt3A_463 = arith.cmpf olt, %broadcast_in_dim3A_460, %lt3A_462 : vector<1x1024xf32>
    %mul3A_464 = arith.mulf %logistic3A_212, %logistic3A_212 : vector<1x1024xf32>
    %jit3A_465 = arith.constant 0.000000e+00 : f32
    %broadcast_in_dim3A_466 = vector.broadcast %jit3A_465 : f32 to vector<1x1024xf32>
    %select_n3A_467 = arith.select %lt3A_463, %mul3A_464, %broadcast_in_dim3A_466 : vector<1x1024xi1>, vector<1x1024xf32>
    %add3A_468 = arith.addf %add3A_457, %select_n3A_467 : vector<1x1024xf32>
    %reduce_max3A_469 = arith.constant dense<0xFF800000> : vector<1024xf32>
    %reduce_max3A_470 = vector.multi_reduction <maximumf>, %while3A_447#2, %reduce_max3A_469 [0] : vector<8x1024xf32> to vector<1024xf32>
    %broadcast_in_dim3A_471 = vector.shape_cast %reduce_max3A_470 : vector<1024xf32> to vector<1x1024xf32>
    %lt3A_472 = arith.constant 0.000000e+00 : f32
    %lt3A_473 = vector.broadcast %lt3A_472 : f32 to vector<1x1024xf32>
    %lt3A_474 = arith.cmpf olt, %broadcast_in_dim3A_471, %lt3A_473 : vector<1x1024xf32>
    %mul3A_475 = arith.mulf %logistic3A_278, %logistic3A_278 : vector<1x1024xf32>
    %jit3A_476 = arith.constant 0.000000e+00 : f32
    %broadcast_in_dim3A_477 = vector.broadcast %jit3A_476 : f32 to vector<1x1024xf32>
    %select_n3A_478 = arith.select %lt3A_474, %mul3A_475, %broadcast_in_dim3A_477 : vector<1x1024xi1>, vector<1x1024xf32>
    %add3A_479 = arith.addf %add3A_468, %select_n3A_478 : vector<1x1024xf32>
    %reduce_max3A_480 = arith.constant dense<0xFF800000> : vector<1024xf32>
    %reduce_max3A_481 = vector.multi_reduction <maximumf>, %while3A_447#3, %reduce_max3A_480 [0] : vector<8x1024xf32> to vector<1024xf32>
    %broadcast_in_dim3A_482 = vector.shape_cast %reduce_max3A_481 : vector<1024xf32> to vector<1x1024xf32>
    %lt3A_483 = arith.constant 0.000000e+00 : f32
    %lt3A_484 = vector.broadcast %lt3A_483 : f32 to vector<1x1024xf32>
    %lt3A_485 = arith.cmpf olt, %broadcast_in_dim3A_482, %lt3A_484 : vector<1x1024xf32>
    %mul3A_486 = arith.mulf %logistic3A_344, %logistic3A_344 : vector<1x1024xf32>
    %jit3A_487 = arith.constant 0.000000e+00 : f32
    %broadcast_in_dim3A_488 = vector.broadcast %jit3A_487 : f32 to vector<1x1024xf32>
    %select_n3A_489 = arith.select %lt3A_485, %mul3A_486, %broadcast_in_dim3A_488 : vector<1x1024xi1>, vector<1x1024xf32>
    %add3A_490 = arith.addf %add3A_479, %select_n3A_489 : vector<1x1024xf32>
    %reduce_max3A_491 = arith.constant dense<0xFF800000> : vector<1024xf32>
    %reduce_max3A_492 = vector.multi_reduction <maximumf>, %while3A_447#4, %reduce_max3A_491 [0] : vector<8x1024xf32> to vector<1024xf32>
    %broadcast_in_dim3A_493 = vector.shape_cast %reduce_max3A_492 : vector<1024xf32> to vector<1x1024xf32>
    %lt3A_494 = arith.constant 0.000000e+00 : f32
    %lt3A_495 = vector.broadcast %lt3A_494 : f32 to vector<1x1024xf32>
    %lt3A_496 = arith.cmpf olt, %broadcast_in_dim3A_493, %lt3A_495 : vector<1x1024xf32>
    %mul3A_497 = arith.mulf %logistic3A_410, %logistic3A_410 : vector<1x1024xf32>
    %jit3A_498 = arith.constant 0.000000e+00 : f32
    %broadcast_in_dim3A_499 = vector.broadcast %jit3A_498 : f32 to vector<1x1024xf32>
    %select_n3A_500 = arith.select %lt3A_496, %mul3A_497, %broadcast_in_dim3A_499 : vector<1x1024xi1>, vector<1x1024xf32>
    %add3A_501 = arith.addf %add3A_490, %select_n3A_500 : vector<1x1024xf32>
    %mul3A_502 = arith.constant 4 : i32
    %mul3A_503 = arith.muli %arg0, %mul3A_502 : i32
    %add3A_504 = arith.constant 1 : i32
    %add3A_505 = arith.addi %mul3A_503, %add3A_504 : i32
    %convert_element_type3A_506 = arith.sitofp %add3A_505 : i32 to f32
    %get3A_507 = arith.constant 1 : index
    %get3A_508 = arith.constant 0 : index
    %get3A_509 = arith.constant 0 : index
    %get3A_510 = vector.load %arg1[%get3A_507, %get3A_508, %get3A_509] : memref<4x125x1024xf32, #tpu.memory_space<vmem>>, vector<1x125x1024xf32>
    %get3A_511 = vector.shape_cast %get3A_510 : vector<1x125x1024xf32> to vector<125x1024xf32>
    %eq3A_512 = vector.broadcast %convert_element_type3A_506 : f32 to vector<128x1xf32>
    %eq3A_513 = arith.cmpf oeq, %get3A_1, %eq3A_512 : vector<128x1xf32>
    %convert_element_type3A_514 = arith.extui %eq3A_513 : vector<128x1xi1> to vector<128x1xi32>
    %reduce_sum3A_515 = vector.shape_cast %convert_element_type3A_514 : vector<128x1xi32> to vector<1x128x1xi32>
    %reduce_sum3A_516 = arith.constant dense<0> : vector<1xi32>
    %reduce_sum3A_517 = vector.multi_reduction <add>, %reduce_sum3A_515, %reduce_sum3A_516 [1, 2] : vector<1x128x1xi32> to vector<1xi32>
    %reduce_sum3A_518 = vector.shape_cast %reduce_sum3A_517 : vector<1xi32> to vector<1x1x1xi32>
    %reduce_sum3A_519 = vector.extract %reduce_sum3A_518[0, 0, 0] : i32 from vector<1x1x1xi32>
    %lt3A_520 = vector.broadcast %convert_element_type3A_506 : f32 to vector<128x1xf32>
    %lt3A_521 = arith.cmpf olt, %get3A_1, %lt3A_520 : vector<128x1xf32>
    %convert_element_type3A_522 = arith.extui %lt3A_521 : vector<128x1xi1> to vector<128x1xi32>
    %reduce_sum3A_523 = vector.shape_cast %convert_element_type3A_522 : vector<128x1xi32> to vector<1x128x1xi32>
    %reduce_sum3A_524 = arith.constant dense<0> : vector<1xi32>
    %reduce_sum3A_525 = vector.multi_reduction <add>, %reduce_sum3A_523, %reduce_sum3A_524 [1, 2] : vector<1x128x1xi32> to vector<1xi32>
    %reduce_sum3A_526 = vector.shape_cast %reduce_sum3A_525 : vector<1xi32> to vector<1x1x1xi32>
    %reduce_sum3A_527 = vector.extract %reduce_sum3A_526[0, 0, 0] : i32 from vector<1x1x1xi32>
    %add3A_528 = arith.addi %reduce_sum3A_527, %reduce_sum3A_519 : i32
    %add3A_529 = arith.constant 7 : i32
    %add3A_530 = arith.addi %reduce_sum3A_519, %add3A_529 : i32
    %jit3A_531 = arith.constant 8 : i32
    %div3A_532 = arith.divsi %add3A_530, %jit3A_531 : i32
    %sign3A_533 = arith.constant 0 : i32
    %sign3A_534 = arith.cmpi sgt, %add3A_530, %sign3A_533 : i32
    %sign3A_535 = arith.extui %sign3A_534 : i1 to i32
    %sign3A_536 = arith.constant 0 : i32
    %sign3A_537 = arith.cmpi slt, %add3A_530, %sign3A_536 : i32
    %sign3A_538 = arith.extui %sign3A_537 : i1 to i32
    %sign3A_539 = arith.subi %sign3A_535, %sign3A_538 : i32
    %sign3A_540 = arith.constant 0 : i32
    %sign3A_541 = arith.cmpi sgt, %jit3A_531, %sign3A_540 : i32
    %sign3A_542 = arith.extui %sign3A_541 : i1 to i32
    %sign3A_543 = arith.constant 0 : i32
    %sign3A_544 = arith.cmpi slt, %jit3A_531, %sign3A_543 : i32
    %sign3A_545 = arith.extui %sign3A_544 : i1 to i32
    %sign3A_546 = arith.subi %sign3A_542, %sign3A_545 : i32
    %ne3A_547 = arith.cmpi ne, %sign3A_539, %sign3A_546 : i32
    %rem3A_548 = arith.remsi %add3A_530, %jit3A_531 : i32
    %ne3A_549 = arith.constant 0 : i32
    %ne3A_550 = arith.cmpi ne, %rem3A_548, %ne3A_549 : i32
    %and3A_551 = arith.andi %ne3A_547, %ne3A_550 : i1
    %sub3A_552 = arith.constant 1 : i32
    %sub3A_553 = arith.subi %div3A_532, %sub3A_552 : i32
    %select_n3A_554 = arith.select %and3A_551, %sub3A_553, %div3A_532 : i32
    %get3A_555 = arith.constant 0 : index
    %get3A_556 = arith.constant 0 : index
    %get3A_557 = vector.load %arg4[%get3A_555, %get3A_556] : memref<5x2xf32, #tpu.memory_space<vmem>>, vector<1x1xf32>
    %get3A_558 = arith.constant 0 : index
    %get3A_559 = arith.constant 1 : index
    %get3A_560 = vector.load %arg4[%get3A_558, %get3A_559] : memref<5x2xf32, #tpu.memory_space<vmem>>, vector<1x1xf32>
    %slice3A_561 = vector.extract_strided_slice %get3A_511 {offsets = [0, 0], sizes = [1, 1024], strides = [1, 1]} : vector<125x1024xf32> to vector<1x1024xf32>
    %logistic3A_562 = arith.negf %slice3A_561 : vector<1x1024xf32>
    %logistic3A_563 = math.exp %logistic3A_562 : vector<1x1024xf32>
    %logistic3A_564 = arith.constant 1.000000e+00 : f32
    %logistic3A_565 = vector.broadcast %logistic3A_564 : f32 to vector<1x1024xf32>
    %logistic3A_566 = arith.addf %logistic3A_565, %logistic3A_563 : vector<1x1024xf32>
    %logistic3A_567 = arith.divf %logistic3A_565, %logistic3A_566 : vector<1x1024xf32>
    %add3A_568 = arith.addf %logistic3A_567, %convert_element_type3A_20 : vector<1x1024xf32>
    %slice3A_569 = vector.extract_strided_slice %get3A_511 {offsets = [1, 0], sizes = [1, 1024], strides = [1, 1]} : vector<125x1024xf32> to vector<1x1024xf32>
    %logistic3A_570 = arith.negf %slice3A_569 : vector<1x1024xf32>
    %logistic3A_571 = math.exp %logistic3A_570 : vector<1x1024xf32>
    %logistic3A_572 = arith.constant 1.000000e+00 : f32
    %logistic3A_573 = vector.broadcast %logistic3A_572 : f32 to vector<1x1024xf32>
    %logistic3A_574 = arith.addf %logistic3A_573, %logistic3A_571 : vector<1x1024xf32>
    %logistic3A_575 = arith.divf %logistic3A_573, %logistic3A_574 : vector<1x1024xf32>
    %add3A_576 = arith.addf %logistic3A_575, %convert_element_type3A_49 : vector<1x1024xf32>
    %slice3A_577 = vector.extract_strided_slice %get3A_511 {offsets = [2, 0], sizes = [1, 1024], strides = [1, 1]} : vector<125x1024xf32> to vector<1x1024xf32>
    %jit3A_578 = arith.constant -1.000000e+01 : f32
    %jit3A_579 = arith.constant 1.000000e+01 : f32
    %max3A_580 = vector.broadcast %jit3A_578 : f32 to vector<1x1024xf32>
    %max3A_581 = arith.maximumf %max3A_580, %slice3A_577 : vector<1x1024xf32>
    %min3A_582 = vector.broadcast %jit3A_579 : f32 to vector<1x1024xf32>
    %min3A_583 = arith.minimumf %min3A_582, %max3A_581 : vector<1x1024xf32>
    %exp3A_584 = math.exp %min3A_583 : vector<1x1024xf32>
    %mul3A_585 = vector.broadcast %get3A_557 : vector<1x1xf32> to vector<1x1024xf32>
    %mul3A_586 = arith.mulf %exp3A_584, %mul3A_585 : vector<1x1024xf32>
    %slice3A_587 = vector.extract_strided_slice %get3A_511 {offsets = [3, 0], sizes = [1, 1024], strides = [1, 1]} : vector<125x1024xf32> to vector<1x1024xf32>
    %jit3A_588 = arith.constant -1.000000e+01 : f32
    %jit3A_589 = arith.constant 1.000000e+01 : f32
    %max3A_590 = vector.broadcast %jit3A_588 : f32 to vector<1x1024xf32>
    %max3A_591 = arith.maximumf %max3A_590, %slice3A_587 : vector<1x1024xf32>
    %min3A_592 = vector.broadcast %jit3A_589 : f32 to vector<1x1024xf32>
    %min3A_593 = arith.minimumf %min3A_592, %max3A_591 : vector<1x1024xf32>
    %exp3A_594 = math.exp %min3A_593 : vector<1x1024xf32>
    %mul3A_595 = vector.broadcast %get3A_560 : vector<1x1xf32> to vector<1x1024xf32>
    %mul3A_596 = arith.mulf %exp3A_594, %mul3A_595 : vector<1x1024xf32>
    %slice3A_597 = vector.extract_strided_slice %get3A_511 {offsets = [4, 0], sizes = [1, 1024], strides = [1, 1]} : vector<125x1024xf32> to vector<1x1024xf32>
    %logistic3A_598 = arith.negf %slice3A_597 : vector<1x1024xf32>
    %logistic3A_599 = math.exp %logistic3A_598 : vector<1x1024xf32>
    %logistic3A_600 = arith.constant 1.000000e+00 : f32
    %logistic3A_601 = vector.broadcast %logistic3A_600 : f32 to vector<1x1024xf32>
    %logistic3A_602 = arith.addf %logistic3A_601, %logistic3A_599 : vector<1x1024xf32>
    %logistic3A_603 = arith.divf %logistic3A_601, %logistic3A_602 : vector<1x1024xf32>
    %mul3A_604 = arith.constant 5.000000e-01 : f32
    %mul3A_605 = vector.broadcast %mul3A_604 : f32 to vector<1x1024xf32>
    %mul3A_606 = arith.mulf %mul3A_605, %mul3A_586 : vector<1x1024xf32>
    %sub3A_607 = arith.subf %add3A_568, %mul3A_606 : vector<1x1024xf32>
    %mul3A_608 = arith.constant 5.000000e-01 : f32
    %mul3A_609 = vector.broadcast %mul3A_608 : f32 to vector<1x1024xf32>
    %mul3A_610 = arith.mulf %mul3A_609, %mul3A_586 : vector<1x1024xf32>
    %add3A_611 = arith.addf %add3A_568, %mul3A_610 : vector<1x1024xf32>
    %mul3A_612 = arith.constant 5.000000e-01 : f32
    %mul3A_613 = vector.broadcast %mul3A_612 : f32 to vector<1x1024xf32>
    %mul3A_614 = arith.mulf %mul3A_613, %mul3A_596 : vector<1x1024xf32>
    %sub3A_615 = arith.subf %add3A_576, %mul3A_614 : vector<1x1024xf32>
    %mul3A_616 = arith.constant 5.000000e-01 : f32
    %mul3A_617 = vector.broadcast %mul3A_616 : f32 to vector<1x1024xf32>
    %mul3A_618 = arith.mulf %mul3A_617, %mul3A_596 : vector<1x1024xf32>
    %add3A_619 = arith.addf %add3A_576, %mul3A_618 : vector<1x1024xf32>
    %mul3A_620 = arith.mulf %mul3A_586, %mul3A_596 : vector<1x1024xf32>
    %get3A_621 = arith.constant 1 : index
    %get3A_622 = arith.constant 0 : index
    %get3A_623 = vector.load %arg4[%get3A_621, %get3A_622] : memref<5x2xf32, #tpu.memory_space<vmem>>, vector<1x1xf32>
    %get3A_624 = arith.constant 1 : index
    %get3A_625 = arith.constant 1 : index
    %get3A_626 = vector.load %arg4[%get3A_624, %get3A_625] : memref<5x2xf32, #tpu.memory_space<vmem>>, vector<1x1xf32>
    %slice3A_627 = vector.extract_strided_slice %get3A_511 {offsets = [25, 0], sizes = [1, 1024], strides = [1, 1]} : vector<125x1024xf32> to vector<1x1024xf32>
    %logistic3A_628 = arith.negf %slice3A_627 : vector<1x1024xf32>
    %logistic3A_629 = math.exp %logistic3A_628 : vector<1x1024xf32>
    %logistic3A_630 = arith.constant 1.000000e+00 : f32
    %logistic3A_631 = vector.broadcast %logistic3A_630 : f32 to vector<1x1024xf32>
    %logistic3A_632 = arith.addf %logistic3A_631, %logistic3A_629 : vector<1x1024xf32>
    %logistic3A_633 = arith.divf %logistic3A_631, %logistic3A_632 : vector<1x1024xf32>
    %add3A_634 = arith.addf %logistic3A_633, %convert_element_type3A_20 : vector<1x1024xf32>
    %slice3A_635 = vector.extract_strided_slice %get3A_511 {offsets = [26, 0], sizes = [1, 1024], strides = [1, 1]} : vector<125x1024xf32> to vector<1x1024xf32>
    %logistic3A_636 = arith.negf %slice3A_635 : vector<1x1024xf32>
    %logistic3A_637 = math.exp %logistic3A_636 : vector<1x1024xf32>
    %logistic3A_638 = arith.constant 1.000000e+00 : f32
    %logistic3A_639 = vector.broadcast %logistic3A_638 : f32 to vector<1x1024xf32>
    %logistic3A_640 = arith.addf %logistic3A_639, %logistic3A_637 : vector<1x1024xf32>
    %logistic3A_641 = arith.divf %logistic3A_639, %logistic3A_640 : vector<1x1024xf32>
    %add3A_642 = arith.addf %logistic3A_641, %convert_element_type3A_49 : vector<1x1024xf32>
    %slice3A_643 = vector.extract_strided_slice %get3A_511 {offsets = [27, 0], sizes = [1, 1024], strides = [1, 1]} : vector<125x1024xf32> to vector<1x1024xf32>
    %jit3A_644 = arith.constant -1.000000e+01 : f32
    %jit3A_645 = arith.constant 1.000000e+01 : f32
    %max3A_646 = vector.broadcast %jit3A_644 : f32 to vector<1x1024xf32>
    %max3A_647 = arith.maximumf %max3A_646, %slice3A_643 : vector<1x1024xf32>
    %min3A_648 = vector.broadcast %jit3A_645 : f32 to vector<1x1024xf32>
    %min3A_649 = arith.minimumf %min3A_648, %max3A_647 : vector<1x1024xf32>
    %exp3A_650 = math.exp %min3A_649 : vector<1x1024xf32>
    %mul3A_651 = vector.broadcast %get3A_623 : vector<1x1xf32> to vector<1x1024xf32>
    %mul3A_652 = arith.mulf %exp3A_650, %mul3A_651 : vector<1x1024xf32>
    %slice3A_653 = vector.extract_strided_slice %get3A_511 {offsets = [28, 0], sizes = [1, 1024], strides = [1, 1]} : vector<125x1024xf32> to vector<1x1024xf32>
    %jit3A_654 = arith.constant -1.000000e+01 : f32
    %jit3A_655 = arith.constant 1.000000e+01 : f32
    %max3A_656 = vector.broadcast %jit3A_654 : f32 to vector<1x1024xf32>
    %max3A_657 = arith.maximumf %max3A_656, %slice3A_653 : vector<1x1024xf32>
    %min3A_658 = vector.broadcast %jit3A_655 : f32 to vector<1x1024xf32>
    %min3A_659 = arith.minimumf %min3A_658, %max3A_657 : vector<1x1024xf32>
    %exp3A_660 = math.exp %min3A_659 : vector<1x1024xf32>
    %mul3A_661 = vector.broadcast %get3A_626 : vector<1x1xf32> to vector<1x1024xf32>
    %mul3A_662 = arith.mulf %exp3A_660, %mul3A_661 : vector<1x1024xf32>
    %slice3A_663 = vector.extract_strided_slice %get3A_511 {offsets = [29, 0], sizes = [1, 1024], strides = [1, 1]} : vector<125x1024xf32> to vector<1x1024xf32>
    %logistic3A_664 = arith.negf %slice3A_663 : vector<1x1024xf32>
    %logistic3A_665 = math.exp %logistic3A_664 : vector<1x1024xf32>
    %logistic3A_666 = arith.constant 1.000000e+00 : f32
    %logistic3A_667 = vector.broadcast %logistic3A_666 : f32 to vector<1x1024xf32>
    %logistic3A_668 = arith.addf %logistic3A_667, %logistic3A_665 : vector<1x1024xf32>
    %logistic3A_669 = arith.divf %logistic3A_667, %logistic3A_668 : vector<1x1024xf32>
    %mul3A_670 = arith.constant 5.000000e-01 : f32
    %mul3A_671 = vector.broadcast %mul3A_670 : f32 to vector<1x1024xf32>
    %mul3A_672 = arith.mulf %mul3A_671, %mul3A_652 : vector<1x1024xf32>
    %sub3A_673 = arith.subf %add3A_634, %mul3A_672 : vector<1x1024xf32>
    %mul3A_674 = arith.constant 5.000000e-01 : f32
    %mul3A_675 = vector.broadcast %mul3A_674 : f32 to vector<1x1024xf32>
    %mul3A_676 = arith.mulf %mul3A_675, %mul3A_652 : vector<1x1024xf32>
    %add3A_677 = arith.addf %add3A_634, %mul3A_676 : vector<1x1024xf32>
    %mul3A_678 = arith.constant 5.000000e-01 : f32
    %mul3A_679 = vector.broadcast %mul3A_678 : f32 to vector<1x1024xf32>
    %mul3A_680 = arith.mulf %mul3A_679, %mul3A_662 : vector<1x1024xf32>
    %sub3A_681 = arith.subf %add3A_642, %mul3A_680 : vector<1x1024xf32>
    %mul3A_682 = arith.constant 5.000000e-01 : f32
    %mul3A_683 = vector.broadcast %mul3A_682 : f32 to vector<1x1024xf32>
    %mul3A_684 = arith.mulf %mul3A_683, %mul3A_662 : vector<1x1024xf32>
    %add3A_685 = arith.addf %add3A_642, %mul3A_684 : vector<1x1024xf32>
    %mul3A_686 = arith.mulf %mul3A_652, %mul3A_662 : vector<1x1024xf32>
    %get3A_687 = arith.constant 2 : index
    %get3A_688 = arith.constant 0 : index
    %get3A_689 = vector.load %arg4[%get3A_687, %get3A_688] : memref<5x2xf32, #tpu.memory_space<vmem>>, vector<1x1xf32>
    %get3A_690 = arith.constant 2 : index
    %get3A_691 = arith.constant 1 : index
    %get3A_692 = vector.load %arg4[%get3A_690, %get3A_691] : memref<5x2xf32, #tpu.memory_space<vmem>>, vector<1x1xf32>
    %slice3A_693 = vector.extract_strided_slice %get3A_511 {offsets = [50, 0], sizes = [1, 1024], strides = [1, 1]} : vector<125x1024xf32> to vector<1x1024xf32>
    %logistic3A_694 = arith.negf %slice3A_693 : vector<1x1024xf32>
    %logistic3A_695 = math.exp %logistic3A_694 : vector<1x1024xf32>
    %logistic3A_696 = arith.constant 1.000000e+00 : f32
    %logistic3A_697 = vector.broadcast %logistic3A_696 : f32 to vector<1x1024xf32>
    %logistic3A_698 = arith.addf %logistic3A_697, %logistic3A_695 : vector<1x1024xf32>
    %logistic3A_699 = arith.divf %logistic3A_697, %logistic3A_698 : vector<1x1024xf32>
    %add3A_700 = arith.addf %logistic3A_699, %convert_element_type3A_20 : vector<1x1024xf32>
    %slice3A_701 = vector.extract_strided_slice %get3A_511 {offsets = [51, 0], sizes = [1, 1024], strides = [1, 1]} : vector<125x1024xf32> to vector<1x1024xf32>
    %logistic3A_702 = arith.negf %slice3A_701 : vector<1x1024xf32>
    %logistic3A_703 = math.exp %logistic3A_702 : vector<1x1024xf32>
    %logistic3A_704 = arith.constant 1.000000e+00 : f32
    %logistic3A_705 = vector.broadcast %logistic3A_704 : f32 to vector<1x1024xf32>
    %logistic3A_706 = arith.addf %logistic3A_705, %logistic3A_703 : vector<1x1024xf32>
    %logistic3A_707 = arith.divf %logistic3A_705, %logistic3A_706 : vector<1x1024xf32>
    %add3A_708 = arith.addf %logistic3A_707, %convert_element_type3A_49 : vector<1x1024xf32>
    %slice3A_709 = vector.extract_strided_slice %get3A_511 {offsets = [52, 0], sizes = [1, 1024], strides = [1, 1]} : vector<125x1024xf32> to vector<1x1024xf32>
    %jit3A_710 = arith.constant -1.000000e+01 : f32
    %jit3A_711 = arith.constant 1.000000e+01 : f32
    %max3A_712 = vector.broadcast %jit3A_710 : f32 to vector<1x1024xf32>
    %max3A_713 = arith.maximumf %max3A_712, %slice3A_709 : vector<1x1024xf32>
    %min3A_714 = vector.broadcast %jit3A_711 : f32 to vector<1x1024xf32>
    %min3A_715 = arith.minimumf %min3A_714, %max3A_713 : vector<1x1024xf32>
    %exp3A_716 = math.exp %min3A_715 : vector<1x1024xf32>
    %mul3A_717 = vector.broadcast %get3A_689 : vector<1x1xf32> to vector<1x1024xf32>
    %mul3A_718 = arith.mulf %exp3A_716, %mul3A_717 : vector<1x1024xf32>
    %slice3A_719 = vector.extract_strided_slice %get3A_511 {offsets = [53, 0], sizes = [1, 1024], strides = [1, 1]} : vector<125x1024xf32> to vector<1x1024xf32>
    %jit3A_720 = arith.constant -1.000000e+01 : f32
    %jit3A_721 = arith.constant 1.000000e+01 : f32
    %max3A_722 = vector.broadcast %jit3A_720 : f32 to vector<1x1024xf32>
    %max3A_723 = arith.maximumf %max3A_722, %slice3A_719 : vector<1x1024xf32>
    %min3A_724 = vector.broadcast %jit3A_721 : f32 to vector<1x1024xf32>
    %min3A_725 = arith.minimumf %min3A_724, %max3A_723 : vector<1x1024xf32>
    %exp3A_726 = math.exp %min3A_725 : vector<1x1024xf32>
    %mul3A_727 = vector.broadcast %get3A_692 : vector<1x1xf32> to vector<1x1024xf32>
    %mul3A_728 = arith.mulf %exp3A_726, %mul3A_727 : vector<1x1024xf32>
    %slice3A_729 = vector.extract_strided_slice %get3A_511 {offsets = [54, 0], sizes = [1, 1024], strides = [1, 1]} : vector<125x1024xf32> to vector<1x1024xf32>
    %logistic3A_730 = arith.negf %slice3A_729 : vector<1x1024xf32>
    %logistic3A_731 = math.exp %logistic3A_730 : vector<1x1024xf32>
    %logistic3A_732 = arith.constant 1.000000e+00 : f32
    %logistic3A_733 = vector.broadcast %logistic3A_732 : f32 to vector<1x1024xf32>
    %logistic3A_734 = arith.addf %logistic3A_733, %logistic3A_731 : vector<1x1024xf32>
    %logistic3A_735 = arith.divf %logistic3A_733, %logistic3A_734 : vector<1x1024xf32>
    %mul3A_736 = arith.constant 5.000000e-01 : f32
    %mul3A_737 = vector.broadcast %mul3A_736 : f32 to vector<1x1024xf32>
    %mul3A_738 = arith.mulf %mul3A_737, %mul3A_718 : vector<1x1024xf32>
    %sub3A_739 = arith.subf %add3A_700, %mul3A_738 : vector<1x1024xf32>
    %mul3A_740 = arith.constant 5.000000e-01 : f32
    %mul3A_741 = vector.broadcast %mul3A_740 : f32 to vector<1x1024xf32>
    %mul3A_742 = arith.mulf %mul3A_741, %mul3A_718 : vector<1x1024xf32>
    %add3A_743 = arith.addf %add3A_700, %mul3A_742 : vector<1x1024xf32>
    %mul3A_744 = arith.constant 5.000000e-01 : f32
    %mul3A_745 = vector.broadcast %mul3A_744 : f32 to vector<1x1024xf32>
    %mul3A_746 = arith.mulf %mul3A_745, %mul3A_728 : vector<1x1024xf32>
    %sub3A_747 = arith.subf %add3A_708, %mul3A_746 : vector<1x1024xf32>
    %mul3A_748 = arith.constant 5.000000e-01 : f32
    %mul3A_749 = vector.broadcast %mul3A_748 : f32 to vector<1x1024xf32>
    %mul3A_750 = arith.mulf %mul3A_749, %mul3A_728 : vector<1x1024xf32>
    %add3A_751 = arith.addf %add3A_708, %mul3A_750 : vector<1x1024xf32>
    %mul3A_752 = arith.mulf %mul3A_718, %mul3A_728 : vector<1x1024xf32>
    %get3A_753 = arith.constant 3 : index
    %get3A_754 = arith.constant 0 : index
    %get3A_755 = vector.load %arg4[%get3A_753, %get3A_754] : memref<5x2xf32, #tpu.memory_space<vmem>>, vector<1x1xf32>
    %get3A_756 = arith.constant 3 : index
    %get3A_757 = arith.constant 1 : index
    %get3A_758 = vector.load %arg4[%get3A_756, %get3A_757] : memref<5x2xf32, #tpu.memory_space<vmem>>, vector<1x1xf32>
    %slice3A_759 = vector.extract_strided_slice %get3A_511 {offsets = [75, 0], sizes = [1, 1024], strides = [1, 1]} : vector<125x1024xf32> to vector<1x1024xf32>
    %logistic3A_760 = arith.negf %slice3A_759 : vector<1x1024xf32>
    %logistic3A_761 = math.exp %logistic3A_760 : vector<1x1024xf32>
    %logistic3A_762 = arith.constant 1.000000e+00 : f32
    %logistic3A_763 = vector.broadcast %logistic3A_762 : f32 to vector<1x1024xf32>
    %logistic3A_764 = arith.addf %logistic3A_763, %logistic3A_761 : vector<1x1024xf32>
    %logistic3A_765 = arith.divf %logistic3A_763, %logistic3A_764 : vector<1x1024xf32>
    %add3A_766 = arith.addf %logistic3A_765, %convert_element_type3A_20 : vector<1x1024xf32>
    %slice3A_767 = vector.extract_strided_slice %get3A_511 {offsets = [76, 0], sizes = [1, 1024], strides = [1, 1]} : vector<125x1024xf32> to vector<1x1024xf32>
    %logistic3A_768 = arith.negf %slice3A_767 : vector<1x1024xf32>
    %logistic3A_769 = math.exp %logistic3A_768 : vector<1x1024xf32>
    %logistic3A_770 = arith.constant 1.000000e+00 : f32
    %logistic3A_771 = vector.broadcast %logistic3A_770 : f32 to vector<1x1024xf32>
    %logistic3A_772 = arith.addf %logistic3A_771, %logistic3A_769 : vector<1x1024xf32>
    %logistic3A_773 = arith.divf %logistic3A_771, %logistic3A_772 : vector<1x1024xf32>
    %add3A_774 = arith.addf %logistic3A_773, %convert_element_type3A_49 : vector<1x1024xf32>
    %slice3A_775 = vector.extract_strided_slice %get3A_511 {offsets = [77, 0], sizes = [1, 1024], strides = [1, 1]} : vector<125x1024xf32> to vector<1x1024xf32>
    %jit3A_776 = arith.constant -1.000000e+01 : f32
    %jit3A_777 = arith.constant 1.000000e+01 : f32
    %max3A_778 = vector.broadcast %jit3A_776 : f32 to vector<1x1024xf32>
    %max3A_779 = arith.maximumf %max3A_778, %slice3A_775 : vector<1x1024xf32>
    %min3A_780 = vector.broadcast %jit3A_777 : f32 to vector<1x1024xf32>
    %min3A_781 = arith.minimumf %min3A_780, %max3A_779 : vector<1x1024xf32>
    %exp3A_782 = math.exp %min3A_781 : vector<1x1024xf32>
    %mul3A_783 = vector.broadcast %get3A_755 : vector<1x1xf32> to vector<1x1024xf32>
    %mul3A_784 = arith.mulf %exp3A_782, %mul3A_783 : vector<1x1024xf32>
    %slice3A_785 = vector.extract_strided_slice %get3A_511 {offsets = [78, 0], sizes = [1, 1024], strides = [1, 1]} : vector<125x1024xf32> to vector<1x1024xf32>
    %jit3A_786 = arith.constant -1.000000e+01 : f32
    %jit3A_787 = arith.constant 1.000000e+01 : f32
    %max3A_788 = vector.broadcast %jit3A_786 : f32 to vector<1x1024xf32>
    %max3A_789 = arith.maximumf %max3A_788, %slice3A_785 : vector<1x1024xf32>
    %min3A_790 = vector.broadcast %jit3A_787 : f32 to vector<1x1024xf32>
    %min3A_791 = arith.minimumf %min3A_790, %max3A_789 : vector<1x1024xf32>
    %exp3A_792 = math.exp %min3A_791 : vector<1x1024xf32>
    %mul3A_793 = vector.broadcast %get3A_758 : vector<1x1xf32> to vector<1x1024xf32>
    %mul3A_794 = arith.mulf %exp3A_792, %mul3A_793 : vector<1x1024xf32>
    %slice3A_795 = vector.extract_strided_slice %get3A_511 {offsets = [79, 0], sizes = [1, 1024], strides = [1, 1]} : vector<125x1024xf32> to vector<1x1024xf32>
    %logistic3A_796 = arith.negf %slice3A_795 : vector<1x1024xf32>
    %logistic3A_797 = math.exp %logistic3A_796 : vector<1x1024xf32>
    %logistic3A_798 = arith.constant 1.000000e+00 : f32
    %logistic3A_799 = vector.broadcast %logistic3A_798 : f32 to vector<1x1024xf32>
    %logistic3A_800 = arith.addf %logistic3A_799, %logistic3A_797 : vector<1x1024xf32>
    %logistic3A_801 = arith.divf %logistic3A_799, %logistic3A_800 : vector<1x1024xf32>
    %mul3A_802 = arith.constant 5.000000e-01 : f32
    %mul3A_803 = vector.broadcast %mul3A_802 : f32 to vector<1x1024xf32>
    %mul3A_804 = arith.mulf %mul3A_803, %mul3A_784 : vector<1x1024xf32>
    %sub3A_805 = arith.subf %add3A_766, %mul3A_804 : vector<1x1024xf32>
    %mul3A_806 = arith.constant 5.000000e-01 : f32
    %mul3A_807 = vector.broadcast %mul3A_806 : f32 to vector<1x1024xf32>
    %mul3A_808 = arith.mulf %mul3A_807, %mul3A_784 : vector<1x1024xf32>
    %add3A_809 = arith.addf %add3A_766, %mul3A_808 : vector<1x1024xf32>
    %mul3A_810 = arith.constant 5.000000e-01 : f32
    %mul3A_811 = vector.broadcast %mul3A_810 : f32 to vector<1x1024xf32>
    %mul3A_812 = arith.mulf %mul3A_811, %mul3A_794 : vector<1x1024xf32>
    %sub3A_813 = arith.subf %add3A_774, %mul3A_812 : vector<1x1024xf32>
    %mul3A_814 = arith.constant 5.000000e-01 : f32
    %mul3A_815 = vector.broadcast %mul3A_814 : f32 to vector<1x1024xf32>
    %mul3A_816 = arith.mulf %mul3A_815, %mul3A_794 : vector<1x1024xf32>
    %add3A_817 = arith.addf %add3A_774, %mul3A_816 : vector<1x1024xf32>
    %mul3A_818 = arith.mulf %mul3A_784, %mul3A_794 : vector<1x1024xf32>
    %get3A_819 = arith.constant 4 : index
    %get3A_820 = arith.constant 0 : index
    %get3A_821 = vector.load %arg4[%get3A_819, %get3A_820] : memref<5x2xf32, #tpu.memory_space<vmem>>, vector<1x1xf32>
    %get3A_822 = arith.constant 4 : index
    %get3A_823 = arith.constant 1 : index
    %get3A_824 = vector.load %arg4[%get3A_822, %get3A_823] : memref<5x2xf32, #tpu.memory_space<vmem>>, vector<1x1xf32>
    %slice3A_825 = vector.extract_strided_slice %get3A_511 {offsets = [100, 0], sizes = [1, 1024], strides = [1, 1]} : vector<125x1024xf32> to vector<1x1024xf32>
    %logistic3A_826 = arith.negf %slice3A_825 : vector<1x1024xf32>
    %logistic3A_827 = math.exp %logistic3A_826 : vector<1x1024xf32>
    %logistic3A_828 = arith.constant 1.000000e+00 : f32
    %logistic3A_829 = vector.broadcast %logistic3A_828 : f32 to vector<1x1024xf32>
    %logistic3A_830 = arith.addf %logistic3A_829, %logistic3A_827 : vector<1x1024xf32>
    %logistic3A_831 = arith.divf %logistic3A_829, %logistic3A_830 : vector<1x1024xf32>
    %add3A_832 = arith.addf %logistic3A_831, %convert_element_type3A_20 : vector<1x1024xf32>
    %slice3A_833 = vector.extract_strided_slice %get3A_511 {offsets = [101, 0], sizes = [1, 1024], strides = [1, 1]} : vector<125x1024xf32> to vector<1x1024xf32>
    %logistic3A_834 = arith.negf %slice3A_833 : vector<1x1024xf32>
    %logistic3A_835 = math.exp %logistic3A_834 : vector<1x1024xf32>
    %logistic3A_836 = arith.constant 1.000000e+00 : f32
    %logistic3A_837 = vector.broadcast %logistic3A_836 : f32 to vector<1x1024xf32>
    %logistic3A_838 = arith.addf %logistic3A_837, %logistic3A_835 : vector<1x1024xf32>
    %logistic3A_839 = arith.divf %logistic3A_837, %logistic3A_838 : vector<1x1024xf32>
    %add3A_840 = arith.addf %logistic3A_839, %convert_element_type3A_49 : vector<1x1024xf32>
    %slice3A_841 = vector.extract_strided_slice %get3A_511 {offsets = [102, 0], sizes = [1, 1024], strides = [1, 1]} : vector<125x1024xf32> to vector<1x1024xf32>
    %jit3A_842 = arith.constant -1.000000e+01 : f32
    %jit3A_843 = arith.constant 1.000000e+01 : f32
    %max3A_844 = vector.broadcast %jit3A_842 : f32 to vector<1x1024xf32>
    %max3A_845 = arith.maximumf %max3A_844, %slice3A_841 : vector<1x1024xf32>
    %min3A_846 = vector.broadcast %jit3A_843 : f32 to vector<1x1024xf32>
    %min3A_847 = arith.minimumf %min3A_846, %max3A_845 : vector<1x1024xf32>
    %exp3A_848 = math.exp %min3A_847 : vector<1x1024xf32>
    %mul3A_849 = vector.broadcast %get3A_821 : vector<1x1xf32> to vector<1x1024xf32>
    %mul3A_850 = arith.mulf %exp3A_848, %mul3A_849 : vector<1x1024xf32>
    %slice3A_851 = vector.extract_strided_slice %get3A_511 {offsets = [103, 0], sizes = [1, 1024], strides = [1, 1]} : vector<125x1024xf32> to vector<1x1024xf32>
    %jit3A_852 = arith.constant -1.000000e+01 : f32
    %jit3A_853 = arith.constant 1.000000e+01 : f32
    %max3A_854 = vector.broadcast %jit3A_852 : f32 to vector<1x1024xf32>
    %max3A_855 = arith.maximumf %max3A_854, %slice3A_851 : vector<1x1024xf32>
    %min3A_856 = vector.broadcast %jit3A_853 : f32 to vector<1x1024xf32>
    %min3A_857 = arith.minimumf %min3A_856, %max3A_855 : vector<1x1024xf32>
    %exp3A_858 = math.exp %min3A_857 : vector<1x1024xf32>
    %mul3A_859 = vector.broadcast %get3A_824 : vector<1x1xf32> to vector<1x1024xf32>
    %mul3A_860 = arith.mulf %exp3A_858, %mul3A_859 : vector<1x1024xf32>
    %slice3A_861 = vector.extract_strided_slice %get3A_511 {offsets = [104, 0], sizes = [1, 1024], strides = [1, 1]} : vector<125x1024xf32> to vector<1x1024xf32>
    %logistic3A_862 = arith.negf %slice3A_861 : vector<1x1024xf32>
    %logistic3A_863 = math.exp %logistic3A_862 : vector<1x1024xf32>
    %logistic3A_864 = arith.constant 1.000000e+00 : f32
    %logistic3A_865 = vector.broadcast %logistic3A_864 : f32 to vector<1x1024xf32>
    %logistic3A_866 = arith.addf %logistic3A_865, %logistic3A_863 : vector<1x1024xf32>
    %logistic3A_867 = arith.divf %logistic3A_865, %logistic3A_866 : vector<1x1024xf32>
    %mul3A_868 = arith.constant 5.000000e-01 : f32
    %mul3A_869 = vector.broadcast %mul3A_868 : f32 to vector<1x1024xf32>
    %mul3A_870 = arith.mulf %mul3A_869, %mul3A_850 : vector<1x1024xf32>
    %sub3A_871 = arith.subf %add3A_832, %mul3A_870 : vector<1x1024xf32>
    %mul3A_872 = arith.constant 5.000000e-01 : f32
    %mul3A_873 = vector.broadcast %mul3A_872 : f32 to vector<1x1024xf32>
    %mul3A_874 = arith.mulf %mul3A_873, %mul3A_850 : vector<1x1024xf32>
    %add3A_875 = arith.addf %add3A_832, %mul3A_874 : vector<1x1024xf32>
    %mul3A_876 = arith.constant 5.000000e-01 : f32
    %mul3A_877 = vector.broadcast %mul3A_876 : f32 to vector<1x1024xf32>
    %mul3A_878 = arith.mulf %mul3A_877, %mul3A_860 : vector<1x1024xf32>
    %sub3A_879 = arith.subf %add3A_840, %mul3A_878 : vector<1x1024xf32>
    %mul3A_880 = arith.constant 5.000000e-01 : f32
    %mul3A_881 = vector.broadcast %mul3A_880 : f32 to vector<1x1024xf32>
    %mul3A_882 = arith.mulf %mul3A_881, %mul3A_860 : vector<1x1024xf32>
    %add3A_883 = arith.addf %add3A_840, %mul3A_882 : vector<1x1024xf32>
    %mul3A_884 = arith.mulf %mul3A_850, %mul3A_860 : vector<1x1024xf32>
    %broadcast_in_dim3A_885 = arith.constant -1.000000e+00 : f32
    %broadcast_in_dim3A_886 = vector.broadcast %broadcast_in_dim3A_885 : f32 to vector<8x1024xf32>
    %broadcast_in_dim3A_887 = arith.constant -1.000000e+00 : f32
    %broadcast_in_dim3A_888 = vector.broadcast %broadcast_in_dim3A_887 : f32 to vector<8x1024xf32>
    %broadcast_in_dim3A_889 = arith.constant -1.000000e+00 : f32
    %broadcast_in_dim3A_890 = vector.broadcast %broadcast_in_dim3A_889 : f32 to vector<8x1024xf32>
    %broadcast_in_dim3A_891 = arith.constant -1.000000e+00 : f32
    %broadcast_in_dim3A_892 = vector.broadcast %broadcast_in_dim3A_891 : f32 to vector<8x1024xf32>
    %broadcast_in_dim3A_893 = arith.constant -1.000000e+00 : f32
    %broadcast_in_dim3A_894 = vector.broadcast %broadcast_in_dim3A_893 : f32 to vector<8x1024xf32>
    %while3A_895 = arith.constant 0 : i32
    %while3A_896 = arith.subi %select_n3A_554, %while3A_895 : i32
    %while3A_897 = arith.addi %while3A_895, %while3A_896 : i32
    %while3A_898 = arith.constant 1 : i32
    %while3A_899 = arith.divsi %while3A_896, %while3A_898 : i32
    %while3A_900 = arith.muli %while3A_899, %while3A_898 : i32
    %while3A_901 = arith.addi %while3A_895, %while3A_900 : i32
    %while3A_902 = arith.constant 1 : i32
    %while3A_903:5 = scf.for %while3A_1887 = %while3A_895 to %while3A_901 step %while3A_902 iter_args(%while3A_1888 = %broadcast_in_dim3A_886, %while3A_1889 = %broadcast_in_dim3A_888, %while3A_1890 = %broadcast_in_dim3A_890, %while3A_1891 = %broadcast_in_dim3A_892, %while3A_1892 = %broadcast_in_dim3A_894) -> (vector<8x1024xf32>, vector<8x1024xf32>, vector<8x1024xf32>, vector<8x1024xf32>, vector<8x1024xf32>)  : i32 {
      %mul3A_1893 = arith.constant 8 : i32
      %mul3A_1894 = arith.muli %mul3A_1893, %while3A_1887 : i32
      %add3A_1895 = arith.addi %reduce_sum3A_527, %mul3A_1894 : i32
      %min3A_1896 = arith.constant 120 : i32
      %min3A_1897 = arith.minsi %add3A_1895, %min3A_1896 : i32
      %get3A_1898 = arith.index_cast %min3A_1897 : i32 to index
      %get3A_1899 = arith.constant 0 : index
      %get3A_1900 = vector.load %arg6[%get3A_1898, %get3A_1899] : memref<128x8xf32, #tpu.memory_space<vmem>>, vector<8x8xf32>
      %slice3A_1901 = vector.extract_strided_slice %get3A_1900 {offsets = [0, 0], sizes = [8, 1], strides = [1, 1]} : vector<8x8xf32> to vector<8x1xf32>
      %slice3A_1902 = vector.extract_strided_slice %get3A_1900 {offsets = [0, 1], sizes = [8, 1], strides = [1, 1]} : vector<8x8xf32> to vector<8x1xf32>
      %slice3A_1903 = vector.extract_strided_slice %get3A_1900 {offsets = [0, 2], sizes = [8, 1], strides = [1, 1]} : vector<8x8xf32> to vector<8x1xf32>
      %slice3A_1904 = vector.extract_strided_slice %get3A_1900 {offsets = [0, 3], sizes = [8, 1], strides = [1, 1]} : vector<8x8xf32> to vector<8x1xf32>
      %slice3A_1905 = vector.extract_strided_slice %get3A_1900 {offsets = [0, 4], sizes = [8, 1], strides = [1, 1]} : vector<8x8xf32> to vector<8x1xf32>
      %add3A_1906 = vector.broadcast %min3A_1897 : i32 to vector<8x1xi32>
      %add3A_1907 = arith.addi %iota3A_50, %add3A_1906 : vector<8x1xi32>
      %ge3A = vector.broadcast %add3A_1895 : i32 to vector<8x1xi32>
      %ge3A_1908 = arith.cmpi sge, %add3A_1907, %ge3A : vector<8x1xi32>
      %lt3A_1909 = vector.broadcast %add3A_528 : i32 to vector<8x1xi32>
      %lt3A_1910 = arith.cmpi slt, %add3A_1907, %lt3A_1909 : vector<8x1xi32>
      %and3A_1911 = arith.andi %ge3A_1908, %lt3A_1910 : vector<8x1xi1>
      %jit3A_1912 = arith.constant 0.000000e+00 : f32
      %jit3A_1913 = arith.constant 1.000000e+09 : f32
      %broadcast_in_dim3A_1914 = vector.broadcast %jit3A_1912 : f32 to vector<8x1xf32>
      %broadcast_in_dim3A_1915 = vector.broadcast %jit3A_1913 : f32 to vector<8x1xf32>
      %select_n3A_1916 = arith.select %and3A_1911, %broadcast_in_dim3A_1914, %broadcast_in_dim3A_1915 : vector<8x1xi1>, vector<8x1xf32>
      %add3A_1917 = arith.addf %slice3A_1905, %select_n3A_1916 : vector<8x1xf32>
      %min3A_1918 = vector.broadcast %add3A_611 : vector<1x1024xf32> to vector<8x1024xf32>
      %min3A_1919 = vector.broadcast %slice3A_1903 : vector<8x1xf32> to vector<8x1024xf32>
      %min3A_1920 = arith.minimumf %min3A_1918, %min3A_1919 : vector<8x1024xf32>
      %max3A_1921 = vector.broadcast %sub3A_607 : vector<1x1024xf32> to vector<8x1024xf32>
      %max3A_1922 = vector.broadcast %slice3A_1901 : vector<8x1xf32> to vector<8x1024xf32>
      %max3A_1923 = arith.maximumf %max3A_1921, %max3A_1922 : vector<8x1024xf32>
      %sub3A_1924 = arith.subf %min3A_1920, %max3A_1923 : vector<8x1024xf32>
      %max3A_1925 = arith.constant 0.000000e+00 : f32
      %max3A_1926 = vector.broadcast %max3A_1925 : f32 to vector<8x1024xf32>
      %max3A_1927 = arith.maximumf %sub3A_1924, %max3A_1926 : vector<8x1024xf32>
      %min3A_1928 = vector.broadcast %add3A_619 : vector<1x1024xf32> to vector<8x1024xf32>
      %min3A_1929 = vector.broadcast %slice3A_1904 : vector<8x1xf32> to vector<8x1024xf32>
      %min3A_1930 = arith.minimumf %min3A_1928, %min3A_1929 : vector<8x1024xf32>
      %max3A_1931 = vector.broadcast %sub3A_615 : vector<1x1024xf32> to vector<8x1024xf32>
      %max3A_1932 = vector.broadcast %slice3A_1902 : vector<8x1xf32> to vector<8x1024xf32>
      %max3A_1933 = arith.maximumf %max3A_1931, %max3A_1932 : vector<8x1024xf32>
      %sub3A_1934 = arith.subf %min3A_1930, %max3A_1933 : vector<8x1024xf32>
      %max3A_1935 = arith.constant 0.000000e+00 : f32
      %max3A_1936 = vector.broadcast %max3A_1935 : f32 to vector<8x1024xf32>
      %max3A_1937 = arith.maximumf %sub3A_1934, %max3A_1936 : vector<8x1024xf32>
      %mul3A_1938 = arith.mulf %max3A_1927, %max3A_1937 : vector<8x1024xf32>
      %mul3A_1939 = arith.constant 3.000000e+00 : f32
      %mul3A_1940 = vector.broadcast %mul3A_1939 : f32 to vector<8x1024xf32>
      %mul3A_1941 = arith.mulf %mul3A_1940, %mul3A_1938 : vector<8x1024xf32>
      %add3A_1942 = vector.broadcast %mul3A_620 : vector<1x1024xf32> to vector<8x1024xf32>
      %add3A_1943 = vector.broadcast %add3A_1917 : vector<8x1xf32> to vector<8x1024xf32>
      %add3A_1944 = arith.addf %add3A_1942, %add3A_1943 : vector<8x1024xf32>
      %sub3A_1945 = arith.subf %mul3A_1941, %add3A_1944 : vector<8x1024xf32>
      %max3A_1946 = arith.maximumf %while3A_1888, %sub3A_1945 : vector<8x1024xf32>
      %min3A_1947 = vector.broadcast %add3A_677 : vector<1x1024xf32> to vector<8x1024xf32>
      %min3A_1948 = vector.broadcast %slice3A_1903 : vector<8x1xf32> to vector<8x1024xf32>
      %min3A_1949 = arith.minimumf %min3A_1947, %min3A_1948 : vector<8x1024xf32>
      %max3A_1950 = vector.broadcast %sub3A_673 : vector<1x1024xf32> to vector<8x1024xf32>
      %max3A_1951 = vector.broadcast %slice3A_1901 : vector<8x1xf32> to vector<8x1024xf32>
      %max3A_1952 = arith.maximumf %max3A_1950, %max3A_1951 : vector<8x1024xf32>
      %sub3A_1953 = arith.subf %min3A_1949, %max3A_1952 : vector<8x1024xf32>
      %max3A_1954 = arith.constant 0.000000e+00 : f32
      %max3A_1955 = vector.broadcast %max3A_1954 : f32 to vector<8x1024xf32>
      %max3A_1956 = arith.maximumf %sub3A_1953, %max3A_1955 : vector<8x1024xf32>
      %min3A_1957 = vector.broadcast %add3A_685 : vector<1x1024xf32> to vector<8x1024xf32>
      %min3A_1958 = vector.broadcast %slice3A_1904 : vector<8x1xf32> to vector<8x1024xf32>
      %min3A_1959 = arith.minimumf %min3A_1957, %min3A_1958 : vector<8x1024xf32>
      %max3A_1960 = vector.broadcast %sub3A_681 : vector<1x1024xf32> to vector<8x1024xf32>
      %max3A_1961 = vector.broadcast %slice3A_1902 : vector<8x1xf32> to vector<8x1024xf32>
      %max3A_1962 = arith.maximumf %max3A_1960, %max3A_1961 : vector<8x1024xf32>
      %sub3A_1963 = arith.subf %min3A_1959, %max3A_1962 : vector<8x1024xf32>
      %max3A_1964 = arith.constant 0.000000e+00 : f32
      %max3A_1965 = vector.broadcast %max3A_1964 : f32 to vector<8x1024xf32>
      %max3A_1966 = arith.maximumf %sub3A_1963, %max3A_1965 : vector<8x1024xf32>
      %mul3A_1967 = arith.mulf %max3A_1956, %max3A_1966 : vector<8x1024xf32>
      %mul3A_1968 = arith.constant 3.000000e+00 : f32
      %mul3A_1969 = vector.broadcast %mul3A_1968 : f32 to vector<8x1024xf32>
      %mul3A_1970 = arith.mulf %mul3A_1969, %mul3A_1967 : vector<8x1024xf32>
      %add3A_1971 = vector.broadcast %mul3A_686 : vector<1x1024xf32> to vector<8x1024xf32>
      %add3A_1972 = vector.broadcast %add3A_1917 : vector<8x1xf32> to vector<8x1024xf32>
      %add3A_1973 = arith.addf %add3A_1971, %add3A_1972 : vector<8x1024xf32>
      %sub3A_1974 = arith.subf %mul3A_1970, %add3A_1973 : vector<8x1024xf32>
      %max3A_1975 = arith.maximumf %while3A_1889, %sub3A_1974 : vector<8x1024xf32>
      %min3A_1976 = vector.broadcast %add3A_743 : vector<1x1024xf32> to vector<8x1024xf32>
      %min3A_1977 = vector.broadcast %slice3A_1903 : vector<8x1xf32> to vector<8x1024xf32>
      %min3A_1978 = arith.minimumf %min3A_1976, %min3A_1977 : vector<8x1024xf32>
      %max3A_1979 = vector.broadcast %sub3A_739 : vector<1x1024xf32> to vector<8x1024xf32>
      %max3A_1980 = vector.broadcast %slice3A_1901 : vector<8x1xf32> to vector<8x1024xf32>
      %max3A_1981 = arith.maximumf %max3A_1979, %max3A_1980 : vector<8x1024xf32>
      %sub3A_1982 = arith.subf %min3A_1978, %max3A_1981 : vector<8x1024xf32>
      %max3A_1983 = arith.constant 0.000000e+00 : f32
      %max3A_1984 = vector.broadcast %max3A_1983 : f32 to vector<8x1024xf32>
      %max3A_1985 = arith.maximumf %sub3A_1982, %max3A_1984 : vector<8x1024xf32>
      %min3A_1986 = vector.broadcast %add3A_751 : vector<1x1024xf32> to vector<8x1024xf32>
      %min3A_1987 = vector.broadcast %slice3A_1904 : vector<8x1xf32> to vector<8x1024xf32>
      %min3A_1988 = arith.minimumf %min3A_1986, %min3A_1987 : vector<8x1024xf32>
      %max3A_1989 = vector.broadcast %sub3A_747 : vector<1x1024xf32> to vector<8x1024xf32>
      %max3A_1990 = vector.broadcast %slice3A_1902 : vector<8x1xf32> to vector<8x1024xf32>
      %max3A_1991 = arith.maximumf %max3A_1989, %max3A_1990 : vector<8x1024xf32>
      %sub3A_1992 = arith.subf %min3A_1988, %max3A_1991 : vector<8x1024xf32>
      %max3A_1993 = arith.constant 0.000000e+00 : f32
      %max3A_1994 = vector.broadcast %max3A_1993 : f32 to vector<8x1024xf32>
      %max3A_1995 = arith.maximumf %sub3A_1992, %max3A_1994 : vector<8x1024xf32>
      %mul3A_1996 = arith.mulf %max3A_1985, %max3A_1995 : vector<8x1024xf32>
      %mul3A_1997 = arith.constant 3.000000e+00 : f32
      %mul3A_1998 = vector.broadcast %mul3A_1997 : f32 to vector<8x1024xf32>
      %mul3A_1999 = arith.mulf %mul3A_1998, %mul3A_1996 : vector<8x1024xf32>
      %add3A_2000 = vector.broadcast %mul3A_752 : vector<1x1024xf32> to vector<8x1024xf32>
      %add3A_2001 = vector.broadcast %add3A_1917 : vector<8x1xf32> to vector<8x1024xf32>
      %add3A_2002 = arith.addf %add3A_2000, %add3A_2001 : vector<8x1024xf32>
      %sub3A_2003 = arith.subf %mul3A_1999, %add3A_2002 : vector<8x1024xf32>
      %max3A_2004 = arith.maximumf %while3A_1890, %sub3A_2003 : vector<8x1024xf32>
      %min3A_2005 = vector.broadcast %add3A_809 : vector<1x1024xf32> to vector<8x1024xf32>
      %min3A_2006 = vector.broadcast %slice3A_1903 : vector<8x1xf32> to vector<8x1024xf32>
      %min3A_2007 = arith.minimumf %min3A_2005, %min3A_2006 : vector<8x1024xf32>
      %max3A_2008 = vector.broadcast %sub3A_805 : vector<1x1024xf32> to vector<8x1024xf32>
      %max3A_2009 = vector.broadcast %slice3A_1901 : vector<8x1xf32> to vector<8x1024xf32>
      %max3A_2010 = arith.maximumf %max3A_2008, %max3A_2009 : vector<8x1024xf32>
      %sub3A_2011 = arith.subf %min3A_2007, %max3A_2010 : vector<8x1024xf32>
      %max3A_2012 = arith.constant 0.000000e+00 : f32
      %max3A_2013 = vector.broadcast %max3A_2012 : f32 to vector<8x1024xf32>
      %max3A_2014 = arith.maximumf %sub3A_2011, %max3A_2013 : vector<8x1024xf32>
      %min3A_2015 = vector.broadcast %add3A_817 : vector<1x1024xf32> to vector<8x1024xf32>
      %min3A_2016 = vector.broadcast %slice3A_1904 : vector<8x1xf32> to vector<8x1024xf32>
      %min3A_2017 = arith.minimumf %min3A_2015, %min3A_2016 : vector<8x1024xf32>
      %max3A_2018 = vector.broadcast %sub3A_813 : vector<1x1024xf32> to vector<8x1024xf32>
      %max3A_2019 = vector.broadcast %slice3A_1902 : vector<8x1xf32> to vector<8x1024xf32>
      %max3A_2020 = arith.maximumf %max3A_2018, %max3A_2019 : vector<8x1024xf32>
      %sub3A_2021 = arith.subf %min3A_2017, %max3A_2020 : vector<8x1024xf32>
      %max3A_2022 = arith.constant 0.000000e+00 : f32
      %max3A_2023 = vector.broadcast %max3A_2022 : f32 to vector<8x1024xf32>
      %max3A_2024 = arith.maximumf %sub3A_2021, %max3A_2023 : vector<8x1024xf32>
      %mul3A_2025 = arith.mulf %max3A_2014, %max3A_2024 : vector<8x1024xf32>
      %mul3A_2026 = arith.constant 3.000000e+00 : f32
      %mul3A_2027 = vector.broadcast %mul3A_2026 : f32 to vector<8x1024xf32>
      %mul3A_2028 = arith.mulf %mul3A_2027, %mul3A_2025 : vector<8x1024xf32>
      %add3A_2029 = vector.broadcast %mul3A_818 : vector<1x1024xf32> to vector<8x1024xf32>
      %add3A_2030 = vector.broadcast %add3A_1917 : vector<8x1xf32> to vector<8x1024xf32>
      %add3A_2031 = arith.addf %add3A_2029, %add3A_2030 : vector<8x1024xf32>
      %sub3A_2032 = arith.subf %mul3A_2028, %add3A_2031 : vector<8x1024xf32>
      %max3A_2033 = arith.maximumf %while3A_1891, %sub3A_2032 : vector<8x1024xf32>
      %min3A_2034 = vector.broadcast %add3A_875 : vector<1x1024xf32> to vector<8x1024xf32>
      %min3A_2035 = vector.broadcast %slice3A_1903 : vector<8x1xf32> to vector<8x1024xf32>
      %min3A_2036 = arith.minimumf %min3A_2034, %min3A_2035 : vector<8x1024xf32>
      %max3A_2037 = vector.broadcast %sub3A_871 : vector<1x1024xf32> to vector<8x1024xf32>
      %max3A_2038 = vector.broadcast %slice3A_1901 : vector<8x1xf32> to vector<8x1024xf32>
      %max3A_2039 = arith.maximumf %max3A_2037, %max3A_2038 : vector<8x1024xf32>
      %sub3A_2040 = arith.subf %min3A_2036, %max3A_2039 : vector<8x1024xf32>
      %max3A_2041 = arith.constant 0.000000e+00 : f32
      %max3A_2042 = vector.broadcast %max3A_2041 : f32 to vector<8x1024xf32>
      %max3A_2043 = arith.maximumf %sub3A_2040, %max3A_2042 : vector<8x1024xf32>
      %min3A_2044 = vector.broadcast %add3A_883 : vector<1x1024xf32> to vector<8x1024xf32>
      %min3A_2045 = vector.broadcast %slice3A_1904 : vector<8x1xf32> to vector<8x1024xf32>
      %min3A_2046 = arith.minimumf %min3A_2044, %min3A_2045 : vector<8x1024xf32>
      %max3A_2047 = vector.broadcast %sub3A_879 : vector<1x1024xf32> to vector<8x1024xf32>
      %max3A_2048 = vector.broadcast %slice3A_1902 : vector<8x1xf32> to vector<8x1024xf32>
      %max3A_2049 = arith.maximumf %max3A_2047, %max3A_2048 : vector<8x1024xf32>
      %sub3A_2050 = arith.subf %min3A_2046, %max3A_2049 : vector<8x1024xf32>
      %max3A_2051 = arith.constant 0.000000e+00 : f32
      %max3A_2052 = vector.broadcast %max3A_2051 : f32 to vector<8x1024xf32>
      %max3A_2053 = arith.maximumf %sub3A_2050, %max3A_2052 : vector<8x1024xf32>
      %mul3A_2054 = arith.mulf %max3A_2043, %max3A_2053 : vector<8x1024xf32>
      %mul3A_2055 = arith.constant 3.000000e+00 : f32
      %mul3A_2056 = vector.broadcast %mul3A_2055 : f32 to vector<8x1024xf32>
      %mul3A_2057 = arith.mulf %mul3A_2056, %mul3A_2054 : vector<8x1024xf32>
      %add3A_2058 = vector.broadcast %mul3A_884 : vector<1x1024xf32> to vector<8x1024xf32>
      %add3A_2059 = vector.broadcast %add3A_1917 : vector<8x1xf32> to vector<8x1024xf32>
      %add3A_2060 = arith.addf %add3A_2058, %add3A_2059 : vector<8x1024xf32>
      %sub3A_2061 = arith.subf %mul3A_2057, %add3A_2060 : vector<8x1024xf32>
      %max3A_2062 = arith.maximumf %while3A_1892, %sub3A_2061 : vector<8x1024xf32>
      scf.yield %max3A_1946, %max3A_1975, %max3A_2004, %max3A_2033, %max3A_2062 : vector<8x1024xf32>, vector<8x1024xf32>, vector<8x1024xf32>, vector<8x1024xf32>, vector<8x1024xf32>
    }
    %while3A_904 = arith.constant 1 : i32
    %while3A_905:5 = scf.for %while3A_1887 = %while3A_901 to %while3A_897 step %while3A_904 iter_args(%while3A_1888 = %while3A_903#0, %while3A_1889 = %while3A_903#1, %while3A_1890 = %while3A_903#2, %while3A_1891 = %while3A_903#3, %while3A_1892 = %while3A_903#4) -> (vector<8x1024xf32>, vector<8x1024xf32>, vector<8x1024xf32>, vector<8x1024xf32>, vector<8x1024xf32>)  : i32 {
      %mul3A_1893 = arith.constant 8 : i32
      %mul3A_1894 = arith.muli %mul3A_1893, %while3A_1887 : i32
      %add3A_1895 = arith.addi %reduce_sum3A_527, %mul3A_1894 : i32
      %min3A_1896 = arith.constant 120 : i32
      %min3A_1897 = arith.minsi %add3A_1895, %min3A_1896 : i32
      %get3A_1898 = arith.index_cast %min3A_1897 : i32 to index
      %get3A_1899 = arith.constant 0 : index
      %get3A_1900 = vector.load %arg6[%get3A_1898, %get3A_1899] : memref<128x8xf32, #tpu.memory_space<vmem>>, vector<8x8xf32>
      %slice3A_1901 = vector.extract_strided_slice %get3A_1900 {offsets = [0, 0], sizes = [8, 1], strides = [1, 1]} : vector<8x8xf32> to vector<8x1xf32>
      %slice3A_1902 = vector.extract_strided_slice %get3A_1900 {offsets = [0, 1], sizes = [8, 1], strides = [1, 1]} : vector<8x8xf32> to vector<8x1xf32>
      %slice3A_1903 = vector.extract_strided_slice %get3A_1900 {offsets = [0, 2], sizes = [8, 1], strides = [1, 1]} : vector<8x8xf32> to vector<8x1xf32>
      %slice3A_1904 = vector.extract_strided_slice %get3A_1900 {offsets = [0, 3], sizes = [8, 1], strides = [1, 1]} : vector<8x8xf32> to vector<8x1xf32>
      %slice3A_1905 = vector.extract_strided_slice %get3A_1900 {offsets = [0, 4], sizes = [8, 1], strides = [1, 1]} : vector<8x8xf32> to vector<8x1xf32>
      %add3A_1906 = vector.broadcast %min3A_1897 : i32 to vector<8x1xi32>
      %add3A_1907 = arith.addi %iota3A_50, %add3A_1906 : vector<8x1xi32>
      %ge3A = vector.broadcast %add3A_1895 : i32 to vector<8x1xi32>
      %ge3A_1908 = arith.cmpi sge, %add3A_1907, %ge3A : vector<8x1xi32>
      %lt3A_1909 = vector.broadcast %add3A_528 : i32 to vector<8x1xi32>
      %lt3A_1910 = arith.cmpi slt, %add3A_1907, %lt3A_1909 : vector<8x1xi32>
      %and3A_1911 = arith.andi %ge3A_1908, %lt3A_1910 : vector<8x1xi1>
      %jit3A_1912 = arith.constant 0.000000e+00 : f32
      %jit3A_1913 = arith.constant 1.000000e+09 : f32
      %broadcast_in_dim3A_1914 = vector.broadcast %jit3A_1912 : f32 to vector<8x1xf32>
      %broadcast_in_dim3A_1915 = vector.broadcast %jit3A_1913 : f32 to vector<8x1xf32>
      %select_n3A_1916 = arith.select %and3A_1911, %broadcast_in_dim3A_1914, %broadcast_in_dim3A_1915 : vector<8x1xi1>, vector<8x1xf32>
      %add3A_1917 = arith.addf %slice3A_1905, %select_n3A_1916 : vector<8x1xf32>
      %min3A_1918 = vector.broadcast %add3A_611 : vector<1x1024xf32> to vector<8x1024xf32>
      %min3A_1919 = vector.broadcast %slice3A_1903 : vector<8x1xf32> to vector<8x1024xf32>
      %min3A_1920 = arith.minimumf %min3A_1918, %min3A_1919 : vector<8x1024xf32>
      %max3A_1921 = vector.broadcast %sub3A_607 : vector<1x1024xf32> to vector<8x1024xf32>
      %max3A_1922 = vector.broadcast %slice3A_1901 : vector<8x1xf32> to vector<8x1024xf32>
      %max3A_1923 = arith.maximumf %max3A_1921, %max3A_1922 : vector<8x1024xf32>
      %sub3A_1924 = arith.subf %min3A_1920, %max3A_1923 : vector<8x1024xf32>
      %max3A_1925 = arith.constant 0.000000e+00 : f32
      %max3A_1926 = vector.broadcast %max3A_1925 : f32 to vector<8x1024xf32>
      %max3A_1927 = arith.maximumf %sub3A_1924, %max3A_1926 : vector<8x1024xf32>
      %min3A_1928 = vector.broadcast %add3A_619 : vector<1x1024xf32> to vector<8x1024xf32>
      %min3A_1929 = vector.broadcast %slice3A_1904 : vector<8x1xf32> to vector<8x1024xf32>
      %min3A_1930 = arith.minimumf %min3A_1928, %min3A_1929 : vector<8x1024xf32>
      %max3A_1931 = vector.broadcast %sub3A_615 : vector<1x1024xf32> to vector<8x1024xf32>
      %max3A_1932 = vector.broadcast %slice3A_1902 : vector<8x1xf32> to vector<8x1024xf32>
      %max3A_1933 = arith.maximumf %max3A_1931, %max3A_1932 : vector<8x1024xf32>
      %sub3A_1934 = arith.subf %min3A_1930, %max3A_1933 : vector<8x1024xf32>
      %max3A_1935 = arith.constant 0.000000e+00 : f32
      %max3A_1936 = vector.broadcast %max3A_1935 : f32 to vector<8x1024xf32>
      %max3A_1937 = arith.maximumf %sub3A_1934, %max3A_1936 : vector<8x1024xf32>
      %mul3A_1938 = arith.mulf %max3A_1927, %max3A_1937 : vector<8x1024xf32>
      %mul3A_1939 = arith.constant 3.000000e+00 : f32
      %mul3A_1940 = vector.broadcast %mul3A_1939 : f32 to vector<8x1024xf32>
      %mul3A_1941 = arith.mulf %mul3A_1940, %mul3A_1938 : vector<8x1024xf32>
      %add3A_1942 = vector.broadcast %mul3A_620 : vector<1x1024xf32> to vector<8x1024xf32>
      %add3A_1943 = vector.broadcast %add3A_1917 : vector<8x1xf32> to vector<8x1024xf32>
      %add3A_1944 = arith.addf %add3A_1942, %add3A_1943 : vector<8x1024xf32>
      %sub3A_1945 = arith.subf %mul3A_1941, %add3A_1944 : vector<8x1024xf32>
      %max3A_1946 = arith.maximumf %while3A_1888, %sub3A_1945 : vector<8x1024xf32>
      %min3A_1947 = vector.broadcast %add3A_677 : vector<1x1024xf32> to vector<8x1024xf32>
      %min3A_1948 = vector.broadcast %slice3A_1903 : vector<8x1xf32> to vector<8x1024xf32>
      %min3A_1949 = arith.minimumf %min3A_1947, %min3A_1948 : vector<8x1024xf32>
      %max3A_1950 = vector.broadcast %sub3A_673 : vector<1x1024xf32> to vector<8x1024xf32>
      %max3A_1951 = vector.broadcast %slice3A_1901 : vector<8x1xf32> to vector<8x1024xf32>
      %max3A_1952 = arith.maximumf %max3A_1950, %max3A_1951 : vector<8x1024xf32>
      %sub3A_1953 = arith.subf %min3A_1949, %max3A_1952 : vector<8x1024xf32>
      %max3A_1954 = arith.constant 0.000000e+00 : f32
      %max3A_1955 = vector.broadcast %max3A_1954 : f32 to vector<8x1024xf32>
      %max3A_1956 = arith.maximumf %sub3A_1953, %max3A_1955 : vector<8x1024xf32>
      %min3A_1957 = vector.broadcast %add3A_685 : vector<1x1024xf32> to vector<8x1024xf32>
      %min3A_1958 = vector.broadcast %slice3A_1904 : vector<8x1xf32> to vector<8x1024xf32>
      %min3A_1959 = arith.minimumf %min3A_1957, %min3A_1958 : vector<8x1024xf32>
      %max3A_1960 = vector.broadcast %sub3A_681 : vector<1x1024xf32> to vector<8x1024xf32>
      %max3A_1961 = vector.broadcast %slice3A_1902 : vector<8x1xf32> to vector<8x1024xf32>
      %max3A_1962 = arith.maximumf %max3A_1960, %max3A_1961 : vector<8x1024xf32>
      %sub3A_1963 = arith.subf %min3A_1959, %max3A_1962 : vector<8x1024xf32>
      %max3A_1964 = arith.constant 0.000000e+00 : f32
      %max3A_1965 = vector.broadcast %max3A_1964 : f32 to vector<8x1024xf32>
      %max3A_1966 = arith.maximumf %sub3A_1963, %max3A_1965 : vector<8x1024xf32>
      %mul3A_1967 = arith.mulf %max3A_1956, %max3A_1966 : vector<8x1024xf32>
      %mul3A_1968 = arith.constant 3.000000e+00 : f32
      %mul3A_1969 = vector.broadcast %mul3A_1968 : f32 to vector<8x1024xf32>
      %mul3A_1970 = arith.mulf %mul3A_1969, %mul3A_1967 : vector<8x1024xf32>
      %add3A_1971 = vector.broadcast %mul3A_686 : vector<1x1024xf32> to vector<8x1024xf32>
      %add3A_1972 = vector.broadcast %add3A_1917 : vector<8x1xf32> to vector<8x1024xf32>
      %add3A_1973 = arith.addf %add3A_1971, %add3A_1972 : vector<8x1024xf32>
      %sub3A_1974 = arith.subf %mul3A_1970, %add3A_1973 : vector<8x1024xf32>
      %max3A_1975 = arith.maximumf %while3A_1889, %sub3A_1974 : vector<8x1024xf32>
      %min3A_1976 = vector.broadcast %add3A_743 : vector<1x1024xf32> to vector<8x1024xf32>
      %min3A_1977 = vector.broadcast %slice3A_1903 : vector<8x1xf32> to vector<8x1024xf32>
      %min3A_1978 = arith.minimumf %min3A_1976, %min3A_1977 : vector<8x1024xf32>
      %max3A_1979 = vector.broadcast %sub3A_739 : vector<1x1024xf32> to vector<8x1024xf32>
      %max3A_1980 = vector.broadcast %slice3A_1901 : vector<8x1xf32> to vector<8x1024xf32>
      %max3A_1981 = arith.maximumf %max3A_1979, %max3A_1980 : vector<8x1024xf32>
      %sub3A_1982 = arith.subf %min3A_1978, %max3A_1981 : vector<8x1024xf32>
      %max3A_1983 = arith.constant 0.000000e+00 : f32
      %max3A_1984 = vector.broadcast %max3A_1983 : f32 to vector<8x1024xf32>
      %max3A_1985 = arith.maximumf %sub3A_1982, %max3A_1984 : vector<8x1024xf32>
      %min3A_1986 = vector.broadcast %add3A_751 : vector<1x1024xf32> to vector<8x1024xf32>
      %min3A_1987 = vector.broadcast %slice3A_1904 : vector<8x1xf32> to vector<8x1024xf32>
      %min3A_1988 = arith.minimumf %min3A_1986, %min3A_1987 : vector<8x1024xf32>
      %max3A_1989 = vector.broadcast %sub3A_747 : vector<1x1024xf32> to vector<8x1024xf32>
      %max3A_1990 = vector.broadcast %slice3A_1902 : vector<8x1xf32> to vector<8x1024xf32>
      %max3A_1991 = arith.maximumf %max3A_1989, %max3A_1990 : vector<8x1024xf32>
      %sub3A_1992 = arith.subf %min3A_1988, %max3A_1991 : vector<8x1024xf32>
      %max3A_1993 = arith.constant 0.000000e+00 : f32
      %max3A_1994 = vector.broadcast %max3A_1993 : f32 to vector<8x1024xf32>
      %max3A_1995 = arith.maximumf %sub3A_1992, %max3A_1994 : vector<8x1024xf32>
      %mul3A_1996 = arith.mulf %max3A_1985, %max3A_1995 : vector<8x1024xf32>
      %mul3A_1997 = arith.constant 3.000000e+00 : f32
      %mul3A_1998 = vector.broadcast %mul3A_1997 : f32 to vector<8x1024xf32>
      %mul3A_1999 = arith.mulf %mul3A_1998, %mul3A_1996 : vector<8x1024xf32>
      %add3A_2000 = vector.broadcast %mul3A_752 : vector<1x1024xf32> to vector<8x1024xf32>
      %add3A_2001 = vector.broadcast %add3A_1917 : vector<8x1xf32> to vector<8x1024xf32>
      %add3A_2002 = arith.addf %add3A_2000, %add3A_2001 : vector<8x1024xf32>
      %sub3A_2003 = arith.subf %mul3A_1999, %add3A_2002 : vector<8x1024xf32>
      %max3A_2004 = arith.maximumf %while3A_1890, %sub3A_2003 : vector<8x1024xf32>
      %min3A_2005 = vector.broadcast %add3A_809 : vector<1x1024xf32> to vector<8x1024xf32>
      %min3A_2006 = vector.broadcast %slice3A_1903 : vector<8x1xf32> to vector<8x1024xf32>
      %min3A_2007 = arith.minimumf %min3A_2005, %min3A_2006 : vector<8x1024xf32>
      %max3A_2008 = vector.broadcast %sub3A_805 : vector<1x1024xf32> to vector<8x1024xf32>
      %max3A_2009 = vector.broadcast %slice3A_1901 : vector<8x1xf32> to vector<8x1024xf32>
      %max3A_2010 = arith.maximumf %max3A_2008, %max3A_2009 : vector<8x1024xf32>
      %sub3A_2011 = arith.subf %min3A_2007, %max3A_2010 : vector<8x1024xf32>
      %max3A_2012 = arith.constant 0.000000e+00 : f32
      %max3A_2013 = vector.broadcast %max3A_2012 : f32 to vector<8x1024xf32>
      %max3A_2014 = arith.maximumf %sub3A_2011, %max3A_2013 : vector<8x1024xf32>
      %min3A_2015 = vector.broadcast %add3A_817 : vector<1x1024xf32> to vector<8x1024xf32>
      %min3A_2016 = vector.broadcast %slice3A_1904 : vector<8x1xf32> to vector<8x1024xf32>
      %min3A_2017 = arith.minimumf %min3A_2015, %min3A_2016 : vector<8x1024xf32>
      %max3A_2018 = vector.broadcast %sub3A_813 : vector<1x1024xf32> to vector<8x1024xf32>
      %max3A_2019 = vector.broadcast %slice3A_1902 : vector<8x1xf32> to vector<8x1024xf32>
      %max3A_2020 = arith.maximumf %max3A_2018, %max3A_2019 : vector<8x1024xf32>
      %sub3A_2021 = arith.subf %min3A_2017, %max3A_2020 : vector<8x1024xf32>
      %max3A_2022 = arith.constant 0.000000e+00 : f32
      %max3A_2023 = vector.broadcast %max3A_2022 : f32 to vector<8x1024xf32>
      %max3A_2024 = arith.maximumf %sub3A_2021, %max3A_2023 : vector<8x1024xf32>
      %mul3A_2025 = arith.mulf %max3A_2014, %max3A_2024 : vector<8x1024xf32>
      %mul3A_2026 = arith.constant 3.000000e+00 : f32
      %mul3A_2027 = vector.broadcast %mul3A_2026 : f32 to vector<8x1024xf32>
      %mul3A_2028 = arith.mulf %mul3A_2027, %mul3A_2025 : vector<8x1024xf32>
      %add3A_2029 = vector.broadcast %mul3A_818 : vector<1x1024xf32> to vector<8x1024xf32>
      %add3A_2030 = vector.broadcast %add3A_1917 : vector<8x1xf32> to vector<8x1024xf32>
      %add3A_2031 = arith.addf %add3A_2029, %add3A_2030 : vector<8x1024xf32>
      %sub3A_2032 = arith.subf %mul3A_2028, %add3A_2031 : vector<8x1024xf32>
      %max3A_2033 = arith.maximumf %while3A_1891, %sub3A_2032 : vector<8x1024xf32>
      %min3A_2034 = vector.broadcast %add3A_875 : vector<1x1024xf32> to vector<8x1024xf32>
      %min3A_2035 = vector.broadcast %slice3A_1903 : vector<8x1xf32> to vector<8x1024xf32>
      %min3A_2036 = arith.minimumf %min3A_2034, %min3A_2035 : vector<8x1024xf32>
      %max3A_2037 = vector.broadcast %sub3A_871 : vector<1x1024xf32> to vector<8x1024xf32>
      %max3A_2038 = vector.broadcast %slice3A_1901 : vector<8x1xf32> to vector<8x1024xf32>
      %max3A_2039 = arith.maximumf %max3A_2037, %max3A_2038 : vector<8x1024xf32>
      %sub3A_2040 = arith.subf %min3A_2036, %max3A_2039 : vector<8x1024xf32>
      %max3A_2041 = arith.constant 0.000000e+00 : f32
      %max3A_2042 = vector.broadcast %max3A_2041 : f32 to vector<8x1024xf32>
      %max3A_2043 = arith.maximumf %sub3A_2040, %max3A_2042 : vector<8x1024xf32>
      %min3A_2044 = vector.broadcast %add3A_883 : vector<1x1024xf32> to vector<8x1024xf32>
      %min3A_2045 = vector.broadcast %slice3A_1904 : vector<8x1xf32> to vector<8x1024xf32>
      %min3A_2046 = arith.minimumf %min3A_2044, %min3A_2045 : vector<8x1024xf32>
      %max3A_2047 = vector.broadcast %sub3A_879 : vector<1x1024xf32> to vector<8x1024xf32>
      %max3A_2048 = vector.broadcast %slice3A_1902 : vector<8x1xf32> to vector<8x1024xf32>
      %max3A_2049 = arith.maximumf %max3A_2047, %max3A_2048 : vector<8x1024xf32>
      %sub3A_2050 = arith.subf %min3A_2046, %max3A_2049 : vector<8x1024xf32>
      %max3A_2051 = arith.constant 0.000000e+00 : f32
      %max3A_2052 = vector.broadcast %max3A_2051 : f32 to vector<8x1024xf32>
      %max3A_2053 = arith.maximumf %sub3A_2050, %max3A_2052 : vector<8x1024xf32>
      %mul3A_2054 = arith.mulf %max3A_2043, %max3A_2053 : vector<8x1024xf32>
      %mul3A_2055 = arith.constant 3.000000e+00 : f32
      %mul3A_2056 = vector.broadcast %mul3A_2055 : f32 to vector<8x1024xf32>
      %mul3A_2057 = arith.mulf %mul3A_2056, %mul3A_2054 : vector<8x1024xf32>
      %add3A_2058 = vector.broadcast %mul3A_884 : vector<1x1024xf32> to vector<8x1024xf32>
      %add3A_2059 = vector.broadcast %add3A_1917 : vector<8x1xf32> to vector<8x1024xf32>
      %add3A_2060 = arith.addf %add3A_2058, %add3A_2059 : vector<8x1024xf32>
      %sub3A_2061 = arith.subf %mul3A_2057, %add3A_2060 : vector<8x1024xf32>
      %max3A_2062 = arith.maximumf %while3A_1892, %sub3A_2061 : vector<8x1024xf32>
      scf.yield %max3A_1946, %max3A_1975, %max3A_2004, %max3A_2033, %max3A_2062 : vector<8x1024xf32>, vector<8x1024xf32>, vector<8x1024xf32>, vector<8x1024xf32>, vector<8x1024xf32>
    }
    %reduce_max3A_906 = arith.constant dense<0xFF800000> : vector<1024xf32>
    %reduce_max3A_907 = vector.multi_reduction <maximumf>, %while3A_905#0, %reduce_max3A_906 [0] : vector<8x1024xf32> to vector<1024xf32>
    %broadcast_in_dim3A_908 = vector.shape_cast %reduce_max3A_907 : vector<1024xf32> to vector<1x1024xf32>
    %lt3A_909 = arith.constant 0.000000e+00 : f32
    %lt3A_910 = vector.broadcast %lt3A_909 : f32 to vector<1x1024xf32>
    %lt3A_911 = arith.cmpf olt, %broadcast_in_dim3A_908, %lt3A_910 : vector<1x1024xf32>
    %mul3A_912 = arith.mulf %logistic3A_603, %logistic3A_603 : vector<1x1024xf32>
    %jit3A_913 = arith.constant 0.000000e+00 : f32
    %broadcast_in_dim3A_914 = vector.broadcast %jit3A_913 : f32 to vector<1x1024xf32>
    %select_n3A_915 = arith.select %lt3A_911, %mul3A_912, %broadcast_in_dim3A_914 : vector<1x1024xi1>, vector<1x1024xf32>
    %add3A_916 = arith.addf %add3A_501, %select_n3A_915 : vector<1x1024xf32>
    %reduce_max3A_917 = arith.constant dense<0xFF800000> : vector<1024xf32>
    %reduce_max3A_918 = vector.multi_reduction <maximumf>, %while3A_905#1, %reduce_max3A_917 [0] : vector<8x1024xf32> to vector<1024xf32>
    %broadcast_in_dim3A_919 = vector.shape_cast %reduce_max3A_918 : vector<1024xf32> to vector<1x1024xf32>
    %lt3A_920 = arith.constant 0.000000e+00 : f32
    %lt3A_921 = vector.broadcast %lt3A_920 : f32 to vector<1x1024xf32>
    %lt3A_922 = arith.cmpf olt, %broadcast_in_dim3A_919, %lt3A_921 : vector<1x1024xf32>
    %mul3A_923 = arith.mulf %logistic3A_669, %logistic3A_669 : vector<1x1024xf32>
    %jit3A_924 = arith.constant 0.000000e+00 : f32
    %broadcast_in_dim3A_925 = vector.broadcast %jit3A_924 : f32 to vector<1x1024xf32>
    %select_n3A_926 = arith.select %lt3A_922, %mul3A_923, %broadcast_in_dim3A_925 : vector<1x1024xi1>, vector<1x1024xf32>
    %add3A_927 = arith.addf %add3A_916, %select_n3A_926 : vector<1x1024xf32>
    %reduce_max3A_928 = arith.constant dense<0xFF800000> : vector<1024xf32>
    %reduce_max3A_929 = vector.multi_reduction <maximumf>, %while3A_905#2, %reduce_max3A_928 [0] : vector<8x1024xf32> to vector<1024xf32>
    %broadcast_in_dim3A_930 = vector.shape_cast %reduce_max3A_929 : vector<1024xf32> to vector<1x1024xf32>
    %lt3A_931 = arith.constant 0.000000e+00 : f32
    %lt3A_932 = vector.broadcast %lt3A_931 : f32 to vector<1x1024xf32>
    %lt3A_933 = arith.cmpf olt, %broadcast_in_dim3A_930, %lt3A_932 : vector<1x1024xf32>
    %mul3A_934 = arith.mulf %logistic3A_735, %logistic3A_735 : vector<1x1024xf32>
    %jit3A_935 = arith.constant 0.000000e+00 : f32
    %broadcast_in_dim3A_936 = vector.broadcast %jit3A_935 : f32 to vector<1x1024xf32>
    %select_n3A_937 = arith.select %lt3A_933, %mul3A_934, %broadcast_in_dim3A_936 : vector<1x1024xi1>, vector<1x1024xf32>
    %add3A_938 = arith.addf %add3A_927, %select_n3A_937 : vector<1x1024xf32>
    %reduce_max3A_939 = arith.constant dense<0xFF800000> : vector<1024xf32>
    %reduce_max3A_940 = vector.multi_reduction <maximumf>, %while3A_905#3, %reduce_max3A_939 [0] : vector<8x1024xf32> to vector<1024xf32>
    %broadcast_in_dim3A_941 = vector.shape_cast %reduce_max3A_940 : vector<1024xf32> to vector<1x1024xf32>
    %lt3A_942 = arith.constant 0.000000e+00 : f32
    %lt3A_943 = vector.broadcast %lt3A_942 : f32 to vector<1x1024xf32>
    %lt3A_944 = arith.cmpf olt, %broadcast_in_dim3A_941, %lt3A_943 : vector<1x1024xf32>
    %mul3A_945 = arith.mulf %logistic3A_801, %logistic3A_801 : vector<1x1024xf32>
    %jit3A_946 = arith.constant 0.000000e+00 : f32
    %broadcast_in_dim3A_947 = vector.broadcast %jit3A_946 : f32 to vector<1x1024xf32>
    %select_n3A_948 = arith.select %lt3A_944, %mul3A_945, %broadcast_in_dim3A_947 : vector<1x1024xi1>, vector<1x1024xf32>
    %add3A_949 = arith.addf %add3A_938, %select_n3A_948 : vector<1x1024xf32>
    %reduce_max3A_950 = arith.constant dense<0xFF800000> : vector<1024xf32>
    %reduce_max3A_951 = vector.multi_reduction <maximumf>, %while3A_905#4, %reduce_max3A_950 [0] : vector<8x1024xf32> to vector<1024xf32>
    %broadcast_in_dim3A_952 = vector.shape_cast %reduce_max3A_951 : vector<1024xf32> to vector<1x1024xf32>
    %lt3A_953 = arith.constant 0.000000e+00 : f32
    %lt3A_954 = vector.broadcast %lt3A_953 : f32 to vector<1x1024xf32>
    %lt3A_955 = arith.cmpf olt, %broadcast_in_dim3A_952, %lt3A_954 : vector<1x1024xf32>
    %mul3A_956 = arith.mulf %logistic3A_867, %logistic3A_867 : vector<1x1024xf32>
    %jit3A_957 = arith.constant 0.000000e+00 : f32
    %broadcast_in_dim3A_958 = vector.broadcast %jit3A_957 : f32 to vector<1x1024xf32>
    %select_n3A_959 = arith.select %lt3A_955, %mul3A_956, %broadcast_in_dim3A_958 : vector<1x1024xi1>, vector<1x1024xf32>
    %add3A_960 = arith.addf %add3A_949, %select_n3A_959 : vector<1x1024xf32>
    %mul3A_961 = arith.constant 4 : i32
    %mul3A_962 = arith.muli %arg0, %mul3A_961 : i32
    %add3A_963 = arith.constant 2 : i32
    %add3A_964 = arith.addi %mul3A_962, %add3A_963 : i32
    %convert_element_type3A_965 = arith.sitofp %add3A_964 : i32 to f32
    %get3A_966 = arith.constant 2 : index
    %get3A_967 = arith.constant 0 : index
    %get3A_968 = arith.constant 0 : index
    %get3A_969 = vector.load %arg1[%get3A_966, %get3A_967, %get3A_968] : memref<4x125x1024xf32, #tpu.memory_space<vmem>>, vector<1x125x1024xf32>
    %get3A_970 = vector.shape_cast %get3A_969 : vector<1x125x1024xf32> to vector<125x1024xf32>
    %eq3A_971 = vector.broadcast %convert_element_type3A_965 : f32 to vector<128x1xf32>
    %eq3A_972 = arith.cmpf oeq, %get3A_1, %eq3A_971 : vector<128x1xf32>
    %convert_element_type3A_973 = arith.extui %eq3A_972 : vector<128x1xi1> to vector<128x1xi32>
    %reduce_sum3A_974 = vector.shape_cast %convert_element_type3A_973 : vector<128x1xi32> to vector<1x128x1xi32>
    %reduce_sum3A_975 = arith.constant dense<0> : vector<1xi32>
    %reduce_sum3A_976 = vector.multi_reduction <add>, %reduce_sum3A_974, %reduce_sum3A_975 [1, 2] : vector<1x128x1xi32> to vector<1xi32>
    %reduce_sum3A_977 = vector.shape_cast %reduce_sum3A_976 : vector<1xi32> to vector<1x1x1xi32>
    %reduce_sum3A_978 = vector.extract %reduce_sum3A_977[0, 0, 0] : i32 from vector<1x1x1xi32>
    %lt3A_979 = vector.broadcast %convert_element_type3A_965 : f32 to vector<128x1xf32>
    %lt3A_980 = arith.cmpf olt, %get3A_1, %lt3A_979 : vector<128x1xf32>
    %convert_element_type3A_981 = arith.extui %lt3A_980 : vector<128x1xi1> to vector<128x1xi32>
    %reduce_sum3A_982 = vector.shape_cast %convert_element_type3A_981 : vector<128x1xi32> to vector<1x128x1xi32>
    %reduce_sum3A_983 = arith.constant dense<0> : vector<1xi32>
    %reduce_sum3A_984 = vector.multi_reduction <add>, %reduce_sum3A_982, %reduce_sum3A_983 [1, 2] : vector<1x128x1xi32> to vector<1xi32>
    %reduce_sum3A_985 = vector.shape_cast %reduce_sum3A_984 : vector<1xi32> to vector<1x1x1xi32>
    %reduce_sum3A_986 = vector.extract %reduce_sum3A_985[0, 0, 0] : i32 from vector<1x1x1xi32>
    %add3A_987 = arith.addi %reduce_sum3A_986, %reduce_sum3A_978 : i32
    %add3A_988 = arith.constant 7 : i32
    %add3A_989 = arith.addi %reduce_sum3A_978, %add3A_988 : i32
    %jit3A_990 = arith.constant 8 : i32
    %div3A_991 = arith.divsi %add3A_989, %jit3A_990 : i32
    %sign3A_992 = arith.constant 0 : i32
    %sign3A_993 = arith.cmpi sgt, %add3A_989, %sign3A_992 : i32
    %sign3A_994 = arith.extui %sign3A_993 : i1 to i32
    %sign3A_995 = arith.constant 0 : i32
    %sign3A_996 = arith.cmpi slt, %add3A_989, %sign3A_995 : i32
    %sign3A_997 = arith.extui %sign3A_996 : i1 to i32
    %sign3A_998 = arith.subi %sign3A_994, %sign3A_997 : i32
    %sign3A_999 = arith.constant 0 : i32
    %sign3A_1000 = arith.cmpi sgt, %jit3A_990, %sign3A_999 : i32
    %sign3A_1001 = arith.extui %sign3A_1000 : i1 to i32
    %sign3A_1002 = arith.constant 0 : i32
    %sign3A_1003 = arith.cmpi slt, %jit3A_990, %sign3A_1002 : i32
    %sign3A_1004 = arith.extui %sign3A_1003 : i1 to i32
    %sign3A_1005 = arith.subi %sign3A_1001, %sign3A_1004 : i32
    %ne3A_1006 = arith.cmpi ne, %sign3A_998, %sign3A_1005 : i32
    %rem3A_1007 = arith.remsi %add3A_989, %jit3A_990 : i32
    %ne3A_1008 = arith.constant 0 : i32
    %ne3A_1009 = arith.cmpi ne, %rem3A_1007, %ne3A_1008 : i32
    %and3A_1010 = arith.andi %ne3A_1006, %ne3A_1009 : i1
    %sub3A_1011 = arith.constant 1 : i32
    %sub3A_1012 = arith.subi %div3A_991, %sub3A_1011 : i32
    %select_n3A_1013 = arith.select %and3A_1010, %sub3A_1012, %div3A_991 : i32
    %get3A_1014 = arith.constant 0 : index
    %get3A_1015 = arith.constant 0 : index
    %get3A_1016 = vector.load %arg4[%get3A_1014, %get3A_1015] : memref<5x2xf32, #tpu.memory_space<vmem>>, vector<1x1xf32>
    %get3A_1017 = arith.constant 0 : index
    %get3A_1018 = arith.constant 1 : index
    %get3A_1019 = vector.load %arg4[%get3A_1017, %get3A_1018] : memref<5x2xf32, #tpu.memory_space<vmem>>, vector<1x1xf32>
    %slice3A_1020 = vector.extract_strided_slice %get3A_970 {offsets = [0, 0], sizes = [1, 1024], strides = [1, 1]} : vector<125x1024xf32> to vector<1x1024xf32>
    %logistic3A_1021 = arith.negf %slice3A_1020 : vector<1x1024xf32>
    %logistic3A_1022 = math.exp %logistic3A_1021 : vector<1x1024xf32>
    %logistic3A_1023 = arith.constant 1.000000e+00 : f32
    %logistic3A_1024 = vector.broadcast %logistic3A_1023 : f32 to vector<1x1024xf32>
    %logistic3A_1025 = arith.addf %logistic3A_1024, %logistic3A_1022 : vector<1x1024xf32>
    %logistic3A_1026 = arith.divf %logistic3A_1024, %logistic3A_1025 : vector<1x1024xf32>
    %add3A_1027 = arith.addf %logistic3A_1026, %convert_element_type3A_20 : vector<1x1024xf32>
    %slice3A_1028 = vector.extract_strided_slice %get3A_970 {offsets = [1, 0], sizes = [1, 1024], strides = [1, 1]} : vector<125x1024xf32> to vector<1x1024xf32>
    %logistic3A_1029 = arith.negf %slice3A_1028 : vector<1x1024xf32>
    %logistic3A_1030 = math.exp %logistic3A_1029 : vector<1x1024xf32>
    %logistic3A_1031 = arith.constant 1.000000e+00 : f32
    %logistic3A_1032 = vector.broadcast %logistic3A_1031 : f32 to vector<1x1024xf32>
    %logistic3A_1033 = arith.addf %logistic3A_1032, %logistic3A_1030 : vector<1x1024xf32>
    %logistic3A_1034 = arith.divf %logistic3A_1032, %logistic3A_1033 : vector<1x1024xf32>
    %add3A_1035 = arith.addf %logistic3A_1034, %convert_element_type3A_49 : vector<1x1024xf32>
    %slice3A_1036 = vector.extract_strided_slice %get3A_970 {offsets = [2, 0], sizes = [1, 1024], strides = [1, 1]} : vector<125x1024xf32> to vector<1x1024xf32>
    %jit3A_1037 = arith.constant -1.000000e+01 : f32
    %jit3A_1038 = arith.constant 1.000000e+01 : f32
    %max3A_1039 = vector.broadcast %jit3A_1037 : f32 to vector<1x1024xf32>
    %max3A_1040 = arith.maximumf %max3A_1039, %slice3A_1036 : vector<1x1024xf32>
    %min3A_1041 = vector.broadcast %jit3A_1038 : f32 to vector<1x1024xf32>
    %min3A_1042 = arith.minimumf %min3A_1041, %max3A_1040 : vector<1x1024xf32>
    %exp3A_1043 = math.exp %min3A_1042 : vector<1x1024xf32>
    %mul3A_1044 = vector.broadcast %get3A_1016 : vector<1x1xf32> to vector<1x1024xf32>
    %mul3A_1045 = arith.mulf %exp3A_1043, %mul3A_1044 : vector<1x1024xf32>
    %slice3A_1046 = vector.extract_strided_slice %get3A_970 {offsets = [3, 0], sizes = [1, 1024], strides = [1, 1]} : vector<125x1024xf32> to vector<1x1024xf32>
    %jit3A_1047 = arith.constant -1.000000e+01 : f32
    %jit3A_1048 = arith.constant 1.000000e+01 : f32
    %max3A_1049 = vector.broadcast %jit3A_1047 : f32 to vector<1x1024xf32>
    %max3A_1050 = arith.maximumf %max3A_1049, %slice3A_1046 : vector<1x1024xf32>
    %min3A_1051 = vector.broadcast %jit3A_1048 : f32 to vector<1x1024xf32>
    %min3A_1052 = arith.minimumf %min3A_1051, %max3A_1050 : vector<1x1024xf32>
    %exp3A_1053 = math.exp %min3A_1052 : vector<1x1024xf32>
    %mul3A_1054 = vector.broadcast %get3A_1019 : vector<1x1xf32> to vector<1x1024xf32>
    %mul3A_1055 = arith.mulf %exp3A_1053, %mul3A_1054 : vector<1x1024xf32>
    %slice3A_1056 = vector.extract_strided_slice %get3A_970 {offsets = [4, 0], sizes = [1, 1024], strides = [1, 1]} : vector<125x1024xf32> to vector<1x1024xf32>
    %logistic3A_1057 = arith.negf %slice3A_1056 : vector<1x1024xf32>
    %logistic3A_1058 = math.exp %logistic3A_1057 : vector<1x1024xf32>
    %logistic3A_1059 = arith.constant 1.000000e+00 : f32
    %logistic3A_1060 = vector.broadcast %logistic3A_1059 : f32 to vector<1x1024xf32>
    %logistic3A_1061 = arith.addf %logistic3A_1060, %logistic3A_1058 : vector<1x1024xf32>
    %logistic3A_1062 = arith.divf %logistic3A_1060, %logistic3A_1061 : vector<1x1024xf32>
    %mul3A_1063 = arith.constant 5.000000e-01 : f32
    %mul3A_1064 = vector.broadcast %mul3A_1063 : f32 to vector<1x1024xf32>
    %mul3A_1065 = arith.mulf %mul3A_1064, %mul3A_1045 : vector<1x1024xf32>
    %sub3A_1066 = arith.subf %add3A_1027, %mul3A_1065 : vector<1x1024xf32>
    %mul3A_1067 = arith.constant 5.000000e-01 : f32
    %mul3A_1068 = vector.broadcast %mul3A_1067 : f32 to vector<1x1024xf32>
    %mul3A_1069 = arith.mulf %mul3A_1068, %mul3A_1045 : vector<1x1024xf32>
    %add3A_1070 = arith.addf %add3A_1027, %mul3A_1069 : vector<1x1024xf32>
    %mul3A_1071 = arith.constant 5.000000e-01 : f32
    %mul3A_1072 = vector.broadcast %mul3A_1071 : f32 to vector<1x1024xf32>
    %mul3A_1073 = arith.mulf %mul3A_1072, %mul3A_1055 : vector<1x1024xf32>
    %sub3A_1074 = arith.subf %add3A_1035, %mul3A_1073 : vector<1x1024xf32>
    %mul3A_1075 = arith.constant 5.000000e-01 : f32
    %mul3A_1076 = vector.broadcast %mul3A_1075 : f32 to vector<1x1024xf32>
    %mul3A_1077 = arith.mulf %mul3A_1076, %mul3A_1055 : vector<1x1024xf32>
    %add3A_1078 = arith.addf %add3A_1035, %mul3A_1077 : vector<1x1024xf32>
    %mul3A_1079 = arith.mulf %mul3A_1045, %mul3A_1055 : vector<1x1024xf32>
    %get3A_1080 = arith.constant 1 : index
    %get3A_1081 = arith.constant 0 : index
    %get3A_1082 = vector.load %arg4[%get3A_1080, %get3A_1081] : memref<5x2xf32, #tpu.memory_space<vmem>>, vector<1x1xf32>
    %get3A_1083 = arith.constant 1 : index
    %get3A_1084 = arith.constant 1 : index
    %get3A_1085 = vector.load %arg4[%get3A_1083, %get3A_1084] : memref<5x2xf32, #tpu.memory_space<vmem>>, vector<1x1xf32>
    %slice3A_1086 = vector.extract_strided_slice %get3A_970 {offsets = [25, 0], sizes = [1, 1024], strides = [1, 1]} : vector<125x1024xf32> to vector<1x1024xf32>
    %logistic3A_1087 = arith.negf %slice3A_1086 : vector<1x1024xf32>
    %logistic3A_1088 = math.exp %logistic3A_1087 : vector<1x1024xf32>
    %logistic3A_1089 = arith.constant 1.000000e+00 : f32
    %logistic3A_1090 = vector.broadcast %logistic3A_1089 : f32 to vector<1x1024xf32>
    %logistic3A_1091 = arith.addf %logistic3A_1090, %logistic3A_1088 : vector<1x1024xf32>
    %logistic3A_1092 = arith.divf %logistic3A_1090, %logistic3A_1091 : vector<1x1024xf32>
    %add3A_1093 = arith.addf %logistic3A_1092, %convert_element_type3A_20 : vector<1x1024xf32>
    %slice3A_1094 = vector.extract_strided_slice %get3A_970 {offsets = [26, 0], sizes = [1, 1024], strides = [1, 1]} : vector<125x1024xf32> to vector<1x1024xf32>
    %logistic3A_1095 = arith.negf %slice3A_1094 : vector<1x1024xf32>
    %logistic3A_1096 = math.exp %logistic3A_1095 : vector<1x1024xf32>
    %logistic3A_1097 = arith.constant 1.000000e+00 : f32
    %logistic3A_1098 = vector.broadcast %logistic3A_1097 : f32 to vector<1x1024xf32>
    %logistic3A_1099 = arith.addf %logistic3A_1098, %logistic3A_1096 : vector<1x1024xf32>
    %logistic3A_1100 = arith.divf %logistic3A_1098, %logistic3A_1099 : vector<1x1024xf32>
    %add3A_1101 = arith.addf %logistic3A_1100, %convert_element_type3A_49 : vector<1x1024xf32>
    %slice3A_1102 = vector.extract_strided_slice %get3A_970 {offsets = [27, 0], sizes = [1, 1024], strides = [1, 1]} : vector<125x1024xf32> to vector<1x1024xf32>
    %jit3A_1103 = arith.constant -1.000000e+01 : f32
    %jit3A_1104 = arith.constant 1.000000e+01 : f32
    %max3A_1105 = vector.broadcast %jit3A_1103 : f32 to vector<1x1024xf32>
    %max3A_1106 = arith.maximumf %max3A_1105, %slice3A_1102 : vector<1x1024xf32>
    %min3A_1107 = vector.broadcast %jit3A_1104 : f32 to vector<1x1024xf32>
    %min3A_1108 = arith.minimumf %min3A_1107, %max3A_1106 : vector<1x1024xf32>
    %exp3A_1109 = math.exp %min3A_1108 : vector<1x1024xf32>
    %mul3A_1110 = vector.broadcast %get3A_1082 : vector<1x1xf32> to vector<1x1024xf32>
    %mul3A_1111 = arith.mulf %exp3A_1109, %mul3A_1110 : vector<1x1024xf32>
    %slice3A_1112 = vector.extract_strided_slice %get3A_970 {offsets = [28, 0], sizes = [1, 1024], strides = [1, 1]} : vector<125x1024xf32> to vector<1x1024xf32>
    %jit3A_1113 = arith.constant -1.000000e+01 : f32
    %jit3A_1114 = arith.constant 1.000000e+01 : f32
    %max3A_1115 = vector.broadcast %jit3A_1113 : f32 to vector<1x1024xf32>
    %max3A_1116 = arith.maximumf %max3A_1115, %slice3A_1112 : vector<1x1024xf32>
    %min3A_1117 = vector.broadcast %jit3A_1114 : f32 to vector<1x1024xf32>
    %min3A_1118 = arith.minimumf %min3A_1117, %max3A_1116 : vector<1x1024xf32>
    %exp3A_1119 = math.exp %min3A_1118 : vector<1x1024xf32>
    %mul3A_1120 = vector.broadcast %get3A_1085 : vector<1x1xf32> to vector<1x1024xf32>
    %mul3A_1121 = arith.mulf %exp3A_1119, %mul3A_1120 : vector<1x1024xf32>
    %slice3A_1122 = vector.extract_strided_slice %get3A_970 {offsets = [29, 0], sizes = [1, 1024], strides = [1, 1]} : vector<125x1024xf32> to vector<1x1024xf32>
    %logistic3A_1123 = arith.negf %slice3A_1122 : vector<1x1024xf32>
    %logistic3A_1124 = math.exp %logistic3A_1123 : vector<1x1024xf32>
    %logistic3A_1125 = arith.constant 1.000000e+00 : f32
    %logistic3A_1126 = vector.broadcast %logistic3A_1125 : f32 to vector<1x1024xf32>
    %logistic3A_1127 = arith.addf %logistic3A_1126, %logistic3A_1124 : vector<1x1024xf32>
    %logistic3A_1128 = arith.divf %logistic3A_1126, %logistic3A_1127 : vector<1x1024xf32>
    %mul3A_1129 = arith.constant 5.000000e-01 : f32
    %mul3A_1130 = vector.broadcast %mul3A_1129 : f32 to vector<1x1024xf32>
    %mul3A_1131 = arith.mulf %mul3A_1130, %mul3A_1111 : vector<1x1024xf32>
    %sub3A_1132 = arith.subf %add3A_1093, %mul3A_1131 : vector<1x1024xf32>
    %mul3A_1133 = arith.constant 5.000000e-01 : f32
    %mul3A_1134 = vector.broadcast %mul3A_1133 : f32 to vector<1x1024xf32>
    %mul3A_1135 = arith.mulf %mul3A_1134, %mul3A_1111 : vector<1x1024xf32>
    %add3A_1136 = arith.addf %add3A_1093, %mul3A_1135 : vector<1x1024xf32>
    %mul3A_1137 = arith.constant 5.000000e-01 : f32
    %mul3A_1138 = vector.broadcast %mul3A_1137 : f32 to vector<1x1024xf32>
    %mul3A_1139 = arith.mulf %mul3A_1138, %mul3A_1121 : vector<1x1024xf32>
    %sub3A_1140 = arith.subf %add3A_1101, %mul3A_1139 : vector<1x1024xf32>
    %mul3A_1141 = arith.constant 5.000000e-01 : f32
    %mul3A_1142 = vector.broadcast %mul3A_1141 : f32 to vector<1x1024xf32>
    %mul3A_1143 = arith.mulf %mul3A_1142, %mul3A_1121 : vector<1x1024xf32>
    %add3A_1144 = arith.addf %add3A_1101, %mul3A_1143 : vector<1x1024xf32>
    %mul3A_1145 = arith.mulf %mul3A_1111, %mul3A_1121 : vector<1x1024xf32>
    %get3A_1146 = arith.constant 2 : index
    %get3A_1147 = arith.constant 0 : index
    %get3A_1148 = vector.load %arg4[%get3A_1146, %get3A_1147] : memref<5x2xf32, #tpu.memory_space<vmem>>, vector<1x1xf32>
    %get3A_1149 = arith.constant 2 : index
    %get3A_1150 = arith.constant 1 : index
    %get3A_1151 = vector.load %arg4[%get3A_1149, %get3A_1150] : memref<5x2xf32, #tpu.memory_space<vmem>>, vector<1x1xf32>
    %slice3A_1152 = vector.extract_strided_slice %get3A_970 {offsets = [50, 0], sizes = [1, 1024], strides = [1, 1]} : vector<125x1024xf32> to vector<1x1024xf32>
    %logistic3A_1153 = arith.negf %slice3A_1152 : vector<1x1024xf32>
    %logistic3A_1154 = math.exp %logistic3A_1153 : vector<1x1024xf32>
    %logistic3A_1155 = arith.constant 1.000000e+00 : f32
    %logistic3A_1156 = vector.broadcast %logistic3A_1155 : f32 to vector<1x1024xf32>
    %logistic3A_1157 = arith.addf %logistic3A_1156, %logistic3A_1154 : vector<1x1024xf32>
    %logistic3A_1158 = arith.divf %logistic3A_1156, %logistic3A_1157 : vector<1x1024xf32>
    %add3A_1159 = arith.addf %logistic3A_1158, %convert_element_type3A_20 : vector<1x1024xf32>
    %slice3A_1160 = vector.extract_strided_slice %get3A_970 {offsets = [51, 0], sizes = [1, 1024], strides = [1, 1]} : vector<125x1024xf32> to vector<1x1024xf32>
    %logistic3A_1161 = arith.negf %slice3A_1160 : vector<1x1024xf32>
    %logistic3A_1162 = math.exp %logistic3A_1161 : vector<1x1024xf32>
    %logistic3A_1163 = arith.constant 1.000000e+00 : f32
    %logistic3A_1164 = vector.broadcast %logistic3A_1163 : f32 to vector<1x1024xf32>
    %logistic3A_1165 = arith.addf %logistic3A_1164, %logistic3A_1162 : vector<1x1024xf32>
    %logistic3A_1166 = arith.divf %logistic3A_1164, %logistic3A_1165 : vector<1x1024xf32>
    %add3A_1167 = arith.addf %logistic3A_1166, %convert_element_type3A_49 : vector<1x1024xf32>
    %slice3A_1168 = vector.extract_strided_slice %get3A_970 {offsets = [52, 0], sizes = [1, 1024], strides = [1, 1]} : vector<125x1024xf32> to vector<1x1024xf32>
    %jit3A_1169 = arith.constant -1.000000e+01 : f32
    %jit3A_1170 = arith.constant 1.000000e+01 : f32
    %max3A_1171 = vector.broadcast %jit3A_1169 : f32 to vector<1x1024xf32>
    %max3A_1172 = arith.maximumf %max3A_1171, %slice3A_1168 : vector<1x1024xf32>
    %min3A_1173 = vector.broadcast %jit3A_1170 : f32 to vector<1x1024xf32>
    %min3A_1174 = arith.minimumf %min3A_1173, %max3A_1172 : vector<1x1024xf32>
    %exp3A_1175 = math.exp %min3A_1174 : vector<1x1024xf32>
    %mul3A_1176 = vector.broadcast %get3A_1148 : vector<1x1xf32> to vector<1x1024xf32>
    %mul3A_1177 = arith.mulf %exp3A_1175, %mul3A_1176 : vector<1x1024xf32>
    %slice3A_1178 = vector.extract_strided_slice %get3A_970 {offsets = [53, 0], sizes = [1, 1024], strides = [1, 1]} : vector<125x1024xf32> to vector<1x1024xf32>
    %jit3A_1179 = arith.constant -1.000000e+01 : f32
    %jit3A_1180 = arith.constant 1.000000e+01 : f32
    %max3A_1181 = vector.broadcast %jit3A_1179 : f32 to vector<1x1024xf32>
    %max3A_1182 = arith.maximumf %max3A_1181, %slice3A_1178 : vector<1x1024xf32>
    %min3A_1183 = vector.broadcast %jit3A_1180 : f32 to vector<1x1024xf32>
    %min3A_1184 = arith.minimumf %min3A_1183, %max3A_1182 : vector<1x1024xf32>
    %exp3A_1185 = math.exp %min3A_1184 : vector<1x1024xf32>
    %mul3A_1186 = vector.broadcast %get3A_1151 : vector<1x1xf32> to vector<1x1024xf32>
    %mul3A_1187 = arith.mulf %exp3A_1185, %mul3A_1186 : vector<1x1024xf32>
    %slice3A_1188 = vector.extract_strided_slice %get3A_970 {offsets = [54, 0], sizes = [1, 1024], strides = [1, 1]} : vector<125x1024xf32> to vector<1x1024xf32>
    %logistic3A_1189 = arith.negf %slice3A_1188 : vector<1x1024xf32>
    %logistic3A_1190 = math.exp %logistic3A_1189 : vector<1x1024xf32>
    %logistic3A_1191 = arith.constant 1.000000e+00 : f32
    %logistic3A_1192 = vector.broadcast %logistic3A_1191 : f32 to vector<1x1024xf32>
    %logistic3A_1193 = arith.addf %logistic3A_1192, %logistic3A_1190 : vector<1x1024xf32>
    %logistic3A_1194 = arith.divf %logistic3A_1192, %logistic3A_1193 : vector<1x1024xf32>
    %mul3A_1195 = arith.constant 5.000000e-01 : f32
    %mul3A_1196 = vector.broadcast %mul3A_1195 : f32 to vector<1x1024xf32>
    %mul3A_1197 = arith.mulf %mul3A_1196, %mul3A_1177 : vector<1x1024xf32>
    %sub3A_1198 = arith.subf %add3A_1159, %mul3A_1197 : vector<1x1024xf32>
    %mul3A_1199 = arith.constant 5.000000e-01 : f32
    %mul3A_1200 = vector.broadcast %mul3A_1199 : f32 to vector<1x1024xf32>
    %mul3A_1201 = arith.mulf %mul3A_1200, %mul3A_1177 : vector<1x1024xf32>
    %add3A_1202 = arith.addf %add3A_1159, %mul3A_1201 : vector<1x1024xf32>
    %mul3A_1203 = arith.constant 5.000000e-01 : f32
    %mul3A_1204 = vector.broadcast %mul3A_1203 : f32 to vector<1x1024xf32>
    %mul3A_1205 = arith.mulf %mul3A_1204, %mul3A_1187 : vector<1x1024xf32>
    %sub3A_1206 = arith.subf %add3A_1167, %mul3A_1205 : vector<1x1024xf32>
    %mul3A_1207 = arith.constant 5.000000e-01 : f32
    %mul3A_1208 = vector.broadcast %mul3A_1207 : f32 to vector<1x1024xf32>
    %mul3A_1209 = arith.mulf %mul3A_1208, %mul3A_1187 : vector<1x1024xf32>
    %add3A_1210 = arith.addf %add3A_1167, %mul3A_1209 : vector<1x1024xf32>
    %mul3A_1211 = arith.mulf %mul3A_1177, %mul3A_1187 : vector<1x1024xf32>
    %get3A_1212 = arith.constant 3 : index
    %get3A_1213 = arith.constant 0 : index
    %get3A_1214 = vector.load %arg4[%get3A_1212, %get3A_1213] : memref<5x2xf32, #tpu.memory_space<vmem>>, vector<1x1xf32>
    %get3A_1215 = arith.constant 3 : index
    %get3A_1216 = arith.constant 1 : index
    %get3A_1217 = vector.load %arg4[%get3A_1215, %get3A_1216] : memref<5x2xf32, #tpu.memory_space<vmem>>, vector<1x1xf32>
    %slice3A_1218 = vector.extract_strided_slice %get3A_970 {offsets = [75, 0], sizes = [1, 1024], strides = [1, 1]} : vector<125x1024xf32> to vector<1x1024xf32>
    %logistic3A_1219 = arith.negf %slice3A_1218 : vector<1x1024xf32>
    %logistic3A_1220 = math.exp %logistic3A_1219 : vector<1x1024xf32>
    %logistic3A_1221 = arith.constant 1.000000e+00 : f32
    %logistic3A_1222 = vector.broadcast %logistic3A_1221 : f32 to vector<1x1024xf32>
    %logistic3A_1223 = arith.addf %logistic3A_1222, %logistic3A_1220 : vector<1x1024xf32>
    %logistic3A_1224 = arith.divf %logistic3A_1222, %logistic3A_1223 : vector<1x1024xf32>
    %add3A_1225 = arith.addf %logistic3A_1224, %convert_element_type3A_20 : vector<1x1024xf32>
    %slice3A_1226 = vector.extract_strided_slice %get3A_970 {offsets = [76, 0], sizes = [1, 1024], strides = [1, 1]} : vector<125x1024xf32> to vector<1x1024xf32>
    %logistic3A_1227 = arith.negf %slice3A_1226 : vector<1x1024xf32>
    %logistic3A_1228 = math.exp %logistic3A_1227 : vector<1x1024xf32>
    %logistic3A_1229 = arith.constant 1.000000e+00 : f32
    %logistic3A_1230 = vector.broadcast %logistic3A_1229 : f32 to vector<1x1024xf32>
    %logistic3A_1231 = arith.addf %logistic3A_1230, %logistic3A_1228 : vector<1x1024xf32>
    %logistic3A_1232 = arith.divf %logistic3A_1230, %logistic3A_1231 : vector<1x1024xf32>
    %add3A_1233 = arith.addf %logistic3A_1232, %convert_element_type3A_49 : vector<1x1024xf32>
    %slice3A_1234 = vector.extract_strided_slice %get3A_970 {offsets = [77, 0], sizes = [1, 1024], strides = [1, 1]} : vector<125x1024xf32> to vector<1x1024xf32>
    %jit3A_1235 = arith.constant -1.000000e+01 : f32
    %jit3A_1236 = arith.constant 1.000000e+01 : f32
    %max3A_1237 = vector.broadcast %jit3A_1235 : f32 to vector<1x1024xf32>
    %max3A_1238 = arith.maximumf %max3A_1237, %slice3A_1234 : vector<1x1024xf32>
    %min3A_1239 = vector.broadcast %jit3A_1236 : f32 to vector<1x1024xf32>
    %min3A_1240 = arith.minimumf %min3A_1239, %max3A_1238 : vector<1x1024xf32>
    %exp3A_1241 = math.exp %min3A_1240 : vector<1x1024xf32>
    %mul3A_1242 = vector.broadcast %get3A_1214 : vector<1x1xf32> to vector<1x1024xf32>
    %mul3A_1243 = arith.mulf %exp3A_1241, %mul3A_1242 : vector<1x1024xf32>
    %slice3A_1244 = vector.extract_strided_slice %get3A_970 {offsets = [78, 0], sizes = [1, 1024], strides = [1, 1]} : vector<125x1024xf32> to vector<1x1024xf32>
    %jit3A_1245 = arith.constant -1.000000e+01 : f32
    %jit3A_1246 = arith.constant 1.000000e+01 : f32
    %max3A_1247 = vector.broadcast %jit3A_1245 : f32 to vector<1x1024xf32>
    %max3A_1248 = arith.maximumf %max3A_1247, %slice3A_1244 : vector<1x1024xf32>
    %min3A_1249 = vector.broadcast %jit3A_1246 : f32 to vector<1x1024xf32>
    %min3A_1250 = arith.minimumf %min3A_1249, %max3A_1248 : vector<1x1024xf32>
    %exp3A_1251 = math.exp %min3A_1250 : vector<1x1024xf32>
    %mul3A_1252 = vector.broadcast %get3A_1217 : vector<1x1xf32> to vector<1x1024xf32>
    %mul3A_1253 = arith.mulf %exp3A_1251, %mul3A_1252 : vector<1x1024xf32>
    %slice3A_1254 = vector.extract_strided_slice %get3A_970 {offsets = [79, 0], sizes = [1, 1024], strides = [1, 1]} : vector<125x1024xf32> to vector<1x1024xf32>
    %logistic3A_1255 = arith.negf %slice3A_1254 : vector<1x1024xf32>
    %logistic3A_1256 = math.exp %logistic3A_1255 : vector<1x1024xf32>
    %logistic3A_1257 = arith.constant 1.000000e+00 : f32
    %logistic3A_1258 = vector.broadcast %logistic3A_1257 : f32 to vector<1x1024xf32>
    %logistic3A_1259 = arith.addf %logistic3A_1258, %logistic3A_1256 : vector<1x1024xf32>
    %logistic3A_1260 = arith.divf %logistic3A_1258, %logistic3A_1259 : vector<1x1024xf32>
    %mul3A_1261 = arith.constant 5.000000e-01 : f32
    %mul3A_1262 = vector.broadcast %mul3A_1261 : f32 to vector<1x1024xf32>
    %mul3A_1263 = arith.mulf %mul3A_1262, %mul3A_1243 : vector<1x1024xf32>
    %sub3A_1264 = arith.subf %add3A_1225, %mul3A_1263 : vector<1x1024xf32>
    %mul3A_1265 = arith.constant 5.000000e-01 : f32
    %mul3A_1266 = vector.broadcast %mul3A_1265 : f32 to vector<1x1024xf32>
    %mul3A_1267 = arith.mulf %mul3A_1266, %mul3A_1243 : vector<1x1024xf32>
    %add3A_1268 = arith.addf %add3A_1225, %mul3A_1267 : vector<1x1024xf32>
    %mul3A_1269 = arith.constant 5.000000e-01 : f32
    %mul3A_1270 = vector.broadcast %mul3A_1269 : f32 to vector<1x1024xf32>
    %mul3A_1271 = arith.mulf %mul3A_1270, %mul3A_1253 : vector<1x1024xf32>
    %sub3A_1272 = arith.subf %add3A_1233, %mul3A_1271 : vector<1x1024xf32>
    %mul3A_1273 = arith.constant 5.000000e-01 : f32
    %mul3A_1274 = vector.broadcast %mul3A_1273 : f32 to vector<1x1024xf32>
    %mul3A_1275 = arith.mulf %mul3A_1274, %mul3A_1253 : vector<1x1024xf32>
    %add3A_1276 = arith.addf %add3A_1233, %mul3A_1275 : vector<1x1024xf32>
    %mul3A_1277 = arith.mulf %mul3A_1243, %mul3A_1253 : vector<1x1024xf32>
    %get3A_1278 = arith.constant 4 : index
    %get3A_1279 = arith.constant 0 : index
    %get3A_1280 = vector.load %arg4[%get3A_1278, %get3A_1279] : memref<5x2xf32, #tpu.memory_space<vmem>>, vector<1x1xf32>
    %get3A_1281 = arith.constant 4 : index
    %get3A_1282 = arith.constant 1 : index
    %get3A_1283 = vector.load %arg4[%get3A_1281, %get3A_1282] : memref<5x2xf32, #tpu.memory_space<vmem>>, vector<1x1xf32>
    %slice3A_1284 = vector.extract_strided_slice %get3A_970 {offsets = [100, 0], sizes = [1, 1024], strides = [1, 1]} : vector<125x1024xf32> to vector<1x1024xf32>
    %logistic3A_1285 = arith.negf %slice3A_1284 : vector<1x1024xf32>
    %logistic3A_1286 = math.exp %logistic3A_1285 : vector<1x1024xf32>
    %logistic3A_1287 = arith.constant 1.000000e+00 : f32
    %logistic3A_1288 = vector.broadcast %logistic3A_1287 : f32 to vector<1x1024xf32>
    %logistic3A_1289 = arith.addf %logistic3A_1288, %logistic3A_1286 : vector<1x1024xf32>
    %logistic3A_1290 = arith.divf %logistic3A_1288, %logistic3A_1289 : vector<1x1024xf32>
    %add3A_1291 = arith.addf %logistic3A_1290, %convert_element_type3A_20 : vector<1x1024xf32>
    %slice3A_1292 = vector.extract_strided_slice %get3A_970 {offsets = [101, 0], sizes = [1, 1024], strides = [1, 1]} : vector<125x1024xf32> to vector<1x1024xf32>
    %logistic3A_1293 = arith.negf %slice3A_1292 : vector<1x1024xf32>
    %logistic3A_1294 = math.exp %logistic3A_1293 : vector<1x1024xf32>
    %logistic3A_1295 = arith.constant 1.000000e+00 : f32
    %logistic3A_1296 = vector.broadcast %logistic3A_1295 : f32 to vector<1x1024xf32>
    %logistic3A_1297 = arith.addf %logistic3A_1296, %logistic3A_1294 : vector<1x1024xf32>
    %logistic3A_1298 = arith.divf %logistic3A_1296, %logistic3A_1297 : vector<1x1024xf32>
    %add3A_1299 = arith.addf %logistic3A_1298, %convert_element_type3A_49 : vector<1x1024xf32>
    %slice3A_1300 = vector.extract_strided_slice %get3A_970 {offsets = [102, 0], sizes = [1, 1024], strides = [1, 1]} : vector<125x1024xf32> to vector<1x1024xf32>
    %jit3A_1301 = arith.constant -1.000000e+01 : f32
    %jit3A_1302 = arith.constant 1.000000e+01 : f32
    %max3A_1303 = vector.broadcast %jit3A_1301 : f32 to vector<1x1024xf32>
    %max3A_1304 = arith.maximumf %max3A_1303, %slice3A_1300 : vector<1x1024xf32>
    %min3A_1305 = vector.broadcast %jit3A_1302 : f32 to vector<1x1024xf32>
    %min3A_1306 = arith.minimumf %min3A_1305, %max3A_1304 : vector<1x1024xf32>
    %exp3A_1307 = math.exp %min3A_1306 : vector<1x1024xf32>
    %mul3A_1308 = vector.broadcast %get3A_1280 : vector<1x1xf32> to vector<1x1024xf32>
    %mul3A_1309 = arith.mulf %exp3A_1307, %mul3A_1308 : vector<1x1024xf32>
    %slice3A_1310 = vector.extract_strided_slice %get3A_970 {offsets = [103, 0], sizes = [1, 1024], strides = [1, 1]} : vector<125x1024xf32> to vector<1x1024xf32>
    %jit3A_1311 = arith.constant -1.000000e+01 : f32
    %jit3A_1312 = arith.constant 1.000000e+01 : f32
    %max3A_1313 = vector.broadcast %jit3A_1311 : f32 to vector<1x1024xf32>
    %max3A_1314 = arith.maximumf %max3A_1313, %slice3A_1310 : vector<1x1024xf32>
    %min3A_1315 = vector.broadcast %jit3A_1312 : f32 to vector<1x1024xf32>
    %min3A_1316 = arith.minimumf %min3A_1315, %max3A_1314 : vector<1x1024xf32>
    %exp3A_1317 = math.exp %min3A_1316 : vector<1x1024xf32>
    %mul3A_1318 = vector.broadcast %get3A_1283 : vector<1x1xf32> to vector<1x1024xf32>
    %mul3A_1319 = arith.mulf %exp3A_1317, %mul3A_1318 : vector<1x1024xf32>
    %slice3A_1320 = vector.extract_strided_slice %get3A_970 {offsets = [104, 0], sizes = [1, 1024], strides = [1, 1]} : vector<125x1024xf32> to vector<1x1024xf32>
    %logistic3A_1321 = arith.negf %slice3A_1320 : vector<1x1024xf32>
    %logistic3A_1322 = math.exp %logistic3A_1321 : vector<1x1024xf32>
    %logistic3A_1323 = arith.constant 1.000000e+00 : f32
    %logistic3A_1324 = vector.broadcast %logistic3A_1323 : f32 to vector<1x1024xf32>
    %logistic3A_1325 = arith.addf %logistic3A_1324, %logistic3A_1322 : vector<1x1024xf32>
    %logistic3A_1326 = arith.divf %logistic3A_1324, %logistic3A_1325 : vector<1x1024xf32>
    %mul3A_1327 = arith.constant 5.000000e-01 : f32
    %mul3A_1328 = vector.broadcast %mul3A_1327 : f32 to vector<1x1024xf32>
    %mul3A_1329 = arith.mulf %mul3A_1328, %mul3A_1309 : vector<1x1024xf32>
    %sub3A_1330 = arith.subf %add3A_1291, %mul3A_1329 : vector<1x1024xf32>
    %mul3A_1331 = arith.constant 5.000000e-01 : f32
    %mul3A_1332 = vector.broadcast %mul3A_1331 : f32 to vector<1x1024xf32>
    %mul3A_1333 = arith.mulf %mul3A_1332, %mul3A_1309 : vector<1x1024xf32>
    %add3A_1334 = arith.addf %add3A_1291, %mul3A_1333 : vector<1x1024xf32>
    %mul3A_1335 = arith.constant 5.000000e-01 : f32
    %mul3A_1336 = vector.broadcast %mul3A_1335 : f32 to vector<1x1024xf32>
    %mul3A_1337 = arith.mulf %mul3A_1336, %mul3A_1319 : vector<1x1024xf32>
    %sub3A_1338 = arith.subf %add3A_1299, %mul3A_1337 : vector<1x1024xf32>
    %mul3A_1339 = arith.constant 5.000000e-01 : f32
    %mul3A_1340 = vector.broadcast %mul3A_1339 : f32 to vector<1x1024xf32>
    %mul3A_1341 = arith.mulf %mul3A_1340, %mul3A_1319 : vector<1x1024xf32>
    %add3A_1342 = arith.addf %add3A_1299, %mul3A_1341 : vector<1x1024xf32>
    %mul3A_1343 = arith.mulf %mul3A_1309, %mul3A_1319 : vector<1x1024xf32>
    %broadcast_in_dim3A_1344 = arith.constant -1.000000e+00 : f32
    %broadcast_in_dim3A_1345 = vector.broadcast %broadcast_in_dim3A_1344 : f32 to vector<8x1024xf32>
    %broadcast_in_dim3A_1346 = arith.constant -1.000000e+00 : f32
    %broadcast_in_dim3A_1347 = vector.broadcast %broadcast_in_dim3A_1346 : f32 to vector<8x1024xf32>
    %broadcast_in_dim3A_1348 = arith.constant -1.000000e+00 : f32
    %broadcast_in_dim3A_1349 = vector.broadcast %broadcast_in_dim3A_1348 : f32 to vector<8x1024xf32>
    %broadcast_in_dim3A_1350 = arith.constant -1.000000e+00 : f32
    %broadcast_in_dim3A_1351 = vector.broadcast %broadcast_in_dim3A_1350 : f32 to vector<8x1024xf32>
    %broadcast_in_dim3A_1352 = arith.constant -1.000000e+00 : f32
    %broadcast_in_dim3A_1353 = vector.broadcast %broadcast_in_dim3A_1352 : f32 to vector<8x1024xf32>
    %while3A_1354 = arith.constant 0 : i32
    %while3A_1355 = arith.subi %select_n3A_1013, %while3A_1354 : i32
    %while3A_1356 = arith.addi %while3A_1354, %while3A_1355 : i32
    %while3A_1357 = arith.constant 1 : i32
    %while3A_1358 = arith.divsi %while3A_1355, %while3A_1357 : i32
    %while3A_1359 = arith.muli %while3A_1358, %while3A_1357 : i32
    %while3A_1360 = arith.addi %while3A_1354, %while3A_1359 : i32
    %while3A_1361 = arith.constant 1 : i32
    %while3A_1362:5 = scf.for %while3A_1887 = %while3A_1354 to %while3A_1360 step %while3A_1361 iter_args(%while3A_1888 = %broadcast_in_dim3A_1345, %while3A_1889 = %broadcast_in_dim3A_1347, %while3A_1890 = %broadcast_in_dim3A_1349, %while3A_1891 = %broadcast_in_dim3A_1351, %while3A_1892 = %broadcast_in_dim3A_1353) -> (vector<8x1024xf32>, vector<8x1024xf32>, vector<8x1024xf32>, vector<8x1024xf32>, vector<8x1024xf32>)  : i32 {
      %mul3A_1893 = arith.constant 8 : i32
      %mul3A_1894 = arith.muli %mul3A_1893, %while3A_1887 : i32
      %add3A_1895 = arith.addi %reduce_sum3A_986, %mul3A_1894 : i32
      %min3A_1896 = arith.constant 120 : i32
      %min3A_1897 = arith.minsi %add3A_1895, %min3A_1896 : i32
      %get3A_1898 = arith.index_cast %min3A_1897 : i32 to index
      %get3A_1899 = arith.constant 0 : index
      %get3A_1900 = vector.load %arg6[%get3A_1898, %get3A_1899] : memref<128x8xf32, #tpu.memory_space<vmem>>, vector<8x8xf32>
      %slice3A_1901 = vector.extract_strided_slice %get3A_1900 {offsets = [0, 0], sizes = [8, 1], strides = [1, 1]} : vector<8x8xf32> to vector<8x1xf32>
      %slice3A_1902 = vector.extract_strided_slice %get3A_1900 {offsets = [0, 1], sizes = [8, 1], strides = [1, 1]} : vector<8x8xf32> to vector<8x1xf32>
      %slice3A_1903 = vector.extract_strided_slice %get3A_1900 {offsets = [0, 2], sizes = [8, 1], strides = [1, 1]} : vector<8x8xf32> to vector<8x1xf32>
      %slice3A_1904 = vector.extract_strided_slice %get3A_1900 {offsets = [0, 3], sizes = [8, 1], strides = [1, 1]} : vector<8x8xf32> to vector<8x1xf32>
      %slice3A_1905 = vector.extract_strided_slice %get3A_1900 {offsets = [0, 4], sizes = [8, 1], strides = [1, 1]} : vector<8x8xf32> to vector<8x1xf32>
      %add3A_1906 = vector.broadcast %min3A_1897 : i32 to vector<8x1xi32>
      %add3A_1907 = arith.addi %iota3A_50, %add3A_1906 : vector<8x1xi32>
      %ge3A = vector.broadcast %add3A_1895 : i32 to vector<8x1xi32>
      %ge3A_1908 = arith.cmpi sge, %add3A_1907, %ge3A : vector<8x1xi32>
      %lt3A_1909 = vector.broadcast %add3A_987 : i32 to vector<8x1xi32>
      %lt3A_1910 = arith.cmpi slt, %add3A_1907, %lt3A_1909 : vector<8x1xi32>
      %and3A_1911 = arith.andi %ge3A_1908, %lt3A_1910 : vector<8x1xi1>
      %jit3A_1912 = arith.constant 0.000000e+00 : f32
      %jit3A_1913 = arith.constant 1.000000e+09 : f32
      %broadcast_in_dim3A_1914 = vector.broadcast %jit3A_1912 : f32 to vector<8x1xf32>
      %broadcast_in_dim3A_1915 = vector.broadcast %jit3A_1913 : f32 to vector<8x1xf32>
      %select_n3A_1916 = arith.select %and3A_1911, %broadcast_in_dim3A_1914, %broadcast_in_dim3A_1915 : vector<8x1xi1>, vector<8x1xf32>
      %add3A_1917 = arith.addf %slice3A_1905, %select_n3A_1916 : vector<8x1xf32>
      %min3A_1918 = vector.broadcast %add3A_1070 : vector<1x1024xf32> to vector<8x1024xf32>
      %min3A_1919 = vector.broadcast %slice3A_1903 : vector<8x1xf32> to vector<8x1024xf32>
      %min3A_1920 = arith.minimumf %min3A_1918, %min3A_1919 : vector<8x1024xf32>
      %max3A_1921 = vector.broadcast %sub3A_1066 : vector<1x1024xf32> to vector<8x1024xf32>
      %max3A_1922 = vector.broadcast %slice3A_1901 : vector<8x1xf32> to vector<8x1024xf32>
      %max3A_1923 = arith.maximumf %max3A_1921, %max3A_1922 : vector<8x1024xf32>
      %sub3A_1924 = arith.subf %min3A_1920, %max3A_1923 : vector<8x1024xf32>
      %max3A_1925 = arith.constant 0.000000e+00 : f32
      %max3A_1926 = vector.broadcast %max3A_1925 : f32 to vector<8x1024xf32>
      %max3A_1927 = arith.maximumf %sub3A_1924, %max3A_1926 : vector<8x1024xf32>
      %min3A_1928 = vector.broadcast %add3A_1078 : vector<1x1024xf32> to vector<8x1024xf32>
      %min3A_1929 = vector.broadcast %slice3A_1904 : vector<8x1xf32> to vector<8x1024xf32>
      %min3A_1930 = arith.minimumf %min3A_1928, %min3A_1929 : vector<8x1024xf32>
      %max3A_1931 = vector.broadcast %sub3A_1074 : vector<1x1024xf32> to vector<8x1024xf32>
      %max3A_1932 = vector.broadcast %slice3A_1902 : vector<8x1xf32> to vector<8x1024xf32>
      %max3A_1933 = arith.maximumf %max3A_1931, %max3A_1932 : vector<8x1024xf32>
      %sub3A_1934 = arith.subf %min3A_1930, %max3A_1933 : vector<8x1024xf32>
      %max3A_1935 = arith.constant 0.000000e+00 : f32
      %max3A_1936 = vector.broadcast %max3A_1935 : f32 to vector<8x1024xf32>
      %max3A_1937 = arith.maximumf %sub3A_1934, %max3A_1936 : vector<8x1024xf32>
      %mul3A_1938 = arith.mulf %max3A_1927, %max3A_1937 : vector<8x1024xf32>
      %mul3A_1939 = arith.constant 3.000000e+00 : f32
      %mul3A_1940 = vector.broadcast %mul3A_1939 : f32 to vector<8x1024xf32>
      %mul3A_1941 = arith.mulf %mul3A_1940, %mul3A_1938 : vector<8x1024xf32>
      %add3A_1942 = vector.broadcast %mul3A_1079 : vector<1x1024xf32> to vector<8x1024xf32>
      %add3A_1943 = vector.broadcast %add3A_1917 : vector<8x1xf32> to vector<8x1024xf32>
      %add3A_1944 = arith.addf %add3A_1942, %add3A_1943 : vector<8x1024xf32>
      %sub3A_1945 = arith.subf %mul3A_1941, %add3A_1944 : vector<8x1024xf32>
      %max3A_1946 = arith.maximumf %while3A_1888, %sub3A_1945 : vector<8x1024xf32>
      %min3A_1947 = vector.broadcast %add3A_1136 : vector<1x1024xf32> to vector<8x1024xf32>
      %min3A_1948 = vector.broadcast %slice3A_1903 : vector<8x1xf32> to vector<8x1024xf32>
      %min3A_1949 = arith.minimumf %min3A_1947, %min3A_1948 : vector<8x1024xf32>
      %max3A_1950 = vector.broadcast %sub3A_1132 : vector<1x1024xf32> to vector<8x1024xf32>
      %max3A_1951 = vector.broadcast %slice3A_1901 : vector<8x1xf32> to vector<8x1024xf32>
      %max3A_1952 = arith.maximumf %max3A_1950, %max3A_1951 : vector<8x1024xf32>
      %sub3A_1953 = arith.subf %min3A_1949, %max3A_1952 : vector<8x1024xf32>
      %max3A_1954 = arith.constant 0.000000e+00 : f32
      %max3A_1955 = vector.broadcast %max3A_1954 : f32 to vector<8x1024xf32>
      %max3A_1956 = arith.maximumf %sub3A_1953, %max3A_1955 : vector<8x1024xf32>
      %min3A_1957 = vector.broadcast %add3A_1144 : vector<1x1024xf32> to vector<8x1024xf32>
      %min3A_1958 = vector.broadcast %slice3A_1904 : vector<8x1xf32> to vector<8x1024xf32>
      %min3A_1959 = arith.minimumf %min3A_1957, %min3A_1958 : vector<8x1024xf32>
      %max3A_1960 = vector.broadcast %sub3A_1140 : vector<1x1024xf32> to vector<8x1024xf32>
      %max3A_1961 = vector.broadcast %slice3A_1902 : vector<8x1xf32> to vector<8x1024xf32>
      %max3A_1962 = arith.maximumf %max3A_1960, %max3A_1961 : vector<8x1024xf32>
      %sub3A_1963 = arith.subf %min3A_1959, %max3A_1962 : vector<8x1024xf32>
      %max3A_1964 = arith.constant 0.000000e+00 : f32
      %max3A_1965 = vector.broadcast %max3A_1964 : f32 to vector<8x1024xf32>
      %max3A_1966 = arith.maximumf %sub3A_1963, %max3A_1965 : vector<8x1024xf32>
      %mul3A_1967 = arith.mulf %max3A_1956, %max3A_1966 : vector<8x1024xf32>
      %mul3A_1968 = arith.constant 3.000000e+00 : f32
      %mul3A_1969 = vector.broadcast %mul3A_1968 : f32 to vector<8x1024xf32>
      %mul3A_1970 = arith.mulf %mul3A_1969, %mul3A_1967 : vector<8x1024xf32>
      %add3A_1971 = vector.broadcast %mul3A_1145 : vector<1x1024xf32> to vector<8x1024xf32>
      %add3A_1972 = vector.broadcast %add3A_1917 : vector<8x1xf32> to vector<8x1024xf32>
      %add3A_1973 = arith.addf %add3A_1971, %add3A_1972 : vector<8x1024xf32>
      %sub3A_1974 = arith.subf %mul3A_1970, %add3A_1973 : vector<8x1024xf32>
      %max3A_1975 = arith.maximumf %while3A_1889, %sub3A_1974 : vector<8x1024xf32>
      %min3A_1976 = vector.broadcast %add3A_1202 : vector<1x1024xf32> to vector<8x1024xf32>
      %min3A_1977 = vector.broadcast %slice3A_1903 : vector<8x1xf32> to vector<8x1024xf32>
      %min3A_1978 = arith.minimumf %min3A_1976, %min3A_1977 : vector<8x1024xf32>
      %max3A_1979 = vector.broadcast %sub3A_1198 : vector<1x1024xf32> to vector<8x1024xf32>
      %max3A_1980 = vector.broadcast %slice3A_1901 : vector<8x1xf32> to vector<8x1024xf32>
      %max3A_1981 = arith.maximumf %max3A_1979, %max3A_1980 : vector<8x1024xf32>
      %sub3A_1982 = arith.subf %min3A_1978, %max3A_1981 : vector<8x1024xf32>
      %max3A_1983 = arith.constant 0.000000e+00 : f32
      %max3A_1984 = vector.broadcast %max3A_1983 : f32 to vector<8x1024xf32>
      %max3A_1985 = arith.maximumf %sub3A_1982, %max3A_1984 : vector<8x1024xf32>
      %min3A_1986 = vector.broadcast %add3A_1210 : vector<1x1024xf32> to vector<8x1024xf32>
      %min3A_1987 = vector.broadcast %slice3A_1904 : vector<8x1xf32> to vector<8x1024xf32>
      %min3A_1988 = arith.minimumf %min3A_1986, %min3A_1987 : vector<8x1024xf32>
      %max3A_1989 = vector.broadcast %sub3A_1206 : vector<1x1024xf32> to vector<8x1024xf32>
      %max3A_1990 = vector.broadcast %slice3A_1902 : vector<8x1xf32> to vector<8x1024xf32>
      %max3A_1991 = arith.maximumf %max3A_1989, %max3A_1990 : vector<8x1024xf32>
      %sub3A_1992 = arith.subf %min3A_1988, %max3A_1991 : vector<8x1024xf32>
      %max3A_1993 = arith.constant 0.000000e+00 : f32
      %max3A_1994 = vector.broadcast %max3A_1993 : f32 to vector<8x1024xf32>
      %max3A_1995 = arith.maximumf %sub3A_1992, %max3A_1994 : vector<8x1024xf32>
      %mul3A_1996 = arith.mulf %max3A_1985, %max3A_1995 : vector<8x1024xf32>
      %mul3A_1997 = arith.constant 3.000000e+00 : f32
      %mul3A_1998 = vector.broadcast %mul3A_1997 : f32 to vector<8x1024xf32>
      %mul3A_1999 = arith.mulf %mul3A_1998, %mul3A_1996 : vector<8x1024xf32>
      %add3A_2000 = vector.broadcast %mul3A_1211 : vector<1x1024xf32> to vector<8x1024xf32>
      %add3A_2001 = vector.broadcast %add3A_1917 : vector<8x1xf32> to vector<8x1024xf32>
      %add3A_2002 = arith.addf %add3A_2000, %add3A_2001 : vector<8x1024xf32>
      %sub3A_2003 = arith.subf %mul3A_1999, %add3A_2002 : vector<8x1024xf32>
      %max3A_2004 = arith.maximumf %while3A_1890, %sub3A_2003 : vector<8x1024xf32>
      %min3A_2005 = vector.broadcast %add3A_1268 : vector<1x1024xf32> to vector<8x1024xf32>
      %min3A_2006 = vector.broadcast %slice3A_1903 : vector<8x1xf32> to vector<8x1024xf32>
      %min3A_2007 = arith.minimumf %min3A_2005, %min3A_2006 : vector<8x1024xf32>
      %max3A_2008 = vector.broadcast %sub3A_1264 : vector<1x1024xf32> to vector<8x1024xf32>
      %max3A_2009 = vector.broadcast %slice3A_1901 : vector<8x1xf32> to vector<8x1024xf32>
      %max3A_2010 = arith.maximumf %max3A_2008, %max3A_2009 : vector<8x1024xf32>
      %sub3A_2011 = arith.subf %min3A_2007, %max3A_2010 : vector<8x1024xf32>
      %max3A_2012 = arith.constant 0.000000e+00 : f32
      %max3A_2013 = vector.broadcast %max3A_2012 : f32 to vector<8x1024xf32>
      %max3A_2014 = arith.maximumf %sub3A_2011, %max3A_2013 : vector<8x1024xf32>
      %min3A_2015 = vector.broadcast %add3A_1276 : vector<1x1024xf32> to vector<8x1024xf32>
      %min3A_2016 = vector.broadcast %slice3A_1904 : vector<8x1xf32> to vector<8x1024xf32>
      %min3A_2017 = arith.minimumf %min3A_2015, %min3A_2016 : vector<8x1024xf32>
      %max3A_2018 = vector.broadcast %sub3A_1272 : vector<1x1024xf32> to vector<8x1024xf32>
      %max3A_2019 = vector.broadcast %slice3A_1902 : vector<8x1xf32> to vector<8x1024xf32>
      %max3A_2020 = arith.maximumf %max3A_2018, %max3A_2019 : vector<8x1024xf32>
      %sub3A_2021 = arith.subf %min3A_2017, %max3A_2020 : vector<8x1024xf32>
      %max3A_2022 = arith.constant 0.000000e+00 : f32
      %max3A_2023 = vector.broadcast %max3A_2022 : f32 to vector<8x1024xf32>
      %max3A_2024 = arith.maximumf %sub3A_2021, %max3A_2023 : vector<8x1024xf32>
      %mul3A_2025 = arith.mulf %max3A_2014, %max3A_2024 : vector<8x1024xf32>
      %mul3A_2026 = arith.constant 3.000000e+00 : f32
      %mul3A_2027 = vector.broadcast %mul3A_2026 : f32 to vector<8x1024xf32>
      %mul3A_2028 = arith.mulf %mul3A_2027, %mul3A_2025 : vector<8x1024xf32>
      %add3A_2029 = vector.broadcast %mul3A_1277 : vector<1x1024xf32> to vector<8x1024xf32>
      %add3A_2030 = vector.broadcast %add3A_1917 : vector<8x1xf32> to vector<8x1024xf32>
      %add3A_2031 = arith.addf %add3A_2029, %add3A_2030 : vector<8x1024xf32>
      %sub3A_2032 = arith.subf %mul3A_2028, %add3A_2031 : vector<8x1024xf32>
      %max3A_2033 = arith.maximumf %while3A_1891, %sub3A_2032 : vector<8x1024xf32>
      %min3A_2034 = vector.broadcast %add3A_1334 : vector<1x1024xf32> to vector<8x1024xf32>
      %min3A_2035 = vector.broadcast %slice3A_1903 : vector<8x1xf32> to vector<8x1024xf32>
      %min3A_2036 = arith.minimumf %min3A_2034, %min3A_2035 : vector<8x1024xf32>
      %max3A_2037 = vector.broadcast %sub3A_1330 : vector<1x1024xf32> to vector<8x1024xf32>
      %max3A_2038 = vector.broadcast %slice3A_1901 : vector<8x1xf32> to vector<8x1024xf32>
      %max3A_2039 = arith.maximumf %max3A_2037, %max3A_2038 : vector<8x1024xf32>
      %sub3A_2040 = arith.subf %min3A_2036, %max3A_2039 : vector<8x1024xf32>
      %max3A_2041 = arith.constant 0.000000e+00 : f32
      %max3A_2042 = vector.broadcast %max3A_2041 : f32 to vector<8x1024xf32>
      %max3A_2043 = arith.maximumf %sub3A_2040, %max3A_2042 : vector<8x1024xf32>
      %min3A_2044 = vector.broadcast %add3A_1342 : vector<1x1024xf32> to vector<8x1024xf32>
      %min3A_2045 = vector.broadcast %slice3A_1904 : vector<8x1xf32> to vector<8x1024xf32>
      %min3A_2046 = arith.minimumf %min3A_2044, %min3A_2045 : vector<8x1024xf32>
      %max3A_2047 = vector.broadcast %sub3A_1338 : vector<1x1024xf32> to vector<8x1024xf32>
      %max3A_2048 = vector.broadcast %slice3A_1902 : vector<8x1xf32> to vector<8x1024xf32>
      %max3A_2049 = arith.maximumf %max3A_2047, %max3A_2048 : vector<8x1024xf32>
      %sub3A_2050 = arith.subf %min3A_2046, %max3A_2049 : vector<8x1024xf32>
      %max3A_2051 = arith.constant 0.000000e+00 : f32
      %max3A_2052 = vector.broadcast %max3A_2051 : f32 to vector<8x1024xf32>
      %max3A_2053 = arith.maximumf %sub3A_2050, %max3A_2052 : vector<8x1024xf32>
      %mul3A_2054 = arith.mulf %max3A_2043, %max3A_2053 : vector<8x1024xf32>
      %mul3A_2055 = arith.constant 3.000000e+00 : f32
      %mul3A_2056 = vector.broadcast %mul3A_2055 : f32 to vector<8x1024xf32>
      %mul3A_2057 = arith.mulf %mul3A_2056, %mul3A_2054 : vector<8x1024xf32>
      %add3A_2058 = vector.broadcast %mul3A_1343 : vector<1x1024xf32> to vector<8x1024xf32>
      %add3A_2059 = vector.broadcast %add3A_1917 : vector<8x1xf32> to vector<8x1024xf32>
      %add3A_2060 = arith.addf %add3A_2058, %add3A_2059 : vector<8x1024xf32>
      %sub3A_2061 = arith.subf %mul3A_2057, %add3A_2060 : vector<8x1024xf32>
      %max3A_2062 = arith.maximumf %while3A_1892, %sub3A_2061 : vector<8x1024xf32>
      scf.yield %max3A_1946, %max3A_1975, %max3A_2004, %max3A_2033, %max3A_2062 : vector<8x1024xf32>, vector<8x1024xf32>, vector<8x1024xf32>, vector<8x1024xf32>, vector<8x1024xf32>
    }
    %while3A_1363 = arith.constant 1 : i32
    %while3A_1364:5 = scf.for %while3A_1887 = %while3A_1360 to %while3A_1356 step %while3A_1363 iter_args(%while3A_1888 = %while3A_1362#0, %while3A_1889 = %while3A_1362#1, %while3A_1890 = %while3A_1362#2, %while3A_1891 = %while3A_1362#3, %while3A_1892 = %while3A_1362#4) -> (vector<8x1024xf32>, vector<8x1024xf32>, vector<8x1024xf32>, vector<8x1024xf32>, vector<8x1024xf32>)  : i32 {
      %mul3A_1893 = arith.constant 8 : i32
      %mul3A_1894 = arith.muli %mul3A_1893, %while3A_1887 : i32
      %add3A_1895 = arith.addi %reduce_sum3A_986, %mul3A_1894 : i32
      %min3A_1896 = arith.constant 120 : i32
      %min3A_1897 = arith.minsi %add3A_1895, %min3A_1896 : i32
      %get3A_1898 = arith.index_cast %min3A_1897 : i32 to index
      %get3A_1899 = arith.constant 0 : index
      %get3A_1900 = vector.load %arg6[%get3A_1898, %get3A_1899] : memref<128x8xf32, #tpu.memory_space<vmem>>, vector<8x8xf32>
      %slice3A_1901 = vector.extract_strided_slice %get3A_1900 {offsets = [0, 0], sizes = [8, 1], strides = [1, 1]} : vector<8x8xf32> to vector<8x1xf32>
      %slice3A_1902 = vector.extract_strided_slice %get3A_1900 {offsets = [0, 1], sizes = [8, 1], strides = [1, 1]} : vector<8x8xf32> to vector<8x1xf32>
      %slice3A_1903 = vector.extract_strided_slice %get3A_1900 {offsets = [0, 2], sizes = [8, 1], strides = [1, 1]} : vector<8x8xf32> to vector<8x1xf32>
      %slice3A_1904 = vector.extract_strided_slice %get3A_1900 {offsets = [0, 3], sizes = [8, 1], strides = [1, 1]} : vector<8x8xf32> to vector<8x1xf32>
      %slice3A_1905 = vector.extract_strided_slice %get3A_1900 {offsets = [0, 4], sizes = [8, 1], strides = [1, 1]} : vector<8x8xf32> to vector<8x1xf32>
      %add3A_1906 = vector.broadcast %min3A_1897 : i32 to vector<8x1xi32>
      %add3A_1907 = arith.addi %iota3A_50, %add3A_1906 : vector<8x1xi32>
      %ge3A = vector.broadcast %add3A_1895 : i32 to vector<8x1xi32>
      %ge3A_1908 = arith.cmpi sge, %add3A_1907, %ge3A : vector<8x1xi32>
      %lt3A_1909 = vector.broadcast %add3A_987 : i32 to vector<8x1xi32>
      %lt3A_1910 = arith.cmpi slt, %add3A_1907, %lt3A_1909 : vector<8x1xi32>
      %and3A_1911 = arith.andi %ge3A_1908, %lt3A_1910 : vector<8x1xi1>
      %jit3A_1912 = arith.constant 0.000000e+00 : f32
      %jit3A_1913 = arith.constant 1.000000e+09 : f32
      %broadcast_in_dim3A_1914 = vector.broadcast %jit3A_1912 : f32 to vector<8x1xf32>
      %broadcast_in_dim3A_1915 = vector.broadcast %jit3A_1913 : f32 to vector<8x1xf32>
      %select_n3A_1916 = arith.select %and3A_1911, %broadcast_in_dim3A_1914, %broadcast_in_dim3A_1915 : vector<8x1xi1>, vector<8x1xf32>
      %add3A_1917 = arith.addf %slice3A_1905, %select_n3A_1916 : vector<8x1xf32>
      %min3A_1918 = vector.broadcast %add3A_1070 : vector<1x1024xf32> to vector<8x1024xf32>
      %min3A_1919 = vector.broadcast %slice3A_1903 : vector<8x1xf32> to vector<8x1024xf32>
      %min3A_1920 = arith.minimumf %min3A_1918, %min3A_1919 : vector<8x1024xf32>
      %max3A_1921 = vector.broadcast %sub3A_1066 : vector<1x1024xf32> to vector<8x1024xf32>
      %max3A_1922 = vector.broadcast %slice3A_1901 : vector<8x1xf32> to vector<8x1024xf32>
      %max3A_1923 = arith.maximumf %max3A_1921, %max3A_1922 : vector<8x1024xf32>
      %sub3A_1924 = arith.subf %min3A_1920, %max3A_1923 : vector<8x1024xf32>
      %max3A_1925 = arith.constant 0.000000e+00 : f32
      %max3A_1926 = vector.broadcast %max3A_1925 : f32 to vector<8x1024xf32>
      %max3A_1927 = arith.maximumf %sub3A_1924, %max3A_1926 : vector<8x1024xf32>
      %min3A_1928 = vector.broadcast %add3A_1078 : vector<1x1024xf32> to vector<8x1024xf32>
      %min3A_1929 = vector.broadcast %slice3A_1904 : vector<8x1xf32> to vector<8x1024xf32>
      %min3A_1930 = arith.minimumf %min3A_1928, %min3A_1929 : vector<8x1024xf32>
      %max3A_1931 = vector.broadcast %sub3A_1074 : vector<1x1024xf32> to vector<8x1024xf32>
      %max3A_1932 = vector.broadcast %slice3A_1902 : vector<8x1xf32> to vector<8x1024xf32>
      %max3A_1933 = arith.maximumf %max3A_1931, %max3A_1932 : vector<8x1024xf32>
      %sub3A_1934 = arith.subf %min3A_1930, %max3A_1933 : vector<8x1024xf32>
      %max3A_1935 = arith.constant 0.000000e+00 : f32
      %max3A_1936 = vector.broadcast %max3A_1935 : f32 to vector<8x1024xf32>
      %max3A_1937 = arith.maximumf %sub3A_1934, %max3A_1936 : vector<8x1024xf32>
      %mul3A_1938 = arith.mulf %max3A_1927, %max3A_1937 : vector<8x1024xf32>
      %mul3A_1939 = arith.constant 3.000000e+00 : f32
      %mul3A_1940 = vector.broadcast %mul3A_1939 : f32 to vector<8x1024xf32>
      %mul3A_1941 = arith.mulf %mul3A_1940, %mul3A_1938 : vector<8x1024xf32>
      %add3A_1942 = vector.broadcast %mul3A_1079 : vector<1x1024xf32> to vector<8x1024xf32>
      %add3A_1943 = vector.broadcast %add3A_1917 : vector<8x1xf32> to vector<8x1024xf32>
      %add3A_1944 = arith.addf %add3A_1942, %add3A_1943 : vector<8x1024xf32>
      %sub3A_1945 = arith.subf %mul3A_1941, %add3A_1944 : vector<8x1024xf32>
      %max3A_1946 = arith.maximumf %while3A_1888, %sub3A_1945 : vector<8x1024xf32>
      %min3A_1947 = vector.broadcast %add3A_1136 : vector<1x1024xf32> to vector<8x1024xf32>
      %min3A_1948 = vector.broadcast %slice3A_1903 : vector<8x1xf32> to vector<8x1024xf32>
      %min3A_1949 = arith.minimumf %min3A_1947, %min3A_1948 : vector<8x1024xf32>
      %max3A_1950 = vector.broadcast %sub3A_1132 : vector<1x1024xf32> to vector<8x1024xf32>
      %max3A_1951 = vector.broadcast %slice3A_1901 : vector<8x1xf32> to vector<8x1024xf32>
      %max3A_1952 = arith.maximumf %max3A_1950, %max3A_1951 : vector<8x1024xf32>
      %sub3A_1953 = arith.subf %min3A_1949, %max3A_1952 : vector<8x1024xf32>
      %max3A_1954 = arith.constant 0.000000e+00 : f32
      %max3A_1955 = vector.broadcast %max3A_1954 : f32 to vector<8x1024xf32>
      %max3A_1956 = arith.maximumf %sub3A_1953, %max3A_1955 : vector<8x1024xf32>
      %min3A_1957 = vector.broadcast %add3A_1144 : vector<1x1024xf32> to vector<8x1024xf32>
      %min3A_1958 = vector.broadcast %slice3A_1904 : vector<8x1xf32> to vector<8x1024xf32>
      %min3A_1959 = arith.minimumf %min3A_1957, %min3A_1958 : vector<8x1024xf32>
      %max3A_1960 = vector.broadcast %sub3A_1140 : vector<1x1024xf32> to vector<8x1024xf32>
      %max3A_1961 = vector.broadcast %slice3A_1902 : vector<8x1xf32> to vector<8x1024xf32>
      %max3A_1962 = arith.maximumf %max3A_1960, %max3A_1961 : vector<8x1024xf32>
      %sub3A_1963 = arith.subf %min3A_1959, %max3A_1962 : vector<8x1024xf32>
      %max3A_1964 = arith.constant 0.000000e+00 : f32
      %max3A_1965 = vector.broadcast %max3A_1964 : f32 to vector<8x1024xf32>
      %max3A_1966 = arith.maximumf %sub3A_1963, %max3A_1965 : vector<8x1024xf32>
      %mul3A_1967 = arith.mulf %max3A_1956, %max3A_1966 : vector<8x1024xf32>
      %mul3A_1968 = arith.constant 3.000000e+00 : f32
      %mul3A_1969 = vector.broadcast %mul3A_1968 : f32 to vector<8x1024xf32>
      %mul3A_1970 = arith.mulf %mul3A_1969, %mul3A_1967 : vector<8x1024xf32>
      %add3A_1971 = vector.broadcast %mul3A_1145 : vector<1x1024xf32> to vector<8x1024xf32>
      %add3A_1972 = vector.broadcast %add3A_1917 : vector<8x1xf32> to vector<8x1024xf32>
      %add3A_1973 = arith.addf %add3A_1971, %add3A_1972 : vector<8x1024xf32>
      %sub3A_1974 = arith.subf %mul3A_1970, %add3A_1973 : vector<8x1024xf32>
      %max3A_1975 = arith.maximumf %while3A_1889, %sub3A_1974 : vector<8x1024xf32>
      %min3A_1976 = vector.broadcast %add3A_1202 : vector<1x1024xf32> to vector<8x1024xf32>
      %min3A_1977 = vector.broadcast %slice3A_1903 : vector<8x1xf32> to vector<8x1024xf32>
      %min3A_1978 = arith.minimumf %min3A_1976, %min3A_1977 : vector<8x1024xf32>
      %max3A_1979 = vector.broadcast %sub3A_1198 : vector<1x1024xf32> to vector<8x1024xf32>
      %max3A_1980 = vector.broadcast %slice3A_1901 : vector<8x1xf32> to vector<8x1024xf32>
      %max3A_1981 = arith.maximumf %max3A_1979, %max3A_1980 : vector<8x1024xf32>
      %sub3A_1982 = arith.subf %min3A_1978, %max3A_1981 : vector<8x1024xf32>
      %max3A_1983 = arith.constant 0.000000e+00 : f32
      %max3A_1984 = vector.broadcast %max3A_1983 : f32 to vector<8x1024xf32>
      %max3A_1985 = arith.maximumf %sub3A_1982, %max3A_1984 : vector<8x1024xf32>
      %min3A_1986 = vector.broadcast %add3A_1210 : vector<1x1024xf32> to vector<8x1024xf32>
      %min3A_1987 = vector.broadcast %slice3A_1904 : vector<8x1xf32> to vector<8x1024xf32>
      %min3A_1988 = arith.minimumf %min3A_1986, %min3A_1987 : vector<8x1024xf32>
      %max3A_1989 = vector.broadcast %sub3A_1206 : vector<1x1024xf32> to vector<8x1024xf32>
      %max3A_1990 = vector.broadcast %slice3A_1902 : vector<8x1xf32> to vector<8x1024xf32>
      %max3A_1991 = arith.maximumf %max3A_1989, %max3A_1990 : vector<8x1024xf32>
      %sub3A_1992 = arith.subf %min3A_1988, %max3A_1991 : vector<8x1024xf32>
      %max3A_1993 = arith.constant 0.000000e+00 : f32
      %max3A_1994 = vector.broadcast %max3A_1993 : f32 to vector<8x1024xf32>
      %max3A_1995 = arith.maximumf %sub3A_1992, %max3A_1994 : vector<8x1024xf32>
      %mul3A_1996 = arith.mulf %max3A_1985, %max3A_1995 : vector<8x1024xf32>
      %mul3A_1997 = arith.constant 3.000000e+00 : f32
      %mul3A_1998 = vector.broadcast %mul3A_1997 : f32 to vector<8x1024xf32>
      %mul3A_1999 = arith.mulf %mul3A_1998, %mul3A_1996 : vector<8x1024xf32>
      %add3A_2000 = vector.broadcast %mul3A_1211 : vector<1x1024xf32> to vector<8x1024xf32>
      %add3A_2001 = vector.broadcast %add3A_1917 : vector<8x1xf32> to vector<8x1024xf32>
      %add3A_2002 = arith.addf %add3A_2000, %add3A_2001 : vector<8x1024xf32>
      %sub3A_2003 = arith.subf %mul3A_1999, %add3A_2002 : vector<8x1024xf32>
      %max3A_2004 = arith.maximumf %while3A_1890, %sub3A_2003 : vector<8x1024xf32>
      %min3A_2005 = vector.broadcast %add3A_1268 : vector<1x1024xf32> to vector<8x1024xf32>
      %min3A_2006 = vector.broadcast %slice3A_1903 : vector<8x1xf32> to vector<8x1024xf32>
      %min3A_2007 = arith.minimumf %min3A_2005, %min3A_2006 : vector<8x1024xf32>
      %max3A_2008 = vector.broadcast %sub3A_1264 : vector<1x1024xf32> to vector<8x1024xf32>
      %max3A_2009 = vector.broadcast %slice3A_1901 : vector<8x1xf32> to vector<8x1024xf32>
      %max3A_2010 = arith.maximumf %max3A_2008, %max3A_2009 : vector<8x1024xf32>
      %sub3A_2011 = arith.subf %min3A_2007, %max3A_2010 : vector<8x1024xf32>
      %max3A_2012 = arith.constant 0.000000e+00 : f32
      %max3A_2013 = vector.broadcast %max3A_2012 : f32 to vector<8x1024xf32>
      %max3A_2014 = arith.maximumf %sub3A_2011, %max3A_2013 : vector<8x1024xf32>
      %min3A_2015 = vector.broadcast %add3A_1276 : vector<1x1024xf32> to vector<8x1024xf32>
      %min3A_2016 = vector.broadcast %slice3A_1904 : vector<8x1xf32> to vector<8x1024xf32>
      %min3A_2017 = arith.minimumf %min3A_2015, %min3A_2016 : vector<8x1024xf32>
      %max3A_2018 = vector.broadcast %sub3A_1272 : vector<1x1024xf32> to vector<8x1024xf32>
      %max3A_2019 = vector.broadcast %slice3A_1902 : vector<8x1xf32> to vector<8x1024xf32>
      %max3A_2020 = arith.maximumf %max3A_2018, %max3A_2019 : vector<8x1024xf32>
      %sub3A_2021 = arith.subf %min3A_2017, %max3A_2020 : vector<8x1024xf32>
      %max3A_2022 = arith.constant 0.000000e+00 : f32
      %max3A_2023 = vector.broadcast %max3A_2022 : f32 to vector<8x1024xf32>
      %max3A_2024 = arith.maximumf %sub3A_2021, %max3A_2023 : vector<8x1024xf32>
      %mul3A_2025 = arith.mulf %max3A_2014, %max3A_2024 : vector<8x1024xf32>
      %mul3A_2026 = arith.constant 3.000000e+00 : f32
      %mul3A_2027 = vector.broadcast %mul3A_2026 : f32 to vector<8x1024xf32>
      %mul3A_2028 = arith.mulf %mul3A_2027, %mul3A_2025 : vector<8x1024xf32>
      %add3A_2029 = vector.broadcast %mul3A_1277 : vector<1x1024xf32> to vector<8x1024xf32>
      %add3A_2030 = vector.broadcast %add3A_1917 : vector<8x1xf32> to vector<8x1024xf32>
      %add3A_2031 = arith.addf %add3A_2029, %add3A_2030 : vector<8x1024xf32>
      %sub3A_2032 = arith.subf %mul3A_2028, %add3A_2031 : vector<8x1024xf32>
      %max3A_2033 = arith.maximumf %while3A_1891, %sub3A_2032 : vector<8x1024xf32>
      %min3A_2034 = vector.broadcast %add3A_1334 : vector<1x1024xf32> to vector<8x1024xf32>
      %min3A_2035 = vector.broadcast %slice3A_1903 : vector<8x1xf32> to vector<8x1024xf32>
      %min3A_2036 = arith.minimumf %min3A_2034, %min3A_2035 : vector<8x1024xf32>
      %max3A_2037 = vector.broadcast %sub3A_1330 : vector<1x1024xf32> to vector<8x1024xf32>
      %max3A_2038 = vector.broadcast %slice3A_1901 : vector<8x1xf32> to vector<8x1024xf32>
      %max3A_2039 = arith.maximumf %max3A_2037, %max3A_2038 : vector<8x1024xf32>
      %sub3A_2040 = arith.subf %min3A_2036, %max3A_2039 : vector<8x1024xf32>
      %max3A_2041 = arith.constant 0.000000e+00 : f32
      %max3A_2042 = vector.broadcast %max3A_2041 : f32 to vector<8x1024xf32>
      %max3A_2043 = arith.maximumf %sub3A_2040, %max3A_2042 : vector<8x1024xf32>
      %min3A_2044 = vector.broadcast %add3A_1342 : vector<1x1024xf32> to vector<8x1024xf32>
      %min3A_2045 = vector.broadcast %slice3A_1904 : vector<8x1xf32> to vector<8x1024xf32>
      %min3A_2046 = arith.minimumf %min3A_2044, %min3A_2045 : vector<8x1024xf32>
      %max3A_2047 = vector.broadcast %sub3A_1338 : vector<1x1024xf32> to vector<8x1024xf32>
      %max3A_2048 = vector.broadcast %slice3A_1902 : vector<8x1xf32> to vector<8x1024xf32>
      %max3A_2049 = arith.maximumf %max3A_2047, %max3A_2048 : vector<8x1024xf32>
      %sub3A_2050 = arith.subf %min3A_2046, %max3A_2049 : vector<8x1024xf32>
      %max3A_2051 = arith.constant 0.000000e+00 : f32
      %max3A_2052 = vector.broadcast %max3A_2051 : f32 to vector<8x1024xf32>
      %max3A_2053 = arith.maximumf %sub3A_2050, %max3A_2052 : vector<8x1024xf32>
      %mul3A_2054 = arith.mulf %max3A_2043, %max3A_2053 : vector<8x1024xf32>
      %mul3A_2055 = arith.constant 3.000000e+00 : f32
      %mul3A_2056 = vector.broadcast %mul3A_2055 : f32 to vector<8x1024xf32>
      %mul3A_2057 = arith.mulf %mul3A_2056, %mul3A_2054 : vector<8x1024xf32>
      %add3A_2058 = vector.broadcast %mul3A_1343 : vector<1x1024xf32> to vector<8x1024xf32>
      %add3A_2059 = vector.broadcast %add3A_1917 : vector<8x1xf32> to vector<8x1024xf32>
      %add3A_2060 = arith.addf %add3A_2058, %add3A_2059 : vector<8x1024xf32>
      %sub3A_2061 = arith.subf %mul3A_2057, %add3A_2060 : vector<8x1024xf32>
      %max3A_2062 = arith.maximumf %while3A_1892, %sub3A_2061 : vector<8x1024xf32>
      scf.yield %max3A_1946, %max3A_1975, %max3A_2004, %max3A_2033, %max3A_2062 : vector<8x1024xf32>, vector<8x1024xf32>, vector<8x1024xf32>, vector<8x1024xf32>, vector<8x1024xf32>
    }
    %reduce_max3A_1365 = arith.constant dense<0xFF800000> : vector<1024xf32>
    %reduce_max3A_1366 = vector.multi_reduction <maximumf>, %while3A_1364#0, %reduce_max3A_1365 [0] : vector<8x1024xf32> to vector<1024xf32>
    %broadcast_in_dim3A_1367 = vector.shape_cast %reduce_max3A_1366 : vector<1024xf32> to vector<1x1024xf32>
    %lt3A_1368 = arith.constant 0.000000e+00 : f32
    %lt3A_1369 = vector.broadcast %lt3A_1368 : f32 to vector<1x1024xf32>
    %lt3A_1370 = arith.cmpf olt, %broadcast_in_dim3A_1367, %lt3A_1369 : vector<1x1024xf32>
    %mul3A_1371 = arith.mulf %logistic3A_1062, %logistic3A_1062 : vector<1x1024xf32>
    %jit3A_1372 = arith.constant 0.000000e+00 : f32
    %broadcast_in_dim3A_1373 = vector.broadcast %jit3A_1372 : f32 to vector<1x1024xf32>
    %select_n3A_1374 = arith.select %lt3A_1370, %mul3A_1371, %broadcast_in_dim3A_1373 : vector<1x1024xi1>, vector<1x1024xf32>
    %add3A_1375 = arith.addf %add3A_960, %select_n3A_1374 : vector<1x1024xf32>
    %reduce_max3A_1376 = arith.constant dense<0xFF800000> : vector<1024xf32>
    %reduce_max3A_1377 = vector.multi_reduction <maximumf>, %while3A_1364#1, %reduce_max3A_1376 [0] : vector<8x1024xf32> to vector<1024xf32>
    %broadcast_in_dim3A_1378 = vector.shape_cast %reduce_max3A_1377 : vector<1024xf32> to vector<1x1024xf32>
    %lt3A_1379 = arith.constant 0.000000e+00 : f32
    %lt3A_1380 = vector.broadcast %lt3A_1379 : f32 to vector<1x1024xf32>
    %lt3A_1381 = arith.cmpf olt, %broadcast_in_dim3A_1378, %lt3A_1380 : vector<1x1024xf32>
    %mul3A_1382 = arith.mulf %logistic3A_1128, %logistic3A_1128 : vector<1x1024xf32>
    %jit3A_1383 = arith.constant 0.000000e+00 : f32
    %broadcast_in_dim3A_1384 = vector.broadcast %jit3A_1383 : f32 to vector<1x1024xf32>
    %select_n3A_1385 = arith.select %lt3A_1381, %mul3A_1382, %broadcast_in_dim3A_1384 : vector<1x1024xi1>, vector<1x1024xf32>
    %add3A_1386 = arith.addf %add3A_1375, %select_n3A_1385 : vector<1x1024xf32>
    %reduce_max3A_1387 = arith.constant dense<0xFF800000> : vector<1024xf32>
    %reduce_max3A_1388 = vector.multi_reduction <maximumf>, %while3A_1364#2, %reduce_max3A_1387 [0] : vector<8x1024xf32> to vector<1024xf32>
    %broadcast_in_dim3A_1389 = vector.shape_cast %reduce_max3A_1388 : vector<1024xf32> to vector<1x1024xf32>
    %lt3A_1390 = arith.constant 0.000000e+00 : f32
    %lt3A_1391 = vector.broadcast %lt3A_1390 : f32 to vector<1x1024xf32>
    %lt3A_1392 = arith.cmpf olt, %broadcast_in_dim3A_1389, %lt3A_1391 : vector<1x1024xf32>
    %mul3A_1393 = arith.mulf %logistic3A_1194, %logistic3A_1194 : vector<1x1024xf32>
    %jit3A_1394 = arith.constant 0.000000e+00 : f32
    %broadcast_in_dim3A_1395 = vector.broadcast %jit3A_1394 : f32 to vector<1x1024xf32>
    %select_n3A_1396 = arith.select %lt3A_1392, %mul3A_1393, %broadcast_in_dim3A_1395 : vector<1x1024xi1>, vector<1x1024xf32>
    %add3A_1397 = arith.addf %add3A_1386, %select_n3A_1396 : vector<1x1024xf32>
    %reduce_max3A_1398 = arith.constant dense<0xFF800000> : vector<1024xf32>
    %reduce_max3A_1399 = vector.multi_reduction <maximumf>, %while3A_1364#3, %reduce_max3A_1398 [0] : vector<8x1024xf32> to vector<1024xf32>
    %broadcast_in_dim3A_1400 = vector.shape_cast %reduce_max3A_1399 : vector<1024xf32> to vector<1x1024xf32>
    %lt3A_1401 = arith.constant 0.000000e+00 : f32
    %lt3A_1402 = vector.broadcast %lt3A_1401 : f32 to vector<1x1024xf32>
    %lt3A_1403 = arith.cmpf olt, %broadcast_in_dim3A_1400, %lt3A_1402 : vector<1x1024xf32>
    %mul3A_1404 = arith.mulf %logistic3A_1260, %logistic3A_1260 : vector<1x1024xf32>
    %jit3A_1405 = arith.constant 0.000000e+00 : f32
    %broadcast_in_dim3A_1406 = vector.broadcast %jit3A_1405 : f32 to vector<1x1024xf32>
    %select_n3A_1407 = arith.select %lt3A_1403, %mul3A_1404, %broadcast_in_dim3A_1406 : vector<1x1024xi1>, vector<1x1024xf32>
    %add3A_1408 = arith.addf %add3A_1397, %select_n3A_1407 : vector<1x1024xf32>
    %reduce_max3A_1409 = arith.constant dense<0xFF800000> : vector<1024xf32>
    %reduce_max3A_1410 = vector.multi_reduction <maximumf>, %while3A_1364#4, %reduce_max3A_1409 [0] : vector<8x1024xf32> to vector<1024xf32>
    %broadcast_in_dim3A_1411 = vector.shape_cast %reduce_max3A_1410 : vector<1024xf32> to vector<1x1024xf32>
    %lt3A_1412 = arith.constant 0.000000e+00 : f32
    %lt3A_1413 = vector.broadcast %lt3A_1412 : f32 to vector<1x1024xf32>
    %lt3A_1414 = arith.cmpf olt, %broadcast_in_dim3A_1411, %lt3A_1413 : vector<1x1024xf32>
    %mul3A_1415 = arith.mulf %logistic3A_1326, %logistic3A_1326 : vector<1x1024xf32>
    %jit3A_1416 = arith.constant 0.000000e+00 : f32
    %broadcast_in_dim3A_1417 = vector.broadcast %jit3A_1416 : f32 to vector<1x1024xf32>
    %select_n3A_1418 = arith.select %lt3A_1414, %mul3A_1415, %broadcast_in_dim3A_1417 : vector<1x1024xi1>, vector<1x1024xf32>
    %add3A_1419 = arith.addf %add3A_1408, %select_n3A_1418 : vector<1x1024xf32>
    %mul3A_1420 = arith.constant 4 : i32
    %mul3A_1421 = arith.muli %arg0, %mul3A_1420 : i32
    %add3A_1422 = arith.constant 3 : i32
    %add3A_1423 = arith.addi %mul3A_1421, %add3A_1422 : i32
    %convert_element_type3A_1424 = arith.sitofp %add3A_1423 : i32 to f32
    %get3A_1425 = arith.constant 3 : index
    %get3A_1426 = arith.constant 0 : index
    %get3A_1427 = arith.constant 0 : index
    %get3A_1428 = vector.load %arg1[%get3A_1425, %get3A_1426, %get3A_1427] : memref<4x125x1024xf32, #tpu.memory_space<vmem>>, vector<1x125x1024xf32>
    %get3A_1429 = vector.shape_cast %get3A_1428 : vector<1x125x1024xf32> to vector<125x1024xf32>
    %eq3A_1430 = vector.broadcast %convert_element_type3A_1424 : f32 to vector<128x1xf32>
    %eq3A_1431 = arith.cmpf oeq, %get3A_1, %eq3A_1430 : vector<128x1xf32>
    %convert_element_type3A_1432 = arith.extui %eq3A_1431 : vector<128x1xi1> to vector<128x1xi32>
    %reduce_sum3A_1433 = vector.shape_cast %convert_element_type3A_1432 : vector<128x1xi32> to vector<1x128x1xi32>
    %reduce_sum3A_1434 = arith.constant dense<0> : vector<1xi32>
    %reduce_sum3A_1435 = vector.multi_reduction <add>, %reduce_sum3A_1433, %reduce_sum3A_1434 [1, 2] : vector<1x128x1xi32> to vector<1xi32>
    %reduce_sum3A_1436 = vector.shape_cast %reduce_sum3A_1435 : vector<1xi32> to vector<1x1x1xi32>
    %reduce_sum3A_1437 = vector.extract %reduce_sum3A_1436[0, 0, 0] : i32 from vector<1x1x1xi32>
    %lt3A_1438 = vector.broadcast %convert_element_type3A_1424 : f32 to vector<128x1xf32>
    %lt3A_1439 = arith.cmpf olt, %get3A_1, %lt3A_1438 : vector<128x1xf32>
    %convert_element_type3A_1440 = arith.extui %lt3A_1439 : vector<128x1xi1> to vector<128x1xi32>
    %reduce_sum3A_1441 = vector.shape_cast %convert_element_type3A_1440 : vector<128x1xi32> to vector<1x128x1xi32>
    %reduce_sum3A_1442 = arith.constant dense<0> : vector<1xi32>
    %reduce_sum3A_1443 = vector.multi_reduction <add>, %reduce_sum3A_1441, %reduce_sum3A_1442 [1, 2] : vector<1x128x1xi32> to vector<1xi32>
    %reduce_sum3A_1444 = vector.shape_cast %reduce_sum3A_1443 : vector<1xi32> to vector<1x1x1xi32>
    %reduce_sum3A_1445 = vector.extract %reduce_sum3A_1444[0, 0, 0] : i32 from vector<1x1x1xi32>
    %add3A_1446 = arith.addi %reduce_sum3A_1445, %reduce_sum3A_1437 : i32
    %add3A_1447 = arith.constant 7 : i32
    %add3A_1448 = arith.addi %reduce_sum3A_1437, %add3A_1447 : i32
    %jit3A_1449 = arith.constant 8 : i32
    %div3A_1450 = arith.divsi %add3A_1448, %jit3A_1449 : i32
    %sign3A_1451 = arith.constant 0 : i32
    %sign3A_1452 = arith.cmpi sgt, %add3A_1448, %sign3A_1451 : i32
    %sign3A_1453 = arith.extui %sign3A_1452 : i1 to i32
    %sign3A_1454 = arith.constant 0 : i32
    %sign3A_1455 = arith.cmpi slt, %add3A_1448, %sign3A_1454 : i32
    %sign3A_1456 = arith.extui %sign3A_1455 : i1 to i32
    %sign3A_1457 = arith.subi %sign3A_1453, %sign3A_1456 : i32
    %sign3A_1458 = arith.constant 0 : i32
    %sign3A_1459 = arith.cmpi sgt, %jit3A_1449, %sign3A_1458 : i32
    %sign3A_1460 = arith.extui %sign3A_1459 : i1 to i32
    %sign3A_1461 = arith.constant 0 : i32
    %sign3A_1462 = arith.cmpi slt, %jit3A_1449, %sign3A_1461 : i32
    %sign3A_1463 = arith.extui %sign3A_1462 : i1 to i32
    %sign3A_1464 = arith.subi %sign3A_1460, %sign3A_1463 : i32
    %ne3A_1465 = arith.cmpi ne, %sign3A_1457, %sign3A_1464 : i32
    %rem3A_1466 = arith.remsi %add3A_1448, %jit3A_1449 : i32
    %ne3A_1467 = arith.constant 0 : i32
    %ne3A_1468 = arith.cmpi ne, %rem3A_1466, %ne3A_1467 : i32
    %and3A_1469 = arith.andi %ne3A_1465, %ne3A_1468 : i1
    %sub3A_1470 = arith.constant 1 : i32
    %sub3A_1471 = arith.subi %div3A_1450, %sub3A_1470 : i32
    %select_n3A_1472 = arith.select %and3A_1469, %sub3A_1471, %div3A_1450 : i32
    %get3A_1473 = arith.constant 0 : index
    %get3A_1474 = arith.constant 0 : index
    %get3A_1475 = vector.load %arg4[%get3A_1473, %get3A_1474] : memref<5x2xf32, #tpu.memory_space<vmem>>, vector<1x1xf32>
    %get3A_1476 = arith.constant 0 : index
    %get3A_1477 = arith.constant 1 : index
    %get3A_1478 = vector.load %arg4[%get3A_1476, %get3A_1477] : memref<5x2xf32, #tpu.memory_space<vmem>>, vector<1x1xf32>
    %slice3A_1479 = vector.extract_strided_slice %get3A_1429 {offsets = [0, 0], sizes = [1, 1024], strides = [1, 1]} : vector<125x1024xf32> to vector<1x1024xf32>
    %logistic3A_1480 = arith.negf %slice3A_1479 : vector<1x1024xf32>
    %logistic3A_1481 = math.exp %logistic3A_1480 : vector<1x1024xf32>
    %logistic3A_1482 = arith.constant 1.000000e+00 : f32
    %logistic3A_1483 = vector.broadcast %logistic3A_1482 : f32 to vector<1x1024xf32>
    %logistic3A_1484 = arith.addf %logistic3A_1483, %logistic3A_1481 : vector<1x1024xf32>
    %logistic3A_1485 = arith.divf %logistic3A_1483, %logistic3A_1484 : vector<1x1024xf32>
    %add3A_1486 = arith.addf %logistic3A_1485, %convert_element_type3A_20 : vector<1x1024xf32>
    %slice3A_1487 = vector.extract_strided_slice %get3A_1429 {offsets = [1, 0], sizes = [1, 1024], strides = [1, 1]} : vector<125x1024xf32> to vector<1x1024xf32>
    %logistic3A_1488 = arith.negf %slice3A_1487 : vector<1x1024xf32>
    %logistic3A_1489 = math.exp %logistic3A_1488 : vector<1x1024xf32>
    %logistic3A_1490 = arith.constant 1.000000e+00 : f32
    %logistic3A_1491 = vector.broadcast %logistic3A_1490 : f32 to vector<1x1024xf32>
    %logistic3A_1492 = arith.addf %logistic3A_1491, %logistic3A_1489 : vector<1x1024xf32>
    %logistic3A_1493 = arith.divf %logistic3A_1491, %logistic3A_1492 : vector<1x1024xf32>
    %add3A_1494 = arith.addf %logistic3A_1493, %convert_element_type3A_49 : vector<1x1024xf32>
    %slice3A_1495 = vector.extract_strided_slice %get3A_1429 {offsets = [2, 0], sizes = [1, 1024], strides = [1, 1]} : vector<125x1024xf32> to vector<1x1024xf32>
    %jit3A_1496 = arith.constant -1.000000e+01 : f32
    %jit3A_1497 = arith.constant 1.000000e+01 : f32
    %max3A_1498 = vector.broadcast %jit3A_1496 : f32 to vector<1x1024xf32>
    %max3A_1499 = arith.maximumf %max3A_1498, %slice3A_1495 : vector<1x1024xf32>
    %min3A_1500 = vector.broadcast %jit3A_1497 : f32 to vector<1x1024xf32>
    %min3A_1501 = arith.minimumf %min3A_1500, %max3A_1499 : vector<1x1024xf32>
    %exp3A_1502 = math.exp %min3A_1501 : vector<1x1024xf32>
    %mul3A_1503 = vector.broadcast %get3A_1475 : vector<1x1xf32> to vector<1x1024xf32>
    %mul3A_1504 = arith.mulf %exp3A_1502, %mul3A_1503 : vector<1x1024xf32>
    %slice3A_1505 = vector.extract_strided_slice %get3A_1429 {offsets = [3, 0], sizes = [1, 1024], strides = [1, 1]} : vector<125x1024xf32> to vector<1x1024xf32>
    %jit3A_1506 = arith.constant -1.000000e+01 : f32
    %jit3A_1507 = arith.constant 1.000000e+01 : f32
    %max3A_1508 = vector.broadcast %jit3A_1506 : f32 to vector<1x1024xf32>
    %max3A_1509 = arith.maximumf %max3A_1508, %slice3A_1505 : vector<1x1024xf32>
    %min3A_1510 = vector.broadcast %jit3A_1507 : f32 to vector<1x1024xf32>
    %min3A_1511 = arith.minimumf %min3A_1510, %max3A_1509 : vector<1x1024xf32>
    %exp3A_1512 = math.exp %min3A_1511 : vector<1x1024xf32>
    %mul3A_1513 = vector.broadcast %get3A_1478 : vector<1x1xf32> to vector<1x1024xf32>
    %mul3A_1514 = arith.mulf %exp3A_1512, %mul3A_1513 : vector<1x1024xf32>
    %slice3A_1515 = vector.extract_strided_slice %get3A_1429 {offsets = [4, 0], sizes = [1, 1024], strides = [1, 1]} : vector<125x1024xf32> to vector<1x1024xf32>
    %logistic3A_1516 = arith.negf %slice3A_1515 : vector<1x1024xf32>
    %logistic3A_1517 = math.exp %logistic3A_1516 : vector<1x1024xf32>
    %logistic3A_1518 = arith.constant 1.000000e+00 : f32
    %logistic3A_1519 = vector.broadcast %logistic3A_1518 : f32 to vector<1x1024xf32>
    %logistic3A_1520 = arith.addf %logistic3A_1519, %logistic3A_1517 : vector<1x1024xf32>
    %logistic3A_1521 = arith.divf %logistic3A_1519, %logistic3A_1520 : vector<1x1024xf32>
    %mul3A_1522 = arith.constant 5.000000e-01 : f32
    %mul3A_1523 = vector.broadcast %mul3A_1522 : f32 to vector<1x1024xf32>
    %mul3A_1524 = arith.mulf %mul3A_1523, %mul3A_1504 : vector<1x1024xf32>
    %sub3A_1525 = arith.subf %add3A_1486, %mul3A_1524 : vector<1x1024xf32>
    %mul3A_1526 = arith.constant 5.000000e-01 : f32
    %mul3A_1527 = vector.broadcast %mul3A_1526 : f32 to vector<1x1024xf32>
    %mul3A_1528 = arith.mulf %mul3A_1527, %mul3A_1504 : vector<1x1024xf32>
    %add3A_1529 = arith.addf %add3A_1486, %mul3A_1528 : vector<1x1024xf32>
    %mul3A_1530 = arith.constant 5.000000e-01 : f32
    %mul3A_1531 = vector.broadcast %mul3A_1530 : f32 to vector<1x1024xf32>
    %mul3A_1532 = arith.mulf %mul3A_1531, %mul3A_1514 : vector<1x1024xf32>
    %sub3A_1533 = arith.subf %add3A_1494, %mul3A_1532 : vector<1x1024xf32>
    %mul3A_1534 = arith.constant 5.000000e-01 : f32
    %mul3A_1535 = vector.broadcast %mul3A_1534 : f32 to vector<1x1024xf32>
    %mul3A_1536 = arith.mulf %mul3A_1535, %mul3A_1514 : vector<1x1024xf32>
    %add3A_1537 = arith.addf %add3A_1494, %mul3A_1536 : vector<1x1024xf32>
    %mul3A_1538 = arith.mulf %mul3A_1504, %mul3A_1514 : vector<1x1024xf32>
    %get3A_1539 = arith.constant 1 : index
    %get3A_1540 = arith.constant 0 : index
    %get3A_1541 = vector.load %arg4[%get3A_1539, %get3A_1540] : memref<5x2xf32, #tpu.memory_space<vmem>>, vector<1x1xf32>
    %get3A_1542 = arith.constant 1 : index
    %get3A_1543 = arith.constant 1 : index
    %get3A_1544 = vector.load %arg4[%get3A_1542, %get3A_1543] : memref<5x2xf32, #tpu.memory_space<vmem>>, vector<1x1xf32>
    %slice3A_1545 = vector.extract_strided_slice %get3A_1429 {offsets = [25, 0], sizes = [1, 1024], strides = [1, 1]} : vector<125x1024xf32> to vector<1x1024xf32>
    %logistic3A_1546 = arith.negf %slice3A_1545 : vector<1x1024xf32>
    %logistic3A_1547 = math.exp %logistic3A_1546 : vector<1x1024xf32>
    %logistic3A_1548 = arith.constant 1.000000e+00 : f32
    %logistic3A_1549 = vector.broadcast %logistic3A_1548 : f32 to vector<1x1024xf32>
    %logistic3A_1550 = arith.addf %logistic3A_1549, %logistic3A_1547 : vector<1x1024xf32>
    %logistic3A_1551 = arith.divf %logistic3A_1549, %logistic3A_1550 : vector<1x1024xf32>
    %add3A_1552 = arith.addf %logistic3A_1551, %convert_element_type3A_20 : vector<1x1024xf32>
    %slice3A_1553 = vector.extract_strided_slice %get3A_1429 {offsets = [26, 0], sizes = [1, 1024], strides = [1, 1]} : vector<125x1024xf32> to vector<1x1024xf32>
    %logistic3A_1554 = arith.negf %slice3A_1553 : vector<1x1024xf32>
    %logistic3A_1555 = math.exp %logistic3A_1554 : vector<1x1024xf32>
    %logistic3A_1556 = arith.constant 1.000000e+00 : f32
    %logistic3A_1557 = vector.broadcast %logistic3A_1556 : f32 to vector<1x1024xf32>
    %logistic3A_1558 = arith.addf %logistic3A_1557, %logistic3A_1555 : vector<1x1024xf32>
    %logistic3A_1559 = arith.divf %logistic3A_1557, %logistic3A_1558 : vector<1x1024xf32>
    %add3A_1560 = arith.addf %logistic3A_1559, %convert_element_type3A_49 : vector<1x1024xf32>
    %slice3A_1561 = vector.extract_strided_slice %get3A_1429 {offsets = [27, 0], sizes = [1, 1024], strides = [1, 1]} : vector<125x1024xf32> to vector<1x1024xf32>
    %jit3A_1562 = arith.constant -1.000000e+01 : f32
    %jit3A_1563 = arith.constant 1.000000e+01 : f32
    %max3A_1564 = vector.broadcast %jit3A_1562 : f32 to vector<1x1024xf32>
    %max3A_1565 = arith.maximumf %max3A_1564, %slice3A_1561 : vector<1x1024xf32>
    %min3A_1566 = vector.broadcast %jit3A_1563 : f32 to vector<1x1024xf32>
    %min3A_1567 = arith.minimumf %min3A_1566, %max3A_1565 : vector<1x1024xf32>
    %exp3A_1568 = math.exp %min3A_1567 : vector<1x1024xf32>
    %mul3A_1569 = vector.broadcast %get3A_1541 : vector<1x1xf32> to vector<1x1024xf32>
    %mul3A_1570 = arith.mulf %exp3A_1568, %mul3A_1569 : vector<1x1024xf32>
    %slice3A_1571 = vector.extract_strided_slice %get3A_1429 {offsets = [28, 0], sizes = [1, 1024], strides = [1, 1]} : vector<125x1024xf32> to vector<1x1024xf32>
    %jit3A_1572 = arith.constant -1.000000e+01 : f32
    %jit3A_1573 = arith.constant 1.000000e+01 : f32
    %max3A_1574 = vector.broadcast %jit3A_1572 : f32 to vector<1x1024xf32>
    %max3A_1575 = arith.maximumf %max3A_1574, %slice3A_1571 : vector<1x1024xf32>
    %min3A_1576 = vector.broadcast %jit3A_1573 : f32 to vector<1x1024xf32>
    %min3A_1577 = arith.minimumf %min3A_1576, %max3A_1575 : vector<1x1024xf32>
    %exp3A_1578 = math.exp %min3A_1577 : vector<1x1024xf32>
    %mul3A_1579 = vector.broadcast %get3A_1544 : vector<1x1xf32> to vector<1x1024xf32>
    %mul3A_1580 = arith.mulf %exp3A_1578, %mul3A_1579 : vector<1x1024xf32>
    %slice3A_1581 = vector.extract_strided_slice %get3A_1429 {offsets = [29, 0], sizes = [1, 1024], strides = [1, 1]} : vector<125x1024xf32> to vector<1x1024xf32>
    %logistic3A_1582 = arith.negf %slice3A_1581 : vector<1x1024xf32>
    %logistic3A_1583 = math.exp %logistic3A_1582 : vector<1x1024xf32>
    %logistic3A_1584 = arith.constant 1.000000e+00 : f32
    %logistic3A_1585 = vector.broadcast %logistic3A_1584 : f32 to vector<1x1024xf32>
    %logistic3A_1586 = arith.addf %logistic3A_1585, %logistic3A_1583 : vector<1x1024xf32>
    %logistic3A_1587 = arith.divf %logistic3A_1585, %logistic3A_1586 : vector<1x1024xf32>
    %mul3A_1588 = arith.constant 5.000000e-01 : f32
    %mul3A_1589 = vector.broadcast %mul3A_1588 : f32 to vector<1x1024xf32>
    %mul3A_1590 = arith.mulf %mul3A_1589, %mul3A_1570 : vector<1x1024xf32>
    %sub3A_1591 = arith.subf %add3A_1552, %mul3A_1590 : vector<1x1024xf32>
    %mul3A_1592 = arith.constant 5.000000e-01 : f32
    %mul3A_1593 = vector.broadcast %mul3A_1592 : f32 to vector<1x1024xf32>
    %mul3A_1594 = arith.mulf %mul3A_1593, %mul3A_1570 : vector<1x1024xf32>
    %add3A_1595 = arith.addf %add3A_1552, %mul3A_1594 : vector<1x1024xf32>
    %mul3A_1596 = arith.constant 5.000000e-01 : f32
    %mul3A_1597 = vector.broadcast %mul3A_1596 : f32 to vector<1x1024xf32>
    %mul3A_1598 = arith.mulf %mul3A_1597, %mul3A_1580 : vector<1x1024xf32>
    %sub3A_1599 = arith.subf %add3A_1560, %mul3A_1598 : vector<1x1024xf32>
    %mul3A_1600 = arith.constant 5.000000e-01 : f32
    %mul3A_1601 = vector.broadcast %mul3A_1600 : f32 to vector<1x1024xf32>
    %mul3A_1602 = arith.mulf %mul3A_1601, %mul3A_1580 : vector<1x1024xf32>
    %add3A_1603 = arith.addf %add3A_1560, %mul3A_1602 : vector<1x1024xf32>
    %mul3A_1604 = arith.mulf %mul3A_1570, %mul3A_1580 : vector<1x1024xf32>
    %get3A_1605 = arith.constant 2 : index
    %get3A_1606 = arith.constant 0 : index
    %get3A_1607 = vector.load %arg4[%get3A_1605, %get3A_1606] : memref<5x2xf32, #tpu.memory_space<vmem>>, vector<1x1xf32>
    %get3A_1608 = arith.constant 2 : index
    %get3A_1609 = arith.constant 1 : index
    %get3A_1610 = vector.load %arg4[%get3A_1608, %get3A_1609] : memref<5x2xf32, #tpu.memory_space<vmem>>, vector<1x1xf32>
    %slice3A_1611 = vector.extract_strided_slice %get3A_1429 {offsets = [50, 0], sizes = [1, 1024], strides = [1, 1]} : vector<125x1024xf32> to vector<1x1024xf32>
    %logistic3A_1612 = arith.negf %slice3A_1611 : vector<1x1024xf32>
    %logistic3A_1613 = math.exp %logistic3A_1612 : vector<1x1024xf32>
    %logistic3A_1614 = arith.constant 1.000000e+00 : f32
    %logistic3A_1615 = vector.broadcast %logistic3A_1614 : f32 to vector<1x1024xf32>
    %logistic3A_1616 = arith.addf %logistic3A_1615, %logistic3A_1613 : vector<1x1024xf32>
    %logistic3A_1617 = arith.divf %logistic3A_1615, %logistic3A_1616 : vector<1x1024xf32>
    %add3A_1618 = arith.addf %logistic3A_1617, %convert_element_type3A_20 : vector<1x1024xf32>
    %slice3A_1619 = vector.extract_strided_slice %get3A_1429 {offsets = [51, 0], sizes = [1, 1024], strides = [1, 1]} : vector<125x1024xf32> to vector<1x1024xf32>
    %logistic3A_1620 = arith.negf %slice3A_1619 : vector<1x1024xf32>
    %logistic3A_1621 = math.exp %logistic3A_1620 : vector<1x1024xf32>
    %logistic3A_1622 = arith.constant 1.000000e+00 : f32
    %logistic3A_1623 = vector.broadcast %logistic3A_1622 : f32 to vector<1x1024xf32>
    %logistic3A_1624 = arith.addf %logistic3A_1623, %logistic3A_1621 : vector<1x1024xf32>
    %logistic3A_1625 = arith.divf %logistic3A_1623, %logistic3A_1624 : vector<1x1024xf32>
    %add3A_1626 = arith.addf %logistic3A_1625, %convert_element_type3A_49 : vector<1x1024xf32>
    %slice3A_1627 = vector.extract_strided_slice %get3A_1429 {offsets = [52, 0], sizes = [1, 1024], strides = [1, 1]} : vector<125x1024xf32> to vector<1x1024xf32>
    %jit3A_1628 = arith.constant -1.000000e+01 : f32
    %jit3A_1629 = arith.constant 1.000000e+01 : f32
    %max3A_1630 = vector.broadcast %jit3A_1628 : f32 to vector<1x1024xf32>
    %max3A_1631 = arith.maximumf %max3A_1630, %slice3A_1627 : vector<1x1024xf32>
    %min3A_1632 = vector.broadcast %jit3A_1629 : f32 to vector<1x1024xf32>
    %min3A_1633 = arith.minimumf %min3A_1632, %max3A_1631 : vector<1x1024xf32>
    %exp3A_1634 = math.exp %min3A_1633 : vector<1x1024xf32>
    %mul3A_1635 = vector.broadcast %get3A_1607 : vector<1x1xf32> to vector<1x1024xf32>
    %mul3A_1636 = arith.mulf %exp3A_1634, %mul3A_1635 : vector<1x1024xf32>
    %slice3A_1637 = vector.extract_strided_slice %get3A_1429 {offsets = [53, 0], sizes = [1, 1024], strides = [1, 1]} : vector<125x1024xf32> to vector<1x1024xf32>
    %jit3A_1638 = arith.constant -1.000000e+01 : f32
    %jit3A_1639 = arith.constant 1.000000e+01 : f32
    %max3A_1640 = vector.broadcast %jit3A_1638 : f32 to vector<1x1024xf32>
    %max3A_1641 = arith.maximumf %max3A_1640, %slice3A_1637 : vector<1x1024xf32>
    %min3A_1642 = vector.broadcast %jit3A_1639 : f32 to vector<1x1024xf32>
    %min3A_1643 = arith.minimumf %min3A_1642, %max3A_1641 : vector<1x1024xf32>
    %exp3A_1644 = math.exp %min3A_1643 : vector<1x1024xf32>
    %mul3A_1645 = vector.broadcast %get3A_1610 : vector<1x1xf32> to vector<1x1024xf32>
    %mul3A_1646 = arith.mulf %exp3A_1644, %mul3A_1645 : vector<1x1024xf32>
    %slice3A_1647 = vector.extract_strided_slice %get3A_1429 {offsets = [54, 0], sizes = [1, 1024], strides = [1, 1]} : vector<125x1024xf32> to vector<1x1024xf32>
    %logistic3A_1648 = arith.negf %slice3A_1647 : vector<1x1024xf32>
    %logistic3A_1649 = math.exp %logistic3A_1648 : vector<1x1024xf32>
    %logistic3A_1650 = arith.constant 1.000000e+00 : f32
    %logistic3A_1651 = vector.broadcast %logistic3A_1650 : f32 to vector<1x1024xf32>
    %logistic3A_1652 = arith.addf %logistic3A_1651, %logistic3A_1649 : vector<1x1024xf32>
    %logistic3A_1653 = arith.divf %logistic3A_1651, %logistic3A_1652 : vector<1x1024xf32>
    %mul3A_1654 = arith.constant 5.000000e-01 : f32
    %mul3A_1655 = vector.broadcast %mul3A_1654 : f32 to vector<1x1024xf32>
    %mul3A_1656 = arith.mulf %mul3A_1655, %mul3A_1636 : vector<1x1024xf32>
    %sub3A_1657 = arith.subf %add3A_1618, %mul3A_1656 : vector<1x1024xf32>
    %mul3A_1658 = arith.constant 5.000000e-01 : f32
    %mul3A_1659 = vector.broadcast %mul3A_1658 : f32 to vector<1x1024xf32>
    %mul3A_1660 = arith.mulf %mul3A_1659, %mul3A_1636 : vector<1x1024xf32>
    %add3A_1661 = arith.addf %add3A_1618, %mul3A_1660 : vector<1x1024xf32>
    %mul3A_1662 = arith.constant 5.000000e-01 : f32
    %mul3A_1663 = vector.broadcast %mul3A_1662 : f32 to vector<1x1024xf32>
    %mul3A_1664 = arith.mulf %mul3A_1663, %mul3A_1646 : vector<1x1024xf32>
    %sub3A_1665 = arith.subf %add3A_1626, %mul3A_1664 : vector<1x1024xf32>
    %mul3A_1666 = arith.constant 5.000000e-01 : f32
    %mul3A_1667 = vector.broadcast %mul3A_1666 : f32 to vector<1x1024xf32>
    %mul3A_1668 = arith.mulf %mul3A_1667, %mul3A_1646 : vector<1x1024xf32>
    %add3A_1669 = arith.addf %add3A_1626, %mul3A_1668 : vector<1x1024xf32>
    %mul3A_1670 = arith.mulf %mul3A_1636, %mul3A_1646 : vector<1x1024xf32>
    %get3A_1671 = arith.constant 3 : index
    %get3A_1672 = arith.constant 0 : index
    %get3A_1673 = vector.load %arg4[%get3A_1671, %get3A_1672] : memref<5x2xf32, #tpu.memory_space<vmem>>, vector<1x1xf32>
    %get3A_1674 = arith.constant 3 : index
    %get3A_1675 = arith.constant 1 : index
    %get3A_1676 = vector.load %arg4[%get3A_1674, %get3A_1675] : memref<5x2xf32, #tpu.memory_space<vmem>>, vector<1x1xf32>
    %slice3A_1677 = vector.extract_strided_slice %get3A_1429 {offsets = [75, 0], sizes = [1, 1024], strides = [1, 1]} : vector<125x1024xf32> to vector<1x1024xf32>
    %logistic3A_1678 = arith.negf %slice3A_1677 : vector<1x1024xf32>
    %logistic3A_1679 = math.exp %logistic3A_1678 : vector<1x1024xf32>
    %logistic3A_1680 = arith.constant 1.000000e+00 : f32
    %logistic3A_1681 = vector.broadcast %logistic3A_1680 : f32 to vector<1x1024xf32>
    %logistic3A_1682 = arith.addf %logistic3A_1681, %logistic3A_1679 : vector<1x1024xf32>
    %logistic3A_1683 = arith.divf %logistic3A_1681, %logistic3A_1682 : vector<1x1024xf32>
    %add3A_1684 = arith.addf %logistic3A_1683, %convert_element_type3A_20 : vector<1x1024xf32>
    %slice3A_1685 = vector.extract_strided_slice %get3A_1429 {offsets = [76, 0], sizes = [1, 1024], strides = [1, 1]} : vector<125x1024xf32> to vector<1x1024xf32>
    %logistic3A_1686 = arith.negf %slice3A_1685 : vector<1x1024xf32>
    %logistic3A_1687 = math.exp %logistic3A_1686 : vector<1x1024xf32>
    %logistic3A_1688 = arith.constant 1.000000e+00 : f32
    %logistic3A_1689 = vector.broadcast %logistic3A_1688 : f32 to vector<1x1024xf32>
    %logistic3A_1690 = arith.addf %logistic3A_1689, %logistic3A_1687 : vector<1x1024xf32>
    %logistic3A_1691 = arith.divf %logistic3A_1689, %logistic3A_1690 : vector<1x1024xf32>
    %add3A_1692 = arith.addf %logistic3A_1691, %convert_element_type3A_49 : vector<1x1024xf32>
    %slice3A_1693 = vector.extract_strided_slice %get3A_1429 {offsets = [77, 0], sizes = [1, 1024], strides = [1, 1]} : vector<125x1024xf32> to vector<1x1024xf32>
    %jit3A_1694 = arith.constant -1.000000e+01 : f32
    %jit3A_1695 = arith.constant 1.000000e+01 : f32
    %max3A_1696 = vector.broadcast %jit3A_1694 : f32 to vector<1x1024xf32>
    %max3A_1697 = arith.maximumf %max3A_1696, %slice3A_1693 : vector<1x1024xf32>
    %min3A_1698 = vector.broadcast %jit3A_1695 : f32 to vector<1x1024xf32>
    %min3A_1699 = arith.minimumf %min3A_1698, %max3A_1697 : vector<1x1024xf32>
    %exp3A_1700 = math.exp %min3A_1699 : vector<1x1024xf32>
    %mul3A_1701 = vector.broadcast %get3A_1673 : vector<1x1xf32> to vector<1x1024xf32>
    %mul3A_1702 = arith.mulf %exp3A_1700, %mul3A_1701 : vector<1x1024xf32>
    %slice3A_1703 = vector.extract_strided_slice %get3A_1429 {offsets = [78, 0], sizes = [1, 1024], strides = [1, 1]} : vector<125x1024xf32> to vector<1x1024xf32>
    %jit3A_1704 = arith.constant -1.000000e+01 : f32
    %jit3A_1705 = arith.constant 1.000000e+01 : f32
    %max3A_1706 = vector.broadcast %jit3A_1704 : f32 to vector<1x1024xf32>
    %max3A_1707 = arith.maximumf %max3A_1706, %slice3A_1703 : vector<1x1024xf32>
    %min3A_1708 = vector.broadcast %jit3A_1705 : f32 to vector<1x1024xf32>
    %min3A_1709 = arith.minimumf %min3A_1708, %max3A_1707 : vector<1x1024xf32>
    %exp3A_1710 = math.exp %min3A_1709 : vector<1x1024xf32>
    %mul3A_1711 = vector.broadcast %get3A_1676 : vector<1x1xf32> to vector<1x1024xf32>
    %mul3A_1712 = arith.mulf %exp3A_1710, %mul3A_1711 : vector<1x1024xf32>
    %slice3A_1713 = vector.extract_strided_slice %get3A_1429 {offsets = [79, 0], sizes = [1, 1024], strides = [1, 1]} : vector<125x1024xf32> to vector<1x1024xf32>
    %logistic3A_1714 = arith.negf %slice3A_1713 : vector<1x1024xf32>
    %logistic3A_1715 = math.exp %logistic3A_1714 : vector<1x1024xf32>
    %logistic3A_1716 = arith.constant 1.000000e+00 : f32
    %logistic3A_1717 = vector.broadcast %logistic3A_1716 : f32 to vector<1x1024xf32>
    %logistic3A_1718 = arith.addf %logistic3A_1717, %logistic3A_1715 : vector<1x1024xf32>
    %logistic3A_1719 = arith.divf %logistic3A_1717, %logistic3A_1718 : vector<1x1024xf32>
    %mul3A_1720 = arith.constant 5.000000e-01 : f32
    %mul3A_1721 = vector.broadcast %mul3A_1720 : f32 to vector<1x1024xf32>
    %mul3A_1722 = arith.mulf %mul3A_1721, %mul3A_1702 : vector<1x1024xf32>
    %sub3A_1723 = arith.subf %add3A_1684, %mul3A_1722 : vector<1x1024xf32>
    %mul3A_1724 = arith.constant 5.000000e-01 : f32
    %mul3A_1725 = vector.broadcast %mul3A_1724 : f32 to vector<1x1024xf32>
    %mul3A_1726 = arith.mulf %mul3A_1725, %mul3A_1702 : vector<1x1024xf32>
    %add3A_1727 = arith.addf %add3A_1684, %mul3A_1726 : vector<1x1024xf32>
    %mul3A_1728 = arith.constant 5.000000e-01 : f32
    %mul3A_1729 = vector.broadcast %mul3A_1728 : f32 to vector<1x1024xf32>
    %mul3A_1730 = arith.mulf %mul3A_1729, %mul3A_1712 : vector<1x1024xf32>
    %sub3A_1731 = arith.subf %add3A_1692, %mul3A_1730 : vector<1x1024xf32>
    %mul3A_1732 = arith.constant 5.000000e-01 : f32
    %mul3A_1733 = vector.broadcast %mul3A_1732 : f32 to vector<1x1024xf32>
    %mul3A_1734 = arith.mulf %mul3A_1733, %mul3A_1712 : vector<1x1024xf32>
    %add3A_1735 = arith.addf %add3A_1692, %mul3A_1734 : vector<1x1024xf32>
    %mul3A_1736 = arith.mulf %mul3A_1702, %mul3A_1712 : vector<1x1024xf32>
    %get3A_1737 = arith.constant 4 : index
    %get3A_1738 = arith.constant 0 : index
    %get3A_1739 = vector.load %arg4[%get3A_1737, %get3A_1738] : memref<5x2xf32, #tpu.memory_space<vmem>>, vector<1x1xf32>
    %get3A_1740 = arith.constant 4 : index
    %get3A_1741 = arith.constant 1 : index
    %get3A_1742 = vector.load %arg4[%get3A_1740, %get3A_1741] : memref<5x2xf32, #tpu.memory_space<vmem>>, vector<1x1xf32>
    %slice3A_1743 = vector.extract_strided_slice %get3A_1429 {offsets = [100, 0], sizes = [1, 1024], strides = [1, 1]} : vector<125x1024xf32> to vector<1x1024xf32>
    %logistic3A_1744 = arith.negf %slice3A_1743 : vector<1x1024xf32>
    %logistic3A_1745 = math.exp %logistic3A_1744 : vector<1x1024xf32>
    %logistic3A_1746 = arith.constant 1.000000e+00 : f32
    %logistic3A_1747 = vector.broadcast %logistic3A_1746 : f32 to vector<1x1024xf32>
    %logistic3A_1748 = arith.addf %logistic3A_1747, %logistic3A_1745 : vector<1x1024xf32>
    %logistic3A_1749 = arith.divf %logistic3A_1747, %logistic3A_1748 : vector<1x1024xf32>
    %add3A_1750 = arith.addf %logistic3A_1749, %convert_element_type3A_20 : vector<1x1024xf32>
    %slice3A_1751 = vector.extract_strided_slice %get3A_1429 {offsets = [101, 0], sizes = [1, 1024], strides = [1, 1]} : vector<125x1024xf32> to vector<1x1024xf32>
    %logistic3A_1752 = arith.negf %slice3A_1751 : vector<1x1024xf32>
    %logistic3A_1753 = math.exp %logistic3A_1752 : vector<1x1024xf32>
    %logistic3A_1754 = arith.constant 1.000000e+00 : f32
    %logistic3A_1755 = vector.broadcast %logistic3A_1754 : f32 to vector<1x1024xf32>
    %logistic3A_1756 = arith.addf %logistic3A_1755, %logistic3A_1753 : vector<1x1024xf32>
    %logistic3A_1757 = arith.divf %logistic3A_1755, %logistic3A_1756 : vector<1x1024xf32>
    %add3A_1758 = arith.addf %logistic3A_1757, %convert_element_type3A_49 : vector<1x1024xf32>
    %slice3A_1759 = vector.extract_strided_slice %get3A_1429 {offsets = [102, 0], sizes = [1, 1024], strides = [1, 1]} : vector<125x1024xf32> to vector<1x1024xf32>
    %jit3A_1760 = arith.constant -1.000000e+01 : f32
    %jit3A_1761 = arith.constant 1.000000e+01 : f32
    %max3A_1762 = vector.broadcast %jit3A_1760 : f32 to vector<1x1024xf32>
    %max3A_1763 = arith.maximumf %max3A_1762, %slice3A_1759 : vector<1x1024xf32>
    %min3A_1764 = vector.broadcast %jit3A_1761 : f32 to vector<1x1024xf32>
    %min3A_1765 = arith.minimumf %min3A_1764, %max3A_1763 : vector<1x1024xf32>
    %exp3A_1766 = math.exp %min3A_1765 : vector<1x1024xf32>
    %mul3A_1767 = vector.broadcast %get3A_1739 : vector<1x1xf32> to vector<1x1024xf32>
    %mul3A_1768 = arith.mulf %exp3A_1766, %mul3A_1767 : vector<1x1024xf32>
    %slice3A_1769 = vector.extract_strided_slice %get3A_1429 {offsets = [103, 0], sizes = [1, 1024], strides = [1, 1]} : vector<125x1024xf32> to vector<1x1024xf32>
    %jit3A_1770 = arith.constant -1.000000e+01 : f32
    %jit3A_1771 = arith.constant 1.000000e+01 : f32
    %max3A_1772 = vector.broadcast %jit3A_1770 : f32 to vector<1x1024xf32>
    %max3A_1773 = arith.maximumf %max3A_1772, %slice3A_1769 : vector<1x1024xf32>
    %min3A_1774 = vector.broadcast %jit3A_1771 : f32 to vector<1x1024xf32>
    %min3A_1775 = arith.minimumf %min3A_1774, %max3A_1773 : vector<1x1024xf32>
    %exp3A_1776 = math.exp %min3A_1775 : vector<1x1024xf32>
    %mul3A_1777 = vector.broadcast %get3A_1742 : vector<1x1xf32> to vector<1x1024xf32>
    %mul3A_1778 = arith.mulf %exp3A_1776, %mul3A_1777 : vector<1x1024xf32>
    %slice3A_1779 = vector.extract_strided_slice %get3A_1429 {offsets = [104, 0], sizes = [1, 1024], strides = [1, 1]} : vector<125x1024xf32> to vector<1x1024xf32>
    %logistic3A_1780 = arith.negf %slice3A_1779 : vector<1x1024xf32>
    %logistic3A_1781 = math.exp %logistic3A_1780 : vector<1x1024xf32>
    %logistic3A_1782 = arith.constant 1.000000e+00 : f32
    %logistic3A_1783 = vector.broadcast %logistic3A_1782 : f32 to vector<1x1024xf32>
    %logistic3A_1784 = arith.addf %logistic3A_1783, %logistic3A_1781 : vector<1x1024xf32>
    %logistic3A_1785 = arith.divf %logistic3A_1783, %logistic3A_1784 : vector<1x1024xf32>
    %mul3A_1786 = arith.constant 5.000000e-01 : f32
    %mul3A_1787 = vector.broadcast %mul3A_1786 : f32 to vector<1x1024xf32>
    %mul3A_1788 = arith.mulf %mul3A_1787, %mul3A_1768 : vector<1x1024xf32>
    %sub3A_1789 = arith.subf %add3A_1750, %mul3A_1788 : vector<1x1024xf32>
    %mul3A_1790 = arith.constant 5.000000e-01 : f32
    %mul3A_1791 = vector.broadcast %mul3A_1790 : f32 to vector<1x1024xf32>
    %mul3A_1792 = arith.mulf %mul3A_1791, %mul3A_1768 : vector<1x1024xf32>
    %add3A_1793 = arith.addf %add3A_1750, %mul3A_1792 : vector<1x1024xf32>
    %mul3A_1794 = arith.constant 5.000000e-01 : f32
    %mul3A_1795 = vector.broadcast %mul3A_1794 : f32 to vector<1x1024xf32>
    %mul3A_1796 = arith.mulf %mul3A_1795, %mul3A_1778 : vector<1x1024xf32>
    %sub3A_1797 = arith.subf %add3A_1758, %mul3A_1796 : vector<1x1024xf32>
    %mul3A_1798 = arith.constant 5.000000e-01 : f32
    %mul3A_1799 = vector.broadcast %mul3A_1798 : f32 to vector<1x1024xf32>
    %mul3A_1800 = arith.mulf %mul3A_1799, %mul3A_1778 : vector<1x1024xf32>
    %add3A_1801 = arith.addf %add3A_1758, %mul3A_1800 : vector<1x1024xf32>
    %mul3A_1802 = arith.mulf %mul3A_1768, %mul3A_1778 : vector<1x1024xf32>
    %broadcast_in_dim3A_1803 = arith.constant -1.000000e+00 : f32
    %broadcast_in_dim3A_1804 = vector.broadcast %broadcast_in_dim3A_1803 : f32 to vector<8x1024xf32>
    %broadcast_in_dim3A_1805 = arith.constant -1.000000e+00 : f32
    %broadcast_in_dim3A_1806 = vector.broadcast %broadcast_in_dim3A_1805 : f32 to vector<8x1024xf32>
    %broadcast_in_dim3A_1807 = arith.constant -1.000000e+00 : f32
    %broadcast_in_dim3A_1808 = vector.broadcast %broadcast_in_dim3A_1807 : f32 to vector<8x1024xf32>
    %broadcast_in_dim3A_1809 = arith.constant -1.000000e+00 : f32
    %broadcast_in_dim3A_1810 = vector.broadcast %broadcast_in_dim3A_1809 : f32 to vector<8x1024xf32>
    %broadcast_in_dim3A_1811 = arith.constant -1.000000e+00 : f32
    %broadcast_in_dim3A_1812 = vector.broadcast %broadcast_in_dim3A_1811 : f32 to vector<8x1024xf32>
    %while3A_1813 = arith.constant 0 : i32
    %while3A_1814 = arith.subi %select_n3A_1472, %while3A_1813 : i32
    %while3A_1815 = arith.addi %while3A_1813, %while3A_1814 : i32
    %while3A_1816 = arith.constant 1 : i32
    %while3A_1817 = arith.divsi %while3A_1814, %while3A_1816 : i32
    %while3A_1818 = arith.muli %while3A_1817, %while3A_1816 : i32
    %while3A_1819 = arith.addi %while3A_1813, %while3A_1818 : i32
    %while3A_1820 = arith.constant 1 : i32
    %while3A_1821:5 = scf.for %while3A_1887 = %while3A_1813 to %while3A_1819 step %while3A_1820 iter_args(%while3A_1888 = %broadcast_in_dim3A_1804, %while3A_1889 = %broadcast_in_dim3A_1806, %while3A_1890 = %broadcast_in_dim3A_1808, %while3A_1891 = %broadcast_in_dim3A_1810, %while3A_1892 = %broadcast_in_dim3A_1812) -> (vector<8x1024xf32>, vector<8x1024xf32>, vector<8x1024xf32>, vector<8x1024xf32>, vector<8x1024xf32>)  : i32 {
      %mul3A_1893 = arith.constant 8 : i32
      %mul3A_1894 = arith.muli %mul3A_1893, %while3A_1887 : i32
      %add3A_1895 = arith.addi %reduce_sum3A_1445, %mul3A_1894 : i32
      %min3A_1896 = arith.constant 120 : i32
      %min3A_1897 = arith.minsi %add3A_1895, %min3A_1896 : i32
      %get3A_1898 = arith.index_cast %min3A_1897 : i32 to index
      %get3A_1899 = arith.constant 0 : index
      %get3A_1900 = vector.load %arg6[%get3A_1898, %get3A_1899] : memref<128x8xf32, #tpu.memory_space<vmem>>, vector<8x8xf32>
      %slice3A_1901 = vector.extract_strided_slice %get3A_1900 {offsets = [0, 0], sizes = [8, 1], strides = [1, 1]} : vector<8x8xf32> to vector<8x1xf32>
      %slice3A_1902 = vector.extract_strided_slice %get3A_1900 {offsets = [0, 1], sizes = [8, 1], strides = [1, 1]} : vector<8x8xf32> to vector<8x1xf32>
      %slice3A_1903 = vector.extract_strided_slice %get3A_1900 {offsets = [0, 2], sizes = [8, 1], strides = [1, 1]} : vector<8x8xf32> to vector<8x1xf32>
      %slice3A_1904 = vector.extract_strided_slice %get3A_1900 {offsets = [0, 3], sizes = [8, 1], strides = [1, 1]} : vector<8x8xf32> to vector<8x1xf32>
      %slice3A_1905 = vector.extract_strided_slice %get3A_1900 {offsets = [0, 4], sizes = [8, 1], strides = [1, 1]} : vector<8x8xf32> to vector<8x1xf32>
      %add3A_1906 = vector.broadcast %min3A_1897 : i32 to vector<8x1xi32>
      %add3A_1907 = arith.addi %iota3A_50, %add3A_1906 : vector<8x1xi32>
      %ge3A = vector.broadcast %add3A_1895 : i32 to vector<8x1xi32>
      %ge3A_1908 = arith.cmpi sge, %add3A_1907, %ge3A : vector<8x1xi32>
      %lt3A_1909 = vector.broadcast %add3A_1446 : i32 to vector<8x1xi32>
      %lt3A_1910 = arith.cmpi slt, %add3A_1907, %lt3A_1909 : vector<8x1xi32>
      %and3A_1911 = arith.andi %ge3A_1908, %lt3A_1910 : vector<8x1xi1>
      %jit3A_1912 = arith.constant 0.000000e+00 : f32
      %jit3A_1913 = arith.constant 1.000000e+09 : f32
      %broadcast_in_dim3A_1914 = vector.broadcast %jit3A_1912 : f32 to vector<8x1xf32>
      %broadcast_in_dim3A_1915 = vector.broadcast %jit3A_1913 : f32 to vector<8x1xf32>
      %select_n3A_1916 = arith.select %and3A_1911, %broadcast_in_dim3A_1914, %broadcast_in_dim3A_1915 : vector<8x1xi1>, vector<8x1xf32>
      %add3A_1917 = arith.addf %slice3A_1905, %select_n3A_1916 : vector<8x1xf32>
      %min3A_1918 = vector.broadcast %add3A_1529 : vector<1x1024xf32> to vector<8x1024xf32>
      %min3A_1919 = vector.broadcast %slice3A_1903 : vector<8x1xf32> to vector<8x1024xf32>
      %min3A_1920 = arith.minimumf %min3A_1918, %min3A_1919 : vector<8x1024xf32>
      %max3A_1921 = vector.broadcast %sub3A_1525 : vector<1x1024xf32> to vector<8x1024xf32>
      %max3A_1922 = vector.broadcast %slice3A_1901 : vector<8x1xf32> to vector<8x1024xf32>
      %max3A_1923 = arith.maximumf %max3A_1921, %max3A_1922 : vector<8x1024xf32>
      %sub3A_1924 = arith.subf %min3A_1920, %max3A_1923 : vector<8x1024xf32>
      %max3A_1925 = arith.constant 0.000000e+00 : f32
      %max3A_1926 = vector.broadcast %max3A_1925 : f32 to vector<8x1024xf32>
      %max3A_1927 = arith.maximumf %sub3A_1924, %max3A_1926 : vector<8x1024xf32>
      %min3A_1928 = vector.broadcast %add3A_1537 : vector<1x1024xf32> to vector<8x1024xf32>
      %min3A_1929 = vector.broadcast %slice3A_1904 : vector<8x1xf32> to vector<8x1024xf32>
      %min3A_1930 = arith.minimumf %min3A_1928, %min3A_1929 : vector<8x1024xf32>
      %max3A_1931 = vector.broadcast %sub3A_1533 : vector<1x1024xf32> to vector<8x1024xf32>
      %max3A_1932 = vector.broadcast %slice3A_1902 : vector<8x1xf32> to vector<8x1024xf32>
      %max3A_1933 = arith.maximumf %max3A_1931, %max3A_1932 : vector<8x1024xf32>
      %sub3A_1934 = arith.subf %min3A_1930, %max3A_1933 : vector<8x1024xf32>
      %max3A_1935 = arith.constant 0.000000e+00 : f32
      %max3A_1936 = vector.broadcast %max3A_1935 : f32 to vector<8x1024xf32>
      %max3A_1937 = arith.maximumf %sub3A_1934, %max3A_1936 : vector<8x1024xf32>
      %mul3A_1938 = arith.mulf %max3A_1927, %max3A_1937 : vector<8x1024xf32>
      %mul3A_1939 = arith.constant 3.000000e+00 : f32
      %mul3A_1940 = vector.broadcast %mul3A_1939 : f32 to vector<8x1024xf32>
      %mul3A_1941 = arith.mulf %mul3A_1940, %mul3A_1938 : vector<8x1024xf32>
      %add3A_1942 = vector.broadcast %mul3A_1538 : vector<1x1024xf32> to vector<8x1024xf32>
      %add3A_1943 = vector.broadcast %add3A_1917 : vector<8x1xf32> to vector<8x1024xf32>
      %add3A_1944 = arith.addf %add3A_1942, %add3A_1943 : vector<8x1024xf32>
      %sub3A_1945 = arith.subf %mul3A_1941, %add3A_1944 : vector<8x1024xf32>
      %max3A_1946 = arith.maximumf %while3A_1888, %sub3A_1945 : vector<8x1024xf32>
      %min3A_1947 = vector.broadcast %add3A_1595 : vector<1x1024xf32> to vector<8x1024xf32>
      %min3A_1948 = vector.broadcast %slice3A_1903 : vector<8x1xf32> to vector<8x1024xf32>
      %min3A_1949 = arith.minimumf %min3A_1947, %min3A_1948 : vector<8x1024xf32>
      %max3A_1950 = vector.broadcast %sub3A_1591 : vector<1x1024xf32> to vector<8x1024xf32>
      %max3A_1951 = vector.broadcast %slice3A_1901 : vector<8x1xf32> to vector<8x1024xf32>
      %max3A_1952 = arith.maximumf %max3A_1950, %max3A_1951 : vector<8x1024xf32>
      %sub3A_1953 = arith.subf %min3A_1949, %max3A_1952 : vector<8x1024xf32>
      %max3A_1954 = arith.constant 0.000000e+00 : f32
      %max3A_1955 = vector.broadcast %max3A_1954 : f32 to vector<8x1024xf32>
      %max3A_1956 = arith.maximumf %sub3A_1953, %max3A_1955 : vector<8x1024xf32>
      %min3A_1957 = vector.broadcast %add3A_1603 : vector<1x1024xf32> to vector<8x1024xf32>
      %min3A_1958 = vector.broadcast %slice3A_1904 : vector<8x1xf32> to vector<8x1024xf32>
      %min3A_1959 = arith.minimumf %min3A_1957, %min3A_1958 : vector<8x1024xf32>
      %max3A_1960 = vector.broadcast %sub3A_1599 : vector<1x1024xf32> to vector<8x1024xf32>
      %max3A_1961 = vector.broadcast %slice3A_1902 : vector<8x1xf32> to vector<8x1024xf32>
      %max3A_1962 = arith.maximumf %max3A_1960, %max3A_1961 : vector<8x1024xf32>
      %sub3A_1963 = arith.subf %min3A_1959, %max3A_1962 : vector<8x1024xf32>
      %max3A_1964 = arith.constant 0.000000e+00 : f32
      %max3A_1965 = vector.broadcast %max3A_1964 : f32 to vector<8x1024xf32>
      %max3A_1966 = arith.maximumf %sub3A_1963, %max3A_1965 : vector<8x1024xf32>
      %mul3A_1967 = arith.mulf %max3A_1956, %max3A_1966 : vector<8x1024xf32>
      %mul3A_1968 = arith.constant 3.000000e+00 : f32
      %mul3A_1969 = vector.broadcast %mul3A_1968 : f32 to vector<8x1024xf32>
      %mul3A_1970 = arith.mulf %mul3A_1969, %mul3A_1967 : vector<8x1024xf32>
      %add3A_1971 = vector.broadcast %mul3A_1604 : vector<1x1024xf32> to vector<8x1024xf32>
      %add3A_1972 = vector.broadcast %add3A_1917 : vector<8x1xf32> to vector<8x1024xf32>
      %add3A_1973 = arith.addf %add3A_1971, %add3A_1972 : vector<8x1024xf32>
      %sub3A_1974 = arith.subf %mul3A_1970, %add3A_1973 : vector<8x1024xf32>
      %max3A_1975 = arith.maximumf %while3A_1889, %sub3A_1974 : vector<8x1024xf32>
      %min3A_1976 = vector.broadcast %add3A_1661 : vector<1x1024xf32> to vector<8x1024xf32>
      %min3A_1977 = vector.broadcast %slice3A_1903 : vector<8x1xf32> to vector<8x1024xf32>
      %min3A_1978 = arith.minimumf %min3A_1976, %min3A_1977 : vector<8x1024xf32>
      %max3A_1979 = vector.broadcast %sub3A_1657 : vector<1x1024xf32> to vector<8x1024xf32>
      %max3A_1980 = vector.broadcast %slice3A_1901 : vector<8x1xf32> to vector<8x1024xf32>
      %max3A_1981 = arith.maximumf %max3A_1979, %max3A_1980 : vector<8x1024xf32>
      %sub3A_1982 = arith.subf %min3A_1978, %max3A_1981 : vector<8x1024xf32>
      %max3A_1983 = arith.constant 0.000000e+00 : f32
      %max3A_1984 = vector.broadcast %max3A_1983 : f32 to vector<8x1024xf32>
      %max3A_1985 = arith.maximumf %sub3A_1982, %max3A_1984 : vector<8x1024xf32>
      %min3A_1986 = vector.broadcast %add3A_1669 : vector<1x1024xf32> to vector<8x1024xf32>
      %min3A_1987 = vector.broadcast %slice3A_1904 : vector<8x1xf32> to vector<8x1024xf32>
      %min3A_1988 = arith.minimumf %min3A_1986, %min3A_1987 : vector<8x1024xf32>
      %max3A_1989 = vector.broadcast %sub3A_1665 : vector<1x1024xf32> to vector<8x1024xf32>
      %max3A_1990 = vector.broadcast %slice3A_1902 : vector<8x1xf32> to vector<8x1024xf32>
      %max3A_1991 = arith.maximumf %max3A_1989, %max3A_1990 : vector<8x1024xf32>
      %sub3A_1992 = arith.subf %min3A_1988, %max3A_1991 : vector<8x1024xf32>
      %max3A_1993 = arith.constant 0.000000e+00 : f32
      %max3A_1994 = vector.broadcast %max3A_1993 : f32 to vector<8x1024xf32>
      %max3A_1995 = arith.maximumf %sub3A_1992, %max3A_1994 : vector<8x1024xf32>
      %mul3A_1996 = arith.mulf %max3A_1985, %max3A_1995 : vector<8x1024xf32>
      %mul3A_1997 = arith.constant 3.000000e+00 : f32
      %mul3A_1998 = vector.broadcast %mul3A_1997 : f32 to vector<8x1024xf32>
      %mul3A_1999 = arith.mulf %mul3A_1998, %mul3A_1996 : vector<8x1024xf32>
      %add3A_2000 = vector.broadcast %mul3A_1670 : vector<1x1024xf32> to vector<8x1024xf32>
      %add3A_2001 = vector.broadcast %add3A_1917 : vector<8x1xf32> to vector<8x1024xf32>
      %add3A_2002 = arith.addf %add3A_2000, %add3A_2001 : vector<8x1024xf32>
      %sub3A_2003 = arith.subf %mul3A_1999, %add3A_2002 : vector<8x1024xf32>
      %max3A_2004 = arith.maximumf %while3A_1890, %sub3A_2003 : vector<8x1024xf32>
      %min3A_2005 = vector.broadcast %add3A_1727 : vector<1x1024xf32> to vector<8x1024xf32>
      %min3A_2006 = vector.broadcast %slice3A_1903 : vector<8x1xf32> to vector<8x1024xf32>
      %min3A_2007 = arith.minimumf %min3A_2005, %min3A_2006 : vector<8x1024xf32>
      %max3A_2008 = vector.broadcast %sub3A_1723 : vector<1x1024xf32> to vector<8x1024xf32>
      %max3A_2009 = vector.broadcast %slice3A_1901 : vector<8x1xf32> to vector<8x1024xf32>
      %max3A_2010 = arith.maximumf %max3A_2008, %max3A_2009 : vector<8x1024xf32>
      %sub3A_2011 = arith.subf %min3A_2007, %max3A_2010 : vector<8x1024xf32>
      %max3A_2012 = arith.constant 0.000000e+00 : f32
      %max3A_2013 = vector.broadcast %max3A_2012 : f32 to vector<8x1024xf32>
      %max3A_2014 = arith.maximumf %sub3A_2011, %max3A_2013 : vector<8x1024xf32>
      %min3A_2015 = vector.broadcast %add3A_1735 : vector<1x1024xf32> to vector<8x1024xf32>
      %min3A_2016 = vector.broadcast %slice3A_1904 : vector<8x1xf32> to vector<8x1024xf32>
      %min3A_2017 = arith.minimumf %min3A_2015, %min3A_2016 : vector<8x1024xf32>
      %max3A_2018 = vector.broadcast %sub3A_1731 : vector<1x1024xf32> to vector<8x1024xf32>
      %max3A_2019 = vector.broadcast %slice3A_1902 : vector<8x1xf32> to vector<8x1024xf32>
      %max3A_2020 = arith.maximumf %max3A_2018, %max3A_2019 : vector<8x1024xf32>
      %sub3A_2021 = arith.subf %min3A_2017, %max3A_2020 : vector<8x1024xf32>
      %max3A_2022 = arith.constant 0.000000e+00 : f32
      %max3A_2023 = vector.broadcast %max3A_2022 : f32 to vector<8x1024xf32>
      %max3A_2024 = arith.maximumf %sub3A_2021, %max3A_2023 : vector<8x1024xf32>
      %mul3A_2025 = arith.mulf %max3A_2014, %max3A_2024 : vector<8x1024xf32>
      %mul3A_2026 = arith.constant 3.000000e+00 : f32
      %mul3A_2027 = vector.broadcast %mul3A_2026 : f32 to vector<8x1024xf32>
      %mul3A_2028 = arith.mulf %mul3A_2027, %mul3A_2025 : vector<8x1024xf32>
      %add3A_2029 = vector.broadcast %mul3A_1736 : vector<1x1024xf32> to vector<8x1024xf32>
      %add3A_2030 = vector.broadcast %add3A_1917 : vector<8x1xf32> to vector<8x1024xf32>
      %add3A_2031 = arith.addf %add3A_2029, %add3A_2030 : vector<8x1024xf32>
      %sub3A_2032 = arith.subf %mul3A_2028, %add3A_2031 : vector<8x1024xf32>
      %max3A_2033 = arith.maximumf %while3A_1891, %sub3A_2032 : vector<8x1024xf32>
      %min3A_2034 = vector.broadcast %add3A_1793 : vector<1x1024xf32> to vector<8x1024xf32>
      %min3A_2035 = vector.broadcast %slice3A_1903 : vector<8x1xf32> to vector<8x1024xf32>
      %min3A_2036 = arith.minimumf %min3A_2034, %min3A_2035 : vector<8x1024xf32>
      %max3A_2037 = vector.broadcast %sub3A_1789 : vector<1x1024xf32> to vector<8x1024xf32>
      %max3A_2038 = vector.broadcast %slice3A_1901 : vector<8x1xf32> to vector<8x1024xf32>
      %max3A_2039 = arith.maximumf %max3A_2037, %max3A_2038 : vector<8x1024xf32>
      %sub3A_2040 = arith.subf %min3A_2036, %max3A_2039 : vector<8x1024xf32>
      %max3A_2041 = arith.constant 0.000000e+00 : f32
      %max3A_2042 = vector.broadcast %max3A_2041 : f32 to vector<8x1024xf32>
      %max3A_2043 = arith.maximumf %sub3A_2040, %max3A_2042 : vector<8x1024xf32>
      %min3A_2044 = vector.broadcast %add3A_1801 : vector<1x1024xf32> to vector<8x1024xf32>
      %min3A_2045 = vector.broadcast %slice3A_1904 : vector<8x1xf32> to vector<8x1024xf32>
      %min3A_2046 = arith.minimumf %min3A_2044, %min3A_2045 : vector<8x1024xf32>
      %max3A_2047 = vector.broadcast %sub3A_1797 : vector<1x1024xf32> to vector<8x1024xf32>
      %max3A_2048 = vector.broadcast %slice3A_1902 : vector<8x1xf32> to vector<8x1024xf32>
      %max3A_2049 = arith.maximumf %max3A_2047, %max3A_2048 : vector<8x1024xf32>
      %sub3A_2050 = arith.subf %min3A_2046, %max3A_2049 : vector<8x1024xf32>
      %max3A_2051 = arith.constant 0.000000e+00 : f32
      %max3A_2052 = vector.broadcast %max3A_2051 : f32 to vector<8x1024xf32>
      %max3A_2053 = arith.maximumf %sub3A_2050, %max3A_2052 : vector<8x1024xf32>
      %mul3A_2054 = arith.mulf %max3A_2043, %max3A_2053 : vector<8x1024xf32>
      %mul3A_2055 = arith.constant 3.000000e+00 : f32
      %mul3A_2056 = vector.broadcast %mul3A_2055 : f32 to vector<8x1024xf32>
      %mul3A_2057 = arith.mulf %mul3A_2056, %mul3A_2054 : vector<8x1024xf32>
      %add3A_2058 = vector.broadcast %mul3A_1802 : vector<1x1024xf32> to vector<8x1024xf32>
      %add3A_2059 = vector.broadcast %add3A_1917 : vector<8x1xf32> to vector<8x1024xf32>
      %add3A_2060 = arith.addf %add3A_2058, %add3A_2059 : vector<8x1024xf32>
      %sub3A_2061 = arith.subf %mul3A_2057, %add3A_2060 : vector<8x1024xf32>
      %max3A_2062 = arith.maximumf %while3A_1892, %sub3A_2061 : vector<8x1024xf32>
      scf.yield %max3A_1946, %max3A_1975, %max3A_2004, %max3A_2033, %max3A_2062 : vector<8x1024xf32>, vector<8x1024xf32>, vector<8x1024xf32>, vector<8x1024xf32>, vector<8x1024xf32>
    }
    %while3A_1822 = arith.constant 1 : i32
    %while3A_1823:5 = scf.for %while3A_1887 = %while3A_1819 to %while3A_1815 step %while3A_1822 iter_args(%while3A_1888 = %while3A_1821#0, %while3A_1889 = %while3A_1821#1, %while3A_1890 = %while3A_1821#2, %while3A_1891 = %while3A_1821#3, %while3A_1892 = %while3A_1821#4) -> (vector<8x1024xf32>, vector<8x1024xf32>, vector<8x1024xf32>, vector<8x1024xf32>, vector<8x1024xf32>)  : i32 {
      %mul3A_1893 = arith.constant 8 : i32
      %mul3A_1894 = arith.muli %mul3A_1893, %while3A_1887 : i32
      %add3A_1895 = arith.addi %reduce_sum3A_1445, %mul3A_1894 : i32
      %min3A_1896 = arith.constant 120 : i32
      %min3A_1897 = arith.minsi %add3A_1895, %min3A_1896 : i32
      %get3A_1898 = arith.index_cast %min3A_1897 : i32 to index
      %get3A_1899 = arith.constant 0 : index
      %get3A_1900 = vector.load %arg6[%get3A_1898, %get3A_1899] : memref<128x8xf32, #tpu.memory_space<vmem>>, vector<8x8xf32>
      %slice3A_1901 = vector.extract_strided_slice %get3A_1900 {offsets = [0, 0], sizes = [8, 1], strides = [1, 1]} : vector<8x8xf32> to vector<8x1xf32>
      %slice3A_1902 = vector.extract_strided_slice %get3A_1900 {offsets = [0, 1], sizes = [8, 1], strides = [1, 1]} : vector<8x8xf32> to vector<8x1xf32>
      %slice3A_1903 = vector.extract_strided_slice %get3A_1900 {offsets = [0, 2], sizes = [8, 1], strides = [1, 1]} : vector<8x8xf32> to vector<8x1xf32>
      %slice3A_1904 = vector.extract_strided_slice %get3A_1900 {offsets = [0, 3], sizes = [8, 1], strides = [1, 1]} : vector<8x8xf32> to vector<8x1xf32>
      %slice3A_1905 = vector.extract_strided_slice %get3A_1900 {offsets = [0, 4], sizes = [8, 1], strides = [1, 1]} : vector<8x8xf32> to vector<8x1xf32>
      %add3A_1906 = vector.broadcast %min3A_1897 : i32 to vector<8x1xi32>
      %add3A_1907 = arith.addi %iota3A_50, %add3A_1906 : vector<8x1xi32>
      %ge3A = vector.broadcast %add3A_1895 : i32 to vector<8x1xi32>
      %ge3A_1908 = arith.cmpi sge, %add3A_1907, %ge3A : vector<8x1xi32>
      %lt3A_1909 = vector.broadcast %add3A_1446 : i32 to vector<8x1xi32>
      %lt3A_1910 = arith.cmpi slt, %add3A_1907, %lt3A_1909 : vector<8x1xi32>
      %and3A_1911 = arith.andi %ge3A_1908, %lt3A_1910 : vector<8x1xi1>
      %jit3A_1912 = arith.constant 0.000000e+00 : f32
      %jit3A_1913 = arith.constant 1.000000e+09 : f32
      %broadcast_in_dim3A_1914 = vector.broadcast %jit3A_1912 : f32 to vector<8x1xf32>
      %broadcast_in_dim3A_1915 = vector.broadcast %jit3A_1913 : f32 to vector<8x1xf32>
      %select_n3A_1916 = arith.select %and3A_1911, %broadcast_in_dim3A_1914, %broadcast_in_dim3A_1915 : vector<8x1xi1>, vector<8x1xf32>
      %add3A_1917 = arith.addf %slice3A_1905, %select_n3A_1916 : vector<8x1xf32>
      %min3A_1918 = vector.broadcast %add3A_1529 : vector<1x1024xf32> to vector<8x1024xf32>
      %min3A_1919 = vector.broadcast %slice3A_1903 : vector<8x1xf32> to vector<8x1024xf32>
      %min3A_1920 = arith.minimumf %min3A_1918, %min3A_1919 : vector<8x1024xf32>
      %max3A_1921 = vector.broadcast %sub3A_1525 : vector<1x1024xf32> to vector<8x1024xf32>
      %max3A_1922 = vector.broadcast %slice3A_1901 : vector<8x1xf32> to vector<8x1024xf32>
      %max3A_1923 = arith.maximumf %max3A_1921, %max3A_1922 : vector<8x1024xf32>
      %sub3A_1924 = arith.subf %min3A_1920, %max3A_1923 : vector<8x1024xf32>
      %max3A_1925 = arith.constant 0.000000e+00 : f32
      %max3A_1926 = vector.broadcast %max3A_1925 : f32 to vector<8x1024xf32>
      %max3A_1927 = arith.maximumf %sub3A_1924, %max3A_1926 : vector<8x1024xf32>
      %min3A_1928 = vector.broadcast %add3A_1537 : vector<1x1024xf32> to vector<8x1024xf32>
      %min3A_1929 = vector.broadcast %slice3A_1904 : vector<8x1xf32> to vector<8x1024xf32>
      %min3A_1930 = arith.minimumf %min3A_1928, %min3A_1929 : vector<8x1024xf32>
      %max3A_1931 = vector.broadcast %sub3A_1533 : vector<1x1024xf32> to vector<8x1024xf32>
      %max3A_1932 = vector.broadcast %slice3A_1902 : vector<8x1xf32> to vector<8x1024xf32>
      %max3A_1933 = arith.maximumf %max3A_1931, %max3A_1932 : vector<8x1024xf32>
      %sub3A_1934 = arith.subf %min3A_1930, %max3A_1933 : vector<8x1024xf32>
      %max3A_1935 = arith.constant 0.000000e+00 : f32
      %max3A_1936 = vector.broadcast %max3A_1935 : f32 to vector<8x1024xf32>
      %max3A_1937 = arith.maximumf %sub3A_1934, %max3A_1936 : vector<8x1024xf32>
      %mul3A_1938 = arith.mulf %max3A_1927, %max3A_1937 : vector<8x1024xf32>
      %mul3A_1939 = arith.constant 3.000000e+00 : f32
      %mul3A_1940 = vector.broadcast %mul3A_1939 : f32 to vector<8x1024xf32>
      %mul3A_1941 = arith.mulf %mul3A_1940, %mul3A_1938 : vector<8x1024xf32>
      %add3A_1942 = vector.broadcast %mul3A_1538 : vector<1x1024xf32> to vector<8x1024xf32>
      %add3A_1943 = vector.broadcast %add3A_1917 : vector<8x1xf32> to vector<8x1024xf32>
      %add3A_1944 = arith.addf %add3A_1942, %add3A_1943 : vector<8x1024xf32>
      %sub3A_1945 = arith.subf %mul3A_1941, %add3A_1944 : vector<8x1024xf32>
      %max3A_1946 = arith.maximumf %while3A_1888, %sub3A_1945 : vector<8x1024xf32>
      %min3A_1947 = vector.broadcast %add3A_1595 : vector<1x1024xf32> to vector<8x1024xf32>
      %min3A_1948 = vector.broadcast %slice3A_1903 : vector<8x1xf32> to vector<8x1024xf32>
      %min3A_1949 = arith.minimumf %min3A_1947, %min3A_1948 : vector<8x1024xf32>
      %max3A_1950 = vector.broadcast %sub3A_1591 : vector<1x1024xf32> to vector<8x1024xf32>
      %max3A_1951 = vector.broadcast %slice3A_1901 : vector<8x1xf32> to vector<8x1024xf32>
      %max3A_1952 = arith.maximumf %max3A_1950, %max3A_1951 : vector<8x1024xf32>
      %sub3A_1953 = arith.subf %min3A_1949, %max3A_1952 : vector<8x1024xf32>
      %max3A_1954 = arith.constant 0.000000e+00 : f32
      %max3A_1955 = vector.broadcast %max3A_1954 : f32 to vector<8x1024xf32>
      %max3A_1956 = arith.maximumf %sub3A_1953, %max3A_1955 : vector<8x1024xf32>
      %min3A_1957 = vector.broadcast %add3A_1603 : vector<1x1024xf32> to vector<8x1024xf32>
      %min3A_1958 = vector.broadcast %slice3A_1904 : vector<8x1xf32> to vector<8x1024xf32>
      %min3A_1959 = arith.minimumf %min3A_1957, %min3A_1958 : vector<8x1024xf32>
      %max3A_1960 = vector.broadcast %sub3A_1599 : vector<1x1024xf32> to vector<8x1024xf32>
      %max3A_1961 = vector.broadcast %slice3A_1902 : vector<8x1xf32> to vector<8x1024xf32>
      %max3A_1962 = arith.maximumf %max3A_1960, %max3A_1961 : vector<8x1024xf32>
      %sub3A_1963 = arith.subf %min3A_1959, %max3A_1962 : vector<8x1024xf32>
      %max3A_1964 = arith.constant 0.000000e+00 : f32
      %max3A_1965 = vector.broadcast %max3A_1964 : f32 to vector<8x1024xf32>
      %max3A_1966 = arith.maximumf %sub3A_1963, %max3A_1965 : vector<8x1024xf32>
      %mul3A_1967 = arith.mulf %max3A_1956, %max3A_1966 : vector<8x1024xf32>
      %mul3A_1968 = arith.constant 3.000000e+00 : f32
      %mul3A_1969 = vector.broadcast %mul3A_1968 : f32 to vector<8x1024xf32>
      %mul3A_1970 = arith.mulf %mul3A_1969, %mul3A_1967 : vector<8x1024xf32>
      %add3A_1971 = vector.broadcast %mul3A_1604 : vector<1x1024xf32> to vector<8x1024xf32>
      %add3A_1972 = vector.broadcast %add3A_1917 : vector<8x1xf32> to vector<8x1024xf32>
      %add3A_1973 = arith.addf %add3A_1971, %add3A_1972 : vector<8x1024xf32>
      %sub3A_1974 = arith.subf %mul3A_1970, %add3A_1973 : vector<8x1024xf32>
      %max3A_1975 = arith.maximumf %while3A_1889, %sub3A_1974 : vector<8x1024xf32>
      %min3A_1976 = vector.broadcast %add3A_1661 : vector<1x1024xf32> to vector<8x1024xf32>
      %min3A_1977 = vector.broadcast %slice3A_1903 : vector<8x1xf32> to vector<8x1024xf32>
      %min3A_1978 = arith.minimumf %min3A_1976, %min3A_1977 : vector<8x1024xf32>
      %max3A_1979 = vector.broadcast %sub3A_1657 : vector<1x1024xf32> to vector<8x1024xf32>
      %max3A_1980 = vector.broadcast %slice3A_1901 : vector<8x1xf32> to vector<8x1024xf32>
      %max3A_1981 = arith.maximumf %max3A_1979, %max3A_1980 : vector<8x1024xf32>
      %sub3A_1982 = arith.subf %min3A_1978, %max3A_1981 : vector<8x1024xf32>
      %max3A_1983 = arith.constant 0.000000e+00 : f32
      %max3A_1984 = vector.broadcast %max3A_1983 : f32 to vector<8x1024xf32>
      %max3A_1985 = arith.maximumf %sub3A_1982, %max3A_1984 : vector<8x1024xf32>
      %min3A_1986 = vector.broadcast %add3A_1669 : vector<1x1024xf32> to vector<8x1024xf32>
      %min3A_1987 = vector.broadcast %slice3A_1904 : vector<8x1xf32> to vector<8x1024xf32>
      %min3A_1988 = arith.minimumf %min3A_1986, %min3A_1987 : vector<8x1024xf32>
      %max3A_1989 = vector.broadcast %sub3A_1665 : vector<1x1024xf32> to vector<8x1024xf32>
      %max3A_1990 = vector.broadcast %slice3A_1902 : vector<8x1xf32> to vector<8x1024xf32>
      %max3A_1991 = arith.maximumf %max3A_1989, %max3A_1990 : vector<8x1024xf32>
      %sub3A_1992 = arith.subf %min3A_1988, %max3A_1991 : vector<8x1024xf32>
      %max3A_1993 = arith.constant 0.000000e+00 : f32
      %max3A_1994 = vector.broadcast %max3A_1993 : f32 to vector<8x1024xf32>
      %max3A_1995 = arith.maximumf %sub3A_1992, %max3A_1994 : vector<8x1024xf32>
      %mul3A_1996 = arith.mulf %max3A_1985, %max3A_1995 : vector<8x1024xf32>
      %mul3A_1997 = arith.constant 3.000000e+00 : f32
      %mul3A_1998 = vector.broadcast %mul3A_1997 : f32 to vector<8x1024xf32>
      %mul3A_1999 = arith.mulf %mul3A_1998, %mul3A_1996 : vector<8x1024xf32>
      %add3A_2000 = vector.broadcast %mul3A_1670 : vector<1x1024xf32> to vector<8x1024xf32>
      %add3A_2001 = vector.broadcast %add3A_1917 : vector<8x1xf32> to vector<8x1024xf32>
      %add3A_2002 = arith.addf %add3A_2000, %add3A_2001 : vector<8x1024xf32>
      %sub3A_2003 = arith.subf %mul3A_1999, %add3A_2002 : vector<8x1024xf32>
      %max3A_2004 = arith.maximumf %while3A_1890, %sub3A_2003 : vector<8x1024xf32>
      %min3A_2005 = vector.broadcast %add3A_1727 : vector<1x1024xf32> to vector<8x1024xf32>
      %min3A_2006 = vector.broadcast %slice3A_1903 : vector<8x1xf32> to vector<8x1024xf32>
      %min3A_2007 = arith.minimumf %min3A_2005, %min3A_2006 : vector<8x1024xf32>
      %max3A_2008 = vector.broadcast %sub3A_1723 : vector<1x1024xf32> to vector<8x1024xf32>
      %max3A_2009 = vector.broadcast %slice3A_1901 : vector<8x1xf32> to vector<8x1024xf32>
      %max3A_2010 = arith.maximumf %max3A_2008, %max3A_2009 : vector<8x1024xf32>
      %sub3A_2011 = arith.subf %min3A_2007, %max3A_2010 : vector<8x1024xf32>
      %max3A_2012 = arith.constant 0.000000e+00 : f32
      %max3A_2013 = vector.broadcast %max3A_2012 : f32 to vector<8x1024xf32>
      %max3A_2014 = arith.maximumf %sub3A_2011, %max3A_2013 : vector<8x1024xf32>
      %min3A_2015 = vector.broadcast %add3A_1735 : vector<1x1024xf32> to vector<8x1024xf32>
      %min3A_2016 = vector.broadcast %slice3A_1904 : vector<8x1xf32> to vector<8x1024xf32>
      %min3A_2017 = arith.minimumf %min3A_2015, %min3A_2016 : vector<8x1024xf32>
      %max3A_2018 = vector.broadcast %sub3A_1731 : vector<1x1024xf32> to vector<8x1024xf32>
      %max3A_2019 = vector.broadcast %slice3A_1902 : vector<8x1xf32> to vector<8x1024xf32>
      %max3A_2020 = arith.maximumf %max3A_2018, %max3A_2019 : vector<8x1024xf32>
      %sub3A_2021 = arith.subf %min3A_2017, %max3A_2020 : vector<8x1024xf32>
      %max3A_2022 = arith.constant 0.000000e+00 : f32
      %max3A_2023 = vector.broadcast %max3A_2022 : f32 to vector<8x1024xf32>
      %max3A_2024 = arith.maximumf %sub3A_2021, %max3A_2023 : vector<8x1024xf32>
      %mul3A_2025 = arith.mulf %max3A_2014, %max3A_2024 : vector<8x1024xf32>
      %mul3A_2026 = arith.constant 3.000000e+00 : f32
      %mul3A_2027 = vector.broadcast %mul3A_2026 : f32 to vector<8x1024xf32>
      %mul3A_2028 = arith.mulf %mul3A_2027, %mul3A_2025 : vector<8x1024xf32>
      %add3A_2029 = vector.broadcast %mul3A_1736 : vector<1x1024xf32> to vector<8x1024xf32>
      %add3A_2030 = vector.broadcast %add3A_1917 : vector<8x1xf32> to vector<8x1024xf32>
      %add3A_2031 = arith.addf %add3A_2029, %add3A_2030 : vector<8x1024xf32>
      %sub3A_2032 = arith.subf %mul3A_2028, %add3A_2031 : vector<8x1024xf32>
      %max3A_2033 = arith.maximumf %while3A_1891, %sub3A_2032 : vector<8x1024xf32>
      %min3A_2034 = vector.broadcast %add3A_1793 : vector<1x1024xf32> to vector<8x1024xf32>
      %min3A_2035 = vector.broadcast %slice3A_1903 : vector<8x1xf32> to vector<8x1024xf32>
      %min3A_2036 = arith.minimumf %min3A_2034, %min3A_2035 : vector<8x1024xf32>
      %max3A_2037 = vector.broadcast %sub3A_1789 : vector<1x1024xf32> to vector<8x1024xf32>
      %max3A_2038 = vector.broadcast %slice3A_1901 : vector<8x1xf32> to vector<8x1024xf32>
      %max3A_2039 = arith.maximumf %max3A_2037, %max3A_2038 : vector<8x1024xf32>
      %sub3A_2040 = arith.subf %min3A_2036, %max3A_2039 : vector<8x1024xf32>
      %max3A_2041 = arith.constant 0.000000e+00 : f32
      %max3A_2042 = vector.broadcast %max3A_2041 : f32 to vector<8x1024xf32>
      %max3A_2043 = arith.maximumf %sub3A_2040, %max3A_2042 : vector<8x1024xf32>
      %min3A_2044 = vector.broadcast %add3A_1801 : vector<1x1024xf32> to vector<8x1024xf32>
      %min3A_2045 = vector.broadcast %slice3A_1904 : vector<8x1xf32> to vector<8x1024xf32>
      %min3A_2046 = arith.minimumf %min3A_2044, %min3A_2045 : vector<8x1024xf32>
      %max3A_2047 = vector.broadcast %sub3A_1797 : vector<1x1024xf32> to vector<8x1024xf32>
      %max3A_2048 = vector.broadcast %slice3A_1902 : vector<8x1xf32> to vector<8x1024xf32>
      %max3A_2049 = arith.maximumf %max3A_2047, %max3A_2048 : vector<8x1024xf32>
      %sub3A_2050 = arith.subf %min3A_2046, %max3A_2049 : vector<8x1024xf32>
      %max3A_2051 = arith.constant 0.000000e+00 : f32
      %max3A_2052 = vector.broadcast %max3A_2051 : f32 to vector<8x1024xf32>
      %max3A_2053 = arith.maximumf %sub3A_2050, %max3A_2052 : vector<8x1024xf32>
      %mul3A_2054 = arith.mulf %max3A_2043, %max3A_2053 : vector<8x1024xf32>
      %mul3A_2055 = arith.constant 3.000000e+00 : f32
      %mul3A_2056 = vector.broadcast %mul3A_2055 : f32 to vector<8x1024xf32>
      %mul3A_2057 = arith.mulf %mul3A_2056, %mul3A_2054 : vector<8x1024xf32>
      %add3A_2058 = vector.broadcast %mul3A_1802 : vector<1x1024xf32> to vector<8x1024xf32>
      %add3A_2059 = vector.broadcast %add3A_1917 : vector<8x1xf32> to vector<8x1024xf32>
      %add3A_2060 = arith.addf %add3A_2058, %add3A_2059 : vector<8x1024xf32>
      %sub3A_2061 = arith.subf %mul3A_2057, %add3A_2060 : vector<8x1024xf32>
      %max3A_2062 = arith.maximumf %while3A_1892, %sub3A_2061 : vector<8x1024xf32>
      scf.yield %max3A_1946, %max3A_1975, %max3A_2004, %max3A_2033, %max3A_2062 : vector<8x1024xf32>, vector<8x1024xf32>, vector<8x1024xf32>, vector<8x1024xf32>, vector<8x1024xf32>
    }
    %reduce_max3A_1824 = arith.constant dense<0xFF800000> : vector<1024xf32>
    %reduce_max3A_1825 = vector.multi_reduction <maximumf>, %while3A_1823#0, %reduce_max3A_1824 [0] : vector<8x1024xf32> to vector<1024xf32>
    %broadcast_in_dim3A_1826 = vector.shape_cast %reduce_max3A_1825 : vector<1024xf32> to vector<1x1024xf32>
    %lt3A_1827 = arith.constant 0.000000e+00 : f32
    %lt3A_1828 = vector.broadcast %lt3A_1827 : f32 to vector<1x1024xf32>
    %lt3A_1829 = arith.cmpf olt, %broadcast_in_dim3A_1826, %lt3A_1828 : vector<1x1024xf32>
    %mul3A_1830 = arith.mulf %logistic3A_1521, %logistic3A_1521 : vector<1x1024xf32>
    %jit3A_1831 = arith.constant 0.000000e+00 : f32
    %broadcast_in_dim3A_1832 = vector.broadcast %jit3A_1831 : f32 to vector<1x1024xf32>
    %select_n3A_1833 = arith.select %lt3A_1829, %mul3A_1830, %broadcast_in_dim3A_1832 : vector<1x1024xi1>, vector<1x1024xf32>
    %add3A_1834 = arith.addf %add3A_1419, %select_n3A_1833 : vector<1x1024xf32>
    %reduce_max3A_1835 = arith.constant dense<0xFF800000> : vector<1024xf32>
    %reduce_max3A_1836 = vector.multi_reduction <maximumf>, %while3A_1823#1, %reduce_max3A_1835 [0] : vector<8x1024xf32> to vector<1024xf32>
    %broadcast_in_dim3A_1837 = vector.shape_cast %reduce_max3A_1836 : vector<1024xf32> to vector<1x1024xf32>
    %lt3A_1838 = arith.constant 0.000000e+00 : f32
    %lt3A_1839 = vector.broadcast %lt3A_1838 : f32 to vector<1x1024xf32>
    %lt3A_1840 = arith.cmpf olt, %broadcast_in_dim3A_1837, %lt3A_1839 : vector<1x1024xf32>
    %mul3A_1841 = arith.mulf %logistic3A_1587, %logistic3A_1587 : vector<1x1024xf32>
    %jit3A_1842 = arith.constant 0.000000e+00 : f32
    %broadcast_in_dim3A_1843 = vector.broadcast %jit3A_1842 : f32 to vector<1x1024xf32>
    %select_n3A_1844 = arith.select %lt3A_1840, %mul3A_1841, %broadcast_in_dim3A_1843 : vector<1x1024xi1>, vector<1x1024xf32>
    %add3A_1845 = arith.addf %add3A_1834, %select_n3A_1844 : vector<1x1024xf32>
    %reduce_max3A_1846 = arith.constant dense<0xFF800000> : vector<1024xf32>
    %reduce_max3A_1847 = vector.multi_reduction <maximumf>, %while3A_1823#2, %reduce_max3A_1846 [0] : vector<8x1024xf32> to vector<1024xf32>
    %broadcast_in_dim3A_1848 = vector.shape_cast %reduce_max3A_1847 : vector<1024xf32> to vector<1x1024xf32>
    %lt3A_1849 = arith.constant 0.000000e+00 : f32
    %lt3A_1850 = vector.broadcast %lt3A_1849 : f32 to vector<1x1024xf32>
    %lt3A_1851 = arith.cmpf olt, %broadcast_in_dim3A_1848, %lt3A_1850 : vector<1x1024xf32>
    %mul3A_1852 = arith.mulf %logistic3A_1653, %logistic3A_1653 : vector<1x1024xf32>
    %jit3A_1853 = arith.constant 0.000000e+00 : f32
    %broadcast_in_dim3A_1854 = vector.broadcast %jit3A_1853 : f32 to vector<1x1024xf32>
    %select_n3A_1855 = arith.select %lt3A_1851, %mul3A_1852, %broadcast_in_dim3A_1854 : vector<1x1024xi1>, vector<1x1024xf32>
    %add3A_1856 = arith.addf %add3A_1845, %select_n3A_1855 : vector<1x1024xf32>
    %reduce_max3A_1857 = arith.constant dense<0xFF800000> : vector<1024xf32>
    %reduce_max3A_1858 = vector.multi_reduction <maximumf>, %while3A_1823#3, %reduce_max3A_1857 [0] : vector<8x1024xf32> to vector<1024xf32>
    %broadcast_in_dim3A_1859 = vector.shape_cast %reduce_max3A_1858 : vector<1024xf32> to vector<1x1024xf32>
    %lt3A_1860 = arith.constant 0.000000e+00 : f32
    %lt3A_1861 = vector.broadcast %lt3A_1860 : f32 to vector<1x1024xf32>
    %lt3A_1862 = arith.cmpf olt, %broadcast_in_dim3A_1859, %lt3A_1861 : vector<1x1024xf32>
    %mul3A_1863 = arith.mulf %logistic3A_1719, %logistic3A_1719 : vector<1x1024xf32>
    %jit3A_1864 = arith.constant 0.000000e+00 : f32
    %broadcast_in_dim3A_1865 = vector.broadcast %jit3A_1864 : f32 to vector<1x1024xf32>
    %select_n3A_1866 = arith.select %lt3A_1862, %mul3A_1863, %broadcast_in_dim3A_1865 : vector<1x1024xi1>, vector<1x1024xf32>
    %add3A_1867 = arith.addf %add3A_1856, %select_n3A_1866 : vector<1x1024xf32>
    %reduce_max3A_1868 = arith.constant dense<0xFF800000> : vector<1024xf32>
    %reduce_max3A_1869 = vector.multi_reduction <maximumf>, %while3A_1823#4, %reduce_max3A_1868 [0] : vector<8x1024xf32> to vector<1024xf32>
    %broadcast_in_dim3A_1870 = vector.shape_cast %reduce_max3A_1869 : vector<1024xf32> to vector<1x1024xf32>
    %lt3A_1871 = arith.constant 0.000000e+00 : f32
    %lt3A_1872 = vector.broadcast %lt3A_1871 : f32 to vector<1x1024xf32>
    %lt3A_1873 = arith.cmpf olt, %broadcast_in_dim3A_1870, %lt3A_1872 : vector<1x1024xf32>
    %mul3A_1874 = arith.mulf %logistic3A_1785, %logistic3A_1785 : vector<1x1024xf32>
    %jit3A_1875 = arith.constant 0.000000e+00 : f32
    %broadcast_in_dim3A_1876 = vector.broadcast %jit3A_1875 : f32 to vector<1x1024xf32>
    %select_n3A_1877 = arith.select %lt3A_1873, %mul3A_1874, %broadcast_in_dim3A_1876 : vector<1x1024xi1>, vector<1x1024xf32>
    %add3A_1878 = arith.addf %add3A_1867, %select_n3A_1877 : vector<1x1024xf32>
    %get3A_1879 = arith.constant 0 : index
    %get3A_1880 = arith.constant 0 : index
    %get3A_1881 = vector.load %arg5[%get3A_1879, %get3A_1880] : memref<8x1024xf32, #tpu.memory_space<vmem>>, vector<8x1024xf32>
    %broadcast_in_dim3A_1882 = vector.shape_cast %add3A_1878 : vector<1x1024xf32> to vector<1x1024xf32>
    %broadcast_in_dim3A_1883 = vector.broadcast %broadcast_in_dim3A_1882 : vector<1x1024xf32> to vector<8x1024xf32>
    %add3A_1884 = arith.addf %get3A_1881, %broadcast_in_dim3A_1883 : vector<8x1024xf32>
    %swap3A = arith.constant 0 : index
    %swap3A_1885 = arith.constant 0 : index
    %swap3A_1886 = vector.load %arg5[%swap3A, %swap3A_1885] : memref<8x1024xf32, #tpu.memory_space<vmem>>, vector<8x1024xf32>
    tpu.vector_store %arg5[%swap3A, %swap3A_1885], %add3A_1884 {strides = array<i32>} : memref<8x1024xf32, #tpu.memory_space<vmem>>, vector<8x1024xf32>,
    return
  }
  func.func @transform_0(%arg0: i32) -> (i32, i32, i32) {
    %c0_i32 = arith.constant 0 : i32
    %c0_i32_0 = arith.constant 0 : i32
    %c0_i32_1 = arith.constant 0 : i32
    return %arg0, %c0_i32, %c0_i32_0 : i32, i32, i32
  }
  func.func @transform_1(%arg0: i32) -> (i32, i32) {
    %c0_i32 = arith.constant 0 : i32
    %c0_i32_0 = arith.constant 0 : i32
    %c0_i32_1 = arith.constant 0 : i32
    return %c0_i32, %c0_i32_0 : i32, i32
  }
  func.func @transform_2(%arg0: i32) -> (i32, i32) {
    %c0_i32 = arith.constant 0 : i32
    %c0_i32_0 = arith.constant 0 : i32
    %c0_i32_1 = arith.constant 0 : i32
    return %c0_i32, %c0_i32_0 : i32, i32
  }
  func.func @transform_3(%arg0: i32) -> (i32, i32) {
    %c0_i32 = arith.constant 0 : i32
    %c0_i32_0 = arith.constant 0 : i32
    %c0_i32_1 = arith.constant 0 : i32
    return %c0_i32, %c0_i32_0 : i32, i32
  }
  func.func @transform_4(%arg0: i32) -> (i32, i32) {
    %c0_i32 = arith.constant 0 : i32
    %c0_i32_0 = arith.constant 0 : i32
    %c0_i32_1 = arith.constant 0 : i32
    return %c0_i32, %c0_i32_0 : i32, i32
  }
}

module attributes {stable_mosaic.version = 14 : i64} {
  func.func @_combine_kernel(%arg0: memref<8x32x16xf32, #tpu.memory_space<vmem>>, %arg1: memref<8x1024xf32, #tpu.memory_space<vmem>>, %arg2: memref<128x6xf32, #tpu.memory_space<vmem>>, %arg3: memref<6x128xf32, #tpu.memory_space<vmem>>, %arg4: memref<5x2xf32, #tpu.memory_space<vmem>>, %arg5: memref<1x1xf32, #tpu.memory_space<vmem>>) attributes {dimension_semantics = [], scalar_prefetch = 0 : i64, scratch_operands = 0 : i64, tpu.core_type = #tpu.core_type<tc>} {
    %iota3A = tpu.iota {dimensions = array<i32: 0>} : vector<128x1xi32>
    %iota3A_0 = tpu.iota {dimensions = array<i32: 1>} : vector<1x128xi32>
    %get3A = arith.constant 0 : index
    %get3A_1 = arith.constant 0 : index
    %get3A_2 = vector.load %arg3[%get3A, %get3A_1] : memref<6x128xf32, #tpu.memory_space<vmem>>, vector<1x128xf32>
    %get3A_3 = arith.constant 1 : index
    %get3A_4 = arith.constant 0 : index
    %get3A_5 = vector.load %arg3[%get3A_3, %get3A_4] : memref<6x128xf32, #tpu.memory_space<vmem>>, vector<1x128xf32>
    %convert_element_type3A = arith.fptosi %get3A_5 : vector<1x128xf32> to vector<1x128xi32>
    %get3A_6 = arith.constant 2 : index
    %get3A_7 = arith.constant 0 : index
    %get3A_8 = vector.load %arg3[%get3A_6, %get3A_7] : memref<6x128xf32, #tpu.memory_space<vmem>>, vector<1x128xf32>
    %mul3A = arith.constant 3.200000e+01 : f32
    %mul3A_9 = vector.broadcast %mul3A : f32 to vector<1x128xf32>
    %mul3A_10 = arith.mulf %get3A_8, %mul3A_9 : vector<1x128xf32>
    %get3A_11 = arith.constant 3 : index
    %get3A_12 = arith.constant 0 : index
    %get3A_13 = vector.load %arg3[%get3A_11, %get3A_12] : memref<6x128xf32, #tpu.memory_space<vmem>>, vector<1x128xf32>
    %mul3A_14 = arith.constant 3.200000e+01 : f32
    %mul3A_15 = vector.broadcast %mul3A_14 : f32 to vector<1x128xf32>
    %mul3A_16 = arith.mulf %get3A_13, %mul3A_15 : vector<1x128xf32>
    %get3A_17 = arith.constant 4 : index
    %get3A_18 = arith.constant 0 : index
    %get3A_19 = vector.load %arg3[%get3A_17, %get3A_18] : memref<6x128xf32, #tpu.memory_space<vmem>>, vector<1x128xf32>
    %mul3A_20 = arith.constant 3.200000e+01 : f32
    %mul3A_21 = vector.broadcast %mul3A_20 : f32 to vector<1x128xf32>
    %mul3A_22 = arith.mulf %get3A_19, %mul3A_21 : vector<1x128xf32>
    %get3A_23 = arith.constant 5 : index
    %get3A_24 = arith.constant 0 : index
    %get3A_25 = vector.load %arg3[%get3A_23, %get3A_24] : memref<6x128xf32, #tpu.memory_space<vmem>>, vector<1x128xf32>
    %mul3A_26 = arith.constant 3.200000e+01 : f32
    %mul3A_27 = vector.broadcast %mul3A_26 : f32 to vector<1x128xf32>
    %mul3A_28 = arith.mulf %get3A_25, %mul3A_27 : vector<1x128xf32>
    %mul3A_29 = arith.constant 5.000000e-01 : f32
    %mul3A_30 = vector.broadcast %mul3A_29 : f32 to vector<1x128xf32>
    %mul3A_31 = arith.mulf %mul3A_30, %mul3A_22 : vector<1x128xf32>
    %sub3A = arith.subf %mul3A_10, %mul3A_31 : vector<1x128xf32>
    %mul3A_32 = arith.constant 5.000000e-01 : f32
    %mul3A_33 = vector.broadcast %mul3A_32 : f32 to vector<1x128xf32>
    %mul3A_34 = arith.mulf %mul3A_33, %mul3A_22 : vector<1x128xf32>
    %add3A = arith.addf %mul3A_10, %mul3A_34 : vector<1x128xf32>
    %mul3A_35 = arith.constant 5.000000e-01 : f32
    %mul3A_36 = vector.broadcast %mul3A_35 : f32 to vector<1x128xf32>
    %mul3A_37 = arith.mulf %mul3A_36, %mul3A_28 : vector<1x128xf32>
    %sub3A_38 = arith.subf %mul3A_16, %mul3A_37 : vector<1x128xf32>
    %mul3A_39 = arith.constant 5.000000e-01 : f32
    %mul3A_40 = vector.broadcast %mul3A_39 : f32 to vector<1x128xf32>
    %mul3A_41 = arith.mulf %mul3A_40, %mul3A_28 : vector<1x128xf32>
    %add3A_42 = arith.addf %mul3A_16, %mul3A_41 : vector<1x128xf32>
    %mul3A_43 = arith.mulf %mul3A_22, %mul3A_28 : vector<1x128xf32>
    %floor3A = math.floor %mul3A_10 : vector<1x128xf32>
    %jit3A = arith.constant 0.000000e+00 : f32
    %jit3A_44 = arith.constant 3.100000e+01 : f32
    %max3A = vector.broadcast %jit3A : f32 to vector<1x128xf32>
    %max3A_45 = arith.maximumf %max3A, %floor3A : vector<1x128xf32>
    %min3A = vector.broadcast %jit3A_44 : f32 to vector<1x128xf32>
    %min3A_46 = arith.minimumf %min3A, %max3A_45 : vector<1x128xf32>
    %floor3A_47 = math.floor %mul3A_16 : vector<1x128xf32>
    %jit3A_48 = arith.constant 0.000000e+00 : f32
    %jit3A_49 = arith.constant 3.100000e+01 : f32
    %max3A_50 = vector.broadcast %jit3A_48 : f32 to vector<1x128xf32>
    %max3A_51 = arith.maximumf %max3A_50, %floor3A_47 : vector<1x128xf32>
    %min3A_52 = vector.broadcast %jit3A_49 : f32 to vector<1x128xf32>
    %min3A_53 = arith.minimumf %min3A_52, %max3A_51 : vector<1x128xf32>
    %mul3A_54 = arith.constant 3.200000e+01 : f32
    %mul3A_55 = vector.broadcast %mul3A_54 : f32 to vector<1x128xf32>
    %mul3A_56 = arith.mulf %min3A_53, %mul3A_55 : vector<1x128xf32>
    %add3A_57 = arith.addf %mul3A_56, %min3A_46 : vector<1x128xf32>
    %convert_element_type3A_58 = arith.fptosi %add3A_57 : vector<1x128xf32> to vector<1x128xi32>
    %broadcast_in_dim3A = arith.constant 0 : i32
    %broadcast_in_dim3A_59 = vector.broadcast %broadcast_in_dim3A : i32 to vector<1x128xi32>
    %broadcast_in_dim3A_60 = arith.constant -1.000000e+00 : f32
    %broadcast_in_dim3A_61 = vector.broadcast %broadcast_in_dim3A_60 : f32 to vector<1x128xf32>
    %broadcast_in_dim3A_62 = arith.constant 0.000000e+00 : f32
    %broadcast_in_dim3A_63 = vector.broadcast %broadcast_in_dim3A_62 : f32 to vector<1x128xf32>
    %broadcast_in_dim3A_64 = arith.constant 0.000000e+00 : f32
    %broadcast_in_dim3A_65 = vector.broadcast %broadcast_in_dim3A_64 : f32 to vector<1x128xf32>
    %get3A_66 = arith.constant 0 : index
    %get3A_67 = arith.constant 0 : index
    %get3A_68 = vector.load %arg4[%get3A_66, %get3A_67] : memref<5x2xf32, #tpu.memory_space<vmem>>, vector<1x1xf32>
    %get3A_69 = arith.constant 0 : index
    %get3A_70 = arith.constant 1 : index
    %get3A_71 = vector.load %arg4[%get3A_69, %get3A_70] : memref<5x2xf32, #tpu.memory_space<vmem>>, vector<1x1xf32>
    %mul3A_72 = arith.constant 5.000000e-01 : f32
    %mul3A_73 = vector.broadcast %mul3A_72 : f32 to vector<1x1xf32>
    %mul3A_74 = arith.mulf %mul3A_73, %get3A_68 : vector<1x1xf32>
    %add3A_75 = vector.broadcast %mul3A_74 : vector<1x1xf32> to vector<1x128xf32>
    %add3A_76 = arith.addf %min3A_46, %add3A_75 : vector<1x128xf32>
    %min3A_77 = arith.minimumf %add3A_76, %add3A : vector<1x128xf32>
    %mul3A_78 = arith.constant 5.000000e-01 : f32
    %mul3A_79 = vector.broadcast %mul3A_78 : f32 to vector<1x1xf32>
    %mul3A_80 = arith.mulf %mul3A_79, %get3A_68 : vector<1x1xf32>
    %sub3A_81 = vector.broadcast %mul3A_80 : vector<1x1xf32> to vector<1x128xf32>
    %sub3A_82 = arith.subf %min3A_46, %sub3A_81 : vector<1x128xf32>
    %max3A_83 = arith.maximumf %sub3A_82, %sub3A : vector<1x128xf32>
    %sub3A_84 = arith.subf %min3A_77, %max3A_83 : vector<1x128xf32>
    %max3A_85 = arith.constant 0.000000e+00 : f32
    %max3A_86 = vector.broadcast %max3A_85 : f32 to vector<1x128xf32>
    %max3A_87 = arith.maximumf %sub3A_84, %max3A_86 : vector<1x128xf32>
    %mul3A_88 = arith.constant 5.000000e-01 : f32
    %mul3A_89 = vector.broadcast %mul3A_88 : f32 to vector<1x1xf32>
    %mul3A_90 = arith.mulf %mul3A_89, %get3A_71 : vector<1x1xf32>
    %add3A_91 = vector.broadcast %mul3A_90 : vector<1x1xf32> to vector<1x128xf32>
    %add3A_92 = arith.addf %min3A_53, %add3A_91 : vector<1x128xf32>
    %min3A_93 = arith.minimumf %add3A_92, %add3A_42 : vector<1x128xf32>
    %mul3A_94 = arith.constant 5.000000e-01 : f32
    %mul3A_95 = vector.broadcast %mul3A_94 : f32 to vector<1x1xf32>
    %mul3A_96 = arith.mulf %mul3A_95, %get3A_71 : vector<1x1xf32>
    %sub3A_97 = vector.broadcast %mul3A_96 : vector<1x1xf32> to vector<1x128xf32>
    %sub3A_98 = arith.subf %min3A_53, %sub3A_97 : vector<1x128xf32>
    %max3A_99 = arith.maximumf %sub3A_98, %sub3A_38 : vector<1x128xf32>
    %sub3A_100 = arith.subf %min3A_93, %max3A_99 : vector<1x128xf32>
    %max3A_101 = arith.constant 0.000000e+00 : f32
    %max3A_102 = vector.broadcast %max3A_101 : f32 to vector<1x128xf32>
    %max3A_103 = arith.maximumf %sub3A_100, %max3A_102 : vector<1x128xf32>
    %mul3A_104 = arith.mulf %max3A_87, %max3A_103 : vector<1x128xf32>
    %mul3A_105 = arith.mulf %get3A_68, %get3A_71 : vector<1x1xf32>
    %add3A_106 = vector.broadcast %mul3A_105 : vector<1x1xf32> to vector<1x128xf32>
    %add3A_107 = arith.addf %add3A_106, %mul3A_43 : vector<1x128xf32>
    %sub3A_108 = arith.subf %add3A_107, %mul3A_104 : vector<1x128xf32>
    %add3A_109 = arith.constant 9.99999971E-10 : f32
    %add3A_110 = vector.broadcast %add3A_109 : f32 to vector<1x128xf32>
    %add3A_111 = arith.addf %sub3A_108, %add3A_110 : vector<1x128xf32>
    %div3A = arith.divf %mul3A_104, %add3A_111 : vector<1x128xf32>
    %gt3A = arith.cmpf ogt, %div3A, %broadcast_in_dim3A_61 : vector<1x128xf32>
    %jit3A_112 = arith.constant 0 : i32
    %broadcast_in_dim3A_113 = vector.broadcast %jit3A_112 : i32 to vector<1x128xi32>
    %select_n3A = arith.select %gt3A, %broadcast_in_dim3A_113, %broadcast_in_dim3A_59 : vector<1x128xi1>, vector<1x128xi32>
    %select_n3A_114 = arith.select %gt3A, %div3A, %broadcast_in_dim3A_61 : vector<1x128xi1>, vector<1x128xf32>
    %broadcast_in_dim3A_115 = vector.shape_cast %get3A_68 : vector<1x1xf32> to vector<1x1xf32>
    %broadcast_in_dim3A_116 = vector.broadcast %broadcast_in_dim3A_115 : vector<1x1xf32> to vector<1x128xf32>
    %select_n3A_117 = arith.select %gt3A, %broadcast_in_dim3A_116, %broadcast_in_dim3A_63 : vector<1x128xi1>, vector<1x128xf32>
    %broadcast_in_dim3A_118 = vector.shape_cast %get3A_71 : vector<1x1xf32> to vector<1x1xf32>
    %broadcast_in_dim3A_119 = vector.broadcast %broadcast_in_dim3A_118 : vector<1x1xf32> to vector<1x128xf32>
    %select_n3A_120 = arith.select %gt3A, %broadcast_in_dim3A_119, %broadcast_in_dim3A_65 : vector<1x128xi1>, vector<1x128xf32>
    %get3A_121 = arith.constant 1 : index
    %get3A_122 = arith.constant 0 : index
    %get3A_123 = vector.load %arg4[%get3A_121, %get3A_122] : memref<5x2xf32, #tpu.memory_space<vmem>>, vector<1x1xf32>
    %get3A_124 = arith.constant 1 : index
    %get3A_125 = arith.constant 1 : index
    %get3A_126 = vector.load %arg4[%get3A_124, %get3A_125] : memref<5x2xf32, #tpu.memory_space<vmem>>, vector<1x1xf32>
    %mul3A_127 = arith.constant 5.000000e-01 : f32
    %mul3A_128 = vector.broadcast %mul3A_127 : f32 to vector<1x1xf32>
    %mul3A_129 = arith.mulf %mul3A_128, %get3A_123 : vector<1x1xf32>
    %add3A_130 = vector.broadcast %mul3A_129 : vector<1x1xf32> to vector<1x128xf32>
    %add3A_131 = arith.addf %min3A_46, %add3A_130 : vector<1x128xf32>
    %min3A_132 = arith.minimumf %add3A_131, %add3A : vector<1x128xf32>
    %mul3A_133 = arith.constant 5.000000e-01 : f32
    %mul3A_134 = vector.broadcast %mul3A_133 : f32 to vector<1x1xf32>
    %mul3A_135 = arith.mulf %mul3A_134, %get3A_123 : vector<1x1xf32>
    %sub3A_136 = vector.broadcast %mul3A_135 : vector<1x1xf32> to vector<1x128xf32>
    %sub3A_137 = arith.subf %min3A_46, %sub3A_136 : vector<1x128xf32>
    %max3A_138 = arith.maximumf %sub3A_137, %sub3A : vector<1x128xf32>
    %sub3A_139 = arith.subf %min3A_132, %max3A_138 : vector<1x128xf32>
    %max3A_140 = arith.constant 0.000000e+00 : f32
    %max3A_141 = vector.broadcast %max3A_140 : f32 to vector<1x128xf32>
    %max3A_142 = arith.maximumf %sub3A_139, %max3A_141 : vector<1x128xf32>
    %mul3A_143 = arith.constant 5.000000e-01 : f32
    %mul3A_144 = vector.broadcast %mul3A_143 : f32 to vector<1x1xf32>
    %mul3A_145 = arith.mulf %mul3A_144, %get3A_126 : vector<1x1xf32>
    %add3A_146 = vector.broadcast %mul3A_145 : vector<1x1xf32> to vector<1x128xf32>
    %add3A_147 = arith.addf %min3A_53, %add3A_146 : vector<1x128xf32>
    %min3A_148 = arith.minimumf %add3A_147, %add3A_42 : vector<1x128xf32>
    %mul3A_149 = arith.constant 5.000000e-01 : f32
    %mul3A_150 = vector.broadcast %mul3A_149 : f32 to vector<1x1xf32>
    %mul3A_151 = arith.mulf %mul3A_150, %get3A_126 : vector<1x1xf32>
    %sub3A_152 = vector.broadcast %mul3A_151 : vector<1x1xf32> to vector<1x128xf32>
    %sub3A_153 = arith.subf %min3A_53, %sub3A_152 : vector<1x128xf32>
    %max3A_154 = arith.maximumf %sub3A_153, %sub3A_38 : vector<1x128xf32>
    %sub3A_155 = arith.subf %min3A_148, %max3A_154 : vector<1x128xf32>
    %max3A_156 = arith.constant 0.000000e+00 : f32
    %max3A_157 = vector.broadcast %max3A_156 : f32 to vector<1x128xf32>
    %max3A_158 = arith.maximumf %sub3A_155, %max3A_157 : vector<1x128xf32>
    %mul3A_159 = arith.mulf %max3A_142, %max3A_158 : vector<1x128xf32>
    %mul3A_160 = arith.mulf %get3A_123, %get3A_126 : vector<1x1xf32>
    %add3A_161 = vector.broadcast %mul3A_160 : vector<1x1xf32> to vector<1x128xf32>
    %add3A_162 = arith.addf %add3A_161, %mul3A_43 : vector<1x128xf32>
    %sub3A_163 = arith.subf %add3A_162, %mul3A_159 : vector<1x128xf32>
    %add3A_164 = arith.constant 9.99999971E-10 : f32
    %add3A_165 = vector.broadcast %add3A_164 : f32 to vector<1x128xf32>
    %add3A_166 = arith.addf %sub3A_163, %add3A_165 : vector<1x128xf32>
    %div3A_167 = arith.divf %mul3A_159, %add3A_166 : vector<1x128xf32>
    %gt3A_168 = arith.cmpf ogt, %div3A_167, %select_n3A_114 : vector<1x128xf32>
    %jit3A_169 = arith.constant 1 : i32
    %broadcast_in_dim3A_170 = vector.broadcast %jit3A_169 : i32 to vector<1x128xi32>
    %select_n3A_171 = arith.select %gt3A_168, %broadcast_in_dim3A_170, %select_n3A : vector<1x128xi1>, vector<1x128xi32>
    %select_n3A_172 = arith.select %gt3A_168, %div3A_167, %select_n3A_114 : vector<1x128xi1>, vector<1x128xf32>
    %broadcast_in_dim3A_173 = vector.shape_cast %get3A_123 : vector<1x1xf32> to vector<1x1xf32>
    %broadcast_in_dim3A_174 = vector.broadcast %broadcast_in_dim3A_173 : vector<1x1xf32> to vector<1x128xf32>
    %select_n3A_175 = arith.select %gt3A_168, %broadcast_in_dim3A_174, %select_n3A_117 : vector<1x128xi1>, vector<1x128xf32>
    %broadcast_in_dim3A_176 = vector.shape_cast %get3A_126 : vector<1x1xf32> to vector<1x1xf32>
    %broadcast_in_dim3A_177 = vector.broadcast %broadcast_in_dim3A_176 : vector<1x1xf32> to vector<1x128xf32>
    %select_n3A_178 = arith.select %gt3A_168, %broadcast_in_dim3A_177, %select_n3A_120 : vector<1x128xi1>, vector<1x128xf32>
    %get3A_179 = arith.constant 2 : index
    %get3A_180 = arith.constant 0 : index
    %get3A_181 = vector.load %arg4[%get3A_179, %get3A_180] : memref<5x2xf32, #tpu.memory_space<vmem>>, vector<1x1xf32>
    %get3A_182 = arith.constant 2 : index
    %get3A_183 = arith.constant 1 : index
    %get3A_184 = vector.load %arg4[%get3A_182, %get3A_183] : memref<5x2xf32, #tpu.memory_space<vmem>>, vector<1x1xf32>
    %mul3A_185 = arith.constant 5.000000e-01 : f32
    %mul3A_186 = vector.broadcast %mul3A_185 : f32 to vector<1x1xf32>
    %mul3A_187 = arith.mulf %mul3A_186, %get3A_181 : vector<1x1xf32>
    %add3A_188 = vector.broadcast %mul3A_187 : vector<1x1xf32> to vector<1x128xf32>
    %add3A_189 = arith.addf %min3A_46, %add3A_188 : vector<1x128xf32>
    %min3A_190 = arith.minimumf %add3A_189, %add3A : vector<1x128xf32>
    %mul3A_191 = arith.constant 5.000000e-01 : f32
    %mul3A_192 = vector.broadcast %mul3A_191 : f32 to vector<1x1xf32>
    %mul3A_193 = arith.mulf %mul3A_192, %get3A_181 : vector<1x1xf32>
    %sub3A_194 = vector.broadcast %mul3A_193 : vector<1x1xf32> to vector<1x128xf32>
    %sub3A_195 = arith.subf %min3A_46, %sub3A_194 : vector<1x128xf32>
    %max3A_196 = arith.maximumf %sub3A_195, %sub3A : vector<1x128xf32>
    %sub3A_197 = arith.subf %min3A_190, %max3A_196 : vector<1x128xf32>
    %max3A_198 = arith.constant 0.000000e+00 : f32
    %max3A_199 = vector.broadcast %max3A_198 : f32 to vector<1x128xf32>
    %max3A_200 = arith.maximumf %sub3A_197, %max3A_199 : vector<1x128xf32>
    %mul3A_201 = arith.constant 5.000000e-01 : f32
    %mul3A_202 = vector.broadcast %mul3A_201 : f32 to vector<1x1xf32>
    %mul3A_203 = arith.mulf %mul3A_202, %get3A_184 : vector<1x1xf32>
    %add3A_204 = vector.broadcast %mul3A_203 : vector<1x1xf32> to vector<1x128xf32>
    %add3A_205 = arith.addf %min3A_53, %add3A_204 : vector<1x128xf32>
    %min3A_206 = arith.minimumf %add3A_205, %add3A_42 : vector<1x128xf32>
    %mul3A_207 = arith.constant 5.000000e-01 : f32
    %mul3A_208 = vector.broadcast %mul3A_207 : f32 to vector<1x1xf32>
    %mul3A_209 = arith.mulf %mul3A_208, %get3A_184 : vector<1x1xf32>
    %sub3A_210 = vector.broadcast %mul3A_209 : vector<1x1xf32> to vector<1x128xf32>
    %sub3A_211 = arith.subf %min3A_53, %sub3A_210 : vector<1x128xf32>
    %max3A_212 = arith.maximumf %sub3A_211, %sub3A_38 : vector<1x128xf32>
    %sub3A_213 = arith.subf %min3A_206, %max3A_212 : vector<1x128xf32>
    %max3A_214 = arith.constant 0.000000e+00 : f32
    %max3A_215 = vector.broadcast %max3A_214 : f32 to vector<1x128xf32>
    %max3A_216 = arith.maximumf %sub3A_213, %max3A_215 : vector<1x128xf32>
    %mul3A_217 = arith.mulf %max3A_200, %max3A_216 : vector<1x128xf32>
    %mul3A_218 = arith.mulf %get3A_181, %get3A_184 : vector<1x1xf32>
    %add3A_219 = vector.broadcast %mul3A_218 : vector<1x1xf32> to vector<1x128xf32>
    %add3A_220 = arith.addf %add3A_219, %mul3A_43 : vector<1x128xf32>
    %sub3A_221 = arith.subf %add3A_220, %mul3A_217 : vector<1x128xf32>
    %add3A_222 = arith.constant 9.99999971E-10 : f32
    %add3A_223 = vector.broadcast %add3A_222 : f32 to vector<1x128xf32>
    %add3A_224 = arith.addf %sub3A_221, %add3A_223 : vector<1x128xf32>
    %div3A_225 = arith.divf %mul3A_217, %add3A_224 : vector<1x128xf32>
    %gt3A_226 = arith.cmpf ogt, %div3A_225, %select_n3A_172 : vector<1x128xf32>
    %jit3A_227 = arith.constant 2 : i32
    %broadcast_in_dim3A_228 = vector.broadcast %jit3A_227 : i32 to vector<1x128xi32>
    %select_n3A_229 = arith.select %gt3A_226, %broadcast_in_dim3A_228, %select_n3A_171 : vector<1x128xi1>, vector<1x128xi32>
    %select_n3A_230 = arith.select %gt3A_226, %div3A_225, %select_n3A_172 : vector<1x128xi1>, vector<1x128xf32>
    %broadcast_in_dim3A_231 = vector.shape_cast %get3A_181 : vector<1x1xf32> to vector<1x1xf32>
    %broadcast_in_dim3A_232 = vector.broadcast %broadcast_in_dim3A_231 : vector<1x1xf32> to vector<1x128xf32>
    %select_n3A_233 = arith.select %gt3A_226, %broadcast_in_dim3A_232, %select_n3A_175 : vector<1x128xi1>, vector<1x128xf32>
    %broadcast_in_dim3A_234 = vector.shape_cast %get3A_184 : vector<1x1xf32> to vector<1x1xf32>
    %broadcast_in_dim3A_235 = vector.broadcast %broadcast_in_dim3A_234 : vector<1x1xf32> to vector<1x128xf32>
    %select_n3A_236 = arith.select %gt3A_226, %broadcast_in_dim3A_235, %select_n3A_178 : vector<1x128xi1>, vector<1x128xf32>
    %get3A_237 = arith.constant 3 : index
    %get3A_238 = arith.constant 0 : index
    %get3A_239 = vector.load %arg4[%get3A_237, %get3A_238] : memref<5x2xf32, #tpu.memory_space<vmem>>, vector<1x1xf32>
    %get3A_240 = arith.constant 3 : index
    %get3A_241 = arith.constant 1 : index
    %get3A_242 = vector.load %arg4[%get3A_240, %get3A_241] : memref<5x2xf32, #tpu.memory_space<vmem>>, vector<1x1xf32>
    %mul3A_243 = arith.constant 5.000000e-01 : f32
    %mul3A_244 = vector.broadcast %mul3A_243 : f32 to vector<1x1xf32>
    %mul3A_245 = arith.mulf %mul3A_244, %get3A_239 : vector<1x1xf32>
    %add3A_246 = vector.broadcast %mul3A_245 : vector<1x1xf32> to vector<1x128xf32>
    %add3A_247 = arith.addf %min3A_46, %add3A_246 : vector<1x128xf32>
    %min3A_248 = arith.minimumf %add3A_247, %add3A : vector<1x128xf32>
    %mul3A_249 = arith.constant 5.000000e-01 : f32
    %mul3A_250 = vector.broadcast %mul3A_249 : f32 to vector<1x1xf32>
    %mul3A_251 = arith.mulf %mul3A_250, %get3A_239 : vector<1x1xf32>
    %sub3A_252 = vector.broadcast %mul3A_251 : vector<1x1xf32> to vector<1x128xf32>
    %sub3A_253 = arith.subf %min3A_46, %sub3A_252 : vector<1x128xf32>
    %max3A_254 = arith.maximumf %sub3A_253, %sub3A : vector<1x128xf32>
    %sub3A_255 = arith.subf %min3A_248, %max3A_254 : vector<1x128xf32>
    %max3A_256 = arith.constant 0.000000e+00 : f32
    %max3A_257 = vector.broadcast %max3A_256 : f32 to vector<1x128xf32>
    %max3A_258 = arith.maximumf %sub3A_255, %max3A_257 : vector<1x128xf32>
    %mul3A_259 = arith.constant 5.000000e-01 : f32
    %mul3A_260 = vector.broadcast %mul3A_259 : f32 to vector<1x1xf32>
    %mul3A_261 = arith.mulf %mul3A_260, %get3A_242 : vector<1x1xf32>
    %add3A_262 = vector.broadcast %mul3A_261 : vector<1x1xf32> to vector<1x128xf32>
    %add3A_263 = arith.addf %min3A_53, %add3A_262 : vector<1x128xf32>
    %min3A_264 = arith.minimumf %add3A_263, %add3A_42 : vector<1x128xf32>
    %mul3A_265 = arith.constant 5.000000e-01 : f32
    %mul3A_266 = vector.broadcast %mul3A_265 : f32 to vector<1x1xf32>
    %mul3A_267 = arith.mulf %mul3A_266, %get3A_242 : vector<1x1xf32>
    %sub3A_268 = vector.broadcast %mul3A_267 : vector<1x1xf32> to vector<1x128xf32>
    %sub3A_269 = arith.subf %min3A_53, %sub3A_268 : vector<1x128xf32>
    %max3A_270 = arith.maximumf %sub3A_269, %sub3A_38 : vector<1x128xf32>
    %sub3A_271 = arith.subf %min3A_264, %max3A_270 : vector<1x128xf32>
    %max3A_272 = arith.constant 0.000000e+00 : f32
    %max3A_273 = vector.broadcast %max3A_272 : f32 to vector<1x128xf32>
    %max3A_274 = arith.maximumf %sub3A_271, %max3A_273 : vector<1x128xf32>
    %mul3A_275 = arith.mulf %max3A_258, %max3A_274 : vector<1x128xf32>
    %mul3A_276 = arith.mulf %get3A_239, %get3A_242 : vector<1x1xf32>
    %add3A_277 = vector.broadcast %mul3A_276 : vector<1x1xf32> to vector<1x128xf32>
    %add3A_278 = arith.addf %add3A_277, %mul3A_43 : vector<1x128xf32>
    %sub3A_279 = arith.subf %add3A_278, %mul3A_275 : vector<1x128xf32>
    %add3A_280 = arith.constant 9.99999971E-10 : f32
    %add3A_281 = vector.broadcast %add3A_280 : f32 to vector<1x128xf32>
    %add3A_282 = arith.addf %sub3A_279, %add3A_281 : vector<1x128xf32>
    %div3A_283 = arith.divf %mul3A_275, %add3A_282 : vector<1x128xf32>
    %gt3A_284 = arith.cmpf ogt, %div3A_283, %select_n3A_230 : vector<1x128xf32>
    %jit3A_285 = arith.constant 3 : i32
    %broadcast_in_dim3A_286 = vector.broadcast %jit3A_285 : i32 to vector<1x128xi32>
    %select_n3A_287 = arith.select %gt3A_284, %broadcast_in_dim3A_286, %select_n3A_229 : vector<1x128xi1>, vector<1x128xi32>
    %select_n3A_288 = arith.select %gt3A_284, %div3A_283, %select_n3A_230 : vector<1x128xi1>, vector<1x128xf32>
    %broadcast_in_dim3A_289 = vector.shape_cast %get3A_239 : vector<1x1xf32> to vector<1x1xf32>
    %broadcast_in_dim3A_290 = vector.broadcast %broadcast_in_dim3A_289 : vector<1x1xf32> to vector<1x128xf32>
    %select_n3A_291 = arith.select %gt3A_284, %broadcast_in_dim3A_290, %select_n3A_233 : vector<1x128xi1>, vector<1x128xf32>
    %broadcast_in_dim3A_292 = vector.shape_cast %get3A_242 : vector<1x1xf32> to vector<1x1xf32>
    %broadcast_in_dim3A_293 = vector.broadcast %broadcast_in_dim3A_292 : vector<1x1xf32> to vector<1x128xf32>
    %select_n3A_294 = arith.select %gt3A_284, %broadcast_in_dim3A_293, %select_n3A_236 : vector<1x128xi1>, vector<1x128xf32>
    %get3A_295 = arith.constant 4 : index
    %get3A_296 = arith.constant 0 : index
    %get3A_297 = vector.load %arg4[%get3A_295, %get3A_296] : memref<5x2xf32, #tpu.memory_space<vmem>>, vector<1x1xf32>
    %get3A_298 = arith.constant 4 : index
    %get3A_299 = arith.constant 1 : index
    %get3A_300 = vector.load %arg4[%get3A_298, %get3A_299] : memref<5x2xf32, #tpu.memory_space<vmem>>, vector<1x1xf32>
    %mul3A_301 = arith.constant 5.000000e-01 : f32
    %mul3A_302 = vector.broadcast %mul3A_301 : f32 to vector<1x1xf32>
    %mul3A_303 = arith.mulf %mul3A_302, %get3A_297 : vector<1x1xf32>
    %add3A_304 = vector.broadcast %mul3A_303 : vector<1x1xf32> to vector<1x128xf32>
    %add3A_305 = arith.addf %min3A_46, %add3A_304 : vector<1x128xf32>
    %min3A_306 = arith.minimumf %add3A_305, %add3A : vector<1x128xf32>
    %mul3A_307 = arith.constant 5.000000e-01 : f32
    %mul3A_308 = vector.broadcast %mul3A_307 : f32 to vector<1x1xf32>
    %mul3A_309 = arith.mulf %mul3A_308, %get3A_297 : vector<1x1xf32>
    %sub3A_310 = vector.broadcast %mul3A_309 : vector<1x1xf32> to vector<1x128xf32>
    %sub3A_311 = arith.subf %min3A_46, %sub3A_310 : vector<1x128xf32>
    %max3A_312 = arith.maximumf %sub3A_311, %sub3A : vector<1x128xf32>
    %sub3A_313 = arith.subf %min3A_306, %max3A_312 : vector<1x128xf32>
    %max3A_314 = arith.constant 0.000000e+00 : f32
    %max3A_315 = vector.broadcast %max3A_314 : f32 to vector<1x128xf32>
    %max3A_316 = arith.maximumf %sub3A_313, %max3A_315 : vector<1x128xf32>
    %mul3A_317 = arith.constant 5.000000e-01 : f32
    %mul3A_318 = vector.broadcast %mul3A_317 : f32 to vector<1x1xf32>
    %mul3A_319 = arith.mulf %mul3A_318, %get3A_300 : vector<1x1xf32>
    %add3A_320 = vector.broadcast %mul3A_319 : vector<1x1xf32> to vector<1x128xf32>
    %add3A_321 = arith.addf %min3A_53, %add3A_320 : vector<1x128xf32>
    %min3A_322 = arith.minimumf %add3A_321, %add3A_42 : vector<1x128xf32>
    %mul3A_323 = arith.constant 5.000000e-01 : f32
    %mul3A_324 = vector.broadcast %mul3A_323 : f32 to vector<1x1xf32>
    %mul3A_325 = arith.mulf %mul3A_324, %get3A_300 : vector<1x1xf32>
    %sub3A_326 = vector.broadcast %mul3A_325 : vector<1x1xf32> to vector<1x128xf32>
    %sub3A_327 = arith.subf %min3A_53, %sub3A_326 : vector<1x128xf32>
    %max3A_328 = arith.maximumf %sub3A_327, %sub3A_38 : vector<1x128xf32>
    %sub3A_329 = arith.subf %min3A_322, %max3A_328 : vector<1x128xf32>
    %max3A_330 = arith.constant 0.000000e+00 : f32
    %max3A_331 = vector.broadcast %max3A_330 : f32 to vector<1x128xf32>
    %max3A_332 = arith.maximumf %sub3A_329, %max3A_331 : vector<1x128xf32>
    %mul3A_333 = arith.mulf %max3A_316, %max3A_332 : vector<1x128xf32>
    %mul3A_334 = arith.mulf %get3A_297, %get3A_300 : vector<1x1xf32>
    %add3A_335 = vector.broadcast %mul3A_334 : vector<1x1xf32> to vector<1x128xf32>
    %add3A_336 = arith.addf %add3A_335, %mul3A_43 : vector<1x128xf32>
    %sub3A_337 = arith.subf %add3A_336, %mul3A_333 : vector<1x128xf32>
    %add3A_338 = arith.constant 9.99999971E-10 : f32
    %add3A_339 = vector.broadcast %add3A_338 : f32 to vector<1x128xf32>
    %add3A_340 = arith.addf %sub3A_337, %add3A_339 : vector<1x128xf32>
    %div3A_341 = arith.divf %mul3A_333, %add3A_340 : vector<1x128xf32>
    %gt3A_342 = arith.cmpf ogt, %div3A_341, %select_n3A_288 : vector<1x128xf32>
    %jit3A_343 = arith.constant 4 : i32
    %broadcast_in_dim3A_344 = vector.broadcast %jit3A_343 : i32 to vector<1x128xi32>
    %select_n3A_345 = arith.select %gt3A_342, %broadcast_in_dim3A_344, %select_n3A_287 : vector<1x128xi1>, vector<1x128xi32>
    %broadcast_in_dim3A_346 = vector.shape_cast %get3A_297 : vector<1x1xf32> to vector<1x1xf32>
    %broadcast_in_dim3A_347 = vector.broadcast %broadcast_in_dim3A_346 : vector<1x1xf32> to vector<1x128xf32>
    %select_n3A_348 = arith.select %gt3A_342, %broadcast_in_dim3A_347, %select_n3A_291 : vector<1x128xi1>, vector<1x128xf32>
    %broadcast_in_dim3A_349 = vector.shape_cast %get3A_300 : vector<1x1xf32> to vector<1x1xf32>
    %broadcast_in_dim3A_350 = vector.broadcast %broadcast_in_dim3A_349 : vector<1x1xf32> to vector<1x128xf32>
    %select_n3A_351 = arith.select %gt3A_342, %broadcast_in_dim3A_350, %select_n3A_294 : vector<1x128xi1>, vector<1x128xf32>
    %get3A_352 = arith.constant 0 : index
    %get3A_353 = arith.constant 0 : index
    %get3A_354 = arith.constant 0 : index
    %get3A_355 = vector.load %arg0[%get3A_352, %get3A_353, %get3A_354] : memref<8x32x16xf32, #tpu.memory_space<vmem>>, vector<1x32x16xf32>
    %get3A_356 = vector.shape_cast %get3A_355 : vector<1x32x16xf32> to vector<32x16xf32>
    %get3A_357 = arith.constant 1 : index
    %get3A_358 = arith.constant 0 : index
    %get3A_359 = arith.constant 0 : index
    %get3A_360 = vector.load %arg0[%get3A_357, %get3A_358, %get3A_359] : memref<8x32x16xf32, #tpu.memory_space<vmem>>, vector<1x32x16xf32>
    %get3A_361 = vector.shape_cast %get3A_360 : vector<1x32x16xf32> to vector<32x16xf32>
    %get3A_362 = arith.constant 2 : index
    %get3A_363 = arith.constant 0 : index
    %get3A_364 = arith.constant 0 : index
    %get3A_365 = vector.load %arg0[%get3A_362, %get3A_363, %get3A_364] : memref<8x32x16xf32, #tpu.memory_space<vmem>>, vector<1x32x16xf32>
    %get3A_366 = vector.shape_cast %get3A_365 : vector<1x32x16xf32> to vector<32x16xf32>
    %get3A_367 = arith.constant 3 : index
    %get3A_368 = arith.constant 0 : index
    %get3A_369 = arith.constant 0 : index
    %get3A_370 = vector.load %arg0[%get3A_367, %get3A_368, %get3A_369] : memref<8x32x16xf32, #tpu.memory_space<vmem>>, vector<1x32x16xf32>
    %get3A_371 = vector.shape_cast %get3A_370 : vector<1x32x16xf32> to vector<32x16xf32>
    %get3A_372 = arith.constant 4 : index
    %get3A_373 = arith.constant 0 : index
    %get3A_374 = arith.constant 0 : index
    %get3A_375 = vector.load %arg0[%get3A_372, %get3A_373, %get3A_374] : memref<8x32x16xf32, #tpu.memory_space<vmem>>, vector<1x32x16xf32>
    %get3A_376 = vector.shape_cast %get3A_375 : vector<1x32x16xf32> to vector<32x16xf32>
    %get3A_377 = arith.constant 5 : index
    %get3A_378 = arith.constant 0 : index
    %get3A_379 = arith.constant 0 : index
    %get3A_380 = vector.load %arg0[%get3A_377, %get3A_378, %get3A_379] : memref<8x32x16xf32, #tpu.memory_space<vmem>>, vector<1x32x16xf32>
    %get3A_381 = vector.shape_cast %get3A_380 : vector<1x32x16xf32> to vector<32x16xf32>
    %get3A_382 = arith.constant 6 : index
    %get3A_383 = arith.constant 0 : index
    %get3A_384 = arith.constant 0 : index
    %get3A_385 = vector.load %arg0[%get3A_382, %get3A_383, %get3A_384] : memref<8x32x16xf32, #tpu.memory_space<vmem>>, vector<1x32x16xf32>
    %get3A_386 = vector.shape_cast %get3A_385 : vector<1x32x16xf32> to vector<32x16xf32>
    %get3A_387 = arith.constant 7 : index
    %get3A_388 = arith.constant 0 : index
    %get3A_389 = arith.constant 0 : index
    %get3A_390 = vector.load %arg0[%get3A_387, %get3A_388, %get3A_389] : memref<8x32x16xf32, #tpu.memory_space<vmem>>, vector<1x32x16xf32>
    %get3A_391 = vector.shape_cast %get3A_390 : vector<1x32x16xf32> to vector<32x16xf32>
    %concatenate3A = tpu.concatenate %get3A_356, %get3A_361, %get3A_366, %get3A_371, %get3A_376, %get3A_381, %get3A_386, %get3A_391 in 1 : vector<32x16xf32>, vector<32x16xf32>, vector<32x16xf32>, vector<32x16xf32>, vector<32x16xf32>, vector<32x16xf32>, vector<32x16xf32>, vector<32x16xf32> -> vector<32x128xf32>
    %slice3A = vector.extract_strided_slice %concatenate3A {offsets = [0, 0], sizes = [25, 128], strides = [1, 1]} : vector<32x128xf32> to vector<25x128xf32>
    %slice3A_392 = vector.extract_strided_slice %slice3A {offsets = [0, 0], sizes = [1, 128], strides = [1, 1]} : vector<25x128xf32> to vector<1x128xf32>
    %logistic3A = arith.negf %slice3A_392 : vector<1x128xf32>
    %logistic3A_393 = math.exp %logistic3A : vector<1x128xf32>
    %logistic3A_394 = arith.constant 1.000000e+00 : f32
    %logistic3A_395 = vector.broadcast %logistic3A_394 : f32 to vector<1x128xf32>
    %logistic3A_396 = arith.addf %logistic3A_395, %logistic3A_393 : vector<1x128xf32>
    %logistic3A_397 = arith.divf %logistic3A_395, %logistic3A_396 : vector<1x128xf32>
    %slice3A_398 = vector.extract_strided_slice %slice3A {offsets = [1, 0], sizes = [1, 128], strides = [1, 1]} : vector<25x128xf32> to vector<1x128xf32>
    %logistic3A_399 = arith.negf %slice3A_398 : vector<1x128xf32>
    %logistic3A_400 = math.exp %logistic3A_399 : vector<1x128xf32>
    %logistic3A_401 = arith.constant 1.000000e+00 : f32
    %logistic3A_402 = vector.broadcast %logistic3A_401 : f32 to vector<1x128xf32>
    %logistic3A_403 = arith.addf %logistic3A_402, %logistic3A_400 : vector<1x128xf32>
    %logistic3A_404 = arith.divf %logistic3A_402, %logistic3A_403 : vector<1x128xf32>
    %slice3A_405 = vector.extract_strided_slice %slice3A {offsets = [2, 0], sizes = [1, 128], strides = [1, 1]} : vector<25x128xf32> to vector<1x128xf32>
    %jit3A_406 = arith.constant -1.000000e+01 : f32
    %jit3A_407 = arith.constant 1.000000e+01 : f32
    %max3A_408 = vector.broadcast %jit3A_406 : f32 to vector<1x128xf32>
    %max3A_409 = arith.maximumf %max3A_408, %slice3A_405 : vector<1x128xf32>
    %min3A_410 = vector.broadcast %jit3A_407 : f32 to vector<1x128xf32>
    %min3A_411 = arith.minimumf %min3A_410, %max3A_409 : vector<1x128xf32>
    %exp3A = math.exp %min3A_411 : vector<1x128xf32>
    %slice3A_412 = vector.extract_strided_slice %slice3A {offsets = [3, 0], sizes = [1, 128], strides = [1, 1]} : vector<25x128xf32> to vector<1x128xf32>
    %jit3A_413 = arith.constant -1.000000e+01 : f32
    %jit3A_414 = arith.constant 1.000000e+01 : f32
    %max3A_415 = vector.broadcast %jit3A_413 : f32 to vector<1x128xf32>
    %max3A_416 = arith.maximumf %max3A_415, %slice3A_412 : vector<1x128xf32>
    %min3A_417 = vector.broadcast %jit3A_414 : f32 to vector<1x128xf32>
    %min3A_418 = arith.minimumf %min3A_417, %max3A_416 : vector<1x128xf32>
    %exp3A_419 = math.exp %min3A_418 : vector<1x128xf32>
    %slice3A_420 = vector.extract_strided_slice %slice3A {offsets = [4, 0], sizes = [1, 128], strides = [1, 1]} : vector<25x128xf32> to vector<1x128xf32>
    %logistic3A_421 = arith.negf %slice3A_420 : vector<1x128xf32>
    %logistic3A_422 = math.exp %logistic3A_421 : vector<1x128xf32>
    %logistic3A_423 = arith.constant 1.000000e+00 : f32
    %logistic3A_424 = vector.broadcast %logistic3A_423 : f32 to vector<1x128xf32>
    %logistic3A_425 = arith.addf %logistic3A_424, %logistic3A_422 : vector<1x128xf32>
    %logistic3A_426 = arith.divf %logistic3A_424, %logistic3A_425 : vector<1x128xf32>
    %slice3A_427 = vector.extract_strided_slice %slice3A {offsets = [5, 0], sizes = [20, 128], strides = [1, 1]} : vector<25x128xf32> to vector<20x128xf32>
    %get3A_428 = arith.constant 0 : index
    %get3A_429 = arith.constant 0 : index
    %get3A_430 = vector.load %arg2[%get3A_428, %get3A_429] : memref<128x6xf32, #tpu.memory_space<vmem>>, vector<128x1xf32>
    %get3A_431 = arith.constant 0 : index
    %get3A_432 = arith.constant 2 : index
    %get3A_433 = vector.load %arg2[%get3A_431, %get3A_432] : memref<128x6xf32, #tpu.memory_space<vmem>>, vector<128x1xf32>
    %mul3A_434 = arith.constant 3.200000e+01 : f32
    %mul3A_435 = vector.broadcast %mul3A_434 : f32 to vector<128x1xf32>
    %mul3A_436 = arith.mulf %get3A_433, %mul3A_435 : vector<128x1xf32>
    %get3A_437 = arith.constant 0 : index
    %get3A_438 = arith.constant 3 : index
    %get3A_439 = vector.load %arg2[%get3A_437, %get3A_438] : memref<128x6xf32, #tpu.memory_space<vmem>>, vector<128x1xf32>
    %mul3A_440 = arith.constant 3.200000e+01 : f32
    %mul3A_441 = vector.broadcast %mul3A_440 : f32 to vector<128x1xf32>
    %mul3A_442 = arith.mulf %get3A_439, %mul3A_441 : vector<128x1xf32>
    %get3A_443 = arith.constant 0 : index
    %get3A_444 = arith.constant 4 : index
    %get3A_445 = vector.load %arg2[%get3A_443, %get3A_444] : memref<128x6xf32, #tpu.memory_space<vmem>>, vector<128x1xf32>
    %mul3A_446 = arith.constant 3.200000e+01 : f32
    %mul3A_447 = vector.broadcast %mul3A_446 : f32 to vector<128x1xf32>
    %mul3A_448 = arith.mulf %get3A_445, %mul3A_447 : vector<128x1xf32>
    %get3A_449 = arith.constant 0 : index
    %get3A_450 = arith.constant 5 : index
    %get3A_451 = vector.load %arg2[%get3A_449, %get3A_450] : memref<128x6xf32, #tpu.memory_space<vmem>>, vector<128x1xf32>
    %mul3A_452 = arith.constant 3.200000e+01 : f32
    %mul3A_453 = vector.broadcast %mul3A_452 : f32 to vector<128x1xf32>
    %mul3A_454 = arith.mulf %get3A_451, %mul3A_453 : vector<128x1xf32>
    %mul3A_455 = arith.constant 5.000000e-01 : f32
    %mul3A_456 = vector.broadcast %mul3A_455 : f32 to vector<128x1xf32>
    %mul3A_457 = arith.mulf %mul3A_456, %mul3A_448 : vector<128x1xf32>
    %sub3A_458 = arith.subf %mul3A_436, %mul3A_457 : vector<128x1xf32>
    %mul3A_459 = arith.constant 5.000000e-01 : f32
    %mul3A_460 = vector.broadcast %mul3A_459 : f32 to vector<128x1xf32>
    %mul3A_461 = arith.mulf %mul3A_460, %mul3A_448 : vector<128x1xf32>
    %add3A_462 = arith.addf %mul3A_436, %mul3A_461 : vector<128x1xf32>
    %mul3A_463 = arith.constant 5.000000e-01 : f32
    %mul3A_464 = vector.broadcast %mul3A_463 : f32 to vector<128x1xf32>
    %mul3A_465 = arith.mulf %mul3A_464, %mul3A_454 : vector<128x1xf32>
    %sub3A_466 = arith.subf %mul3A_442, %mul3A_465 : vector<128x1xf32>
    %mul3A_467 = arith.constant 5.000000e-01 : f32
    %mul3A_468 = vector.broadcast %mul3A_467 : f32 to vector<128x1xf32>
    %mul3A_469 = arith.mulf %mul3A_468, %mul3A_454 : vector<128x1xf32>
    %add3A_470 = arith.addf %mul3A_442, %mul3A_469 : vector<128x1xf32>
    %mul3A_471 = arith.mulf %mul3A_448, %mul3A_454 : vector<128x1xf32>
    %floor3A_472 = math.floor %mul3A_436 : vector<128x1xf32>
    %jit3A_473 = arith.constant 0.000000e+00 : f32
    %jit3A_474 = arith.constant 3.100000e+01 : f32
    %max3A_475 = vector.broadcast %jit3A_473 : f32 to vector<128x1xf32>
    %max3A_476 = arith.maximumf %max3A_475, %floor3A_472 : vector<128x1xf32>
    %min3A_477 = vector.broadcast %jit3A_474 : f32 to vector<128x1xf32>
    %min3A_478 = arith.minimumf %min3A_477, %max3A_476 : vector<128x1xf32>
    %floor3A_479 = math.floor %mul3A_442 : vector<128x1xf32>
    %jit3A_480 = arith.constant 0.000000e+00 : f32
    %jit3A_481 = arith.constant 3.100000e+01 : f32
    %max3A_482 = vector.broadcast %jit3A_480 : f32 to vector<128x1xf32>
    %max3A_483 = arith.maximumf %max3A_482, %floor3A_479 : vector<128x1xf32>
    %min3A_484 = vector.broadcast %jit3A_481 : f32 to vector<128x1xf32>
    %min3A_485 = arith.minimumf %min3A_484, %max3A_483 : vector<128x1xf32>
    %mul3A_486 = arith.constant 3.200000e+01 : f32
    %mul3A_487 = vector.broadcast %mul3A_486 : f32 to vector<128x1xf32>
    %mul3A_488 = arith.mulf %min3A_485, %mul3A_487 : vector<128x1xf32>
    %add3A_489 = arith.addf %mul3A_488, %min3A_478 : vector<128x1xf32>
    %convert_element_type3A_490 = arith.fptosi %add3A_489 : vector<128x1xf32> to vector<128x1xi32>
    %mul3A_491 = arith.mulf %exp3A, %select_n3A_348 : vector<1x128xf32>
    %mul3A_492 = arith.mulf %exp3A_419, %select_n3A_351 : vector<1x128xf32>
    %add3A_493 = arith.addf %logistic3A_397, %min3A_46 : vector<1x128xf32>
    %add3A_494 = arith.addf %logistic3A_404, %min3A_53 : vector<1x128xf32>
    %mul3A_495 = arith.constant 5.000000e-01 : f32
    %mul3A_496 = vector.broadcast %mul3A_495 : f32 to vector<1x128xf32>
    %mul3A_497 = arith.mulf %mul3A_496, %mul3A_491 : vector<1x128xf32>
    %sub3A_498 = arith.subf %add3A_493, %mul3A_497 : vector<1x128xf32>
    %mul3A_499 = arith.constant 5.000000e-01 : f32
    %mul3A_500 = vector.broadcast %mul3A_499 : f32 to vector<1x128xf32>
    %mul3A_501 = arith.mulf %mul3A_500, %mul3A_491 : vector<1x128xf32>
    %add3A_502 = arith.addf %add3A_493, %mul3A_501 : vector<1x128xf32>
    %mul3A_503 = arith.constant 5.000000e-01 : f32
    %mul3A_504 = vector.broadcast %mul3A_503 : f32 to vector<1x128xf32>
    %mul3A_505 = arith.mulf %mul3A_504, %mul3A_492 : vector<1x128xf32>
    %sub3A_506 = arith.subf %add3A_494, %mul3A_505 : vector<1x128xf32>
    %mul3A_507 = arith.constant 5.000000e-01 : f32
    %mul3A_508 = vector.broadcast %mul3A_507 : f32 to vector<1x128xf32>
    %mul3A_509 = arith.mulf %mul3A_508, %mul3A_492 : vector<1x128xf32>
    %add3A_510 = arith.addf %add3A_494, %mul3A_509 : vector<1x128xf32>
    %min3A_511 = vector.broadcast %add3A_502 : vector<1x128xf32> to vector<128x128xf32>
    %min3A_512 = vector.broadcast %add3A_462 : vector<128x1xf32> to vector<128x128xf32>
    %min3A_513 = arith.minimumf %min3A_511, %min3A_512 : vector<128x128xf32>
    %max3A_514 = vector.broadcast %sub3A_498 : vector<1x128xf32> to vector<128x128xf32>
    %max3A_515 = vector.broadcast %sub3A_458 : vector<128x1xf32> to vector<128x128xf32>
    %max3A_516 = arith.maximumf %max3A_514, %max3A_515 : vector<128x128xf32>
    %sub3A_517 = arith.subf %min3A_513, %max3A_516 : vector<128x128xf32>
    %max3A_518 = arith.constant 0.000000e+00 : f32
    %max3A_519 = vector.broadcast %max3A_518 : f32 to vector<128x128xf32>
    %max3A_520 = arith.maximumf %sub3A_517, %max3A_519 : vector<128x128xf32>
    %min3A_521 = vector.broadcast %add3A_510 : vector<1x128xf32> to vector<128x128xf32>
    %min3A_522 = vector.broadcast %add3A_470 : vector<128x1xf32> to vector<128x128xf32>
    %min3A_523 = arith.minimumf %min3A_521, %min3A_522 : vector<128x128xf32>
    %max3A_524 = vector.broadcast %sub3A_506 : vector<1x128xf32> to vector<128x128xf32>
    %max3A_525 = vector.broadcast %sub3A_466 : vector<128x1xf32> to vector<128x128xf32>
    %max3A_526 = arith.maximumf %max3A_524, %max3A_525 : vector<128x128xf32>
    %sub3A_527 = arith.subf %min3A_523, %max3A_526 : vector<128x128xf32>
    %max3A_528 = arith.constant 0.000000e+00 : f32
    %max3A_529 = vector.broadcast %max3A_528 : f32 to vector<128x128xf32>
    %max3A_530 = arith.maximumf %sub3A_527, %max3A_529 : vector<128x128xf32>
    %mul3A_531 = arith.mulf %max3A_520, %max3A_530 : vector<128x128xf32>
    %mul3A_532 = arith.mulf %mul3A_491, %mul3A_492 : vector<1x128xf32>
    %add3A_533 = vector.broadcast %mul3A_532 : vector<1x128xf32> to vector<128x128xf32>
    %add3A_534 = vector.broadcast %mul3A_471 : vector<128x1xf32> to vector<128x128xf32>
    %add3A_535 = arith.addf %add3A_533, %add3A_534 : vector<128x128xf32>
    %sub3A_536 = arith.subf %add3A_535, %mul3A_531 : vector<128x128xf32>
    %add3A_537 = arith.constant 9.99999971E-10 : f32
    %add3A_538 = vector.broadcast %add3A_537 : f32 to vector<128x128xf32>
    %add3A_539 = arith.addf %sub3A_536, %add3A_538 : vector<128x128xf32>
    %div3A_540 = arith.divf %mul3A_531, %add3A_539 : vector<128x128xf32>
    %eq3A = vector.broadcast %get3A_430 : vector<128x1xf32> to vector<128x128xf32>
    %eq3A_541 = vector.broadcast %get3A_2 : vector<1x128xf32> to vector<128x128xf32>
    %eq3A_542 = arith.cmpf oeq, %eq3A, %eq3A_541 : vector<128x128xf32>
    %jit3A_543 = arith.constant 0.000000e+00 : f32
    %broadcast_in_dim3A_544 = vector.broadcast %jit3A_543 : f32 to vector<128x128xf32>
    %select_n3A_545 = arith.select %eq3A_542, %div3A_540, %broadcast_in_dim3A_544 : vector<128x128xi1>, vector<128x128xf32>
    %reduce_max3A = arith.constant dense<0xFF800000> : vector<128xf32>
    %reduce_max3A_546 = vector.multi_reduction <maximumf>, %select_n3A_545, %reduce_max3A [0] : vector<128x128xf32> to vector<128xf32>
    %broadcast_in_dim3A_547 = vector.shape_cast %reduce_max3A_546 : vector<128xf32> to vector<1x128xf32>
    %broadcast_in_dim3A_548 = arith.constant 0 : i32
    %broadcast_in_dim3A_549 = vector.broadcast %broadcast_in_dim3A_548 : i32 to vector<128x1xi32>
    %broadcast_in_dim3A_550 = arith.constant -1.000000e+00 : f32
    %broadcast_in_dim3A_551 = vector.broadcast %broadcast_in_dim3A_550 : f32 to vector<128x1xf32>
    %get3A_552 = arith.constant 0 : index
    %get3A_553 = arith.constant 0 : index
    %get3A_554 = vector.load %arg4[%get3A_552, %get3A_553] : memref<5x2xf32, #tpu.memory_space<vmem>>, vector<1x1xf32>
    %get3A_555 = arith.constant 0 : index
    %get3A_556 = arith.constant 1 : index
    %get3A_557 = vector.load %arg4[%get3A_555, %get3A_556] : memref<5x2xf32, #tpu.memory_space<vmem>>, vector<1x1xf32>
    %mul3A_558 = arith.constant 5.000000e-01 : f32
    %mul3A_559 = vector.broadcast %mul3A_558 : f32 to vector<1x1xf32>
    %mul3A_560 = arith.mulf %mul3A_559, %get3A_554 : vector<1x1xf32>
    %add3A_561 = vector.broadcast %mul3A_560 : vector<1x1xf32> to vector<128x1xf32>
    %add3A_562 = arith.addf %min3A_478, %add3A_561 : vector<128x1xf32>
    %min3A_563 = arith.minimumf %add3A_562, %add3A_462 : vector<128x1xf32>
    %mul3A_564 = arith.constant 5.000000e-01 : f32
    %mul3A_565 = vector.broadcast %mul3A_564 : f32 to vector<1x1xf32>
    %mul3A_566 = arith.mulf %mul3A_565, %get3A_554 : vector<1x1xf32>
    %sub3A_567 = vector.broadcast %mul3A_566 : vector<1x1xf32> to vector<128x1xf32>
    %sub3A_568 = arith.subf %min3A_478, %sub3A_567 : vector<128x1xf32>
    %max3A_569 = arith.maximumf %sub3A_568, %sub3A_458 : vector<128x1xf32>
    %sub3A_570 = arith.subf %min3A_563, %max3A_569 : vector<128x1xf32>
    %max3A_571 = arith.constant 0.000000e+00 : f32
    %max3A_572 = vector.broadcast %max3A_571 : f32 to vector<128x1xf32>
    %max3A_573 = arith.maximumf %sub3A_570, %max3A_572 : vector<128x1xf32>
    %mul3A_574 = arith.constant 5.000000e-01 : f32
    %mul3A_575 = vector.broadcast %mul3A_574 : f32 to vector<1x1xf32>
    %mul3A_576 = arith.mulf %mul3A_575, %get3A_557 : vector<1x1xf32>
    %add3A_577 = vector.broadcast %mul3A_576 : vector<1x1xf32> to vector<128x1xf32>
    %add3A_578 = arith.addf %min3A_485, %add3A_577 : vector<128x1xf32>
    %min3A_579 = arith.minimumf %add3A_578, %add3A_470 : vector<128x1xf32>
    %mul3A_580 = arith.constant 5.000000e-01 : f32
    %mul3A_581 = vector.broadcast %mul3A_580 : f32 to vector<1x1xf32>
    %mul3A_582 = arith.mulf %mul3A_581, %get3A_557 : vector<1x1xf32>
    %sub3A_583 = vector.broadcast %mul3A_582 : vector<1x1xf32> to vector<128x1xf32>
    %sub3A_584 = arith.subf %min3A_485, %sub3A_583 : vector<128x1xf32>
    %max3A_585 = arith.maximumf %sub3A_584, %sub3A_466 : vector<128x1xf32>
    %sub3A_586 = arith.subf %min3A_579, %max3A_585 : vector<128x1xf32>
    %max3A_587 = arith.constant 0.000000e+00 : f32
    %max3A_588 = vector.broadcast %max3A_587 : f32 to vector<128x1xf32>
    %max3A_589 = arith.maximumf %sub3A_586, %max3A_588 : vector<128x1xf32>
    %mul3A_590 = arith.mulf %max3A_573, %max3A_589 : vector<128x1xf32>
    %mul3A_591 = arith.mulf %get3A_554, %get3A_557 : vector<1x1xf32>
    %add3A_592 = vector.broadcast %mul3A_591 : vector<1x1xf32> to vector<128x1xf32>
    %add3A_593 = arith.addf %add3A_592, %mul3A_471 : vector<128x1xf32>
    %sub3A_594 = arith.subf %add3A_593, %mul3A_590 : vector<128x1xf32>
    %add3A_595 = arith.constant 9.99999971E-10 : f32
    %add3A_596 = vector.broadcast %add3A_595 : f32 to vector<128x1xf32>
    %add3A_597 = arith.addf %sub3A_594, %add3A_596 : vector<128x1xf32>
    %div3A_598 = arith.divf %mul3A_590, %add3A_597 : vector<128x1xf32>
    %gt3A_599 = arith.cmpf ogt, %div3A_598, %broadcast_in_dim3A_551 : vector<128x1xf32>
    %jit3A_600 = arith.constant 0 : i32
    %broadcast_in_dim3A_601 = vector.broadcast %jit3A_600 : i32 to vector<128x1xi32>
    %select_n3A_602 = arith.select %gt3A_599, %broadcast_in_dim3A_601, %broadcast_in_dim3A_549 : vector<128x1xi1>, vector<128x1xi32>
    %select_n3A_603 = arith.select %gt3A_599, %div3A_598, %broadcast_in_dim3A_551 : vector<128x1xi1>, vector<128x1xf32>
    %get3A_604 = arith.constant 1 : index
    %get3A_605 = arith.constant 0 : index
    %get3A_606 = vector.load %arg4[%get3A_604, %get3A_605] : memref<5x2xf32, #tpu.memory_space<vmem>>, vector<1x1xf32>
    %get3A_607 = arith.constant 1 : index
    %get3A_608 = arith.constant 1 : index
    %get3A_609 = vector.load %arg4[%get3A_607, %get3A_608] : memref<5x2xf32, #tpu.memory_space<vmem>>, vector<1x1xf32>
    %mul3A_610 = arith.constant 5.000000e-01 : f32
    %mul3A_611 = vector.broadcast %mul3A_610 : f32 to vector<1x1xf32>
    %mul3A_612 = arith.mulf %mul3A_611, %get3A_606 : vector<1x1xf32>
    %add3A_613 = vector.broadcast %mul3A_612 : vector<1x1xf32> to vector<128x1xf32>
    %add3A_614 = arith.addf %min3A_478, %add3A_613 : vector<128x1xf32>
    %min3A_615 = arith.minimumf %add3A_614, %add3A_462 : vector<128x1xf32>
    %mul3A_616 = arith.constant 5.000000e-01 : f32
    %mul3A_617 = vector.broadcast %mul3A_616 : f32 to vector<1x1xf32>
    %mul3A_618 = arith.mulf %mul3A_617, %get3A_606 : vector<1x1xf32>
    %sub3A_619 = vector.broadcast %mul3A_618 : vector<1x1xf32> to vector<128x1xf32>
    %sub3A_620 = arith.subf %min3A_478, %sub3A_619 : vector<128x1xf32>
    %max3A_621 = arith.maximumf %sub3A_620, %sub3A_458 : vector<128x1xf32>
    %sub3A_622 = arith.subf %min3A_615, %max3A_621 : vector<128x1xf32>
    %max3A_623 = arith.constant 0.000000e+00 : f32
    %max3A_624 = vector.broadcast %max3A_623 : f32 to vector<128x1xf32>
    %max3A_625 = arith.maximumf %sub3A_622, %max3A_624 : vector<128x1xf32>
    %mul3A_626 = arith.constant 5.000000e-01 : f32
    %mul3A_627 = vector.broadcast %mul3A_626 : f32 to vector<1x1xf32>
    %mul3A_628 = arith.mulf %mul3A_627, %get3A_609 : vector<1x1xf32>
    %add3A_629 = vector.broadcast %mul3A_628 : vector<1x1xf32> to vector<128x1xf32>
    %add3A_630 = arith.addf %min3A_485, %add3A_629 : vector<128x1xf32>
    %min3A_631 = arith.minimumf %add3A_630, %add3A_470 : vector<128x1xf32>
    %mul3A_632 = arith.constant 5.000000e-01 : f32
    %mul3A_633 = vector.broadcast %mul3A_632 : f32 to vector<1x1xf32>
    %mul3A_634 = arith.mulf %mul3A_633, %get3A_609 : vector<1x1xf32>
    %sub3A_635 = vector.broadcast %mul3A_634 : vector<1x1xf32> to vector<128x1xf32>
    %sub3A_636 = arith.subf %min3A_485, %sub3A_635 : vector<128x1xf32>
    %max3A_637 = arith.maximumf %sub3A_636, %sub3A_466 : vector<128x1xf32>
    %sub3A_638 = arith.subf %min3A_631, %max3A_637 : vector<128x1xf32>
    %max3A_639 = arith.constant 0.000000e+00 : f32
    %max3A_640 = vector.broadcast %max3A_639 : f32 to vector<128x1xf32>
    %max3A_641 = arith.maximumf %sub3A_638, %max3A_640 : vector<128x1xf32>
    %mul3A_642 = arith.mulf %max3A_625, %max3A_641 : vector<128x1xf32>
    %mul3A_643 = arith.mulf %get3A_606, %get3A_609 : vector<1x1xf32>
    %add3A_644 = vector.broadcast %mul3A_643 : vector<1x1xf32> to vector<128x1xf32>
    %add3A_645 = arith.addf %add3A_644, %mul3A_471 : vector<128x1xf32>
    %sub3A_646 = arith.subf %add3A_645, %mul3A_642 : vector<128x1xf32>
    %add3A_647 = arith.constant 9.99999971E-10 : f32
    %add3A_648 = vector.broadcast %add3A_647 : f32 to vector<128x1xf32>
    %add3A_649 = arith.addf %sub3A_646, %add3A_648 : vector<128x1xf32>
    %div3A_650 = arith.divf %mul3A_642, %add3A_649 : vector<128x1xf32>
    %gt3A_651 = arith.cmpf ogt, %div3A_650, %select_n3A_603 : vector<128x1xf32>
    %jit3A_652 = arith.constant 1 : i32
    %broadcast_in_dim3A_653 = vector.broadcast %jit3A_652 : i32 to vector<128x1xi32>
    %select_n3A_654 = arith.select %gt3A_651, %broadcast_in_dim3A_653, %select_n3A_602 : vector<128x1xi1>, vector<128x1xi32>
    %select_n3A_655 = arith.select %gt3A_651, %div3A_650, %select_n3A_603 : vector<128x1xi1>, vector<128x1xf32>
    %get3A_656 = arith.constant 2 : index
    %get3A_657 = arith.constant 0 : index
    %get3A_658 = vector.load %arg4[%get3A_656, %get3A_657] : memref<5x2xf32, #tpu.memory_space<vmem>>, vector<1x1xf32>
    %get3A_659 = arith.constant 2 : index
    %get3A_660 = arith.constant 1 : index
    %get3A_661 = vector.load %arg4[%get3A_659, %get3A_660] : memref<5x2xf32, #tpu.memory_space<vmem>>, vector<1x1xf32>
    %mul3A_662 = arith.constant 5.000000e-01 : f32
    %mul3A_663 = vector.broadcast %mul3A_662 : f32 to vector<1x1xf32>
    %mul3A_664 = arith.mulf %mul3A_663, %get3A_658 : vector<1x1xf32>
    %add3A_665 = vector.broadcast %mul3A_664 : vector<1x1xf32> to vector<128x1xf32>
    %add3A_666 = arith.addf %min3A_478, %add3A_665 : vector<128x1xf32>
    %min3A_667 = arith.minimumf %add3A_666, %add3A_462 : vector<128x1xf32>
    %mul3A_668 = arith.constant 5.000000e-01 : f32
    %mul3A_669 = vector.broadcast %mul3A_668 : f32 to vector<1x1xf32>
    %mul3A_670 = arith.mulf %mul3A_669, %get3A_658 : vector<1x1xf32>
    %sub3A_671 = vector.broadcast %mul3A_670 : vector<1x1xf32> to vector<128x1xf32>
    %sub3A_672 = arith.subf %min3A_478, %sub3A_671 : vector<128x1xf32>
    %max3A_673 = arith.maximumf %sub3A_672, %sub3A_458 : vector<128x1xf32>
    %sub3A_674 = arith.subf %min3A_667, %max3A_673 : vector<128x1xf32>
    %max3A_675 = arith.constant 0.000000e+00 : f32
    %max3A_676 = vector.broadcast %max3A_675 : f32 to vector<128x1xf32>
    %max3A_677 = arith.maximumf %sub3A_674, %max3A_676 : vector<128x1xf32>
    %mul3A_678 = arith.constant 5.000000e-01 : f32
    %mul3A_679 = vector.broadcast %mul3A_678 : f32 to vector<1x1xf32>
    %mul3A_680 = arith.mulf %mul3A_679, %get3A_661 : vector<1x1xf32>
    %add3A_681 = vector.broadcast %mul3A_680 : vector<1x1xf32> to vector<128x1xf32>
    %add3A_682 = arith.addf %min3A_485, %add3A_681 : vector<128x1xf32>
    %min3A_683 = arith.minimumf %add3A_682, %add3A_470 : vector<128x1xf32>
    %mul3A_684 = arith.constant 5.000000e-01 : f32
    %mul3A_685 = vector.broadcast %mul3A_684 : f32 to vector<1x1xf32>
    %mul3A_686 = arith.mulf %mul3A_685, %get3A_661 : vector<1x1xf32>
    %sub3A_687 = vector.broadcast %mul3A_686 : vector<1x1xf32> to vector<128x1xf32>
    %sub3A_688 = arith.subf %min3A_485, %sub3A_687 : vector<128x1xf32>
    %max3A_689 = arith.maximumf %sub3A_688, %sub3A_466 : vector<128x1xf32>
    %sub3A_690 = arith.subf %min3A_683, %max3A_689 : vector<128x1xf32>
    %max3A_691 = arith.constant 0.000000e+00 : f32
    %max3A_692 = vector.broadcast %max3A_691 : f32 to vector<128x1xf32>
    %max3A_693 = arith.maximumf %sub3A_690, %max3A_692 : vector<128x1xf32>
    %mul3A_694 = arith.mulf %max3A_677, %max3A_693 : vector<128x1xf32>
    %mul3A_695 = arith.mulf %get3A_658, %get3A_661 : vector<1x1xf32>
    %add3A_696 = vector.broadcast %mul3A_695 : vector<1x1xf32> to vector<128x1xf32>
    %add3A_697 = arith.addf %add3A_696, %mul3A_471 : vector<128x1xf32>
    %sub3A_698 = arith.subf %add3A_697, %mul3A_694 : vector<128x1xf32>
    %add3A_699 = arith.constant 9.99999971E-10 : f32
    %add3A_700 = vector.broadcast %add3A_699 : f32 to vector<128x1xf32>
    %add3A_701 = arith.addf %sub3A_698, %add3A_700 : vector<128x1xf32>
    %div3A_702 = arith.divf %mul3A_694, %add3A_701 : vector<128x1xf32>
    %gt3A_703 = arith.cmpf ogt, %div3A_702, %select_n3A_655 : vector<128x1xf32>
    %jit3A_704 = arith.constant 2 : i32
    %broadcast_in_dim3A_705 = vector.broadcast %jit3A_704 : i32 to vector<128x1xi32>
    %select_n3A_706 = arith.select %gt3A_703, %broadcast_in_dim3A_705, %select_n3A_654 : vector<128x1xi1>, vector<128x1xi32>
    %select_n3A_707 = arith.select %gt3A_703, %div3A_702, %select_n3A_655 : vector<128x1xi1>, vector<128x1xf32>
    %get3A_708 = arith.constant 3 : index
    %get3A_709 = arith.constant 0 : index
    %get3A_710 = vector.load %arg4[%get3A_708, %get3A_709] : memref<5x2xf32, #tpu.memory_space<vmem>>, vector<1x1xf32>
    %get3A_711 = arith.constant 3 : index
    %get3A_712 = arith.constant 1 : index
    %get3A_713 = vector.load %arg4[%get3A_711, %get3A_712] : memref<5x2xf32, #tpu.memory_space<vmem>>, vector<1x1xf32>
    %mul3A_714 = arith.constant 5.000000e-01 : f32
    %mul3A_715 = vector.broadcast %mul3A_714 : f32 to vector<1x1xf32>
    %mul3A_716 = arith.mulf %mul3A_715, %get3A_710 : vector<1x1xf32>
    %add3A_717 = vector.broadcast %mul3A_716 : vector<1x1xf32> to vector<128x1xf32>
    %add3A_718 = arith.addf %min3A_478, %add3A_717 : vector<128x1xf32>
    %min3A_719 = arith.minimumf %add3A_718, %add3A_462 : vector<128x1xf32>
    %mul3A_720 = arith.constant 5.000000e-01 : f32
    %mul3A_721 = vector.broadcast %mul3A_720 : f32 to vector<1x1xf32>
    %mul3A_722 = arith.mulf %mul3A_721, %get3A_710 : vector<1x1xf32>
    %sub3A_723 = vector.broadcast %mul3A_722 : vector<1x1xf32> to vector<128x1xf32>
    %sub3A_724 = arith.subf %min3A_478, %sub3A_723 : vector<128x1xf32>
    %max3A_725 = arith.maximumf %sub3A_724, %sub3A_458 : vector<128x1xf32>
    %sub3A_726 = arith.subf %min3A_719, %max3A_725 : vector<128x1xf32>
    %max3A_727 = arith.constant 0.000000e+00 : f32
    %max3A_728 = vector.broadcast %max3A_727 : f32 to vector<128x1xf32>
    %max3A_729 = arith.maximumf %sub3A_726, %max3A_728 : vector<128x1xf32>
    %mul3A_730 = arith.constant 5.000000e-01 : f32
    %mul3A_731 = vector.broadcast %mul3A_730 : f32 to vector<1x1xf32>
    %mul3A_732 = arith.mulf %mul3A_731, %get3A_713 : vector<1x1xf32>
    %add3A_733 = vector.broadcast %mul3A_732 : vector<1x1xf32> to vector<128x1xf32>
    %add3A_734 = arith.addf %min3A_485, %add3A_733 : vector<128x1xf32>
    %min3A_735 = arith.minimumf %add3A_734, %add3A_470 : vector<128x1xf32>
    %mul3A_736 = arith.constant 5.000000e-01 : f32
    %mul3A_737 = vector.broadcast %mul3A_736 : f32 to vector<1x1xf32>
    %mul3A_738 = arith.mulf %mul3A_737, %get3A_713 : vector<1x1xf32>
    %sub3A_739 = vector.broadcast %mul3A_738 : vector<1x1xf32> to vector<128x1xf32>
    %sub3A_740 = arith.subf %min3A_485, %sub3A_739 : vector<128x1xf32>
    %max3A_741 = arith.maximumf %sub3A_740, %sub3A_466 : vector<128x1xf32>
    %sub3A_742 = arith.subf %min3A_735, %max3A_741 : vector<128x1xf32>
    %max3A_743 = arith.constant 0.000000e+00 : f32
    %max3A_744 = vector.broadcast %max3A_743 : f32 to vector<128x1xf32>
    %max3A_745 = arith.maximumf %sub3A_742, %max3A_744 : vector<128x1xf32>
    %mul3A_746 = arith.mulf %max3A_729, %max3A_745 : vector<128x1xf32>
    %mul3A_747 = arith.mulf %get3A_710, %get3A_713 : vector<1x1xf32>
    %add3A_748 = vector.broadcast %mul3A_747 : vector<1x1xf32> to vector<128x1xf32>
    %add3A_749 = arith.addf %add3A_748, %mul3A_471 : vector<128x1xf32>
    %sub3A_750 = arith.subf %add3A_749, %mul3A_746 : vector<128x1xf32>
    %add3A_751 = arith.constant 9.99999971E-10 : f32
    %add3A_752 = vector.broadcast %add3A_751 : f32 to vector<128x1xf32>
    %add3A_753 = arith.addf %sub3A_750, %add3A_752 : vector<128x1xf32>
    %div3A_754 = arith.divf %mul3A_746, %add3A_753 : vector<128x1xf32>
    %gt3A_755 = arith.cmpf ogt, %div3A_754, %select_n3A_707 : vector<128x1xf32>
    %jit3A_756 = arith.constant 3 : i32
    %broadcast_in_dim3A_757 = vector.broadcast %jit3A_756 : i32 to vector<128x1xi32>
    %select_n3A_758 = arith.select %gt3A_755, %broadcast_in_dim3A_757, %select_n3A_706 : vector<128x1xi1>, vector<128x1xi32>
    %select_n3A_759 = arith.select %gt3A_755, %div3A_754, %select_n3A_707 : vector<128x1xi1>, vector<128x1xf32>
    %get3A_760 = arith.constant 4 : index
    %get3A_761 = arith.constant 0 : index
    %get3A_762 = vector.load %arg4[%get3A_760, %get3A_761] : memref<5x2xf32, #tpu.memory_space<vmem>>, vector<1x1xf32>
    %get3A_763 = arith.constant 4 : index
    %get3A_764 = arith.constant 1 : index
    %get3A_765 = vector.load %arg4[%get3A_763, %get3A_764] : memref<5x2xf32, #tpu.memory_space<vmem>>, vector<1x1xf32>
    %mul3A_766 = arith.constant 5.000000e-01 : f32
    %mul3A_767 = vector.broadcast %mul3A_766 : f32 to vector<1x1xf32>
    %mul3A_768 = arith.mulf %mul3A_767, %get3A_762 : vector<1x1xf32>
    %add3A_769 = vector.broadcast %mul3A_768 : vector<1x1xf32> to vector<128x1xf32>
    %add3A_770 = arith.addf %min3A_478, %add3A_769 : vector<128x1xf32>
    %min3A_771 = arith.minimumf %add3A_770, %add3A_462 : vector<128x1xf32>
    %mul3A_772 = arith.constant 5.000000e-01 : f32
    %mul3A_773 = vector.broadcast %mul3A_772 : f32 to vector<1x1xf32>
    %mul3A_774 = arith.mulf %mul3A_773, %get3A_762 : vector<1x1xf32>
    %sub3A_775 = vector.broadcast %mul3A_774 : vector<1x1xf32> to vector<128x1xf32>
    %sub3A_776 = arith.subf %min3A_478, %sub3A_775 : vector<128x1xf32>
    %max3A_777 = arith.maximumf %sub3A_776, %sub3A_458 : vector<128x1xf32>
    %sub3A_778 = arith.subf %min3A_771, %max3A_777 : vector<128x1xf32>
    %max3A_779 = arith.constant 0.000000e+00 : f32
    %max3A_780 = vector.broadcast %max3A_779 : f32 to vector<128x1xf32>
    %max3A_781 = arith.maximumf %sub3A_778, %max3A_780 : vector<128x1xf32>
    %mul3A_782 = arith.constant 5.000000e-01 : f32
    %mul3A_783 = vector.broadcast %mul3A_782 : f32 to vector<1x1xf32>
    %mul3A_784 = arith.mulf %mul3A_783, %get3A_765 : vector<1x1xf32>
    %add3A_785 = vector.broadcast %mul3A_784 : vector<1x1xf32> to vector<128x1xf32>
    %add3A_786 = arith.addf %min3A_485, %add3A_785 : vector<128x1xf32>
    %min3A_787 = arith.minimumf %add3A_786, %add3A_470 : vector<128x1xf32>
    %mul3A_788 = arith.constant 5.000000e-01 : f32
    %mul3A_789 = vector.broadcast %mul3A_788 : f32 to vector<1x1xf32>
    %mul3A_790 = arith.mulf %mul3A_789, %get3A_765 : vector<1x1xf32>
    %sub3A_791 = vector.broadcast %mul3A_790 : vector<1x1xf32> to vector<128x1xf32>
    %sub3A_792 = arith.subf %min3A_485, %sub3A_791 : vector<128x1xf32>
    %max3A_793 = arith.maximumf %sub3A_792, %sub3A_466 : vector<128x1xf32>
    %sub3A_794 = arith.subf %min3A_787, %max3A_793 : vector<128x1xf32>
    %max3A_795 = arith.constant 0.000000e+00 : f32
    %max3A_796 = vector.broadcast %max3A_795 : f32 to vector<128x1xf32>
    %max3A_797 = arith.maximumf %sub3A_794, %max3A_796 : vector<128x1xf32>
    %mul3A_798 = arith.mulf %max3A_781, %max3A_797 : vector<128x1xf32>
    %mul3A_799 = arith.mulf %get3A_762, %get3A_765 : vector<1x1xf32>
    %add3A_800 = vector.broadcast %mul3A_799 : vector<1x1xf32> to vector<128x1xf32>
    %add3A_801 = arith.addf %add3A_800, %mul3A_471 : vector<128x1xf32>
    %sub3A_802 = arith.subf %add3A_801, %mul3A_798 : vector<128x1xf32>
    %add3A_803 = arith.constant 9.99999971E-10 : f32
    %add3A_804 = vector.broadcast %add3A_803 : f32 to vector<128x1xf32>
    %add3A_805 = arith.addf %sub3A_802, %add3A_804 : vector<128x1xf32>
    %div3A_806 = arith.divf %mul3A_798, %add3A_805 : vector<128x1xf32>
    %gt3A_807 = arith.cmpf ogt, %div3A_806, %select_n3A_759 : vector<128x1xf32>
    %jit3A_808 = arith.constant 4 : i32
    %broadcast_in_dim3A_809 = vector.broadcast %jit3A_808 : i32 to vector<128x1xi32>
    %select_n3A_810 = arith.select %gt3A_807, %broadcast_in_dim3A_809, %select_n3A_758 : vector<128x1xi1>, vector<128x1xi32>
    %convert_element_type3A_811 = arith.fptosi %get3A_430 : vector<128x1xf32> to vector<128x1xi32>
    %mul3A_812 = arith.constant 5120 : i32
    %mul3A_813 = vector.broadcast %mul3A_812 : i32 to vector<128x1xi32>
    %mul3A_814 = arith.muli %convert_element_type3A_811, %mul3A_813 : vector<128x1xi32>
    %mul3A_815 = arith.constant 1024 : i32
    %mul3A_816 = vector.broadcast %mul3A_815 : i32 to vector<128x1xi32>
    %mul3A_817 = arith.muli %select_n3A_810, %mul3A_816 : vector<128x1xi32>
    %add3A_818 = arith.addi %mul3A_814, %mul3A_817 : vector<128x1xi32>
    %add3A_819 = arith.addi %add3A_818, %convert_element_type3A_490 : vector<128x1xi32>
    %convert_element_type3A_820 = arith.fptosi %get3A_2 : vector<1x128xf32> to vector<1x128xi32>
    %mul3A_821 = arith.constant 5120 : i32
    %mul3A_822 = vector.broadcast %mul3A_821 : i32 to vector<1x128xi32>
    %mul3A_823 = arith.muli %convert_element_type3A_820, %mul3A_822 : vector<1x128xi32>
    %mul3A_824 = arith.constant 1024 : i32
    %mul3A_825 = vector.broadcast %mul3A_824 : i32 to vector<1x128xi32>
    %mul3A_826 = arith.muli %select_n3A_345, %mul3A_825 : vector<1x128xi32>
    %add3A_827 = arith.addi %mul3A_823, %mul3A_826 : vector<1x128xi32>
    %add3A_828 = arith.addi %add3A_827, %convert_element_type3A_58 : vector<1x128xi32>
    %eq3A_829 = vector.broadcast %add3A_819 : vector<128x1xi32> to vector<128x128xi32>
    %eq3A_830 = vector.broadcast %add3A_828 : vector<1x128xi32> to vector<128x128xi32>
    %eq3A_831 = arith.cmpi eq, %eq3A_829, %eq3A_830 : vector<128x128xi32>
    %gt3A_832 = vector.broadcast %iota3A : vector<128x1xi32> to vector<128x128xi32>
    %gt3A_833 = vector.broadcast %iota3A_0 : vector<1x128xi32> to vector<128x128xi32>
    %gt3A_834 = arith.cmpi sgt, %gt3A_832, %gt3A_833 : vector<128x128xi32>
    %and3A = arith.andi %eq3A_831, %gt3A_834 : vector<128x128xi1>
    %convert_element_type3A_835 = arith.extui %and3A : vector<128x128xi1> to vector<128x128xi32>
    %convert_element_type3A_836 = arith.sitofp %convert_element_type3A_835 : vector<128x128xi32> to vector<128x128xf32>
    %reduce_max3A_837 = arith.constant dense<0xFF800000> : vector<128xf32>
    %reduce_max3A_838 = vector.multi_reduction <maximumf>, %convert_element_type3A_836, %reduce_max3A_837 [0] : vector<128x128xf32> to vector<128xf32>
    %broadcast_in_dim3A_839 = vector.shape_cast %reduce_max3A_838 : vector<128xf32> to vector<1x128xf32>
    %gt3A_840 = arith.constant 0.000000e+00 : f32
    %gt3A_841 = vector.broadcast %gt3A_840 : f32 to vector<1x128xf32>
    %gt3A_842 = arith.cmpf ogt, %broadcast_in_dim3A_839, %gt3A_841 : vector<1x128xf32>
    %jit3A_843 = arith.constant 0.000000e+00 : f32
    %jit3A_844 = arith.constant 1.000000e+00 : f32
    %broadcast_in_dim3A_845 = vector.broadcast %jit3A_843 : f32 to vector<1x128xf32>
    %broadcast_in_dim3A_846 = vector.broadcast %jit3A_844 : f32 to vector<1x128xf32>
    %select_n3A_847 = arith.select %gt3A_842, %broadcast_in_dim3A_845, %broadcast_in_dim3A_846 : vector<1x128xi1>, vector<1x128xf32>
    %sub3A_848 = arith.subf %mul3A_10, %min3A_46 : vector<1x128xf32>
    %sub3A_849 = arith.subf %mul3A_16, %min3A_53 : vector<1x128xf32>
    %div3A_850 = arith.divf %mul3A_22, %select_n3A_348 : vector<1x128xf32>
    %div3A_851 = arith.divf %mul3A_28, %select_n3A_351 : vector<1x128xf32>
    %mul3A_852 = arith.constant 3.125000e-02 : f32
    %mul3A_853 = vector.broadcast %mul3A_852 : f32 to vector<1x128xf32>
    %mul3A_854 = arith.mulf %mul3A_491, %mul3A_853 : vector<1x128xf32>
    %mul3A_855 = arith.constant 3.125000e-02 : f32
    %mul3A_856 = vector.broadcast %mul3A_855 : f32 to vector<1x128xf32>
    %mul3A_857 = arith.mulf %mul3A_492, %mul3A_856 : vector<1x128xf32>
    %mul3A_858 = arith.mulf %mul3A_854, %mul3A_857 : vector<1x128xf32>
    %sub3A_859 = arith.constant 2.000000e+00 : f32
    %sub3A_860 = vector.broadcast %sub3A_859 : f32 to vector<1x128xf32>
    %sub3A_861 = arith.subf %sub3A_860, %mul3A_858 : vector<1x128xf32>
    %sub3A_862 = arith.subf %logistic3A_397, %sub3A_848 : vector<1x128xf32>
    %integer_pow3A = arith.mulf %sub3A_862, %sub3A_862 : vector<1x128xf32>
    %sub3A_863 = arith.subf %logistic3A_404, %sub3A_849 : vector<1x128xf32>
    %integer_pow3A_864 = arith.mulf %sub3A_863, %sub3A_863 : vector<1x128xf32>
    %add3A_865 = arith.addf %integer_pow3A, %integer_pow3A_864 : vector<1x128xf32>
    %sub3A_866 = arith.subf %exp3A, %div3A_850 : vector<1x128xf32>
    %integer_pow3A_867 = arith.mulf %sub3A_866, %sub3A_866 : vector<1x128xf32>
    %add3A_868 = arith.addf %add3A_865, %integer_pow3A_867 : vector<1x128xf32>
    %sub3A_869 = arith.subf %exp3A_419, %div3A_851 : vector<1x128xf32>
    %integer_pow3A_870 = arith.mulf %sub3A_869, %sub3A_869 : vector<1x128xf32>
    %add3A_871 = arith.addf %add3A_868, %integer_pow3A_870 : vector<1x128xf32>
    %mul3A_872 = arith.mulf %sub3A_861, %add3A_871 : vector<1x128xf32>
    %sub3A_873 = arith.subf %logistic3A_426, %broadcast_in_dim3A_547 : vector<1x128xf32>
    %integer_pow3A_874 = arith.mulf %sub3A_873, %sub3A_873 : vector<1x128xf32>
    %mul3A_875 = arith.constant 5.000000e+00 : f32
    %mul3A_876 = vector.broadcast %mul3A_875 : f32 to vector<1x128xf32>
    %mul3A_877 = arith.mulf %mul3A_876, %integer_pow3A_874 : vector<1x128xf32>
    %reduce_max3A_878 = arith.constant dense<0xFF800000> : vector<128xf32>
    %reduce_max3A_879 = vector.multi_reduction <maximumf>, %slice3A_427, %reduce_max3A_878 [0] : vector<20x128xf32> to vector<128xf32>
    %broadcast_in_dim3A_880 = vector.shape_cast %reduce_max3A_879 : vector<128xf32> to vector<1x128xf32>
    %sub3A_881 = vector.broadcast %broadcast_in_dim3A_880 : vector<1x128xf32> to vector<20x128xf32>
    %sub3A_882 = arith.subf %slice3A_427, %sub3A_881 : vector<20x128xf32>
    %exp3A_883 = math.exp %sub3A_882 : vector<20x128xf32>
    %reduce_sum3A = arith.constant dense<0.000000e+00> : vector<128xf32>
    %reduce_sum3A_884 = vector.multi_reduction <add>, %exp3A_883, %reduce_sum3A [0] : vector<20x128xf32> to vector<128xf32>
    %broadcast_in_dim3A_885 = vector.shape_cast %reduce_sum3A_884 : vector<128xf32> to vector<1x128xf32>
    %log3A = math.log %broadcast_in_dim3A_885 : vector<1x128xf32>
    %add3A_886 = arith.addf %broadcast_in_dim3A_880, %log3A : vector<1x128xf32>
    %iota3A_887 = tpu.iota {dimensions = array<i32: 0>} : vector<20x128xi32>
    %eq3A_888 = vector.broadcast %convert_element_type3A : vector<1x128xi32> to vector<20x128xi32>
    %eq3A_889 = arith.cmpi eq, %iota3A_887, %eq3A_888 : vector<20x128xi32>
    %jit3A_890 = arith.constant 0.000000e+00 : f32
    %broadcast_in_dim3A_891 = vector.broadcast %jit3A_890 : f32 to vector<20x128xf32>
    %select_n3A_892 = arith.select %eq3A_889, %slice3A_427, %broadcast_in_dim3A_891 : vector<20x128xi1>, vector<20x128xf32>
    %reduce_sum3A_893 = arith.constant dense<0.000000e+00> : vector<128xf32>
    %reduce_sum3A_894 = vector.multi_reduction <add>, %select_n3A_892, %reduce_sum3A_893 [0] : vector<20x128xf32> to vector<128xf32>
    %broadcast_in_dim3A_895 = vector.shape_cast %reduce_sum3A_894 : vector<128xf32> to vector<1x128xf32>
    %sub3A_896 = arith.subf %add3A_886, %broadcast_in_dim3A_895 : vector<1x128xf32>
    %lt3A = arith.constant 5.000000e-01 : f32
    %lt3A_897 = vector.broadcast %lt3A : f32 to vector<1x128xf32>
    %lt3A_898 = arith.cmpf olt, %broadcast_in_dim3A_547, %lt3A_897 : vector<1x128xf32>
    %mul3A_899 = arith.mulf %logistic3A_426, %logistic3A_426 : vector<1x128xf32>
    %jit3A_900 = arith.constant 0.000000e+00 : f32
    %broadcast_in_dim3A_901 = vector.broadcast %jit3A_900 : f32 to vector<1x128xf32>
    %select_n3A_902 = arith.select %lt3A_898, %mul3A_899, %broadcast_in_dim3A_901 : vector<1x128xi1>, vector<1x128xf32>
    %add3A_903 = arith.addf %mul3A_872, %mul3A_877 : vector<1x128xf32>
    %add3A_904 = arith.addf %add3A_903, %sub3A_896 : vector<1x128xf32>
    %sub3A_905 = arith.subf %add3A_904, %select_n3A_902 : vector<1x128xf32>
    %mul3A_906 = arith.mulf %select_n3A_847, %sub3A_905 : vector<1x128xf32>
    %reduce_sum3A_907 = vector.shape_cast %mul3A_906 : vector<1x128xf32> to vector<1x1x128xf32>
    %reduce_sum3A_908 = arith.constant dense<0.000000e+00> : vector<1xf32>
    %reduce_sum3A_909 = vector.multi_reduction <add>, %reduce_sum3A_907, %reduce_sum3A_908 [1, 2] : vector<1x1x128xf32> to vector<1xf32>
    %reduce_sum3A_910 = vector.shape_cast %reduce_sum3A_909 : vector<1xf32> to vector<1x1x1xf32>
    %reduce_sum3A_911 = vector.extract %reduce_sum3A_910[0, 0, 0] : f32 from vector<1x1x1xf32>
    %broadcast_in_dim3A_912 = vector.broadcast %reduce_sum3A_911 : f32 to vector<1x1xf32>
    %get3A_913 = arith.constant 0 : index
    %get3A_914 = arith.constant 0 : index
    %get3A_915 = vector.load %arg1[%get3A_913, %get3A_914] : memref<8x1024xf32, #tpu.memory_space<vmem>>, vector<8x1024xf32>
    %reduce_sum3A_916 = vector.shape_cast %get3A_915 : vector<8x1024xf32> to vector<1x8x1024xf32>
    %reduce_sum3A_917 = arith.constant dense<0.000000e+00> : vector<1xf32>
    %reduce_sum3A_918 = vector.multi_reduction <add>, %reduce_sum3A_916, %reduce_sum3A_917 [1, 2] : vector<1x8x1024xf32> to vector<1xf32>
    %reduce_sum3A_919 = vector.shape_cast %reduce_sum3A_918 : vector<1xf32> to vector<1x1x1xf32>
    %reduce_sum3A_920 = vector.extract %reduce_sum3A_919[0, 0, 0] : f32 from vector<1x1x1xf32>
    %broadcast_in_dim3A_921 = vector.broadcast %reduce_sum3A_920 : f32 to vector<1x1xf32>
    %mul3A_922 = arith.constant 1.250000e-01 : f32
    %mul3A_923 = vector.broadcast %mul3A_922 : f32 to vector<1x1xf32>
    %mul3A_924 = arith.mulf %broadcast_in_dim3A_921, %mul3A_923 : vector<1x1xf32>
    %add3A_925 = arith.addf %mul3A_924, %broadcast_in_dim3A_912 : vector<1x1xf32>
    %div3A_926 = arith.constant 1.600000e+01 : f32
    %div3A_927 = vector.broadcast %div3A_926 : f32 to vector<1x1xf32>
    %div3A_928 = arith.divf %add3A_925, %div3A_927 : vector<1x1xf32>
    %swap3A = arith.constant 0 : index
    %swap3A_929 = arith.constant 0 : index
    %swap3A_930 = vector.load %arg5[%swap3A, %swap3A_929] : memref<1x1xf32, #tpu.memory_space<vmem>>, vector<1x1xf32>
    tpu.vector_store %arg5[%swap3A, %swap3A_929], %div3A_928 {strides = array<i32>} : memref<1x1xf32, #tpu.memory_space<vmem>>, vector<1x1xf32>,
    return
  }
}

</mosaic_0001>

<sc_bundles>
// kernel: kernel.5.cloned.1.call-start
scs
__scs_entry_jumppad:
0x0: {  	(pc) =	sbr.rel $0x88, $3  }
0x1: {  	(tag) =	ssettag $0x0;
	lr =	simm.s32 $0x1  }
0x2: {  	[smem:$0x3F9E] =	sst lr;
	_ =	strace $0xD0000000  }
0x3: {  	_ = 	snop  }
0x4: {  	_ = 	snop  }
0x5: {  	_ = 	snop  }
0x6: {  	_ = 	snop  }
0x7: {  	_ = 	snop  }
__scs_overlays_trampoline_lowered:
0x8: {  	[smem:$0x3FAD] =	sst s0  }
0x9: {  	[smem:$0x3FAE] =	sst s1  }
0xa: {  	[smem:$0x3FAF] =	sst s2  }
0xb: {  	[smem:$0x3FB0] =	sst s3  }
0xc: {  	[smem:$0x3FB1] =	sst s4  }
0xd: {  	[smem:$0x3FB2] =	sst s5  }
0xe: {  	[smem:$0x3FB3] =	sst s6  }
0xf: {  	[smem:$0x3FB4] =	sst s7  }
0x10: {  	[smem:$0x3FB5] =	sst s8  }
0x11: {  	[smem:$0x3FB6] =	sst s9;
	s0 =	simm.s32 @!p0 $0x0  }
0x12: {  	s1 =	sld [smem:$0x3F9C];
	s0 =	simm.s32 @p0 $0x1  }
0x13: {  	[smem:$0x3FB7] =	sst s0;
	s0 =	simm.s32 @!p1 $0x0  }
0x14: {  	s2 =	sld [smem:$0x3F9B];
	s0 =	simm.s32 @p1 $0x1  }
0x15: {  	[smem:$0x3FB8] =	sst s0;
	s0 =	simm.s32 @!p2 $0x0  }
0x16: {  	s3 =	sld [smem:$0x3FDB];
	s0 =	simm.s32 @p2 $0x1  }
0x17: {  	s4 =	simm.s32 $0x1BF5;
	[smem:$0x3FBA] =	sst s0  }
0x18: {  	s0 =	sld [smem:$0x3F9D];
	_ =	swait.ge [sflag:s4], $0x0  }
0x19: {  	s7 =	sld [smem:$0x3F9E]  }
0x1a: {  	s8 =	sadd.s32 $0xFFFFE003, lr  }
0x1b: {  	s9 =	sadd.s32 $0xFFFFFEF7, lr;
	s5 =	simm.s32 $0xFFFFFFFF;
	p2 =	slt.u32 s8, $0xFFFFF086  }
0x1c: {  	p1 =	slt.u32 s9, $0xF7A;
	s5 =	simm.s32 @!p2 $0x0  }
0x1d: {  	s5 =	simm.s32 @p1 $0x1;
	p0 =	seq.s32 s7, s2  }
0x1e: {  	s7 =	smul.u32 @!p0 $0xF7A, s2;
	p2 =	seq.s32 @!p0 s5, $0x0  }
0x1f: {  	s9 =	smul.u32 $0xF7A, s1;
	s8 =	simm.s32 @!p0 $0x1BF5;
	p2 =	por !p2, p0  }
0x20: {  	[sflag:s8] =	ssyncset.s32 @!p0 $0xFFFFF086;
	s6 =	sadd.s32 @!p0 s3, s7;
	s7 =	simm.s32 @!p0 $0x108  }
0x21: {  	s3 =	sadd.s32 s3, s9;
	s6 =	sadd.s32 @!p0 $0x88, s6;
	s7 =	simm.s32 @p2 $0x1082  }
0x22: {  	[simem:s7], [sflag:s8] =	dma.local @!p0 [hbm:s6], $0xF7A  }
0x23: {  	s9 =	sor.u32 $0xD0000000, s2;
	s6 =	simm.s32 $0x108;
	_ =	swait.ge @!p0 [sflag:s8], $0x0  }
0x24: {  	s3 =	sadd.s32 $0x88, s3;
	s6 =	simm.s32 @!p1 $0x1082;
	[sflag:s4] =	ssyncset.s32 $0xFFFFF086  }
0x25: {  	[simem:s6], [sflag:s4] =	dma.local [hbm:s3], $0xF7A  }
0x26: {  	[smem:$0x3F9E] =	sst s1;
	(tag) =	ssettag s2;
	_ =	strace s9  }
0x27: {  	s1 =	sld [smem:$0x3FAE]  }
0x28: {  	s2 =	sld [smem:$0x3FAF]  }
0x29: {  	s4 =	sld [smem:$0x3FB1]  }
0x2a: {  	p0 =	seq.s32 s5, $0x0;
	s5 =	sld [smem:$0x3FB2]  }
0x2b: {  	s6 =	sld [smem:$0x3FB3]  }
0x2c: {  	s7 =	sld [smem:$0x3FB4]  }
0x2d: {  	s3 =	simm.s32 $0x108;
	s8 =	sld [smem:$0x3FB5]  }
0x2e: {  	s3 =	simm.s32 @!p0 $0x1082;
	s9 =	sld [smem:$0x3FB6]  }
0x2f: {  	lr =	sadd.s32 s0, s3;
	s0 =	sld [smem:$0x3FAD]  }
0x30: {  	s3 =	sld [smem:$0x3FB0]  }
0x31: {  	[smem:$0x3FB9] =	sst s10  }
0x32: {  	s10 =	sld [smem:$0x3FB7];
	_ =	sdelay $0x3  }
0x33: {  	p0 =	seq.s32 s10, $0x1;
	s10 =	sld [smem:$0x3FB9];
	_ =	sdelay $0x3  }
0x34: {  	[smem:$0x3FB9] =	sst s10  }
0x35: {  	s10 =	sld [smem:$0x3FB8];
	_ =	sdelay $0x3  }
0x36: {  	p1 =	seq.s32 s10, $0x1;
	s10 =	sld [smem:$0x3FB9];
	_ =	sdelay $0x3  }
0x37: {  	[smem:$0x3FB9] =	sst s10  }
0x38: {  	s10 =	sld [smem:$0x3FBA]  }
0x39: {  	_ = 	snop;
	(pc) =	sbr.ind lr, $3  }
0x3a: {  	_ = 	snop  }
0x3b: {  	_ = 	snop  }
0x3c: {  	p2 =	seq.s32 s10, $0x1;
	s10 =	sld [smem:$0x3FB9]  }
0x3d: {  	_ =	shalt  }
0x3e: {  	_ =	shalt  }
0x3f: {  	_ =	shalt  }
0x40: {  	_ =	shalt  }
0x41: {  	_ =	shalt  }
0x42: {  	_ =	shalt  }
0x43: {  	_ =	shalt  }
0x44: {  	_ =	shalt  }
0x45: {  	_ =	shalt  }
0x46: {  	_ =	shalt  }
0x47: {  	_ =	shalt  }
0x48: {  	_ =	shalt  }
0x49: {  	_ =	shalt  }
0x4a: {  	_ =	shalt  }
0x4b: {  	_ =	shalt  }
0x4c: {  	_ =	shalt  }
0x4d: {  	_ =	shalt  }
0x4e: {  	_ =	shalt  }
0x4f: {  	_ =	shalt  }
0x50: {  	_ =	shalt  }
0x51: {  	_ =	shalt  }
0x52: {  	_ =	shalt  }
0x53: {  	_ =	shalt  }
0x54: {  	_ =	shalt  }
0x55: {  	_ =	shalt  }
0x56: {  	_ =	shalt  }
0x57: {  	_ =	shalt  }
0x58: {  	_ =	shalt  }
0x59: {  	_ =	shalt  }
0x5a: {  	_ =	shalt  }
0x5b: {  	_ =	shalt  }
0x5c: {  	_ =	shalt  }
0x5d: {  	_ =	shalt  }
0x5e: {  	_ =	shalt  }
0x5f: {  	_ =	shalt  }
0x60: {  	_ =	shalt  }
0x61: {  	_ =	shalt  }
0x62: {  	_ =	shalt  }
0x63: {  	_ =	shalt  }
0x64: {  	_ =	shalt  }
0x65: {  	_ =	shalt  }
0x66: {  	_ =	shalt  }
0x67: {  	_ =	shalt  }
0x68: {  	_ =	shalt  }
0x69: {  	_ =	shalt  }
0x6a: {  	_ =	shalt  }
0x6b: {  	_ =	shalt  }
0x6c: {  	_ =	shalt  }
0x6d: {  	_ =	shalt  }
0x6e: {  	_ =	shalt  }
0x6f: {  	_ =	shalt  }
0x70: {  	_ =	shalt  }
0x71: {  	_ =	shalt  }
0x72: {  	_ =	shalt  }
0x73: {  	_ =	shalt  }
0x74: {  	_ =	shalt  }
0x75: {  	_ =	shalt  }
0x76: {  	_ =	shalt  }
0x77: {  	_ =	shalt  }
0x78: {  	_ =	shalt  }
0x79: {  	_ =	shalt  }
0x7a: {  	_ =	shalt  }
0x7b: {  	_ =	shalt  }
0x7c: {  	_ =	shalt  }
0x7d: {  	_ =	shalt  }
0x7e: {  	_ =	shalt  }
0x7f: {  	_ =	shalt  }
0x80: {  	_ =	shalt  }
0x81: {  	_ =	shalt  }
0x82: {  	_ =	shalt  }
0x83: {  	_ =	shalt  }
0x84: {  	_ =	shalt  }
0x85: {  	_ =	shalt  }
0x86: {  	_ =	shalt  }
0x87: {  	_ =	shalt  }
.Lfunc_end0:
.L_simem_size_0:
called_computation_lowered:
.L_overlay_start_0:
0x88: {  	s2 =	sld [smem:$0x3FD9]  }
0x89: {  	s3 =	sld [smem:$0x3FFE];
	_ =	sdelay $0x1  }
0x8a: {  	s1 =	srdreg.scid  }
0x8b: {  	s0 =	sand.u32 $0x1, s1  }
0x8c: {  	s16 =	sshll.u32 s0, $0xA;
	s2 =	sadd.s32 s3, s2  }
0x8d: {  	s2 =	sadd.s32 s2, s16  }
0x8e: {  	[smem:$0x3FC5] =	sst s2  }
0x8f: {  	_ = 	snop  }
0x90: {  	(tm) =	ssettm $0x1  }
0x91: {  	s17 =	sld [smem:$0x3FFB];
	_ =	sdelay $0x3  }
0x92: {  	_ =	strace s17  }
0x93: {  	s2 =	sld [smem:$0x3FFC];
	_ =	sdelay $0x3  }
0x94: {  	_ =	strace s2  }
0x95: {  	s2 =	sld [smem:$0x3FFD];
	_ =	sdelay $0x3  }
0x96: {  	_ =	strace s2  }
0x97: {  	_ =	strace $0x8FFFFFFF  }
0x98: {  	s18 =	sld [smem:$0x3FDB];
	_ =	sdelay $0x1  }
0x99: {  	s19 =	simm.s32 $_scs_section_size  }
0x9a: {  	s4 =	simm.s32 $_size__tile_overlayer_lowered;
	s5 =	simm.s32 $_tile_overlayer_lowered  }
0x9b: {  	s22 =	simm.s32 $0x1BFF;
	s21 =	sshll.u32 s5, $0x1;
	s2 =	sadd.s32 s19, s18  }
0x9c: {  	s6 =	simm.s32 $0x0;
	s20 =	sshll.u32 s4, $0x1;
	s4 =	sadd.s32 s21, s2  }
0x9d: {  	[timem:s6], [sflag:s22] =	dma.local [hbm:s4], s20  }
0x9e: {  	_ =	swait.ge [sflag:s22], s20  }
0x9f: {  	s3 =	ssub.s32 $0x0, s20;
	[sflag:s22] =	ssyncset.done $0x0  }
0xa0: {  	[sflag:s22] =	ssyncadd.s32 s3;
	_ =	sdelay $0x1  }
0xa1: {  	s23 =	simm.s32 $0x1B8B  }
0xa2: {  	_ =	swait.ge [sflag:s23], $0x1  }
0xa3: {  	[sflag:s23] =	ssyncset.done $0x0  }
0xa4: {  	s25 =	simm.s32 $0x1B8E;
	s24 =	sld [smem:$0x3FFE];
	[sflag:s23] =	ssyncadd.s32 $0xFFFFFFFF  }
0xa5: {  	s26 =	simm.s32 $execute0_lowered;
	[smem:$0x3FD2] =	sst s25  }
0xa6: {  	s4 =	sshll.u32 s26, $0x1;
	_ =	strace $0x80000046;
	[dreg:$0x1] =	wrdreg $0xFFFFFFFF  }
0xa7: {  	s28 =	simm.s32 $_size_execute0_lowered;
	s2 =	sadd.s32 s2, s4;
	[dreg:$0x0] =	wrdreg $0x0  }
0xa8: {  	s4 =	sshll.u32 s28, $0x1;
	[dreg:$0x2] =	wrdreg s2  }
0xa9: {  	[dreg:$0x3] =	wrdreg s4  }
0xaa: {  	[dreg:$0x4] =	wrdreg $0xC0  }
0xab: {  	_ =	task [dreg:s6], $0x5FFFF  }
0xac: {  	[dreg:$0x1] =	wrdreg $0xFFFFFFFF  }
0xad: {  	[dreg:$0x0] =	wrdreg $0x60  }
0xae: {  	[dreg:$0x2] =	wrdreg s24  }
0xaf: {  	[dreg:$0x3] =	wrdreg $0x9  }
0xb0: {  	_ =	task.clear_ibuf [dreg:s6], $0x4FFFF;
	_ =	strace $0x90000046  }
0xb1: {  	s29 =	simm.s32 $0x9;
	_ =	strace $0x80000048  }
0xb2: {  	_ =	swait.ge [sflag:s29], $0x1  }
0xb3: {  	[sflag:s29] =	ssyncadd.s32 $0xFFFFFFFF  }
0xb4: {  	_ =	strace $0x90000048  }
0xb5: {  	_ =	sfence  }
0xb6: {  	s30 =	sld [smem:$0x0];
	_ =	sdelay $0x2  }
0xb7: {  	s31 =	sshll.u32 s1, $0xD;
	s1 =	sshrl.u32 s1, $0x2  }
0xb8: {  	s3 =	sand.u32 $0x4000, s31;
	s1 =	sadd.s32 s1, s30  }
0xb9: {  	s0 =	sor.u32 s3, s0;
	s1 =	sshll.u32 s1, $0x11  }
0xba: {  	s0 =	sor.u32 s1, s0  }
0xbb: {  	s0 =	sadd.s32 $0x8F2B, s0  }
0xbc: {  	[sflag:s0] =	ssyncadd.remote.s32 $0x1  }
0xbd: {  	_ =	sfence.sel $0xFFFF  }
0xbe: {  	[dreg:$0x0] =	wrdreg $0xFFFFFFFF;
	(pc) =	sbr.abs _section_cstart, $3  }
0xbf: {  	[dreg:$0x1] =	wrdreg $0xFFFFFFFF  }
0xc0: {  	_ =	task.clear_ibuf [dreg:s6], $0x2FFFF;
	_ =	strace $0x9FFFFFFF  }
0xc1: {  	(tm) =	ssettm $0x7FFFFFFF  }
tec
execute0_lowered:
.L_overlay_start_1:
0x0: {  	(tag) =	ssettag $0x1  }
0x1: {  	s1 =	stileid.u32  }
0x2: {  	p0 =	sgt.u32 s1, $0x3  }
.Ltmp0:
0x3: {  	_ = 	snop;
	(pc) =	sbr.rel @p0 .LBB2_3-.Ltmp0, $4  }
0x4: {  	_ = 	snop  }
0x5: {  	s2 =	simm.s32 $0x0  }
0x6: {  	[smem:$0x7FF] =	sst s2  }
0x7: {  	s0 =	rddreg [dreg:$0x0];
	_ =	strace $0x80000047  }
0x8: {  	s3 =	srdreg.scid;
	s1 =	stileid.u32;
	s5 =	sadd.s32 $0x3F800, s0  }
0x9: {  	s7 =	sadd.s32 $0x3F400, s0;
	s26 =	simm.s32 $0x400;
	s8 =	simm.s32 $0xD00  }
0xa: {  	s9 =	simm.s32 $0xD80;
	s10 =	simm.s32 $0xE00;
	s11 =	simm.s32 $0xE80  }
0xb: {  	s12 =	simm.s32 $0xF00;
	s13 =	simm.s32 $0xF80;
	s14 =	simm.s32 $0x1000  }
0xc: {  	s15 =	simm.s32 $0x1080;
	s16 =	simm.s32 $0x1100;
	s17 =	simm.s32 $0x1180  }
0xd: {  	s18 =	simm.s32 $0x1200;
	s19 =	simm.s32 $0x1280;
	s28 =	simm.s32 $0x1680  }
0xe: {  	s29 =	simm.s32 $0x1700;
	s30 =	simm.s32 $0x1780;
	s31 =	simm.s32 $0x1800  }
0xf: {  	s3 =	sand.u32 $0x1, s3;
	s4 =	sshll.u32 s1, $0x1;
	[dreg:$0x2] =	wrdreg s5  }
0x10: {  	[dreg:$0x5] =	wrdreg s26;
	s26 =	simm.s32 $0x1600;
	s4 =	sor.u32 s3, s4  }
0x11: {  	s21 =	ssub.s32 $0x2, s3;
	s3 =	sadd.s32 $0xC00, s0;
	s6 =	sshll.u32 s4, $0x9  }
0x12: {  	s22 =	sshll.u32 s4, $0x7;
	s23 =	sshrl.u32 s21, $0x1;
	s20 =	sadd.s32 s6, s0  }
0x13: {  	s24 =	sadd.s32 s7, s22;
	s25 =	ssub.s32 s21, s23;
	s6 =	simm.s32 $0xC00  }
0x14: {  	s21 =	simm.s32 $0x1380;
	s22 =	simm.s32 $0x1400;
	s23 =	simm.s32 $0x1480  }
0x15: {  	s0 =	simm.s32 $0x1;
	s5 =	sadd.s32 $0x3FA00, s20;
	[dreg:$0x4] =	wrdreg s24  }
0x16: {  	s4 =	smax.u32 s25, $0x1;
	s20 =	simm.s32 $0x1300;
	s24 =	simm.s32 $0x1500  }
0x17: {  	v0 =	vimm.f32 $0.0e+00;
	v1 =	vimm.s32 $0x0;
	vm0 =	vmmov $0xffff;
	s25 =	simm.s32 $0x1580;
	[dreg:$0x3] =	wrdreg s5;
	s5 =	simm.s32 $0x2  }
.LBB2_2:
0x18: {  	s1 =	rddreg [dreg:$0x4]  }
0x19: {  	[tilespmem:s2], [sflag:$0x2] =	stream.linear.gather [hbm4b:s1+s2], $0x300, $0x38;
	[tilespmem:$0x1C00] =	vst v63  }
0x1a: {  	_ =	swait.ge [sflag:s5], $0x300  }
0x1b: {  	s1 =	rddreg [dreg:$0x2];
	[sflag:s5] =	ssyncset.done $0x0  }
0x1c: {  	s7 =	rddreg [dreg:$0x5];
	[sflag:s5] =	ssyncadd.s32 $0xFFFFFD00  }
0x1d: {  	[tilespmem:s7], [sflag:$0x2] =	stream.linear.gather [hbm4b:s1+s2], $0x500, $0x38;
	[tilespmem:$0x1C00] =	vst v63  }
0x1e: {  	_ =	swait.ge [sflag:s5], $0x500  }
0x1f: {  	[sflag:s5] =	ssyncset.done $0x0  }
0x20: {  	[sflag:s5] =	ssyncadd.s32 $0xFFFFFB00  }
0x21: {  	v2 =	vld [tilespmem:$0x100]  }
0x22: {  	v3 =	vld [tilespmem:$0x180]  }
0x23: {  	v4 =	vld [tilespmem:$0x200];
	_ =	sdelay $0x2  }
0x24: {  	v6 =	vmul.f32 $3.200000000e+01, v2;
	v2 =	vld [tilespmem:$0x280]  }
0x25: {  	v8 =	vmul.f32 $3.200000000e+01, v3  }
0x26: {  	v9 =	vmul.f32 $3.200000000e+01, v4;
	v3 =	vtrunc.f32 v6  }
0x27: {  	v5 =	vtrunc.f32 v8;
	v31 =	vcvt.f32.s32 v3;
	v3 =	vld [tilespmem:$0x400]  }
0x28: {  	v7 =	vmul.f32 $5.000000000e-01, v9;
	v10 =	vcvt.f32.s32 v5;
	v5 =	vld [tilespmem:$0x480]  }
0x29: {  	vm1 =	vgt.s32 v31, $0x0;
	v11 =	vmul.f32 $3.200000000e+01, v2  }
0x2a: {  	v15 =	vsub.f32 v6, v7;
	v17 =	vadd.f32 v7, v6;
	v6 =	vld [tilespmem:$0x500];
	v4 =	vnsel vm1, $0x0, v31  }
0x2b: {  	v7 =	vld [tilespmem:$0x580];
	vm1 =	vgt.s32 v10, $0x0;
	v14 =	vmin.u32 v4, $0x1F;
	v12 =	vmul.f32 $5.000000000e-01, v11  }
0x2c: {  	v33 =	vnsel vm1, $0x0, v10;
	v21 =	vmul.f32 v11, v9;
	v2 =	vcvt.s32.f32 v14  }
0x2d: {  	v32 =	vmul.f32 $5.000000000e-01, v3;
	v16 =	vmin.u32 v33, $0x1F;
	v19 =	vmul.f32 $5.000000000e-01, v5  }
0x2e: {  	v22 =	vmul.f32 v5, v3;
	v18 =	vsub.f32 v8, v12;
	v4 =	vcvt.s32.f32 v16  }
0x2f: {  	v20 =	vadd.f32 v12, v8;
	v37 =	vmul.f32 $5.000000000e-01, v6;
	v34 =	vadd.f32 v2, v32  }
0x30: {  	v40 =	vmul.f32 $5.000000000e-01, v7;
	v13 =	vsub.f32 v2, v32;
	v44 =	vadd.f32 v22, v21  }
0x31: {  	v36 =	vadd.f32 v4, v19;
	v39 =	vsub.f32 v4, v19  }
0x32: {  	v41 =	vadd.f32 v2, v37;
	v42 =	vadd.f32 v4, v40  }
0x33: {  	v12 =	vsub.f32 v4, v40;
	v10 =	vmin.f32 v34, v17;
	v13 =	vmax.f32 v13, v15  }
0x34: {  	v35 =	vsub.f32 v10, v13;
	v9 =	vmin.f32 v36, v20;
	v8 =	vmax.f32 v39, v18  }
0x35: {  	v10 =	vsub.f32 v2, v37;
	v9 =	vsub.f32 v9, v8  }
0x36: {  	v13 =	vmin.f32 v41, v17;
	v19 =	vmin.f32 v42, v20;
	v12 =	vmax.f32 v12, v18;
	v8 =	vld [tilespmem:$0x600]  }
0x37: {  	v38 =	vmax.f32 v35, $0.0e+00;
	v10 =	vmax.f32 v10, v15;
	v23 =	vmax.f32 v9, $0.0e+00;
	v9 =	vld [tilespmem:$0x680]  }
0x38: {  	v12 =	vsub.f32 v19, v12;
	v10 =	vsub.f32 v13, v10;
	v43 =	vmul.f32 v23, v38  }
0x39: {  	v45 =	vmul.f32 v7, v6  }
0x3a: {  	v12 =	vmax.f32 v12, $0.0e+00;
	v10 =	vmax.f32 v10, $0.0e+00;
	v11 =	vsub.f32 v44, v43  }
0x3b: {  	v47 =	vadd.f32 v45, v21;
	v46 =	vmul.f32 v12, v10;
	v48 =	vmul.f32 $5.000000000e-01, v8  }
0x3c: {  	v10 =	vld [tilespmem:$0x700];
	v49 =	vadd.f32 $9.999999710e-10, v11;
	v24 =	vmul.f32 $5.000000000e-01, v9  }
0x3d: {  	v12 =	vsub.f32 v47, v46;
	v25 =	vadd.f32 v2, v48  }
0x3e: {  	v13 =	vsub.f32 v2, v48;
	v11 =	vld [tilespmem:$0x780];
	v30 =	vmul.f32 v9, v8;
	v26 =	vadd.f32 v4, v24  }
0x3f: {  	v24 =	vsub.f32 v4, v24;
	v27 =	vadd.f32 $9.999999710e-10, v12;
	v25 =	vmin.f32 v25, v17  }
0x40: {  	v13 =	vmax.f32 v13, v15;
	(erf) = vrcp.f32 v49;
	v60 =	vadd.f32 v30, v21  }
0x41: {  	v12 =	vld [tilespmem:$0x800];
	v28 =	vmul.f32 $5.000000000e-01, v10;
	v26 =	vmin.f32 v26, v20;
	v24 =	vmax.f32 v24, v18  }
0x42: {  	v50 =	vsub.f32 v25, v13;
	v13 =	vld [tilespmem:$0x880];
	(erf) = vrcp.f32 v27;
	v24 =	vsub.f32 v26, v24  }
0x43: {  	v51 =	vadd.f32 v2, v28;
	v52 =	vmul.f32 $5.000000000e-01, v11;
	v53 =	vsub.f32 v2, v28  }
0x44: {  	v23 =	vmax.f32 v50, $0.0e+00;
	v61 =	vmul.f32 v11, v10;
	v24 =	vmax.f32 v24, $0.0e+00  }
0x45: {  	v54 =	vmin.f32 v51, v17;
	v55 =	vadd.f32 v4, v52;
	v27 =	vmax.f32 v53, v15  }
0x46: {  	v26 =	vsub.f32 v4, v52;
	v56 =	vmul.f32 $5.000000000e-01, v12;
	v23 =	vmul.f32 v24, v23  }
0x47: {  	v24 =	vsub.f32 v54, v27;
	v57 =	vmul.f32 $5.000000000e-01, v13;
	v62 =	vmul.f32 v13, v12  }
0x48: {  	v25 =	vmin.f32 v55, v20;
	v29 =	vadd.f32 v2, v56;
	v28 =	vsub.f32 v2, v56  }
0x49: {  	v26 =	vmax.f32 v26, v18;
	v58 =	vadd.f32 v4, v57;
	v27 =	vsub.f32 v4, v57  }
0x4a: {  	v25 =	vsub.f32 v25, v26;
	v24 =	vmax.f32 v24, $0.0e+00;
	v17 =	vmin.f32 v29, v17  }
0x4b: {  	v15 =	vmax.f32 v28, v15;
	v59 =	vmin.f32 v58, v20;
	v18 =	vmax.f32 v27, v18  }
0x4c: {  	v15 =	vsub.f32 v17, v15;
	v25 =	vmax.f32 v25, $0.0e+00;
	v17 =	vsub.f32 v59, v18  }
0x4d: {  	v63 =	vadd.f32 v61, v21;
	v20 =	vsub.f32 v60, v23;
	v24 =	vmul.f32 v25, v24  }
0x4e: {  	v18 =	vadd.f32 v62, v21;
	v15 =	vmax.f32 v15, $0.0e+00;
	v17 =	vmax.f32 v17, $0.0e+00  }
0x4f: {  	v27 =	vadd.f32 $9.999999710e-10, v20;
	v28 =	vsub.f32 v63, v24;
	v15 =	vmul.f32 v17, v15;
	_ =	sdelay $0x1  }
0x50: {  	(erf) = vrcp.f32 v27;
	v29 =	vadd.f32 $9.999999710e-10, v28;
	v18 =	vsub.f32 v18, v15;
	_ =	sdelay $0x1  }
0x51: {  	(erf) = vrcp.f32 v29;
	v30 =	vadd.f32 $9.999999710e-10, v18;
	_ =	sdelay $0x1  }
0x52: {  	(erf) = vrcp.f32 v30  }
0x53: {  	v31 =	vpop (erf)  }
0x54: {  	v17 =	vmul.f32 v31, v43  }
0x55: {  	v32 =	vpop (erf)  }
0x56: {  	vm1 =	vgt.f32 v17, $-1.000000000e+00;
	v18 =	vmul.f32 v32, v46  }
0x57: {  	v17 =	vnsel vm1, $0xBF800000, v17;
	v33 =	vpop (erf)  }
0x58: {  	v34 =	vld [tilespmem:$0x0];
	vm2 =	vgt.f32 v18, v17;
	v19 =	vmul.f32 v33, v23  }
0x59: {  	v17 =	vsel vm2, v18, v17;
	v35 =	vpop (erf)  }
0x5a: {  	vm3 =	vgt.f32 v19, v17;
	v36 =	vmul.f32 v35, v24  }
0x5b: {  	v17 =	vsel vm3, v19, v17;
	v37 =	vpop (erf)  }
0x5c: {  	v38 =	vsel vm2, $0x1, v1;
	vm4 =	vgt.f32 v36, v17;
	v15 =	vmul.f32 v37, v15  }
0x5d: {  	v40 =	vtrunc.f32 v34;
	v39 =	vsel vm3, $0x2, v38;
	v17 =	vsel vm4, v36, v17  }
0x5e: {  	v41 =	vcvt.f32.s32 v40;
	v18 =	vsel vm4, $0x3, v39;
	vm5 =	vgt.f32 v15, v17  }
0x5f: {  	v15 =	vsel vm5, $0x4, v18  }
0x60: {  	v17 =	vmul.u32 $0x1F400, v41;
	v18 =	vmul.u32 $0x6400, v15;
	_ =	sdelay $0x1  }
0x61: {  	v16 =	vshll.u32 v16, $0x5;
	v17 =	vadd.s32 v17, v18  }
0x62: {  	v16 =	vor.u32 v16, v17  }
0x63: {  	v14 =	vor.u32 v14, v16;
	_ =	sdelay $0x1  }
0x64: {  	v16 =	vadd.s32 $0x400, v14;
	_ =	sdelay $0x1  }
0x65: {  	v42 =	vadd.s32 $0x800, v14  }
0x66: {  	[tilespmem:s6], [sflag:$0x1] =	stream.indirect_vreg.gather [hbm4b:s3+s2], $0x1, v14, vm0, $0xb8;
	[tilespmem:$0x1C00] =	vst v63  }
0x67: {  	s7 =	simm.s32 $0xC80;
	v43 =	vadd.s32 $0xC00, v14  }
0x68: {  	[tilespmem:s7], [sflag:$0x1] =	stream.indirect_vreg.gather [hbm4b:s3+s2], $0x1, v16, vm0, $0xb8;
	[tilespmem:$0x1C00] =	vst v63  }
0x69: {  	v44 =	vadd.s32 $0x1000, v14  }
0x6a: {  	[tilespmem:s8], [sflag:$0x1] =	stream.indirect_vreg.gather [hbm4b:s3+s2], $0x1, v42, vm0, $0xb8;
	[tilespmem:$0x1C00] =	vst v63  }
0x6b: {  	v45 =	vadd.s32 $0x1400, v14  }
0x6c: {  	[tilespmem:s9], [sflag:$0x1] =	stream.indirect_vreg.gather [hbm4b:s3+s2], $0x1, v43, vm0, $0xb8;
	[tilespmem:$0x1C00] =	vst v63  }
0x6d: {  	v46 =	vadd.s32 $0x1800, v14  }
0x6e: {  	[tilespmem:s10], [sflag:$0x1] =	stream.indirect_vreg.gather [hbm4b:s3+s2], $0x1, v44, vm0, $0xb8;
	[tilespmem:$0x1C00] =	vst v63  }
0x6f: {  	v47 =	vadd.s32 $0x1C00, v14  }
0x70: {  	[tilespmem:s11], [sflag:$0x1] =	stream.indirect_vreg.gather [hbm4b:s3+s2], $0x1, v45, vm0, $0xb8;
	[tilespmem:$0x1C00] =	vst v63  }
0x71: {  	v48 =	vadd.s32 $0x2000, v14  }
0x72: {  	[tilespmem:s12], [sflag:$0x1] =	stream.indirect_vreg.gather [hbm4b:s3+s2], $0x1, v46, vm0, $0xb8;
	[tilespmem:$0x1C00] =	vst v63  }
0x73: {  	v49 =	vadd.s32 $0x2400, v14  }
0x74: {  	[tilespmem:s13], [sflag:$0x1] =	stream.indirect_vreg.gather [hbm4b:s3+s2], $0x1, v47, vm0, $0xb8;
	[tilespmem:$0x1C00] =	vst v63  }
0x75: {  	v50 =	vadd.s32 $0x2800, v14  }
0x76: {  	[tilespmem:s14], [sflag:$0x1] =	stream.indirect_vreg.gather [hbm4b:s3+s2], $0x1, v48, vm0, $0xb8;
	[tilespmem:$0x1C00] =	vst v63  }
0x77: {  	v51 =	vadd.s32 $0x2C00, v14  }
0x78: {  	[tilespmem:s15], [sflag:$0x1] =	stream.indirect_vreg.gather [hbm4b:s3+s2], $0x1, v49, vm0, $0xb8;
	[tilespmem:$0x1C00] =	vst v63  }
0x79: {  	v52 =	vadd.s32 $0x3000, v14  }
0x7a: {  	[tilespmem:s16], [sflag:$0x1] =	stream.indirect_vreg.gather [hbm4b:s3+s2], $0x1, v50, vm0, $0xb8;
	[tilespmem:$0x1C00] =	vst v63  }
0x7b: {  	v53 =	vadd.s32 $0x3400, v14  }
0x7c: {  	[tilespmem:s17], [sflag:$0x1] =	stream.indirect_vreg.gather [hbm4b:s3+s2], $0x1, v51, vm0, $0xb8;
	[tilespmem:$0x1C00] =	vst v63  }
0x7d: {  	v54 =	vadd.s32 $0x3800, v14  }
0x7e: {  	[tilespmem:s18], [sflag:$0x1] =	stream.indirect_vreg.gather [hbm4b:s3+s2], $0x1, v52, vm0, $0xb8;
	[tilespmem:$0x1C00] =	vst v63  }
0x7f: {  	v55 =	vadd.s32 $0x3C00, v14  }
0x80: {  	[tilespmem:s19], [sflag:$0x1] =	stream.indirect_vreg.gather [hbm4b:s3+s2], $0x1, v53, vm0, $0xb8;
	[tilespmem:$0x1C00] =	vst v63  }
0x81: {  	v56 =	vadd.s32 $0x4000, v14  }
0x82: {  	[tilespmem:s20], [sflag:$0x1] =	stream.indirect_vreg.gather [hbm4b:s3+s2], $0x1, v54, vm0, $0xb8;
	[tilespmem:$0x1C00] =	vst v63  }
0x83: {  	v57 =	vadd.s32 $0x4400, v14  }
0x84: {  	[tilespmem:s21], [sflag:$0x1] =	stream.indirect_vreg.gather [hbm4b:s3+s2], $0x1, v55, vm0, $0xb8;
	[tilespmem:$0x1C00] =	vst v63  }
0x85: {  	v58 =	vadd.s32 $0x4800, v14  }
0x86: {  	[tilespmem:s22], [sflag:$0x1] =	stream.indirect_vreg.gather [hbm4b:s3+s2], $0x1, v56, vm0, $0xb8;
	[tilespmem:$0x1C00] =	vst v63  }
0x87: {  	v59 =	vadd.s32 $0x4C00, v14  }
0x88: {  	[tilespmem:s23], [sflag:$0x1] =	stream.indirect_vreg.gather [hbm4b:s3+s2], $0x1, v57, vm0, $0xb8;
	[tilespmem:$0x1C00] =	vst v63  }
0x89: {  	v60 =	vadd.s32 $0x5000, v14  }
0x8a: {  	[tilespmem:s24], [sflag:$0x1] =	stream.indirect_vreg.gather [hbm4b:s3+s2], $0x1, v58, vm0, $0xb8;
	[tilespmem:$0x1C00] =	vst v63  }
0x8b: {  	v61 =	vadd.s32 $0x5400, v14  }
0x8c: {  	[tilespmem:s25], [sflag:$0x1] =	stream.indirect_vreg.gather [hbm4b:s3+s2], $0x1, v59, vm0, $0xb8;
	[tilespmem:$0x1C00] =	vst v63  }
0x8d: {  	v62 =	vadd.s32 $0x5800, v14  }
0x8e: {  	[tilespmem:s26], [sflag:$0x1] =	stream.indirect_vreg.gather [hbm4b:s3+s2], $0x1, v60, vm0, $0xb8;
	[tilespmem:$0x1C00] =	vst v63  }
0x8f: {  	v63 =	vadd.s32 $0x5C00, v14  }
0x90: {  	[tilespmem:s28], [sflag:$0x1] =	stream.indirect_vreg.gather [hbm4b:s3+s2], $0x1, v61, vm0, $0xb8;
	[tilespmem:$0x1C00] =	vst v63  }
0x91: {  	v14 =	vadd.s32 $0x6000, v14  }
0x92: {  	[tilespmem:s29], [sflag:$0x1] =	stream.indirect_vreg.gather [hbm4b:s3+s2], $0x1, v62, vm0, $0xb8;
	[tilespmem:$0x1C00] =	vst v63  }
0x93: {  	_ = 	snop  }
0x94: {  	[tilespmem:s30], [sflag:$0x1] =	stream.indirect_vreg.gather [hbm4b:s3+s2], $0x1, v63, vm0, $0xb8;
	[tilespmem:$0x1C00] =	vst v63  }
0x95: {  	_ = 	snop  }
0x96: {  	[tilespmem:s31], [sflag:$0x1] =	stream.indirect_vreg.gather [hbm4b:s3+s2], $0x1, v14, vm0, $0xb8;
	[tilespmem:$0x1C00] =	vst v63  }
0x97: {  	_ =	swait.ge [sflag:s0], $0x10  }
0x98: {  	[sflag:s0] =	ssyncset.done $0x0  }
0x99: {  	[sflag:s0] =	ssyncadd.s32 $0xFFFFFFF0  }
0x9a: {  	_ =	swait.ge [sflag:s0], $0x10  }
0x9b: {  	[sflag:s0] =	ssyncset.done $0x0  }
0x9c: {  	[sflag:s0] =	ssyncadd.s32 $0xFFFFFFF0  }
0x9d: {  	_ =	swait.ge [sflag:s0], $0x10  }
0x9e: {  	[sflag:s0] =	ssyncset.done $0x0  }
0x9f: {  	[sflag:s0] =	ssyncadd.s32 $0xFFFFFFF0  }
0xa0: {  	_ =	swait.ge [sflag:s0], $0x10  }
0xa1: {  	[sflag:s0] =	ssyncset.done $0x0  }
0xa2: {  	[sflag:s0] =	ssyncadd.s32 $0xFFFFFFF0  }
0xa3: {  	_ =	swait.ge [sflag:s0], $0x10  }
0xa4: {  	[sflag:s0] =	ssyncset.done $0x0  }
0xa5: {  	[sflag:s0] =	ssyncadd.s32 $0xFFFFFFF0  }
0xa6: {  	_ =	swait.ge [sflag:s0], $0x10  }
0xa7: {  	[sflag:s0] =	ssyncset.done $0x0  }
0xa8: {  	[sflag:s0] =	ssyncadd.s32 $0xFFFFFFF0  }
0xa9: {  	_ =	swait.ge [sflag:s0], $0x10  }
0xaa: {  	[sflag:s0] =	ssyncset.done $0x0  }
0xab: {  	[sflag:s0] =	ssyncadd.s32 $0xFFFFFFF0  }
0xac: {  	_ =	swait.ge [sflag:s0], $0x10  }
0xad: {  	[sflag:s0] =	ssyncset.done $0x0  }
0xae: {  	[sflag:s0] =	ssyncadd.s32 $0xFFFFFFF0  }
0xaf: {  	_ =	swait.ge [sflag:s0], $0x10  }
0xb0: {  	[sflag:s0] =	ssyncset.done $0x0  }
0xb1: {  	[sflag:s0] =	ssyncadd.s32 $0xFFFFFFF0  }
0xb2: {  	_ =	swait.ge [sflag:s0], $0x10  }
0xb3: {  	[sflag:s0] =	ssyncset.done $0x0  }
0xb4: {  	[sflag:s0] =	ssyncadd.s32 $0xFFFFFFF0  }
0xb5: {  	_ =	swait.ge [sflag:s0], $0x10  }
0xb6: {  	[sflag:s0] =	ssyncset.done $0x0  }
0xb7: {  	[sflag:s0] =	ssyncadd.s32 $0xFFFFFFF0  }
0xb8: {  	_ =	swait.ge [sflag:s0], $0x10  }
0xb9: {  	[sflag:s0] =	ssyncset.done $0x0  }
0xba: {  	[sflag:s0] =	ssyncadd.s32 $0xFFFFFFF0  }
0xbb: {  	_ =	swait.ge [sflag:s0], $0x10  }
0xbc: {  	[sflag:s0] =	ssyncset.done $0x0  }
0xbd: {  	[sflag:s0] =	ssyncadd.s32 $0xFFFFFFF0  }
0xbe: {  	_ =	swait.ge [sflag:s0], $0x10  }
0xbf: {  	[sflag:s0] =	ssyncset.done $0x0  }
0xc0: {  	[sflag:s0] =	ssyncadd.s32 $0xFFFFFFF0  }
0xc1: {  	_ =	swait.ge [sflag:s0], $0x10  }
0xc2: {  	[sflag:s0] =	ssyncset.done $0x0  }
0xc3: {  	[sflag:s0] =	ssyncadd.s32 $0xFFFFFFF0  }
0xc4: {  	_ =	swait.ge [sflag:s0], $0x10  }
0xc5: {  	[sflag:s0] =	ssyncset.done $0x0  }
0xc6: {  	[sflag:s0] =	ssyncadd.s32 $0xFFFFFFF0  }
0xc7: {  	_ =	swait.ge [sflag:s0], $0x10  }
0xc8: {  	[sflag:s0] =	ssyncset.done $0x0  }
0xc9: {  	[sflag:s0] =	ssyncadd.s32 $0xFFFFFFF0  }
0xca: {  	_ =	swait.ge [sflag:s0], $0x10  }
0xcb: {  	[sflag:s0] =	ssyncset.done $0x0  }
0xcc: {  	[sflag:s0] =	ssyncadd.s32 $0xFFFFFFF0  }
0xcd: {  	_ =	swait.ge [sflag:s0], $0x10  }
0xce: {  	[sflag:s0] =	ssyncset.done $0x0  }
0xcf: {  	[sflag:s0] =	ssyncadd.s32 $0xFFFFFFF0  }
0xd0: {  	_ =	swait.ge [sflag:s0], $0x10  }
0xd1: {  	[sflag:s0] =	ssyncset.done $0x0  }
0xd2: {  	[sflag:s0] =	ssyncadd.s32 $0xFFFFFFF0  }
0xd3: {  	_ =	swait.ge [sflag:s0], $0x10  }
0xd4: {  	[sflag:s0] =	ssyncset.done $0x0  }
0xd5: {  	[sflag:s0] =	ssyncadd.s32 $0xFFFFFFF0  }
0xd6: {  	_ =	swait.ge [sflag:s0], $0x10  }
0xd7: {  	[sflag:s0] =	ssyncset.done $0x0  }
0xd8: {  	[sflag:s0] =	ssyncadd.s32 $0xFFFFFFF0  }
0xd9: {  	_ =	swait.ge [sflag:s0], $0x10  }
0xda: {  	[sflag:s0] =	ssyncset.done $0x0  }
0xdb: {  	[sflag:s0] =	ssyncadd.s32 $0xFFFFFFF0  }
0xdc: {  	_ =	swait.ge [sflag:s0], $0x10  }
0xdd: {  	v3 =	vnsel vm1, $0x0, v3;
	[sflag:s0] =	ssyncset.done $0x0  }
0xde: {  	v5 =	vnsel vm1, $0x0, v5;
	v3 =	vsel vm2, v6, v3;
	[sflag:s0] =	ssyncadd.s32 $0xFFFFFFF0  }
0xdf: {  	v5 =	vsel vm2, v7, v5;
	v3 =	vsel vm3, v8, v3;
	_ =	swait.ge [sflag:s0], $0x10  }
0xe0: {  	v5 =	vsel vm3, v9, v5;
	v3 =	vsel vm4, v10, v3;
	[sflag:s0] =	ssyncset.done $0x0  }
0xe1: {  	v5 =	vsel vm4, v11, v5;
	v3 =	vsel vm5, v12, v3;
	[sflag:s0] =	ssyncadd.s32 $0xFFFFFFF0  }
0xe2: {  	v5 =	vsel vm5, v13, v5;
	[tilespmem:$0x1880] =	vst v3  }
0xe3: {  	[tilespmem:$0x1900] =	vst v5  }
0xe4: {  	[tilespmem:$0x1980] =	vst v2  }
0xe5: {  	[tilespmem:$0x1A00] =	vst v4  }
0xe6: {  	v2 =	vcvt.s32.f32 v15;
	[tilespmem:$0x1B00] =	vst v0  }
0xe7: {  	p0 =	sne.s32 s4, $0x1;
	[tilespmem:$0x1B80] =	vst v0  }
.Ltmp1:
0xe8: {  	s7 =	rddreg [dreg:$0x3];
	[tilespmem:$0x1A80] =	vst v2;
	(pc) =	sbr.rel @p0 .LBB2_2-.Ltmp1, $4  }
0xe9: {  	[hbm4b:s7+s2] =	stream.linear.scatter [tilespmem:s6], [sflag:$0x2], $0x1000, $0x38;
	[tilespmem:$0x1C00] =	vst v63  }
0xea: {  	_ =	swait.ge [sflag:s5], $0x1000  }
0xeb: {  	[sflag:s5] =	ssyncset.done $0x0  }
0xec: {  	s4 =	sadd.s32 $0xFFFFFFFF, s4;
	[sflag:s5] =	ssyncadd.s32 $0xFFFFF000  }
.LBB2_3:
0xed: {  	_ =	sfence.sel $0x180000  }
0xee: {  	[bflag:$0x0] =	sbarrier.arrive $0xFFFF  }
0xef: {  	_ =	strace $0x90000047  }
0xf0: {  	s0 =	stileid.u32;
	[bflag:$0x2] =	sbarrier.arrive $0xFFFF  }
0xf1: {  	p0 =	sne.s32 s0, $0x0;
	s0 =	rddreg [dreg:$0x1]  }
0xf2: {  	s0 =	sadd.s32 @!p0 $0x100000, s0  }
0xf3: {  	[sflag:s0] =	ssyncadd.tile.s32 @!p0 $0x1;
	_ =	shalt  }
.Lfunc_end2:
_tile_overlayer_lowered:
.L_overlay_start_2:
0xf4: {  	(tag) =	ssettag $0x2  }
0xf5: {  	s0 =	rddreg [dreg:$0x0];
	s2 =	stileid.u32  }
0xf6: {  	s1 =	rddreg [dreg:$0x1];
	p0 =	sne.s32 s2, $0x0  }
0xf7: {  	s3 =	rddreg [dreg:$0x2];
	[bflag:$0x3] =	sbarrier.arrive $0xFFFF;
	s2 =	simm.s32 @!p0 $0x1C02  }
0xf8: {  	[timem:s3], [sflag:s2] =	dma.local @!p0 [hbm:s0], s1  }
0xf9: {  	s0 =	simm.s32 @!p0 $0x2  }
0xfa: {  	_ =	swait.ge @!p0 [sflag:s0], s1  }
0xfb: {  	s1 =	ssub.s32 @!p0 $0x0, s1;
	[sflag:s0] =	ssyncset.done @!p0 $0x0  }
0xfc: {  	[sflag:s0] =	ssyncadd.s32 @!p0 s1  }
0xfd: {  	[bflag:$0x3] =	sbarrier.arrive $0xFFFF  }
0xfe: {  	_ =	shalt  }

</sc_bundles>
